<compile_context>
chip_gen: v7x
topology: tpu7x:2x2x1
jax: 0.10.2.dev20260603
libtpu: 0.0.44.dev20260713+nightly
codegen_flags: <defaults>
</compile_context>

<pallas_src>
import functools

import jax
import jax.numpy as jnp
from jax import lax
from jax.experimental import pallas as pl
from jax.experimental.pallas import tpu as pltpu
from jax.experimental.pallas import tpu_sc as plsc

N = 4096
F = 512
L = 16
H1 = 256
H2 = 128
E = 131072
TEMP = 0.5

BM1 = 512


def _h1_body(fn_ref, w1_ref, wy_ref, h1_ref, prob_ref):
    h = jnp.tanh(
        jax.lax.dot_general(
            fn_ref[...], w1_ref[...], (((1,), (0,)), ((), ())),
            preferred_element_type=jnp.float32,
        )
    )
    h1_ref[...] = h
    logits = jax.lax.dot_general(
        h, wy_ref[...], (((1,), (0,)), ((), ())),
        preferred_element_type=jnp.float32,
    )
    m = jnp.max(logits, axis=1, keepdims=True)
    e = jnp.exp(logits - m)
    prob_ref[...] = e / jnp.sum(e, axis=1, keepdims=True)


def _hidden1(Fn, W1, Wy):
    return pl.pallas_call(
        _h1_body,
        grid=(N // BM1,),
        in_specs=[
            pl.BlockSpec((BM1, N + F), lambda i: (i, 0)),
            pl.BlockSpec((N + F, H1), lambda i: (0, 0)),
            pl.BlockSpec((H1, L), lambda i: (0, 0)),
        ],
        out_specs=[
            pl.BlockSpec((BM1, H1), lambda i: (i, 0)),
            pl.BlockSpec((BM1, L), lambda i: (i, 0)),
        ],
        out_shape=[
            jax.ShapeDtypeStruct((N, H1), jnp.float32),
            jax.ShapeDtypeStruct((N, L), jnp.float32),
        ],
    )(Fn, W1, Wy)


NC, NS = 2, 16
CHUNK = 256
NCHUNKS = E // CHUNK
SC_SUP = 8
NSUP = E // (NC * SC_SUP * CHUNK)
NBUF = 8


def _bcast16(x, k):
    return jax.lax.gather(
        x, jnp.full((16, 1), k, jnp.int32),
        jax.lax.GatherDimensionNumbers(
            offset_dims=(), collapsed_slice_dims=(0,), start_index_map=(0,)),
        slice_sizes=(1,),
        mode=jax.lax.GatherScatterMode.PROMISE_IN_BOUNDS)


def _sc_scatter_body(h1_hbm, rows_hbm, cols_hbm, out_hbm,
                     ridx0, ridx1, cidx0, cidx1,
                     gb0, gb1, gb2, gb3, gb4, gb5, gb6, gb7, acc,
                     ssem0, ssem1, gsem0, gsem1, gsem2, gsem3,
                     gsem4, gsem5, gsem6, gsem7):
    c = lax.axis_index("c")
    s = lax.axis_index("s")
    c0 = s * 16
    zeros16 = jnp.zeros((16,), jnp.float32)
    iota16 = jax.lax.iota(jnp.int32, 16)

    def zbody(r, _):
        acc[r] = zeros16
        return 0

    lax.fori_loop(0, N, zbody, 0)

    ridx = (ridx0, ridx1)
    cidx = (cidx0, cidx1)
    ssem = (ssem0, ssem1)
    gb = (gb0, gb1, gb2, gb3, gb4, gb5, gb6, gb7)
    gsem = (gsem0, gsem1, gsem2, gsem3, gsem4, gsem5, gsem6, gsem7)
    base = c * NSUP

    def stage(m, p):
        pltpu.async_copy(rows_hbm.at[pl.ds(m * SC_SUP, SC_SUP)], ridx[p],
                         ssem[p])
        pltpu.async_copy(cols_hbm.at[pl.ds(m * SC_SUP, SC_SUP)], cidx[p],
                         ssem[p])

    def stage_wait(p):
        pltpu.make_async_copy(rows_hbm.at[pl.ds(0, SC_SUP)], ridx[p],
                              ssem[p]).wait()
        pltpu.make_async_copy(cols_hbm.at[pl.ds(0, SC_SUP)], cidx[p],
                              ssem[p]).wait()

    def gissue(p, j, b):
        pltpu.async_copy(h1_hbm.at[cidx[p].at[j]], gb[b], gsem[b])

    def gwait(p, j, b):
        pltpu.make_async_copy(h1_hbm.at[cidx[p].at[j]], gb[b],
                              gsem[b]).wait()

    def accumulate(p, j, b):
        def acc_body(g, _):
            rv = ridx[p][j, pl.ds(g * 16, 16)]
            vals = [gb[b][g * 16 + k] for k in range(16)]
            idxs = [_bcast16(rv, k) for k in range(16)]
            for k in range(16):
                plsc.addupdate_scatter(acc, [idxs[k], iota16], vals[k])
            return 0

        lax.fori_loop(0, CHUNK // 16, acc_body, 0)

    stage(base, 0)
    stage(base + 1, 1)

    def sup_body(i, _):
        for p in range(2):
            m = 2 * i + p
            stage_wait(p)
            def xform(g, _):
                for q in range(CHUNK // 16):
                    cidx[p][g, pl.ds(q * 16, 16)] = (
                        cidx[p][g, pl.ds(q * 16, 16)] * 16 + s)
                return 0

            lax.fori_loop(0, SC_SUP, xform, 0)
            for b in range(NBUF):
                gissue(p, b, b)

            def chunk_body(t, _):
                for b in range(NBUF):
                    j = t * NBUF + b
                    gwait(p, j, b)
                    accumulate(p, j, b)
                    gissue(p, j + NBUF, b)
                return 0

            lax.fori_loop(0, (SC_SUP - NBUF) // NBUF, chunk_body, 0)
            for b in range(NBUF):
                j = SC_SUP - NBUF + b
                gwait(p, j, b)
                accumulate(p, j, b)
            @pl.when(m + 2 < NSUP)
            def _():
                stage(base + m + 2, p)
        return 0

    lax.fori_loop(0, NSUP // 2, sup_body, 0)
    pltpu.sync_copy(acc, out_hbm.at[c, :, pl.ds(c0, 16)])


def _node_fea_partials(hidden1, rows, cols):
    mesh = plsc.VectorSubcoreMesh(core_axis_name="c", subcore_axis_name="s")
    return pl.kernel(
        _sc_scatter_body,
        out_type=jax.ShapeDtypeStruct((NC, N, H1), jnp.float32),
        mesh=mesh,
        compiler_params=pltpu.CompilerParams(use_tc_tiling_on_sc=False,
                                             needs_layout_passes=False),
        scratch_types=[
            pltpu.VMEM((SC_SUP, CHUNK), jnp.int32),
            pltpu.VMEM((SC_SUP, CHUNK), jnp.int32),
            pltpu.VMEM((SC_SUP, CHUNK), jnp.int32),
            pltpu.VMEM((SC_SUP, CHUNK), jnp.int32),
            pltpu.VMEM((CHUNK, 16), jnp.float32),
            pltpu.VMEM((CHUNK, 16), jnp.float32),
            pltpu.VMEM((CHUNK, 16), jnp.float32),
            pltpu.VMEM((CHUNK, 16), jnp.float32),
            pltpu.VMEM((CHUNK, 16), jnp.float32),
            pltpu.VMEM((CHUNK, 16), jnp.float32),
            pltpu.VMEM((CHUNK, 16), jnp.float32),
            pltpu.VMEM((CHUNK, 16), jnp.float32),
            pltpu.VMEM((N, 16), jnp.float32),
        ] + [pltpu.SemaphoreType.DMA] * 10,
    )(hidden1.reshape(N * 16, 16), rows.reshape(NCHUNKS, CHUNK),
      cols.reshape(NCHUNKS, CHUNK))


def _za_body(fat_ref, w2_ref, wam_ref, was_ref, eps_ref, za_ref):
    h2 = jnp.tanh(
        jax.lax.dot_general(
            fat_ref[...], w2_ref[...], (((1,), (0,)), ((), ())),
            preferred_element_type=jnp.float32,
        )
    )
    mean = jax.lax.dot_general(
        h2, wam_ref[...], (((1,), (0,)), ((), ())),
        preferred_element_type=jnp.float32,
    )
    logstd = jax.lax.dot_general(
        h2, was_ref[...], (((1,), (0,)), ((), ())),
        preferred_element_type=jnp.float32,
    )
    za_ref[...] = mean + eps_ref[...] * jnp.exp(logstd)


def _z_a(FaT, W2, Wam, Was, eps_a):
    return pl.pallas_call(
        _za_body,
        out_shape=jax.ShapeDtypeStruct((F, H2 + L), jnp.float32),
    )(FaT, W2, Wam, Was, eps_a)


BM3 = 512


def _dec_body(p0_ref, p1_ref, prob_ref, lp_ref, yt_ref, gum_ref, eps_ref,
              wum_ref, wus_ref, za_ref, out_ref):
    node_fea = p0_ref[...] + p1_ref[...]
    prob = prob_ref[...]
    lp = lp_ref[...]
    yt = yt_ref[...]
    yz = lp * yt + (1.0 - lp) * prob

    wum = wum_ref[...]
    wus = wus_ref[...]
    z_u_mean = (
        jax.lax.dot_general(node_fea, wum[:H1], (((1,), (0,)), ((), ())),
                            preferred_element_type=jnp.float32)
        + jax.lax.dot_general(yz, wum[H1:], (((1,), (0,)), ((), ())),
                              preferred_element_type=jnp.float32)
    )
    z_u_log = (
        jax.lax.dot_general(node_fea, wus[:H1], (((1,), (0,)), ((), ())),
                            preferred_element_type=jnp.float32)
        + jax.lax.dot_general(yz, wus[H1:], (((1,), (0,)), ((), ())),
                              preferred_element_type=jnp.float32)
    )
    z_u = z_u_mean + eps_ref[...] * jnp.exp(z_u_log)

    g = -jnp.log(-jnp.log(gum_ref[...]))
    yp = jnp.exp((jnp.log(prob) + g) / TEMP)
    yp = yp / jnp.sum(yp, axis=1, keepdims=True)
    y_rec = lp * yt + (1.0 - lp) * yp

    za = za_ref[...]
    out_ref[...] = (
        jax.lax.dot_general(z_u, za[:, :H2], (((1,), (1,)), ((), ())),
                            preferred_element_type=jnp.float32)
        + jax.lax.dot_general(y_rec, za[:, H2:], (((1,), (1,)), ((), ())),
                              preferred_element_type=jnp.float32)
    )


def _decode(p0, p1, prob, lp, y_train, gumbel_u, eps_u, Wum, Wus, z_a):
    return pl.pallas_call(
        _dec_body,
        grid=(N // BM3,),
        in_specs=[
            pl.BlockSpec((BM3, H1), lambda i: (i, 0)),
            pl.BlockSpec((BM3, H1), lambda i: (i, 0)),
            pl.BlockSpec((BM3, L), lambda i: (i, 0)),
            pl.BlockSpec((BM3, L), lambda i: (i, 0)),
            pl.BlockSpec((BM3, L), lambda i: (i, 0)),
            pl.BlockSpec((BM3, L), lambda i: (i, 0)),
            pl.BlockSpec((BM3, H2), lambda i: (i, 0)),
            pl.BlockSpec((H1 + L, H2), lambda i: (0, 0)),
            pl.BlockSpec((H1 + L, H2), lambda i: (0, 0)),
            pl.BlockSpec((F, H2 + L), lambda i: (0, 0)),
        ],
        out_specs=pl.BlockSpec((BM3, F), lambda i: (i, 0)),
        out_shape=jax.ShapeDtypeStruct((N, F), jnp.float32),
    )(p0, p1, prob, lp, y_train, gumbel_u, eps_u, Wum, Wus, z_a)


def kernel(Fn, FaT, edge_index, labels_pos, y_train, gumbel_u, eps_u, eps_a,
           W1, Wy, W2, Wum, Wus, Wam, Was):
    hidden1, prob = _hidden1(Fn, W1, Wy)
    rows = edge_index[0].astype(jnp.int32)
    cols = edge_index[1].astype(jnp.int32)
    partials = _node_fea_partials(hidden1, rows, cols)
    z_a = _z_a(FaT, W2, Wam, Was, eps_a)
    lp = labels_pos.astype(jnp.float32)
    recon = _decode(partials[0], partials[1], prob, lp, y_train, gumbel_u,
                    eps_u, Wum, Wus, z_a)
    return recon.reshape(-1)

# --- scband reference (transcript-rebuilt; emitter-appended) ---
"""Pipeline reference for scband-scva-8461085573301 (READ-ONLY COPY).

The authoritative reference and input builder live on the scoring server;
editing this copy changes nothing except your own understanding.
"""

import jax, jax.numpy as jnp
import numpy as np

N = 4096
F = 512
L = 16
H1 = 256
H2 = 128
E = 131072
TEMP = 0.5


def setup_inputs(seed: int = 0) -> dict:
    key = jax.random.key(seed)
    ks = jax.random.split(key, 16)
    Fn = jax.random.uniform(ks[0], (N, N + F), dtype=jnp.float32)
    FaT = jax.random.uniform(ks[1], (F, N), dtype=jnp.float32)
    edge_index = jax.random.randint(ks[2], (2, E), 0, N)
    labels_pos = jax.random.randint(ks[3], (N, L), 0, 2) == 1
    lbl = jax.random.randint(ks[4], (N,), 0, L)
    y_train = jax.nn.one_hot(lbl, L, dtype=jnp.float32)
    gumbel_u = jax.random.uniform(ks[5], (N, L), minval=1e-6, maxval=1.0 - 1e-6, dtype=jnp.float32)
    eps_u = jax.random.normal(ks[6], (N, H2), dtype=jnp.float32)
    eps_a = jax.random.normal(ks[7], (F, H2 + L), dtype=jnp.float32)
    W1 = jax.random.normal(ks[8], (N + F, H1), dtype=jnp.float32) * 0.02
    Wy = jax.random.normal(ks[9], (H1, L), dtype=jnp.float32) * 0.05
    W2 = jax.random.normal(ks[10], (N, H1), dtype=jnp.float32) * 0.02
    Wum = jax.random.normal(ks[11], (H1 + L, H2), dtype=jnp.float32) * 0.01
    Wus = jax.random.normal(ks[12], (H1 + L, H2), dtype=jnp.float32) * 0.01
    Wam = jax.random.normal(ks[13], (H1, H2 + L), dtype=jnp.float32) * 0.01
    Was = jax.random.normal(ks[14], (H1, H2 + L), dtype=jnp.float32) * 0.01
    return {
        "Fn": Fn, "FaT": FaT, "edge_index": edge_index, "labels_pos": labels_pos,
        "y_train": y_train, "gumbel_u": gumbel_u, "eps_u": eps_u, "eps_a": eps_a,
        "W1": W1, "Wy": Wy, "W2": W2, "Wum": Wum, "Wus": Wus, "Wam": Wam, "Was": Was,
    }


def reference(Fn, FaT, edge_index, labels_pos, y_train, gumbel_u, eps_u, eps_a,
              W1, Wy, W2, Wum, Wus, Wam, Was):
    # hidden1 = Dense(tanh)(Fn), dropout=0 so identity
    hidden1 = jnp.tanh(Fn @ W1)
    # node_fea = sparse adj @ hidden1 via scatter-add over edge list
    row = edge_index[0]
    col = edge_index[1]
    node_fea = jnp.zeros((N, H1), dtype=hidden1.dtype).at[row].add(hidden1[col])
    # classifier head
    y_pred_logits = hidden1 @ Wy
    y_pred_prob = jax.nn.softmax(y_pred_logits, axis=1)
    # attribute encoder: hidden2 = Dense(tanh)(Fa^T)
    hidden2 = jnp.tanh(FaT @ W2)
    # yz: replace predicted probs with known labels
    yz = jnp.where(labels_pos, y_train, y_pred_prob)
    cat = jnp.concatenate([node_fea, yz], axis=1)
    z_u_mean = cat @ Wum
    z_u_log_std = cat @ Wus
    z_a_mean = hidden2 @ Wam
    z_a_log_std = hidden2 @ Was
    z_u = z_u_mean + eps_u * jnp.exp(z_u_log_std)
    z_a = z_a_mean + eps_a * jnp.exp(z_a_log_std)
    # gumbel-softmax sampling of y
    g = -jnp.log(-jnp.log(gumbel_u))
    y_pred = jnp.exp((jnp.log(y_pred_prob) + g) / TEMP)
    y_pred = y_pred / jnp.sum(y_pred, axis=1, keepdims=True)
    # reconstruction y: replace with ground truth where labeled
    y_rec = jnp.where(labels_pos, y_train, y_pred)
    zy = jnp.concatenate([z_u, y_rec], axis=1)
    # InnerDecoder: flattened inner product zy @ z_a^T
    reconstructions = (zy @ z_a.T).reshape(-1)
    return reconstructions

if __name__ == "__main__":
    import jax
    _d = setup_inputs()
    print(jax.jit(kernel)(*tuple(_d.values())))

</pallas_src>

<mosaic_0001>
#map = affine_map<(d0, d1) -> (0, 0)>
#map1 = affine_map<(d0, d1) -> (0, 0, 0)>
module attributes {stable_mosaic.version = 14 : i64} {
  func.func @_sc_scatter_body(%arg0: i32, %arg1: i32, %arg2: memref<65536x16xf32, #tpu.memory_space<hbm>>, %arg3: memref<512x256xi32, #tpu.memory_space<hbm>>, %arg4: memref<512x256xi32, #tpu.memory_space<hbm>>, %arg5: memref<2x4096x256xf32, #tpu.memory_space<hbm>>, %arg6: memref<8x256xi32, #tpu.memory_space<vmem>>, %arg7: memref<8x256xi32, #tpu.memory_space<vmem>>, %arg8: memref<8x256xi32, #tpu.memory_space<vmem>>, %arg9: memref<8x256xi32, #tpu.memory_space<vmem>>, %arg10: memref<256x16xf32, #tpu.memory_space<vmem>>, %arg11: memref<256x16xf32, #tpu.memory_space<vmem>>, %arg12: memref<256x16xf32, #tpu.memory_space<vmem>>, %arg13: memref<256x16xf32, #tpu.memory_space<vmem>>, %arg14: memref<256x16xf32, #tpu.memory_space<vmem>>, %arg15: memref<256x16xf32, #tpu.memory_space<vmem>>, %arg16: memref<256x16xf32, #tpu.memory_space<vmem>>, %arg17: memref<256x16xf32, #tpu.memory_space<vmem>>, %arg18: memref<4096x16xf32, #tpu.memory_space<vmem>>, %arg19: memref<!tpu.dma_semaphore, #tpu.memory_space<semaphore_mem>>, %arg20: memref<!tpu.dma_semaphore, #tpu.memory_space<semaphore_mem>>, %arg21: memref<!tpu.dma_semaphore, #tpu.memory_space<semaphore_mem>>, %arg22: memref<!tpu.dma_semaphore, #tpu.memory_space<semaphore_mem>>, %arg23: memref<!tpu.dma_semaphore, #tpu.memory_space<semaphore_mem>>, %arg24: memref<!tpu.dma_semaphore, #tpu.memory_space<semaphore_mem>>, %arg25: memref<!tpu.dma_semaphore, #tpu.memory_space<semaphore_mem>>, %arg26: memref<!tpu.dma_semaphore, #tpu.memory_space<semaphore_mem>>, %arg27: memref<!tpu.dma_semaphore, #tpu.memory_space<semaphore_mem>>, %arg28: memref<!tpu.dma_semaphore, #tpu.memory_space<semaphore_mem>>) attributes {dimension_semantics = [#tpu.dimension_semantics<core_parallel>, #tpu.dimension_semantics<subcore_parallel>], iteration_bounds = array<i64: 2, 16>, scalar_prefetch = 0 : i64, scratch_operands = 23 : i64, tpu.core_type = #tpu.core_type<sc_vector_subcore>, window_params = [{transform_indices = #map}, {transform_indices = #map}, {transform_indices = #map}, {transform_indices = #map1}]} {
    %mul3A = arith.constant 16 : i32
    %mul3A_0 = arith.muli %arg1, %mul3A : i32
    %broadcast_in_dim3A = arith.constant 0.000000e+00 : f32
    %broadcast_in_dim3A_1 = vector.broadcast %broadcast_in_dim3A : f32 to vector<16xf32>
    %iota3A = tpu.iota {dimensions = array<i32: 0>} : vector<16xi32>
    %scan3A = arith.constant 0 : i32
    %scan3A_2 = arith.constant 0 : i32
    %scan3A_3 = arith.constant 4096 : i32
    %scan3A_4 = arith.addi %scan3A_2, %scan3A_3 : i32
    %scan3A_5 = arith.constant 1 : i32
    %scan3A_6 = scf.for %scan3A_41 = %scan3A_2 to %scan3A_4 step %scan3A_5 iter_args(%scan3A_42 = %scan3A) -> (i32)  : i32 {
      %swap3A = arith.index_cast %scan3A_41 : i32 to index
      %swap3A_43 = arith.constant 0 : index
      %swap3A_44 = tpu.vector_load %arg18[%swap3A, %swap3A_43] {strides = array<i32>} : memref<4096x16xf32, #tpu.memory_space<vmem>>, vector<16xf32>,
      tpu.vector_store %arg18[%swap3A, %swap3A_43], %broadcast_in_dim3A_1 {strides = array<i32>} : memref<4096x16xf32, #tpu.memory_space<vmem>>, vector<16xf32>,
      %scan3A_45 = arith.constant 0 : i32
      scf.yield %scan3A_45 : i32
    }
    %scan3A_7 = arith.constant 4096 : i32
    %mul3A_8 = arith.constant 32 : i32
    %mul3A_9 = arith.muli %arg0, %mul3A_8 : i32
    %mul3A_10 = arith.constant 8 : i32
    %mul3A_11 = arith.muli %mul3A_9, %mul3A_10 : i32
    %dma_start3A = arith.constant 0 : i32
    %dma_start3A_12 = tpu.memref_slice %arg3[%mul3A_11, %dma_start3A] : memref<512x256xi32, #tpu.memory_space<hbm>> -> memref<8x256xi32, #tpu.memory_space<hbm>>
    %dma_start3A_13 = arith.constant 0 : i32
    %dma_start3A_14 = tpu.memref_slice %arg3[%mul3A_11, %dma_start3A_13] : memref<512x256xi32, #tpu.memory_space<hbm>> -> memref<8x256xi32, #tpu.memory_space<hbm>>
    tpu.enqueue_dma source(%dma_start3A_14 : memref<8x256xi32, #tpu.memory_space<hbm>>) target(%arg6 : memref<8x256xi32, #tpu.memory_space<vmem>>) target_semaphore(%arg19 : memref<!tpu.dma_semaphore, #tpu.memory_space<semaphore_mem>>)
    %mul3A_15 = arith.constant 8 : i32
    %mul3A_16 = arith.muli %mul3A_9, %mul3A_15 : i32
    %dma_start3A_17 = arith.constant 0 : i32
    %dma_start3A_18 = tpu.memref_slice %arg4[%mul3A_16, %dma_start3A_17] : memref<512x256xi32, #tpu.memory_space<hbm>> -> memref<8x256xi32, #tpu.memory_space<hbm>>
    %dma_start3A_19 = arith.constant 0 : i32
    %dma_start3A_20 = tpu.memref_slice %arg4[%mul3A_16, %dma_start3A_19] : memref<512x256xi32, #tpu.memory_space<hbm>> -> memref<8x256xi32, #tpu.memory_space<hbm>>
    tpu.enqueue_dma source(%dma_start3A_20 : memref<8x256xi32, #tpu.memory_space<hbm>>) target(%arg8 : memref<8x256xi32, #tpu.memory_space<vmem>>) target_semaphore(%arg19 : memref<!tpu.dma_semaphore, #tpu.memory_space<semaphore_mem>>)
    %add3A = arith.constant 1 : i32
    %add3A_21 = arith.addi %mul3A_9, %add3A : i32
    %mul3A_22 = arith.constant 8 : i32
    %mul3A_23 = arith.muli %add3A_21, %mul3A_22 : i32
    %dma_start3A_24 = arith.constant 0 : i32
    %dma_start3A_25 = tpu.memref_slice %arg3[%mul3A_23, %dma_start3A_24] : memref<512x256xi32, #tpu.memory_space<hbm>> -> memref<8x256xi32, #tpu.memory_space<hbm>>
    %dma_start3A_26 = arith.constant 0 : i32
    %dma_start3A_27 = tpu.memref_slice %arg3[%mul3A_23, %dma_start3A_26] : memref<512x256xi32, #tpu.memory_space<hbm>> -> memref<8x256xi32, #tpu.memory_space<hbm>>
    tpu.enqueue_dma source(%dma_start3A_27 : memref<8x256xi32, #tpu.memory_space<hbm>>) target(%arg7 : memref<8x256xi32, #tpu.memory_space<vmem>>) target_semaphore(%arg20 : memref<!tpu.dma_semaphore, #tpu.memory_space<semaphore_mem>>)
    %mul3A_28 = arith.constant 8 : i32
    %mul3A_29 = arith.muli %add3A_21, %mul3A_28 : i32
    %dma_start3A_30 = arith.constant 0 : i32
    %dma_start3A_31 = tpu.memref_slice %arg4[%mul3A_29, %dma_start3A_30] : memref<512x256xi32, #tpu.memory_space<hbm>> -> memref<8x256xi32, #tpu.memory_space<hbm>>
    %dma_start3A_32 = arith.constant 0 : i32
    %dma_start3A_33 = tpu.memref_slice %arg4[%mul3A_29, %dma_start3A_32] : memref<512x256xi32, #tpu.memory_space<hbm>> -> memref<8x256xi32, #tpu.memory_space<hbm>>
    tpu.enqueue_dma source(%dma_start3A_33 : memref<8x256xi32, #tpu.memory_space<hbm>>) target(%arg9 : memref<8x256xi32, #tpu.memory_space<vmem>>) target_semaphore(%arg20 : memref<!tpu.dma_semaphore, #tpu.memory_space<semaphore_mem>>)
    %scan3A_34 = arith.constant 0 : i32
    %scan3A_35 = arith.constant 0 : i32
    %scan3A_36 = arith.constant 16 : i32
    %scan3A_37 = arith.addi %scan3A_35, %scan3A_36 : i32
    %scan3A_38 = arith.constant 1 : i32
    %scan3A_39 = scf.for %scan3A_41 = %scan3A_35 to %scan3A_37 step %scan3A_38 iter_args(%scan3A_42 = %scan3A_34) -> (i32)  : i32 {
      %mul3A_43 = arith.constant 2 : i32
      %mul3A_44 = arith.muli %mul3A_43, %scan3A_41 : i32
      %add3A_45 = arith.constant 0 : i32
      %add3A_46 = arith.addi %mul3A_44, %add3A_45 : i32
      %dma_wait3A = arith.constant 0 : i32
      %dma_wait3A_47 = arith.constant 0 : i32
      %dma_wait3A_48 = tpu.memref_slice %arg3[%dma_wait3A, %dma_wait3A_47] : memref<512x256xi32, #tpu.memory_space<hbm>> -> memref<8x256xi32, #tpu.memory_space<hbm>>
      %dma_wait3A_49 = arith.constant 0 : i32
      %dma_wait3A_50 = arith.constant 0 : i32
      %dma_wait3A_51 = tpu.memref_slice %arg3[%dma_wait3A_49, %dma_wait3A_50] : memref<512x256xi32, #tpu.memory_space<hbm>> -> memref<8x256xi32, #tpu.memory_space<hbm>>
      tpu.wait_dma2 semaphore(%arg19 : memref<!tpu.dma_semaphore, #tpu.memory_space<semaphore_mem>>) src(%dma_wait3A_51 : memref<8x256xi32, #tpu.memory_space<hbm>>) dst(%arg6 : memref<8x256xi32, #tpu.memory_space<vmem>>)
      %dma_wait3A_52 = arith.constant 0 : i32
      %dma_wait3A_53 = arith.constant 0 : i32
      %dma_wait3A_54 = tpu.memref_slice %arg4[%dma_wait3A_52, %dma_wait3A_53] : memref<512x256xi32, #tpu.memory_space<hbm>> -> memref<8x256xi32, #tpu.memory_space<hbm>>
      %dma_wait3A_55 = arith.constant 0 : i32
      %dma_wait3A_56 = arith.constant 0 : i32
      %dma_wait3A_57 = tpu.memref_slice %arg4[%dma_wait3A_55, %dma_wait3A_56] : memref<512x256xi32, #tpu.memory_space<hbm>> -> memref<8x256xi32, #tpu.memory_space<hbm>>
      tpu.wait_dma2 semaphore(%arg19 : memref<!tpu.dma_semaphore, #tpu.memory_space<semaphore_mem>>) src(%dma_wait3A_57 : memref<8x256xi32, #tpu.memory_space<hbm>>) dst(%arg8 : memref<8x256xi32, #tpu.memory_space<vmem>>)
      %scan3A_58 = arith.constant 0 : i32
      %scan3A_59 = arith.constant 0 : i32
      %scan3A_60 = arith.constant 8 : i32
      %scan3A_61 = arith.addi %scan3A_59, %scan3A_60 : i32
      %scan3A_62 = arith.constant 1 : i32
      %scan3A_63 = scf.for %scan3A_446 = %scan3A_59 to %scan3A_61 step %scan3A_62 iter_args(%scan3A_447 = %scan3A_58) -> (i32)  : i32 {
        %get3A = arith.index_cast %scan3A_446 : i32 to index
        %get3A_448 = arith.constant 0 : index
        %get3A_449 = tpu.vector_load %arg8[%get3A, %get3A_448] {strides = array<i32>} : memref<8x256xi32, #tpu.memory_space<vmem>>, vector<16xi32>,
        %mul3A_450 = arith.constant 16 : i32
        %mul3A_451 = vector.broadcast %mul3A_450 : i32 to vector<16xi32>
        %mul3A_452 = arith.muli %get3A_449, %mul3A_451 : vector<16xi32>
        %add3A_453 = vector.broadcast %arg1 : i32 to vector<16xi32>
        %add3A_454 = arith.addi %mul3A_452, %add3A_453 : vector<16xi32>
        %swap3A = arith.index_cast %scan3A_446 : i32 to index
        %swap3A_455 = arith.constant 0 : index
        %swap3A_456 = tpu.vector_load %arg8[%swap3A, %swap3A_455] {strides = array<i32>} : memref<8x256xi32, #tpu.memory_space<vmem>>, vector<16xi32>,
        tpu.vector_store %arg8[%swap3A, %swap3A_455], %add3A_454 {strides = array<i32>} : memref<8x256xi32, #tpu.memory_space<vmem>>, vector<16xi32>,
        %get3A_457 = arith.index_cast %scan3A_446 : i32 to index
        %get3A_458 = arith.constant 16 : index
        %get3A_459 = tpu.vector_load %arg8[%get3A_457, %get3A_458] {strides = array<i32>} : memref<8x256xi32, #tpu.memory_space<vmem>>, vector<16xi32>,
        %mul3A_460 = arith.constant 16 : i32
        %mul3A_461 = vector.broadcast %mul3A_460 : i32 to vector<16xi32>
        %mul3A_462 = arith.muli %get3A_459, %mul3A_461 : vector<16xi32>
        %add3A_463 = vector.broadcast %arg1 : i32 to vector<16xi32>
        %add3A_464 = arith.addi %mul3A_462, %add3A_463 : vector<16xi32>
        %swap3A_465 = arith.index_cast %scan3A_446 : i32 to index
        %swap3A_466 = arith.constant 16 : index
        %swap3A_467 = tpu.vector_load %arg8[%swap3A_465, %swap3A_466] {strides = array<i32>} : memref<8x256xi32, #tpu.memory_space<vmem>>, vector<16xi32>,
        tpu.vector_store %arg8[%swap3A_465, %swap3A_466], %add3A_464 {strides = array<i32>} : memref<8x256xi32, #tpu.memory_space<vmem>>, vector<16xi32>,
        %get3A_468 = arith.index_cast %scan3A_446 : i32 to index
        %get3A_469 = arith.constant 32 : index
        %get3A_470 = tpu.vector_load %arg8[%get3A_468, %get3A_469] {strides = array<i32>} : memref<8x256xi32, #tpu.memory_space<vmem>>, vector<16xi32>,
        %mul3A_471 = arith.constant 16 : i32
        %mul3A_472 = vector.broadcast %mul3A_471 : i32 to vector<16xi32>
        %mul3A_473 = arith.muli %get3A_470, %mul3A_472 : vector<16xi32>
        %add3A_474 = vector.broadcast %arg1 : i32 to vector<16xi32>
        %add3A_475 = arith.addi %mul3A_473, %add3A_474 : vector<16xi32>
        %swap3A_476 = arith.index_cast %scan3A_446 : i32 to index
        %swap3A_477 = arith.constant 32 : index
        %swap3A_478 = tpu.vector_load %arg8[%swap3A_476, %swap3A_477] {strides = array<i32>} : memref<8x256xi32, #tpu.memory_space<vmem>>, vector<16xi32>,
        tpu.vector_store %arg8[%swap3A_476, %swap3A_477], %add3A_475 {strides = array<i32>} : memref<8x256xi32, #tpu.memory_space<vmem>>, vector<16xi32>,
        %get3A_479 = arith.index_cast %scan3A_446 : i32 to index
        %get3A_480 = arith.constant 48 : index
        %get3A_481 = tpu.vector_load %arg8[%get3A_479, %get3A_480] {strides = array<i32>} : memref<8x256xi32, #tpu.memory_space<vmem>>, vector<16xi32>,
        %mul3A_482 = arith.constant 16 : i32
        %mul3A_483 = vector.broadcast %mul3A_482 : i32 to vector<16xi32>
        %mul3A_484 = arith.muli %get3A_481, %mul3A_483 : vector<16xi32>
        %add3A_485 = vector.broadcast %arg1 : i32 to vector<16xi32>
        %add3A_486 = arith.addi %mul3A_484, %add3A_485 : vector<16xi32>
        %swap3A_487 = arith.index_cast %scan3A_446 : i32 to index
        %swap3A_488 = arith.constant 48 : index
        %swap3A_489 = tpu.vector_load %arg8[%swap3A_487, %swap3A_488] {strides = array<i32>} : memref<8x256xi32, #tpu.memory_space<vmem>>, vector<16xi32>,
        tpu.vector_store %arg8[%swap3A_487, %swap3A_488], %add3A_486 {strides = array<i32>} : memref<8x256xi32, #tpu.memory_space<vmem>>, vector<16xi32>,
        %get3A_490 = arith.index_cast %scan3A_446 : i32 to index
        %get3A_491 = arith.constant 64 : index
        %get3A_492 = tpu.vector_load %arg8[%get3A_490, %get3A_491] {strides = array<i32>} : memref<8x256xi32, #tpu.memory_space<vmem>>, vector<16xi32>,
        %mul3A_493 = arith.constant 16 : i32
        %mul3A_494 = vector.broadcast %mul3A_493 : i32 to vector<16xi32>
        %mul3A_495 = arith.muli %get3A_492, %mul3A_494 : vector<16xi32>
        %add3A_496 = vector.broadcast %arg1 : i32 to vector<16xi32>
        %add3A_497 = arith.addi %mul3A_495, %add3A_496 : vector<16xi32>
        %swap3A_498 = arith.index_cast %scan3A_446 : i32 to index
        %swap3A_499 = arith.constant 64 : index
        %swap3A_500 = tpu.vector_load %arg8[%swap3A_498, %swap3A_499] {strides = array<i32>} : memref<8x256xi32, #tpu.memory_space<vmem>>, vector<16xi32>,
        tpu.vector_store %arg8[%swap3A_498, %swap3A_499], %add3A_497 {strides = array<i32>} : memref<8x256xi32, #tpu.memory_space<vmem>>, vector<16xi32>,
        %get3A_501 = arith.index_cast %scan3A_446 : i32 to index
        %get3A_502 = arith.constant 80 : index
        %get3A_503 = tpu.vector_load %arg8[%get3A_501, %get3A_502] {strides = array<i32>} : memref<8x256xi32, #tpu.memory_space<vmem>>, vector<16xi32>,
        %mul3A_504 = arith.constant 16 : i32
        %mul3A_505 = vector.broadcast %mul3A_504 : i32 to vector<16xi32>
        %mul3A_506 = arith.muli %get3A_503, %mul3A_505 : vector<16xi32>
        %add3A_507 = vector.broadcast %arg1 : i32 to vector<16xi32>
        %add3A_508 = arith.addi %mul3A_506, %add3A_507 : vector<16xi32>
        %swap3A_509 = arith.index_cast %scan3A_446 : i32 to index
        %swap3A_510 = arith.constant 80 : index
        %swap3A_511 = tpu.vector_load %arg8[%swap3A_509, %swap3A_510] {strides = array<i32>} : memref<8x256xi32, #tpu.memory_space<vmem>>, vector<16xi32>,
        tpu.vector_store %arg8[%swap3A_509, %swap3A_510], %add3A_508 {strides = array<i32>} : memref<8x256xi32, #tpu.memory_space<vmem>>, vector<16xi32>,
        %get3A_512 = arith.index_cast %scan3A_446 : i32 to index
        %get3A_513 = arith.constant 96 : index
        %get3A_514 = tpu.vector_load %arg8[%get3A_512, %get3A_513] {strides = array<i32>} : memref<8x256xi32, #tpu.memory_space<vmem>>, vector<16xi32>,
        %mul3A_515 = arith.constant 16 : i32
        %mul3A_516 = vector.broadcast %mul3A_515 : i32 to vector<16xi32>
        %mul3A_517 = arith.muli %get3A_514, %mul3A_516 : vector<16xi32>
        %add3A_518 = vector.broadcast %arg1 : i32 to vector<16xi32>
        %add3A_519 = arith.addi %mul3A_517, %add3A_518 : vector<16xi32>
        %swap3A_520 = arith.index_cast %scan3A_446 : i32 to index
        %swap3A_521 = arith.constant 96 : index
        %swap3A_522 = tpu.vector_load %arg8[%swap3A_520, %swap3A_521] {strides = array<i32>} : memref<8x256xi32, #tpu.memory_space<vmem>>, vector<16xi32>,
        tpu.vector_store %arg8[%swap3A_520, %swap3A_521], %add3A_519 {strides = array<i32>} : memref<8x256xi32, #tpu.memory_space<vmem>>, vector<16xi32>,
        %get3A_523 = arith.index_cast %scan3A_446 : i32 to index
        %get3A_524 = arith.constant 112 : index
        %get3A_525 = tpu.vector_load %arg8[%get3A_523, %get3A_524] {strides = array<i32>} : memref<8x256xi32, #tpu.memory_space<vmem>>, vector<16xi32>,
        %mul3A_526 = arith.constant 16 : i32
        %mul3A_527 = vector.broadcast %mul3A_526 : i32 to vector<16xi32>
        %mul3A_528 = arith.muli %get3A_525, %mul3A_527 : vector<16xi32>
        %add3A_529 = vector.broadcast %arg1 : i32 to vector<16xi32>
        %add3A_530 = arith.addi %mul3A_528, %add3A_529 : vector<16xi32>
        %swap3A_531 = arith.index_cast %scan3A_446 : i32 to index
        %swap3A_532 = arith.constant 112 : index
        %swap3A_533 = tpu.vector_load %arg8[%swap3A_531, %swap3A_532] {strides = array<i32>} : memref<8x256xi32, #tpu.memory_space<vmem>>, vector<16xi32>,
        tpu.vector_store %arg8[%swap3A_531, %swap3A_532], %add3A_530 {strides = array<i32>} : memref<8x256xi32, #tpu.memory_space<vmem>>, vector<16xi32>,
        %get3A_534 = arith.index_cast %scan3A_446 : i32 to index
        %get3A_535 = arith.constant 128 : index
        %get3A_536 = tpu.vector_load %arg8[%get3A_534, %get3A_535] {strides = array<i32>} : memref<8x256xi32, #tpu.memory_space<vmem>>, vector<16xi32>,
        %mul3A_537 = arith.constant 16 : i32
        %mul3A_538 = vector.broadcast %mul3A_537 : i32 to vector<16xi32>
        %mul3A_539 = arith.muli %get3A_536, %mul3A_538 : vector<16xi32>
        %add3A_540 = vector.broadcast %arg1 : i32 to vector<16xi32>
        %add3A_541 = arith.addi %mul3A_539, %add3A_540 : vector<16xi32>
        %swap3A_542 = arith.index_cast %scan3A_446 : i32 to index
        %swap3A_543 = arith.constant 128 : index
        %swap3A_544 = tpu.vector_load %arg8[%swap3A_542, %swap3A_543] {strides = array<i32>} : memref<8x256xi32, #tpu.memory_space<vmem>>, vector<16xi32>,
        tpu.vector_store %arg8[%swap3A_542, %swap3A_543], %add3A_541 {strides = array<i32>} : memref<8x256xi32, #tpu.memory_space<vmem>>, vector<16xi32>,
        %get3A_545 = arith.index_cast %scan3A_446 : i32 to index
        %get3A_546 = arith.constant 144 : index
        %get3A_547 = tpu.vector_load %arg8[%get3A_545, %get3A_546] {strides = array<i32>} : memref<8x256xi32, #tpu.memory_space<vmem>>, vector<16xi32>,
        %mul3A_548 = arith.constant 16 : i32
        %mul3A_549 = vector.broadcast %mul3A_548 : i32 to vector<16xi32>
        %mul3A_550 = arith.muli %get3A_547, %mul3A_549 : vector<16xi32>
        %add3A_551 = vector.broadcast %arg1 : i32 to vector<16xi32>
        %add3A_552 = arith.addi %mul3A_550, %add3A_551 : vector<16xi32>
        %swap3A_553 = arith.index_cast %scan3A_446 : i32 to index
        %swap3A_554 = arith.constant 144 : index
        %swap3A_555 = tpu.vector_load %arg8[%swap3A_553, %swap3A_554] {strides = array<i32>} : memref<8x256xi32, #tpu.memory_space<vmem>>, vector<16xi32>,
        tpu.vector_store %arg8[%swap3A_553, %swap3A_554], %add3A_552 {strides = array<i32>} : memref<8x256xi32, #tpu.memory_space<vmem>>, vector<16xi32>,
        %get3A_556 = arith.index_cast %scan3A_446 : i32 to index
        %get3A_557 = arith.constant 160 : index
        %get3A_558 = tpu.vector_load %arg8[%get3A_556, %get3A_557] {strides = array<i32>} : memref<8x256xi32, #tpu.memory_space<vmem>>, vector<16xi32>,
        %mul3A_559 = arith.constant 16 : i32
        %mul3A_560 = vector.broadcast %mul3A_559 : i32 to vector<16xi32>
        %mul3A_561 = arith.muli %get3A_558, %mul3A_560 : vector<16xi32>
        %add3A_562 = vector.broadcast %arg1 : i32 to vector<16xi32>
        %add3A_563 = arith.addi %mul3A_561, %add3A_562 : vector<16xi32>
        %swap3A_564 = arith.index_cast %scan3A_446 : i32 to index
        %swap3A_565 = arith.constant 160 : index
        %swap3A_566 = tpu.vector_load %arg8[%swap3A_564, %swap3A_565] {strides = array<i32>} : memref<8x256xi32, #tpu.memory_space<vmem>>, vector<16xi32>,
        tpu.vector_store %arg8[%swap3A_564, %swap3A_565], %add3A_563 {strides = array<i32>} : memref<8x256xi32, #tpu.memory_space<vmem>>, vector<16xi32>,
        %get3A_567 = arith.index_cast %scan3A_446 : i32 to index
        %get3A_568 = arith.constant 176 : index
        %get3A_569 = tpu.vector_load %arg8[%get3A_567, %get3A_568] {strides = array<i32>} : memref<8x256xi32, #tpu.memory_space<vmem>>, vector<16xi32>,
        %mul3A_570 = arith.constant 16 : i32
        %mul3A_571 = vector.broadcast %mul3A_570 : i32 to vector<16xi32>
        %mul3A_572 = arith.muli %get3A_569, %mul3A_571 : vector<16xi32>
        %add3A_573 = vector.broadcast %arg1 : i32 to vector<16xi32>
        %add3A_574 = arith.addi %mul3A_572, %add3A_573 : vector<16xi32>
        %swap3A_575 = arith.index_cast %scan3A_446 : i32 to index
        %swap3A_576 = arith.constant 176 : index
        %swap3A_577 = tpu.vector_load %arg8[%swap3A_575, %swap3A_576] {strides = array<i32>} : memref<8x256xi32, #tpu.memory_space<vmem>>, vector<16xi32>,
        tpu.vector_store %arg8[%swap3A_575, %swap3A_576], %add3A_574 {strides = array<i32>} : memref<8x256xi32, #tpu.memory_space<vmem>>, vector<16xi32>,
        %get3A_578 = arith.index_cast %scan3A_446 : i32 to index
        %get3A_579 = arith.constant 192 : index
        %get3A_580 = tpu.vector_load %arg8[%get3A_578, %get3A_579] {strides = array<i32>} : memref<8x256xi32, #tpu.memory_space<vmem>>, vector<16xi32>,
        %mul3A_581 = arith.constant 16 : i32
        %mul3A_582 = vector.broadcast %mul3A_581 : i32 to vector<16xi32>
        %mul3A_583 = arith.muli %get3A_580, %mul3A_582 : vector<16xi32>
        %add3A_584 = vector.broadcast %arg1 : i32 to vector<16xi32>
        %add3A_585 = arith.addi %mul3A_583, %add3A_584 : vector<16xi32>
        %swap3A_586 = arith.index_cast %scan3A_446 : i32 to index
        %swap3A_587 = arith.constant 192 : index
        %swap3A_588 = tpu.vector_load %arg8[%swap3A_586, %swap3A_587] {strides = array<i32>} : memref<8x256xi32, #tpu.memory_space<vmem>>, vector<16xi32>,
        tpu.vector_store %arg8[%swap3A_586, %swap3A_587], %add3A_585 {strides = array<i32>} : memref<8x256xi32, #tpu.memory_space<vmem>>, vector<16xi32>,
        %get3A_589 = arith.index_cast %scan3A_446 : i32 to index
        %get3A_590 = arith.constant 208 : index
        %get3A_591 = tpu.vector_load %arg8[%get3A_589, %get3A_590] {strides = array<i32>} : memref<8x256xi32, #tpu.memory_space<vmem>>, vector<16xi32>,
        %mul3A_592 = arith.constant 16 : i32
        %mul3A_593 = vector.broadcast %mul3A_592 : i32 to vector<16xi32>
        %mul3A_594 = arith.muli %get3A_591, %mul3A_593 : vector<16xi32>
        %add3A_595 = vector.broadcast %arg1 : i32 to vector<16xi32>
        %add3A_596 = arith.addi %mul3A_594, %add3A_595 : vector<16xi32>
        %swap3A_597 = arith.index_cast %scan3A_446 : i32 to index
        %swap3A_598 = arith.constant 208 : index
        %swap3A_599 = tpu.vector_load %arg8[%swap3A_597, %swap3A_598] {strides = array<i32>} : memref<8x256xi32, #tpu.memory_space<vmem>>, vector<16xi32>,
        tpu.vector_store %arg8[%swap3A_597, %swap3A_598], %add3A_596 {strides = array<i32>} : memref<8x256xi32, #tpu.memory_space<vmem>>, vector<16xi32>,
        %get3A_600 = arith.index_cast %scan3A_446 : i32 to index
        %get3A_601 = arith.constant 224 : index
        %get3A_602 = tpu.vector_load %arg8[%get3A_600, %get3A_601] {strides = array<i32>} : memref<8x256xi32, #tpu.memory_space<vmem>>, vector<16xi32>,
        %mul3A_603 = arith.constant 16 : i32
        %mul3A_604 = vector.broadcast %mul3A_603 : i32 to vector<16xi32>
        %mul3A_605 = arith.muli %get3A_602, %mul3A_604 : vector<16xi32>
        %add3A_606 = vector.broadcast %arg1 : i32 to vector<16xi32>
        %add3A_607 = arith.addi %mul3A_605, %add3A_606 : vector<16xi32>
        %swap3A_608 = arith.index_cast %scan3A_446 : i32 to index
        %swap3A_609 = arith.constant 224 : index
        %swap3A_610 = tpu.vector_load %arg8[%swap3A_608, %swap3A_609] {strides = array<i32>} : memref<8x256xi32, #tpu.memory_space<vmem>>, vector<16xi32>,
        tpu.vector_store %arg8[%swap3A_608, %swap3A_609], %add3A_607 {strides = array<i32>} : memref<8x256xi32, #tpu.memory_space<vmem>>, vector<16xi32>,
        %get3A_611 = arith.index_cast %scan3A_446 : i32 to index
        %get3A_612 = arith.constant 240 : index
        %get3A_613 = tpu.vector_load %arg8[%get3A_611, %get3A_612] {strides = array<i32>} : memref<8x256xi32, #tpu.memory_space<vmem>>, vector<16xi32>,
        %mul3A_614 = arith.constant 16 : i32
        %mul3A_615 = vector.broadcast %mul3A_614 : i32 to vector<16xi32>
        %mul3A_616 = arith.muli %get3A_613, %mul3A_615 : vector<16xi32>
        %add3A_617 = vector.broadcast %arg1 : i32 to vector<16xi32>
        %add3A_618 = arith.addi %mul3A_616, %add3A_617 : vector<16xi32>
        %swap3A_619 = arith.index_cast %scan3A_446 : i32 to index
        %swap3A_620 = arith.constant 240 : index
        %swap3A_621 = tpu.vector_load %arg8[%swap3A_619, %swap3A_620] {strides = array<i32>} : memref<8x256xi32, #tpu.memory_space<vmem>>, vector<16xi32>,
        tpu.vector_store %arg8[%swap3A_619, %swap3A_620], %add3A_618 {strides = array<i32>} : memref<8x256xi32, #tpu.memory_space<vmem>>, vector<16xi32>,
        %scan3A_622 = arith.constant 0 : i32
        scf.yield %scan3A_622 : i32
      }
      %scan3A_64 = arith.constant 8 : i32
      %dma_start3A_65 = arith.constant 0 : i32
      %dma_start3A_66 = arith.constant 0 : i32
      %dma_start3A_67 = tpu.memref_slice %arg8[%dma_start3A_65, %dma_start3A_66] : memref<8x256xi32, #tpu.memory_space<vmem>> -> memref<1x256xi32, #tpu.memory_space<vmem>>
      %dma_start3A_68 = tpu.memref_squeeze %dma_start3A_67 : memref<1x256xi32, #tpu.memory_space<vmem>> -> memref<256xi32, #tpu.memory_space<vmem>>
      %dma_start3A_69 = arith.constant 0 : i32
      %dma_start3A_70 = arith.constant 0 : i32
      %dma_start3A_71 = tpu.memref_slice %arg2[%dma_start3A_69, %dma_start3A_70] : memref<65536x16xf32, #tpu.memory_space<hbm>> -> memref<65536x16xf32, #tpu.memory_space<hbm>>
      tpu.enqueue_indirect_dma source(%dma_start3A_71 : memref<65536x16xf32, #tpu.memory_space<hbm>>) target(%arg10 : memref<256x16xf32, #tpu.memory_space<vmem>>) offsets(%dma_start3A_68 : memref<256xi32, #tpu.memory_space<vmem>>) semaphore(%arg21 : memref<!tpu.dma_semaphore, #tpu.memory_space<semaphore_mem>>)
      %dma_start3A_72 = arith.constant 1 : i32
      %dma_start3A_73 = arith.constant 0 : i32
      %dma_start3A_74 = tpu.memref_slice %arg8[%dma_start3A_72, %dma_start3A_73] : memref<8x256xi32, #tpu.memory_space<vmem>> -> memref<1x256xi32, #tpu.memory_space<vmem>>
      %dma_start3A_75 = tpu.memref_squeeze %dma_start3A_74 : memref<1x256xi32, #tpu.memory_space<vmem>> -> memref<256xi32, #tpu.memory_space<vmem>>
      %dma_start3A_76 = arith.constant 0 : i32
      %dma_start3A_77 = arith.constant 0 : i32
      %dma_start3A_78 = tpu.memref_slice %arg2[%dma_start3A_76, %dma_start3A_77] : memref<65536x16xf32, #tpu.memory_space<hbm>> -> memref<65536x16xf32, #tpu.memory_space<hbm>>
      tpu.enqueue_indirect_dma source(%dma_start3A_78 : memref<65536x16xf32, #tpu.memory_space<hbm>>) target(%arg11 : memref<256x16xf32, #tpu.memory_space<vmem>>) offsets(%dma_start3A_75 : memref<256xi32, #tpu.memory_space<vmem>>) semaphore(%arg22 : memref<!tpu.dma_semaphore, #tpu.memory_space<semaphore_mem>>)
      %dma_start3A_79 = arith.constant 2 : i32
      %dma_start3A_80 = arith.constant 0 : i32
      %dma_start3A_81 = tpu.memref_slice %arg8[%dma_start3A_79, %dma_start3A_80] : memref<8x256xi32, #tpu.memory_space<vmem>> -> memref<1x256xi32, #tpu.memory_space<vmem>>
      %dma_start3A_82 = tpu.memref_squeeze %dma_start3A_81 : memref<1x256xi32, #tpu.memory_space<vmem>> -> memref<256xi32, #tpu.memory_space<vmem>>
      %dma_start3A_83 = arith.constant 0 : i32
      %dma_start3A_84 = arith.constant 0 : i32
      %dma_start3A_85 = tpu.memref_slice %arg2[%dma_start3A_83, %dma_start3A_84] : memref<65536x16xf32, #tpu.memory_space<hbm>> -> memref<65536x16xf32, #tpu.memory_space<hbm>>
      tpu.enqueue_indirect_dma source(%dma_start3A_85 : memref<65536x16xf32, #tpu.memory_space<hbm>>) target(%arg12 : memref<256x16xf32, #tpu.memory_space<vmem>>) offsets(%dma_start3A_82 : memref<256xi32, #tpu.memory_space<vmem>>) semaphore(%arg23 : memref<!tpu.dma_semaphore, #tpu.memory_space<semaphore_mem>>)
      %dma_start3A_86 = arith.constant 3 : i32
      %dma_start3A_87 = arith.constant 0 : i32
      %dma_start3A_88 = tpu.memref_slice %arg8[%dma_start3A_86, %dma_start3A_87] : memref<8x256xi32, #tpu.memory_space<vmem>> -> memref<1x256xi32, #tpu.memory_space<vmem>>
      %dma_start3A_89 = tpu.memref_squeeze %dma_start3A_88 : memref<1x256xi32, #tpu.memory_space<vmem>> -> memref<256xi32, #tpu.memory_space<vmem>>
      %dma_start3A_90 = arith.constant 0 : i32
      %dma_start3A_91 = arith.constant 0 : i32
      %dma_start3A_92 = tpu.memref_slice %arg2[%dma_start3A_90, %dma_start3A_91] : memref<65536x16xf32, #tpu.memory_space<hbm>> -> memref<65536x16xf32, #tpu.memory_space<hbm>>
      tpu.enqueue_indirect_dma source(%dma_start3A_92 : memref<65536x16xf32, #tpu.memory_space<hbm>>) target(%arg13 : memref<256x16xf32, #tpu.memory_space<vmem>>) offsets(%dma_start3A_89 : memref<256xi32, #tpu.memory_space<vmem>>) semaphore(%arg24 : memref<!tpu.dma_semaphore, #tpu.memory_space<semaphore_mem>>)
      %dma_start3A_93 = arith.constant 4 : i32
      %dma_start3A_94 = arith.constant 0 : i32
      %dma_start3A_95 = tpu.memref_slice %arg8[%dma_start3A_93, %dma_start3A_94] : memref<8x256xi32, #tpu.memory_space<vmem>> -> memref<1x256xi32, #tpu.memory_space<vmem>>
      %dma_start3A_96 = tpu.memref_squeeze %dma_start3A_95 : memref<1x256xi32, #tpu.memory_space<vmem>> -> memref<256xi32, #tpu.memory_space<vmem>>
      %dma_start3A_97 = arith.constant 0 : i32
      %dma_start3A_98 = arith.constant 0 : i32
      %dma_start3A_99 = tpu.memref_slice %arg2[%dma_start3A_97, %dma_start3A_98] : memref<65536x16xf32, #tpu.memory_space<hbm>> -> memref<65536x16xf32, #tpu.memory_space<hbm>>
      tpu.enqueue_indirect_dma source(%dma_start3A_99 : memref<65536x16xf32, #tpu.memory_space<hbm>>) target(%arg14 : memref<256x16xf32, #tpu.memory_space<vmem>>) offsets(%dma_start3A_96 : memref<256xi32, #tpu.memory_space<vmem>>) semaphore(%arg25 : memref<!tpu.dma_semaphore, #tpu.memory_space<semaphore_mem>>)
      %dma_start3A_100 = arith.constant 5 : i32
      %dma_start3A_101 = arith.constant 0 : i32
      %dma_start3A_102 = tpu.memref_slice %arg8[%dma_start3A_100, %dma_start3A_101] : memref<8x256xi32, #tpu.memory_space<vmem>> -> memref<1x256xi32, #tpu.memory_space<vmem>>
      %dma_start3A_103 = tpu.memref_squeeze %dma_start3A_102 : memref<1x256xi32, #tpu.memory_space<vmem>> -> memref<256xi32, #tpu.memory_space<vmem>>
      %dma_start3A_104 = arith.constant 0 : i32
      %dma_start3A_105 = arith.constant 0 : i32
      %dma_start3A_106 = tpu.memref_slice %arg2[%dma_start3A_104, %dma_start3A_105] : memref<65536x16xf32, #tpu.memory_space<hbm>> -> memref<65536x16xf32, #tpu.memory_space<hbm>>
      tpu.enqueue_indirect_dma source(%dma_start3A_106 : memref<65536x16xf32, #tpu.memory_space<hbm>>) target(%arg15 : memref<256x16xf32, #tpu.memory_space<vmem>>) offsets(%dma_start3A_103 : memref<256xi32, #tpu.memory_space<vmem>>) semaphore(%arg26 : memref<!tpu.dma_semaphore, #tpu.memory_space<semaphore_mem>>)
      %dma_start3A_107 = arith.constant 6 : i32
      %dma_start3A_108 = arith.constant 0 : i32
      %dma_start3A_109 = tpu.memref_slice %arg8[%dma_start3A_107, %dma_start3A_108] : memref<8x256xi32, #tpu.memory_space<vmem>> -> memref<1x256xi32, #tpu.memory_space<vmem>>
      %dma_start3A_110 = tpu.memref_squeeze %dma_start3A_109 : memref<1x256xi32, #tpu.memory_space<vmem>> -> memref<256xi32, #tpu.memory_space<vmem>>
      %dma_start3A_111 = arith.constant 0 : i32
      %dma_start3A_112 = arith.constant 0 : i32
      %dma_start3A_113 = tpu.memref_slice %arg2[%dma_start3A_111, %dma_start3A_112] : memref<65536x16xf32, #tpu.memory_space<hbm>> -> memref<65536x16xf32, #tpu.memory_space<hbm>>
      tpu.enqueue_indirect_dma source(%dma_start3A_113 : memref<65536x16xf32, #tpu.memory_space<hbm>>) target(%arg16 : memref<256x16xf32, #tpu.memory_space<vmem>>) offsets(%dma_start3A_110 : memref<256xi32, #tpu.memory_space<vmem>>) semaphore(%arg27 : memref<!tpu.dma_semaphore, #tpu.memory_space<semaphore_mem>>)
      %dma_start3A_114 = arith.constant 7 : i32
      %dma_start3A_115 = arith.constant 0 : i32
      %dma_start3A_116 = tpu.memref_slice %arg8[%dma_start3A_114, %dma_start3A_115] : memref<8x256xi32, #tpu.memory_space<vmem>> -> memref<1x256xi32, #tpu.memory_space<vmem>>
      %dma_start3A_117 = tpu.memref_squeeze %dma_start3A_116 : memref<1x256xi32, #tpu.memory_space<vmem>> -> memref<256xi32, #tpu.memory_space<vmem>>
      %dma_start3A_118 = arith.constant 0 : i32
      %dma_start3A_119 = arith.constant 0 : i32
      %dma_start3A_120 = tpu.memref_slice %arg2[%dma_start3A_118, %dma_start3A_119] : memref<65536x16xf32, #tpu.memory_space<hbm>> -> memref<65536x16xf32, #tpu.memory_space<hbm>>
      tpu.enqueue_indirect_dma source(%dma_start3A_120 : memref<65536x16xf32, #tpu.memory_space<hbm>>) target(%arg17 : memref<256x16xf32, #tpu.memory_space<vmem>>) offsets(%dma_start3A_117 : memref<256xi32, #tpu.memory_space<vmem>>) semaphore(%arg28 : memref<!tpu.dma_semaphore, #tpu.memory_space<semaphore_mem>>)
      %scan3A_121 = arith.constant 0 : i32
      %scan3A_122 = arith.constant 0 : i32
      %scan3A_123 = arith.constant 0 : i32
      %scan3A_124 = arith.addi %scan3A_122, %scan3A_123 : i32
      %scan3A_125 = arith.constant 0 : i32
      %dma_wait3A_126 = arith.constant 0 : i32
      %dma_wait3A_127 = arith.constant 0 : i32
      %dma_wait3A_128 = tpu.memref_slice %arg8[%dma_wait3A_126, %dma_wait3A_127] : memref<8x256xi32, #tpu.memory_space<vmem>> -> memref<1x256xi32, #tpu.memory_space<vmem>>
      %dma_wait3A_129 = tpu.memref_squeeze %dma_wait3A_128 : memref<1x256xi32, #tpu.memory_space<vmem>> -> memref<256xi32, #tpu.memory_space<vmem>>
      %dma_wait3A_130 = arith.constant 0 : i32
      %dma_wait3A_131 = arith.constant 0 : i32
      %dma_wait3A_132 = tpu.memref_slice %arg2[%dma_wait3A_130, %dma_wait3A_131] : memref<65536x16xf32, #tpu.memory_space<hbm>> -> memref<65536x16xf32, #tpu.memory_space<hbm>>
      tpu.wait_indirect_dma semaphore(%arg21 : memref<!tpu.dma_semaphore, #tpu.memory_space<semaphore_mem>>) src(%dma_wait3A_132 : memref<65536x16xf32, #tpu.memory_space<hbm>>) dst(%arg10 : memref<256x16xf32, #tpu.memory_space<vmem>>)
      %scan3A_133 = arith.constant 0 : i32
      %scan3A_134 = arith.constant 0 : i32
      %scan3A_135 = arith.constant 16 : i32
      %scan3A_136 = arith.addi %scan3A_134, %scan3A_135 : i32
      %scan3A_137 = arith.constant 1 : i32
      %scan3A_138 = scf.for %scan3A_446 = %scan3A_134 to %scan3A_136 step %scan3A_137 iter_args(%scan3A_447 = %scan3A_133) -> (i32)  : i32 {
        %mul3A_448 = arith.constant 16 : i32
        %mul3A_449 = arith.muli %scan3A_446, %mul3A_448 : i32
        %get3A = arith.constant 0 : i32
        %get3A_450 = arith.index_cast %get3A : i32 to index
        %get3A_451 = arith.index_cast %mul3A_449 : i32 to index
        %get3A_452 = tpu.vector_load %arg6[%get3A_450, %get3A_451] {strides = array<i32>} : memref<8x256xi32, #tpu.memory_space<vmem>>, vector<16xi32>,
        %mul3A_453 = arith.constant 16 : i32
        %mul3A_454 = arith.muli %scan3A_446, %mul3A_453 : i32
        %add3A_455 = arith.constant 0 : i32
        %add3A_456 = arith.addi %mul3A_454, %add3A_455 : i32
        %get3A_457 = arith.index_cast %add3A_456 : i32 to index
        %get3A_458 = arith.constant 0 : index
        %get3A_459 = tpu.vector_load %arg10[%get3A_457, %get3A_458] {strides = array<i32>} : memref<256x16xf32, #tpu.memory_space<vmem>>, vector<16xf32>,
        %mul3A_460 = arith.constant 16 : i32
        %mul3A_461 = arith.muli %scan3A_446, %mul3A_460 : i32
        %add3A_462 = arith.constant 1 : i32
        %add3A_463 = arith.addi %mul3A_461, %add3A_462 : i32
        %get3A_464 = arith.index_cast %add3A_463 : i32 to index
        %get3A_465 = arith.constant 0 : index
        %get3A_466 = tpu.vector_load %arg10[%get3A_464, %get3A_465] {strides = array<i32>} : memref<256x16xf32, #tpu.memory_space<vmem>>, vector<16xf32>,
        %mul3A_467 = arith.constant 16 : i32
        %mul3A_468 = arith.muli %scan3A_446, %mul3A_467 : i32
        %add3A_469 = arith.constant 2 : i32
        %add3A_470 = arith.addi %mul3A_468, %add3A_469 : i32
        %get3A_471 = arith.index_cast %add3A_470 : i32 to index
        %get3A_472 = arith.constant 0 : index
        %get3A_473 = tpu.vector_load %arg10[%get3A_471, %get3A_472] {strides = array<i32>} : memref<256x16xf32, #tpu.memory_space<vmem>>, vector<16xf32>,
        %mul3A_474 = arith.constant 16 : i32
        %mul3A_475 = arith.muli %scan3A_446, %mul3A_474 : i32
        %add3A_476 = arith.constant 3 : i32
        %add3A_477 = arith.addi %mul3A_475, %add3A_476 : i32
        %get3A_478 = arith.index_cast %add3A_477 : i32 to index
        %get3A_479 = arith.constant 0 : index
        %get3A_480 = tpu.vector_load %arg10[%get3A_478, %get3A_479] {strides = array<i32>} : memref<256x16xf32, #tpu.memory_space<vmem>>, vector<16xf32>,
        %mul3A_481 = arith.constant 16 : i32
        %mul3A_482 = arith.muli %scan3A_446, %mul3A_481 : i32
        %add3A_483 = arith.constant 4 : i32
        %add3A_484 = arith.addi %mul3A_482, %add3A_483 : i32
        %get3A_485 = arith.index_cast %add3A_484 : i32 to index
        %get3A_486 = arith.constant 0 : index
        %get3A_487 = tpu.vector_load %arg10[%get3A_485, %get3A_486] {strides = array<i32>} : memref<256x16xf32, #tpu.memory_space<vmem>>, vector<16xf32>,
        %mul3A_488 = arith.constant 16 : i32
        %mul3A_489 = arith.muli %scan3A_446, %mul3A_488 : i32
        %add3A_490 = arith.constant 5 : i32
        %add3A_491 = arith.addi %mul3A_489, %add3A_490 : i32
        %get3A_492 = arith.index_cast %add3A_491 : i32 to index
        %get3A_493 = arith.constant 0 : index
        %get3A_494 = tpu.vector_load %arg10[%get3A_492, %get3A_493] {strides = array<i32>} : memref<256x16xf32, #tpu.memory_space<vmem>>, vector<16xf32>,
        %mul3A_495 = arith.constant 16 : i32
        %mul3A_496 = arith.muli %scan3A_446, %mul3A_495 : i32
        %add3A_497 = arith.constant 6 : i32
        %add3A_498 = arith.addi %mul3A_496, %add3A_497 : i32
        %get3A_499 = arith.index_cast %add3A_498 : i32 to index
        %get3A_500 = arith.constant 0 : index
        %get3A_501 = tpu.vector_load %arg10[%get3A_499, %get3A_500] {strides = array<i32>} : memref<256x16xf32, #tpu.memory_space<vmem>>, vector<16xf32>,
        %mul3A_502 = arith.constant 16 : i32
        %mul3A_503 = arith.muli %scan3A_446, %mul3A_502 : i32
        %add3A_504 = arith.constant 7 : i32
        %add3A_505 = arith.addi %mul3A_503, %add3A_504 : i32
        %get3A_506 = arith.index_cast %add3A_505 : i32 to index
        %get3A_507 = arith.constant 0 : index
        %get3A_508 = tpu.vector_load %arg10[%get3A_506, %get3A_507] {strides = array<i32>} : memref<256x16xf32, #tpu.memory_space<vmem>>, vector<16xf32>,
        %mul3A_509 = arith.constant 16 : i32
        %mul3A_510 = arith.muli %scan3A_446, %mul3A_509 : i32
        %add3A_511 = arith.constant 8 : i32
        %add3A_512 = arith.addi %mul3A_510, %add3A_511 : i32
        %get3A_513 = arith.index_cast %add3A_512 : i32 to index
        %get3A_514 = arith.constant 0 : index
        %get3A_515 = tpu.vector_load %arg10[%get3A_513, %get3A_514] {strides = array<i32>} : memref<256x16xf32, #tpu.memory_space<vmem>>, vector<16xf32>,
        %mul3A_516 = arith.constant 16 : i32
        %mul3A_517 = arith.muli %scan3A_446, %mul3A_516 : i32
        %add3A_518 = arith.constant 9 : i32
        %add3A_519 = arith.addi %mul3A_517, %add3A_518 : i32
        %get3A_520 = arith.index_cast %add3A_519 : i32 to index
        %get3A_521 = arith.constant 0 : index
        %get3A_522 = tpu.vector_load %arg10[%get3A_520, %get3A_521] {strides = array<i32>} : memref<256x16xf32, #tpu.memory_space<vmem>>, vector<16xf32>,
        %mul3A_523 = arith.constant 16 : i32
        %mul3A_524 = arith.muli %scan3A_446, %mul3A_523 : i32
        %add3A_525 = arith.constant 10 : i32
        %add3A_526 = arith.addi %mul3A_524, %add3A_525 : i32
        %get3A_527 = arith.index_cast %add3A_526 : i32 to index
        %get3A_528 = arith.constant 0 : index
        %get3A_529 = tpu.vector_load %arg10[%get3A_527, %get3A_528] {strides = array<i32>} : memref<256x16xf32, #tpu.memory_space<vmem>>, vector<16xf32>,
        %mul3A_530 = arith.constant 16 : i32
        %mul3A_531 = arith.muli %scan3A_446, %mul3A_530 : i32
        %add3A_532 = arith.constant 11 : i32
        %add3A_533 = arith.addi %mul3A_531, %add3A_532 : i32
        %get3A_534 = arith.index_cast %add3A_533 : i32 to index
        %get3A_535 = arith.constant 0 : index
        %get3A_536 = tpu.vector_load %arg10[%get3A_534, %get3A_535] {strides = array<i32>} : memref<256x16xf32, #tpu.memory_space<vmem>>, vector<16xf32>,
        %mul3A_537 = arith.constant 16 : i32
        %mul3A_538 = arith.muli %scan3A_446, %mul3A_537 : i32
        %add3A_539 = arith.constant 12 : i32
        %add3A_540 = arith.addi %mul3A_538, %add3A_539 : i32
        %get3A_541 = arith.index_cast %add3A_540 : i32 to index
        %get3A_542 = arith.constant 0 : index
        %get3A_543 = tpu.vector_load %arg10[%get3A_541, %get3A_542] {strides = array<i32>} : memref<256x16xf32, #tpu.memory_space<vmem>>, vector<16xf32>,
        %mul3A_544 = arith.constant 16 : i32
        %mul3A_545 = arith.muli %scan3A_446, %mul3A_544 : i32
        %add3A_546 = arith.constant 13 : i32
        %add3A_547 = arith.addi %mul3A_545, %add3A_546 : i32
        %get3A_548 = arith.index_cast %add3A_547 : i32 to index
        %get3A_549 = arith.constant 0 : index
        %get3A_550 = tpu.vector_load %arg10[%get3A_548, %get3A_549] {strides = array<i32>} : memref<256x16xf32, #tpu.memory_space<vmem>>, vector<16xf32>,
        %mul3A_551 = arith.constant 16 : i32
        %mul3A_552 = arith.muli %scan3A_446, %mul3A_551 : i32
        %add3A_553 = arith.constant 14 : i32
        %add3A_554 = arith.addi %mul3A_552, %add3A_553 : i32
        %get3A_555 = arith.index_cast %add3A_554 : i32 to index
        %get3A_556 = arith.constant 0 : index
        %get3A_557 = tpu.vector_load %arg10[%get3A_555, %get3A_556] {strides = array<i32>} : memref<256x16xf32, #tpu.memory_space<vmem>>, vector<16xf32>,
        %mul3A_558 = arith.constant 16 : i32
        %mul3A_559 = arith.muli %scan3A_446, %mul3A_558 : i32
        %add3A_560 = arith.constant 15 : i32
        %add3A_561 = arith.addi %mul3A_559, %add3A_560 : i32
        %get3A_562 = arith.index_cast %add3A_561 : i32 to index
        %get3A_563 = arith.constant 0 : index
        %get3A_564 = tpu.vector_load %arg10[%get3A_562, %get3A_563] {strides = array<i32>} : memref<256x16xf32, #tpu.memory_space<vmem>>, vector<16xf32>,
        %broadcast_in_dim3A_565 = arith.constant 0 : i32
        %broadcast_in_dim3A_566 = vector.broadcast %broadcast_in_dim3A_565 : i32 to vector<16x1xi32>
        %gather3A = vector.shape_cast %broadcast_in_dim3A_566 : vector<16x1xi32> to vector<16xi32>
        %gather3A_567 = tpu.dynamic_gather %get3A_452[%gather3A] in [0] : vector<16xi32>, vector<16xi32> -> vector<16xi32>
        %broadcast_in_dim3A_568 = arith.constant 1 : i32
        %broadcast_in_dim3A_569 = vector.broadcast %broadcast_in_dim3A_568 : i32 to vector<16x1xi32>
        %gather3A_570 = vector.shape_cast %broadcast_in_dim3A_569 : vector<16x1xi32> to vector<16xi32>
        %gather3A_571 = tpu.dynamic_gather %get3A_452[%gather3A_570] in [0] : vector<16xi32>, vector<16xi32> -> vector<16xi32>
        %broadcast_in_dim3A_572 = arith.constant 2 : i32
        %broadcast_in_dim3A_573 = vector.broadcast %broadcast_in_dim3A_572 : i32 to vector<16x1xi32>
        %gather3A_574 = vector.shape_cast %broadcast_in_dim3A_573 : vector<16x1xi32> to vector<16xi32>
        %gather3A_575 = tpu.dynamic_gather %get3A_452[%gather3A_574] in [0] : vector<16xi32>, vector<16xi32> -> vector<16xi32>
        %broadcast_in_dim3A_576 = arith.constant 3 : i32
        %broadcast_in_dim3A_577 = vector.broadcast %broadcast_in_dim3A_576 : i32 to vector<16x1xi32>
        %gather3A_578 = vector.shape_cast %broadcast_in_dim3A_577 : vector<16x1xi32> to vector<16xi32>
        %gather3A_579 = tpu.dynamic_gather %get3A_452[%gather3A_578] in [0] : vector<16xi32>, vector<16xi32> -> vector<16xi32>
        %broadcast_in_dim3A_580 = arith.constant 4 : i32
        %broadcast_in_dim3A_581 = vector.broadcast %broadcast_in_dim3A_580 : i32 to vector<16x1xi32>
        %gather3A_582 = vector.shape_cast %broadcast_in_dim3A_581 : vector<16x1xi32> to vector<16xi32>
        %gather3A_583 = tpu.dynamic_gather %get3A_452[%gather3A_582] in [0] : vector<16xi32>, vector<16xi32> -> vector<16xi32>
        %broadcast_in_dim3A_584 = arith.constant 5 : i32
        %broadcast_in_dim3A_585 = vector.broadcast %broadcast_in_dim3A_584 : i32 to vector<16x1xi32>
        %gather3A_586 = vector.shape_cast %broadcast_in_dim3A_585 : vector<16x1xi32> to vector<16xi32>
        %gather3A_587 = tpu.dynamic_gather %get3A_452[%gather3A_586] in [0] : vector<16xi32>, vector<16xi32> -> vector<16xi32>
        %broadcast_in_dim3A_588 = arith.constant 6 : i32
        %broadcast_in_dim3A_589 = vector.broadcast %broadcast_in_dim3A_588 : i32 to vector<16x1xi32>
        %gather3A_590 = vector.shape_cast %broadcast_in_dim3A_589 : vector<16x1xi32> to vector<16xi32>
        %gather3A_591 = tpu.dynamic_gather %get3A_452[%gather3A_590] in [0] : vector<16xi32>, vector<16xi32> -> vector<16xi32>
        %broadcast_in_dim3A_592 = arith.constant 7 : i32
        %broadcast_in_dim3A_593 = vector.broadcast %broadcast_in_dim3A_592 : i32 to vector<16x1xi32>
        %gather3A_594 = vector.shape_cast %broadcast_in_dim3A_593 : vector<16x1xi32> to vector<16xi32>
        %gather3A_595 = tpu.dynamic_gather %get3A_452[%gather3A_594] in [0] : vector<16xi32>, vector<16xi32> -> vector<16xi32>
        %broadcast_in_dim3A_596 = arith.constant 8 : i32
        %broadcast_in_dim3A_597 = vector.broadcast %broadcast_in_dim3A_596 : i32 to vector<16x1xi32>
        %gather3A_598 = vector.shape_cast %broadcast_in_dim3A_597 : vector<16x1xi32> to vector<16xi32>
        %gather3A_599 = tpu.dynamic_gather %get3A_452[%gather3A_598] in [0] : vector<16xi32>, vector<16xi32> -> vector<16xi32>
        %broadcast_in_dim3A_600 = arith.constant 9 : i32
        %broadcast_in_dim3A_601 = vector.broadcast %broadcast_in_dim3A_600 : i32 to vector<16x1xi32>
        %gather3A_602 = vector.shape_cast %broadcast_in_dim3A_601 : vector<16x1xi32> to vector<16xi32>
        %gather3A_603 = tpu.dynamic_gather %get3A_452[%gather3A_602] in [0] : vector<16xi32>, vector<16xi32> -> vector<16xi32>
        %broadcast_in_dim3A_604 = arith.constant 10 : i32
        %broadcast_in_dim3A_605 = vector.broadcast %broadcast_in_dim3A_604 : i32 to vector<16x1xi32>
        %gather3A_606 = vector.shape_cast %broadcast_in_dim3A_605 : vector<16x1xi32> to vector<16xi32>
        %gather3A_607 = tpu.dynamic_gather %get3A_452[%gather3A_606] in [0] : vector<16xi32>, vector<16xi32> -> vector<16xi32>
        %broadcast_in_dim3A_608 = arith.constant 11 : i32
        %broadcast_in_dim3A_609 = vector.broadcast %broadcast_in_dim3A_608 : i32 to vector<16x1xi32>
        %gather3A_610 = vector.shape_cast %broadcast_in_dim3A_609 : vector<16x1xi32> to vector<16xi32>
        %gather3A_611 = tpu.dynamic_gather %get3A_452[%gather3A_610] in [0] : vector<16xi32>, vector<16xi32> -> vector<16xi32>
        %broadcast_in_dim3A_612 = arith.constant 12 : i32
        %broadcast_in_dim3A_613 = vector.broadcast %broadcast_in_dim3A_612 : i32 to vector<16x1xi32>
        %gather3A_614 = vector.shape_cast %broadcast_in_dim3A_613 : vector<16x1xi32> to vector<16xi32>
        %gather3A_615 = tpu.dynamic_gather %get3A_452[%gather3A_614] in [0] : vector<16xi32>, vector<16xi32> -> vector<16xi32>
        %broadcast_in_dim3A_616 = arith.constant 13 : i32
        %broadcast_in_dim3A_617 = vector.broadcast %broadcast_in_dim3A_616 : i32 to vector<16x1xi32>
        %gather3A_618 = vector.shape_cast %broadcast_in_dim3A_617 : vector<16x1xi32> to vector<16xi32>
        %gather3A_619 = tpu.dynamic_gather %get3A_452[%gather3A_618] in [0] : vector<16xi32>, vector<16xi32> -> vector<16xi32>
        %broadcast_in_dim3A_620 = arith.constant 14 : i32
        %broadcast_in_dim3A_621 = vector.broadcast %broadcast_in_dim3A_620 : i32 to vector<16x1xi32>
        %gather3A_622 = vector.shape_cast %broadcast_in_dim3A_621 : vector<16x1xi32> to vector<16xi32>
        %gather3A_623 = tpu.dynamic_gather %get3A_452[%gather3A_622] in [0] : vector<16xi32>, vector<16xi32> -> vector<16xi32>
        %broadcast_in_dim3A_624 = arith.constant 15 : i32
        %broadcast_in_dim3A_625 = vector.broadcast %broadcast_in_dim3A_624 : i32 to vector<16x1xi32>
        %gather3A_626 = vector.shape_cast %broadcast_in_dim3A_625 : vector<16x1xi32> to vector<16xi32>
        %gather3A_627 = tpu.dynamic_gather %get3A_452[%gather3A_626] in [0] : vector<16xi32>, vector<16xi32> -> vector<16xi32>
        tpu.vector_store_idx %arg18[%gather3A_567, %iota3A], %get3A_459 {add = true} : memref<4096x16xf32, #tpu.memory_space<vmem>>[vector<16xi32>, vector<16xi32>], vector<16xf32>,
        tpu.vector_store_idx %arg18[%gather3A_571, %iota3A], %get3A_466 {add = true} : memref<4096x16xf32, #tpu.memory_space<vmem>>[vector<16xi32>, vector<16xi32>], vector<16xf32>,
        tpu.vector_store_idx %arg18[%gather3A_575, %iota3A], %get3A_473 {add = true} : memref<4096x16xf32, #tpu.memory_space<vmem>>[vector<16xi32>, vector<16xi32>], vector<16xf32>,
        tpu.vector_store_idx %arg18[%gather3A_579, %iota3A], %get3A_480 {add = true} : memref<4096x16xf32, #tpu.memory_space<vmem>>[vector<16xi32>, vector<16xi32>], vector<16xf32>,
        tpu.vector_store_idx %arg18[%gather3A_583, %iota3A], %get3A_487 {add = true} : memref<4096x16xf32, #tpu.memory_space<vmem>>[vector<16xi32>, vector<16xi32>], vector<16xf32>,
        tpu.vector_store_idx %arg18[%gather3A_587, %iota3A], %get3A_494 {add = true} : memref<4096x16xf32, #tpu.memory_space<vmem>>[vector<16xi32>, vector<16xi32>], vector<16xf32>,
        tpu.vector_store_idx %arg18[%gather3A_591, %iota3A], %get3A_501 {add = true} : memref<4096x16xf32, #tpu.memory_space<vmem>>[vector<16xi32>, vector<16xi32>], vector<16xf32>,
        tpu.vector_store_idx %arg18[%gather3A_595, %iota3A], %get3A_508 {add = true} : memref<4096x16xf32, #tpu.memory_space<vmem>>[vector<16xi32>, vector<16xi32>], vector<16xf32>,
        tpu.vector_store_idx %arg18[%gather3A_599, %iota3A], %get3A_515 {add = true} : memref<4096x16xf32, #tpu.memory_space<vmem>>[vector<16xi32>, vector<16xi32>], vector<16xf32>,
        tpu.vector_store_idx %arg18[%gather3A_603, %iota3A], %get3A_522 {add = true} : memref<4096x16xf32, #tpu.memory_space<vmem>>[vector<16xi32>, vector<16xi32>], vector<16xf32>,
        tpu.vector_store_idx %arg18[%gather3A_607, %iota3A], %get3A_529 {add = true} : memref<4096x16xf32, #tpu.memory_space<vmem>>[vector<16xi32>, vector<16xi32>], vector<16xf32>,
        tpu.vector_store_idx %arg18[%gather3A_611, %iota3A], %get3A_536 {add = true} : memref<4096x16xf32, #tpu.memory_space<vmem>>[vector<16xi32>, vector<16xi32>], vector<16xf32>,
        tpu.vector_store_idx %arg18[%gather3A_615, %iota3A], %get3A_543 {add = true} : memref<4096x16xf32, #tpu.memory_space<vmem>>[vector<16xi32>, vector<16xi32>], vector<16xf32>,
        tpu.vector_store_idx %arg18[%gather3A_619, %iota3A], %get3A_550 {add = true} : memref<4096x16xf32, #tpu.memory_space<vmem>>[vector<16xi32>, vector<16xi32>], vector<16xf32>,
        tpu.vector_store_idx %arg18[%gather3A_623, %iota3A], %get3A_557 {add = true} : memref<4096x16xf32, #tpu.memory_space<vmem>>[vector<16xi32>, vector<16xi32>], vector<16xf32>,
        tpu.vector_store_idx %arg18[%gather3A_627, %iota3A], %get3A_564 {add = true} : memref<4096x16xf32, #tpu.memory_space<vmem>>[vector<16xi32>, vector<16xi32>], vector<16xf32>,
        %scan3A_628 = arith.constant 0 : i32
        scf.yield %scan3A_628 : i32
      }
      %scan3A_139 = arith.constant 16 : i32
      %dma_wait3A_140 = arith.constant 1 : i32
      %dma_wait3A_141 = arith.constant 0 : i32
      %dma_wait3A_142 = tpu.memref_slice %arg8[%dma_wait3A_140, %dma_wait3A_141] : memref<8x256xi32, #tpu.memory_space<vmem>> -> memref<1x256xi32, #tpu.memory_space<vmem>>
      %dma_wait3A_143 = tpu.memref_squeeze %dma_wait3A_142 : memref<1x256xi32, #tpu.memory_space<vmem>> -> memref<256xi32, #tpu.memory_space<vmem>>
      %dma_wait3A_144 = arith.constant 0 : i32
      %dma_wait3A_145 = arith.constant 0 : i32
      %dma_wait3A_146 = tpu.memref_slice %arg2[%dma_wait3A_144, %dma_wait3A_145] : memref<65536x16xf32, #tpu.memory_space<hbm>> -> memref<65536x16xf32, #tpu.memory_space<hbm>>
      tpu.wait_indirect_dma semaphore(%arg22 : memref<!tpu.dma_semaphore, #tpu.memory_space<semaphore_mem>>) src(%dma_wait3A_146 : memref<65536x16xf32, #tpu.memory_space<hbm>>) dst(%arg11 : memref<256x16xf32, #tpu.memory_space<vmem>>)
      %scan3A_147 = arith.constant 0 : i32
      %scan3A_148 = arith.constant 0 : i32
      %scan3A_149 = arith.constant 16 : i32
      %scan3A_150 = arith.addi %scan3A_148, %scan3A_149 : i32
      %scan3A_151 = arith.constant 1 : i32
      %scan3A_152 = scf.for %scan3A_446 = %scan3A_148 to %scan3A_150 step %scan3A_151 iter_args(%scan3A_447 = %scan3A_147) -> (i32)  : i32 {
        %mul3A_448 = arith.constant 16 : i32
        %mul3A_449 = arith.muli %scan3A_446, %mul3A_448 : i32
        %get3A = arith.constant 1 : i32
        %get3A_450 = arith.index_cast %get3A : i32 to index
        %get3A_451 = arith.index_cast %mul3A_449 : i32 to index
        %get3A_452 = tpu.vector_load %arg6[%get3A_450, %get3A_451] {strides = array<i32>} : memref<8x256xi32, #tpu.memory_space<vmem>>, vector<16xi32>,
        %mul3A_453 = arith.constant 16 : i32
        %mul3A_454 = arith.muli %scan3A_446, %mul3A_453 : i32
        %add3A_455 = arith.constant 0 : i32
        %add3A_456 = arith.addi %mul3A_454, %add3A_455 : i32
        %get3A_457 = arith.index_cast %add3A_456 : i32 to index
        %get3A_458 = arith.constant 0 : index
        %get3A_459 = tpu.vector_load %arg11[%get3A_457, %get3A_458] {strides = array<i32>} : memref<256x16xf32, #tpu.memory_space<vmem>>, vector<16xf32>,
        %mul3A_460 = arith.constant 16 : i32
        %mul3A_461 = arith.muli %scan3A_446, %mul3A_460 : i32
        %add3A_462 = arith.constant 1 : i32
        %add3A_463 = arith.addi %mul3A_461, %add3A_462 : i32
        %get3A_464 = arith.index_cast %add3A_463 : i32 to index
        %get3A_465 = arith.constant 0 : index
        %get3A_466 = tpu.vector_load %arg11[%get3A_464, %get3A_465] {strides = array<i32>} : memref<256x16xf32, #tpu.memory_space<vmem>>, vector<16xf32>,
        %mul3A_467 = arith.constant 16 : i32
        %mul3A_468 = arith.muli %scan3A_446, %mul3A_467 : i32
        %add3A_469 = arith.constant 2 : i32
        %add3A_470 = arith.addi %mul3A_468, %add3A_469 : i32
        %get3A_471 = arith.index_cast %add3A_470 : i32 to index
        %get3A_472 = arith.constant 0 : index
        %get3A_473 = tpu.vector_load %arg11[%get3A_471, %get3A_472] {strides = array<i32>} : memref<256x16xf32, #tpu.memory_space<vmem>>, vector<16xf32>,
        %mul3A_474 = arith.constant 16 : i32
        %mul3A_475 = arith.muli %scan3A_446, %mul3A_474 : i32
        %add3A_476 = arith.constant 3 : i32
        %add3A_477 = arith.addi %mul3A_475, %add3A_476 : i32
        %get3A_478 = arith.index_cast %add3A_477 : i32 to index
        %get3A_479 = arith.constant 0 : index
        %get3A_480 = tpu.vector_load %arg11[%get3A_478, %get3A_479] {strides = array<i32>} : memref<256x16xf32, #tpu.memory_space<vmem>>, vector<16xf32>,
        %mul3A_481 = arith.constant 16 : i32
        %mul3A_482 = arith.muli %scan3A_446, %mul3A_481 : i32
        %add3A_483 = arith.constant 4 : i32
        %add3A_484 = arith.addi %mul3A_482, %add3A_483 : i32
        %get3A_485 = arith.index_cast %add3A_484 : i32 to index
        %get3A_486 = arith.constant 0 : index
        %get3A_487 = tpu.vector_load %arg11[%get3A_485, %get3A_486] {strides = array<i32>} : memref<256x16xf32, #tpu.memory_space<vmem>>, vector<16xf32>,
        %mul3A_488 = arith.constant 16 : i32
        %mul3A_489 = arith.muli %scan3A_446, %mul3A_488 : i32
        %add3A_490 = arith.constant 5 : i32
        %add3A_491 = arith.addi %mul3A_489, %add3A_490 : i32
        %get3A_492 = arith.index_cast %add3A_491 : i32 to index
        %get3A_493 = arith.constant 0 : index
        %get3A_494 = tpu.vector_load %arg11[%get3A_492, %get3A_493] {strides = array<i32>} : memref<256x16xf32, #tpu.memory_space<vmem>>, vector<16xf32>,
        %mul3A_495 = arith.constant 16 : i32
        %mul3A_496 = arith.muli %scan3A_446, %mul3A_495 : i32
        %add3A_497 = arith.constant 6 : i32
        %add3A_498 = arith.addi %mul3A_496, %add3A_497 : i32
        %get3A_499 = arith.index_cast %add3A_498 : i32 to index
        %get3A_500 = arith.constant 0 : index
        %get3A_501 = tpu.vector_load %arg11[%get3A_499, %get3A_500] {strides = array<i32>} : memref<256x16xf32, #tpu.memory_space<vmem>>, vector<16xf32>,
        %mul3A_502 = arith.constant 16 : i32
        %mul3A_503 = arith.muli %scan3A_446, %mul3A_502 : i32
        %add3A_504 = arith.constant 7 : i32
        %add3A_505 = arith.addi %mul3A_503, %add3A_504 : i32
        %get3A_506 = arith.index_cast %add3A_505 : i32 to index
        %get3A_507 = arith.constant 0 : index
        %get3A_508 = tpu.vector_load %arg11[%get3A_506, %get3A_507] {strides = array<i32>} : memref<256x16xf32, #tpu.memory_space<vmem>>, vector<16xf32>,
        %mul3A_509 = arith.constant 16 : i32
        %mul3A_510 = arith.muli %scan3A_446, %mul3A_509 : i32
        %add3A_511 = arith.constant 8 : i32
        %add3A_512 = arith.addi %mul3A_510, %add3A_511 : i32
        %get3A_513 = arith.index_cast %add3A_512 : i32 to index
        %get3A_514 = arith.constant 0 : index
        %get3A_515 = tpu.vector_load %arg11[%get3A_513, %get3A_514] {strides = array<i32>} : memref<256x16xf32, #tpu.memory_space<vmem>>, vector<16xf32>,
        %mul3A_516 = arith.constant 16 : i32
        %mul3A_517 = arith.muli %scan3A_446, %mul3A_516 : i32
        %add3A_518 = arith.constant 9 : i32
        %add3A_519 = arith.addi %mul3A_517, %add3A_518 : i32
        %get3A_520 = arith.index_cast %add3A_519 : i32 to index
        %get3A_521 = arith.constant 0 : index
        %get3A_522 = tpu.vector_load %arg11[%get3A_520, %get3A_521] {strides = array<i32>} : memref<256x16xf32, #tpu.memory_space<vmem>>, vector<16xf32>,
        %mul3A_523 = arith.constant 16 : i32
        %mul3A_524 = arith.muli %scan3A_446, %mul3A_523 : i32
        %add3A_525 = arith.constant 10 : i32
        %add3A_526 = arith.addi %mul3A_524, %add3A_525 : i32
        %get3A_527 = arith.index_cast %add3A_526 : i32 to index
        %get3A_528 = arith.constant 0 : index
        %get3A_529 = tpu.vector_load %arg11[%get3A_527, %get3A_528] {strides = array<i32>} : memref<256x16xf32, #tpu.memory_space<vmem>>, vector<16xf32>,
        %mul3A_530 = arith.constant 16 : i32
        %mul3A_531 = arith.muli %scan3A_446, %mul3A_530 : i32
        %add3A_532 = arith.constant 11 : i32
        %add3A_533 = arith.addi %mul3A_531, %add3A_532 : i32
        %get3A_534 = arith.index_cast %add3A_533 : i32 to index
        %get3A_535 = arith.constant 0 : index
        %get3A_536 = tpu.vector_load %arg11[%get3A_534, %get3A_535] {strides = array<i32>} : memref<256x16xf32, #tpu.memory_space<vmem>>, vector<16xf32>,
        %mul3A_537 = arith.constant 16 : i32
        %mul3A_538 = arith.muli %scan3A_446, %mul3A_537 : i32
        %add3A_539 = arith.constant 12 : i32
        %add3A_540 = arith.addi %mul3A_538, %add3A_539 : i32
        %get3A_541 = arith.index_cast %add3A_540 : i32 to index
        %get3A_542 = arith.constant 0 : index
        %get3A_543 = tpu.vector_load %arg11[%get3A_541, %get3A_542] {strides = array<i32>} : memref<256x16xf32, #tpu.memory_space<vmem>>, vector<16xf32>,
        %mul3A_544 = arith.constant 16 : i32
        %mul3A_545 = arith.muli %scan3A_446, %mul3A_544 : i32
        %add3A_546 = arith.constant 13 : i32
        %add3A_547 = arith.addi %mul3A_545, %add3A_546 : i32
        %get3A_548 = arith.index_cast %add3A_547 : i32 to index
        %get3A_549 = arith.constant 0 : index
        %get3A_550 = tpu.vector_load %arg11[%get3A_548, %get3A_549] {strides = array<i32>} : memref<256x16xf32, #tpu.memory_space<vmem>>, vector<16xf32>,
        %mul3A_551 = arith.constant 16 : i32
        %mul3A_552 = arith.muli %scan3A_446, %mul3A_551 : i32
        %add3A_553 = arith.constant 14 : i32
        %add3A_554 = arith.addi %mul3A_552, %add3A_553 : i32
        %get3A_555 = arith.index_cast %add3A_554 : i32 to index
        %get3A_556 = arith.constant 0 : index
        %get3A_557 = tpu.vector_load %arg11[%get3A_555, %get3A_556] {strides = array<i32>} : memref<256x16xf32, #tpu.memory_space<vmem>>, vector<16xf32>,
        %mul3A_558 = arith.constant 16 : i32
        %mul3A_559 = arith.muli %scan3A_446, %mul3A_558 : i32
        %add3A_560 = arith.constant 15 : i32
        %add3A_561 = arith.addi %mul3A_559, %add3A_560 : i32
        %get3A_562 = arith.index_cast %add3A_561 : i32 to index
        %get3A_563 = arith.constant 0 : index
        %get3A_564 = tpu.vector_load %arg11[%get3A_562, %get3A_563] {strides = array<i32>} : memref<256x16xf32, #tpu.memory_space<vmem>>, vector<16xf32>,
        %broadcast_in_dim3A_565 = arith.constant 0 : i32
        %broadcast_in_dim3A_566 = vector.broadcast %broadcast_in_dim3A_565 : i32 to vector<16x1xi32>
        %gather3A = vector.shape_cast %broadcast_in_dim3A_566 : vector<16x1xi32> to vector<16xi32>
        %gather3A_567 = tpu.dynamic_gather %get3A_452[%gather3A] in [0] : vector<16xi32>, vector<16xi32> -> vector<16xi32>
        %broadcast_in_dim3A_568 = arith.constant 1 : i32
        %broadcast_in_dim3A_569 = vector.broadcast %broadcast_in_dim3A_568 : i32 to vector<16x1xi32>
        %gather3A_570 = vector.shape_cast %broadcast_in_dim3A_569 : vector<16x1xi32> to vector<16xi32>
        %gather3A_571 = tpu.dynamic_gather %get3A_452[%gather3A_570] in [0] : vector<16xi32>, vector<16xi32> -> vector<16xi32>
        %broadcast_in_dim3A_572 = arith.constant 2 : i32
        %broadcast_in_dim3A_573 = vector.broadcast %broadcast_in_dim3A_572 : i32 to vector<16x1xi32>
        %gather3A_574 = vector.shape_cast %broadcast_in_dim3A_573 : vector<16x1xi32> to vector<16xi32>
        %gather3A_575 = tpu.dynamic_gather %get3A_452[%gather3A_574] in [0] : vector<16xi32>, vector<16xi32> -> vector<16xi32>
        %broadcast_in_dim3A_576 = arith.constant 3 : i32
        %broadcast_in_dim3A_577 = vector.broadcast %broadcast_in_dim3A_576 : i32 to vector<16x1xi32>
        %gather3A_578 = vector.shape_cast %broadcast_in_dim3A_577 : vector<16x1xi32> to vector<16xi32>
        %gather3A_579 = tpu.dynamic_gather %get3A_452[%gather3A_578] in [0] : vector<16xi32>, vector<16xi32> -> vector<16xi32>
        %broadcast_in_dim3A_580 = arith.constant 4 : i32
        %broadcast_in_dim3A_581 = vector.broadcast %broadcast_in_dim3A_580 : i32 to vector<16x1xi32>
        %gather3A_582 = vector.shape_cast %broadcast_in_dim3A_581 : vector<16x1xi32> to vector<16xi32>
        %gather3A_583 = tpu.dynamic_gather %get3A_452[%gather3A_582] in [0] : vector<16xi32>, vector<16xi32> -> vector<16xi32>
        %broadcast_in_dim3A_584 = arith.constant 5 : i32
        %broadcast_in_dim3A_585 = vector.broadcast %broadcast_in_dim3A_584 : i32 to vector<16x1xi32>
        %gather3A_586 = vector.shape_cast %broadcast_in_dim3A_585 : vector<16x1xi32> to vector<16xi32>
        %gather3A_587 = tpu.dynamic_gather %get3A_452[%gather3A_586] in [0] : vector<16xi32>, vector<16xi32> -> vector<16xi32>
        %broadcast_in_dim3A_588 = arith.constant 6 : i32
        %broadcast_in_dim3A_589 = vector.broadcast %broadcast_in_dim3A_588 : i32 to vector<16x1xi32>
        %gather3A_590 = vector.shape_cast %broadcast_in_dim3A_589 : vector<16x1xi32> to vector<16xi32>
        %gather3A_591 = tpu.dynamic_gather %get3A_452[%gather3A_590] in [0] : vector<16xi32>, vector<16xi32> -> vector<16xi32>
        %broadcast_in_dim3A_592 = arith.constant 7 : i32
        %broadcast_in_dim3A_593 = vector.broadcast %broadcast_in_dim3A_592 : i32 to vector<16x1xi32>
        %gather3A_594 = vector.shape_cast %broadcast_in_dim3A_593 : vector<16x1xi32> to vector<16xi32>
        %gather3A_595 = tpu.dynamic_gather %get3A_452[%gather3A_594] in [0] : vector<16xi32>, vector<16xi32> -> vector<16xi32>
        %broadcast_in_dim3A_596 = arith.constant 8 : i32
        %broadcast_in_dim3A_597 = vector.broadcast %broadcast_in_dim3A_596 : i32 to vector<16x1xi32>
        %gather3A_598 = vector.shape_cast %broadcast_in_dim3A_597 : vector<16x1xi32> to vector<16xi32>
        %gather3A_599 = tpu.dynamic_gather %get3A_452[%gather3A_598] in [0] : vector<16xi32>, vector<16xi32> -> vector<16xi32>
        %broadcast_in_dim3A_600 = arith.constant 9 : i32
        %broadcast_in_dim3A_601 = vector.broadcast %broadcast_in_dim3A_600 : i32 to vector<16x1xi32>
        %gather3A_602 = vector.shape_cast %broadcast_in_dim3A_601 : vector<16x1xi32> to vector<16xi32>
        %gather3A_603 = tpu.dynamic_gather %get3A_452[%gather3A_602] in [0] : vector<16xi32>, vector<16xi32> -> vector<16xi32>
        %broadcast_in_dim3A_604 = arith.constant 10 : i32
        %broadcast_in_dim3A_605 = vector.broadcast %broadcast_in_dim3A_604 : i32 to vector<16x1xi32>
        %gather3A_606 = vector.shape_cast %broadcast_in_dim3A_605 : vector<16x1xi32> to vector<16xi32>
        %gather3A_607 = tpu.dynamic_gather %get3A_452[%gather3A_606] in [0] : vector<16xi32>, vector<16xi32> -> vector<16xi32>
        %broadcast_in_dim3A_608 = arith.constant 11 : i32
        %broadcast_in_dim3A_609 = vector.broadcast %broadcast_in_dim3A_608 : i32 to vector<16x1xi32>
        %gather3A_610 = vector.shape_cast %broadcast_in_dim3A_609 : vector<16x1xi32> to vector<16xi32>
        %gather3A_611 = tpu.dynamic_gather %get3A_452[%gather3A_610] in [0] : vector<16xi32>, vector<16xi32> -> vector<16xi32>
        %broadcast_in_dim3A_612 = arith.constant 12 : i32
        %broadcast_in_dim3A_613 = vector.broadcast %broadcast_in_dim3A_612 : i32 to vector<16x1xi32>
        %gather3A_614 = vector.shape_cast %broadcast_in_dim3A_613 : vector<16x1xi32> to vector<16xi32>
        %gather3A_615 = tpu.dynamic_gather %get3A_452[%gather3A_614] in [0] : vector<16xi32>, vector<16xi32> -> vector<16xi32>
        %broadcast_in_dim3A_616 = arith.constant 13 : i32
        %broadcast_in_dim3A_617 = vector.broadcast %broadcast_in_dim3A_616 : i32 to vector<16x1xi32>
        %gather3A_618 = vector.shape_cast %broadcast_in_dim3A_617 : vector<16x1xi32> to vector<16xi32>
        %gather3A_619 = tpu.dynamic_gather %get3A_452[%gather3A_618] in [0] : vector<16xi32>, vector<16xi32> -> vector<16xi32>
        %broadcast_in_dim3A_620 = arith.constant 14 : i32
        %broadcast_in_dim3A_621 = vector.broadcast %broadcast_in_dim3A_620 : i32 to vector<16x1xi32>
        %gather3A_622 = vector.shape_cast %broadcast_in_dim3A_621 : vector<16x1xi32> to vector<16xi32>
        %gather3A_623 = tpu.dynamic_gather %get3A_452[%gather3A_622] in [0] : vector<16xi32>, vector<16xi32> -> vector<16xi32>
        %broadcast_in_dim3A_624 = arith.constant 15 : i32
        %broadcast_in_dim3A_625 = vector.broadcast %broadcast_in_dim3A_624 : i32 to vector<16x1xi32>
        %gather3A_626 = vector.shape_cast %broadcast_in_dim3A_625 : vector<16x1xi32> to vector<16xi32>
        %gather3A_627 = tpu.dynamic_gather %get3A_452[%gather3A_626] in [0] : vector<16xi32>, vector<16xi32> -> vector<16xi32>
        tpu.vector_store_idx %arg18[%gather3A_567, %iota3A], %get3A_459 {add = true} : memref<4096x16xf32, #tpu.memory_space<vmem>>[vector<16xi32>, vector<16xi32>], vector<16xf32>,
        tpu.vector_store_idx %arg18[%gather3A_571, %iota3A], %get3A_466 {add = true} : memref<4096x16xf32, #tpu.memory_space<vmem>>[vector<16xi32>, vector<16xi32>], vector<16xf32>,
        tpu.vector_store_idx %arg18[%gather3A_575, %iota3A], %get3A_473 {add = true} : memref<4096x16xf32, #tpu.memory_space<vmem>>[vector<16xi32>, vector<16xi32>], vector<16xf32>,
        tpu.vector_store_idx %arg18[%gather3A_579, %iota3A], %get3A_480 {add = true} : memref<4096x16xf32, #tpu.memory_space<vmem>>[vector<16xi32>, vector<16xi32>], vector<16xf32>,
        tpu.vector_store_idx %arg18[%gather3A_583, %iota3A], %get3A_487 {add = true} : memref<4096x16xf32, #tpu.memory_space<vmem>>[vector<16xi32>, vector<16xi32>], vector<16xf32>,
        tpu.vector_store_idx %arg18[%gather3A_587, %iota3A], %get3A_494 {add = true} : memref<4096x16xf32, #tpu.memory_space<vmem>>[vector<16xi32>, vector<16xi32>], vector<16xf32>,
        tpu.vector_store_idx %arg18[%gather3A_591, %iota3A], %get3A_501 {add = true} : memref<4096x16xf32, #tpu.memory_space<vmem>>[vector<16xi32>, vector<16xi32>], vector<16xf32>,
        tpu.vector_store_idx %arg18[%gather3A_595, %iota3A], %get3A_508 {add = true} : memref<4096x16xf32, #tpu.memory_space<vmem>>[vector<16xi32>, vector<16xi32>], vector<16xf32>,
        tpu.vector_store_idx %arg18[%gather3A_599, %iota3A], %get3A_515 {add = true} : memref<4096x16xf32, #tpu.memory_space<vmem>>[vector<16xi32>, vector<16xi32>], vector<16xf32>,
        tpu.vector_store_idx %arg18[%gather3A_603, %iota3A], %get3A_522 {add = true} : memref<4096x16xf32, #tpu.memory_space<vmem>>[vector<16xi32>, vector<16xi32>], vector<16xf32>,
        tpu.vector_store_idx %arg18[%gather3A_607, %iota3A], %get3A_529 {add = true} : memref<4096x16xf32, #tpu.memory_space<vmem>>[vector<16xi32>, vector<16xi32>], vector<16xf32>,
        tpu.vector_store_idx %arg18[%gather3A_611, %iota3A], %get3A_536 {add = true} : memref<4096x16xf32, #tpu.memory_space<vmem>>[vector<16xi32>, vector<16xi32>], vector<16xf32>,
        tpu.vector_store_idx %arg18[%gather3A_615, %iota3A], %get3A_543 {add = true} : memref<4096x16xf32, #tpu.memory_space<vmem>>[vector<16xi32>, vector<16xi32>], vector<16xf32>,
        tpu.vector_store_idx %arg18[%gather3A_619, %iota3A], %get3A_550 {add = true} : memref<4096x16xf32, #tpu.memory_space<vmem>>[vector<16xi32>, vector<16xi32>], vector<16xf32>,
        tpu.vector_store_idx %arg18[%gather3A_623, %iota3A], %get3A_557 {add = true} : memref<4096x16xf32, #tpu.memory_space<vmem>>[vector<16xi32>, vector<16xi32>], vector<16xf32>,
        tpu.vector_store_idx %arg18[%gather3A_627, %iota3A], %get3A_564 {add = true} : memref<4096x16xf32, #tpu.memory_space<vmem>>[vector<16xi32>, vector<16xi32>], vector<16xf32>,
        %scan3A_628 = arith.constant 0 : i32
        scf.yield %scan3A_628 : i32
      }
      %scan3A_153 = arith.constant 16 : i32
      %dma_wait3A_154 = arith.constant 2 : i32
      %dma_wait3A_155 = arith.constant 0 : i32
      %dma_wait3A_156 = tpu.memref_slice %arg8[%dma_wait3A_154, %dma_wait3A_155] : memref<8x256xi32, #tpu.memory_space<vmem>> -> memref<1x256xi32, #tpu.memory_space<vmem>>
      %dma_wait3A_157 = tpu.memref_squeeze %dma_wait3A_156 : memref<1x256xi32, #tpu.memory_space<vmem>> -> memref<256xi32, #tpu.memory_space<vmem>>
      %dma_wait3A_158 = arith.constant 0 : i32
      %dma_wait3A_159 = arith.constant 0 : i32
      %dma_wait3A_160 = tpu.memref_slice %arg2[%dma_wait3A_158, %dma_wait3A_159] : memref<65536x16xf32, #tpu.memory_space<hbm>> -> memref<65536x16xf32, #tpu.memory_space<hbm>>
      tpu.wait_indirect_dma semaphore(%arg23 : memref<!tpu.dma_semaphore, #tpu.memory_space<semaphore_mem>>) src(%dma_wait3A_160 : memref<65536x16xf32, #tpu.memory_space<hbm>>) dst(%arg12 : memref<256x16xf32, #tpu.memory_space<vmem>>)
      %scan3A_161 = arith.constant 0 : i32
      %scan3A_162 = arith.constant 0 : i32
      %scan3A_163 = arith.constant 16 : i32
      %scan3A_164 = arith.addi %scan3A_162, %scan3A_163 : i32
      %scan3A_165 = arith.constant 1 : i32
      %scan3A_166 = scf.for %scan3A_446 = %scan3A_162 to %scan3A_164 step %scan3A_165 iter_args(%scan3A_447 = %scan3A_161) -> (i32)  : i32 {
        %mul3A_448 = arith.constant 16 : i32
        %mul3A_449 = arith.muli %scan3A_446, %mul3A_448 : i32
        %get3A = arith.constant 2 : i32
        %get3A_450 = arith.index_cast %get3A : i32 to index
        %get3A_451 = arith.index_cast %mul3A_449 : i32 to index
        %get3A_452 = tpu.vector_load %arg6[%get3A_450, %get3A_451] {strides = array<i32>} : memref<8x256xi32, #tpu.memory_space<vmem>>, vector<16xi32>,
        %mul3A_453 = arith.constant 16 : i32
        %mul3A_454 = arith.muli %scan3A_446, %mul3A_453 : i32
        %add3A_455 = arith.constant 0 : i32
        %add3A_456 = arith.addi %mul3A_454, %add3A_455 : i32
        %get3A_457 = arith.index_cast %add3A_456 : i32 to index
        %get3A_458 = arith.constant 0 : index
        %get3A_459 = tpu.vector_load %arg12[%get3A_457, %get3A_458] {strides = array<i32>} : memref<256x16xf32, #tpu.memory_space<vmem>>, vector<16xf32>,
        %mul3A_460 = arith.constant 16 : i32
        %mul3A_461 = arith.muli %scan3A_446, %mul3A_460 : i32
        %add3A_462 = arith.constant 1 : i32
        %add3A_463 = arith.addi %mul3A_461, %add3A_462 : i32
        %get3A_464 = arith.index_cast %add3A_463 : i32 to index
        %get3A_465 = arith.constant 0 : index
        %get3A_466 = tpu.vector_load %arg12[%get3A_464, %get3A_465] {strides = array<i32>} : memref<256x16xf32, #tpu.memory_space<vmem>>, vector<16xf32>,
        %mul3A_467 = arith.constant 16 : i32
        %mul3A_468 = arith.muli %scan3A_446, %mul3A_467 : i32
        %add3A_469 = arith.constant 2 : i32
        %add3A_470 = arith.addi %mul3A_468, %add3A_469 : i32
        %get3A_471 = arith.index_cast %add3A_470 : i32 to index
        %get3A_472 = arith.constant 0 : index
        %get3A_473 = tpu.vector_load %arg12[%get3A_471, %get3A_472] {strides = array<i32>} : memref<256x16xf32, #tpu.memory_space<vmem>>, vector<16xf32>,
        %mul3A_474 = arith.constant 16 : i32
        %mul3A_475 = arith.muli %scan3A_446, %mul3A_474 : i32
        %add3A_476 = arith.constant 3 : i32
        %add3A_477 = arith.addi %mul3A_475, %add3A_476 : i32
        %get3A_478 = arith.index_cast %add3A_477 : i32 to index
        %get3A_479 = arith.constant 0 : index
        %get3A_480 = tpu.vector_load %arg12[%get3A_478, %get3A_479] {strides = array<i32>} : memref<256x16xf32, #tpu.memory_space<vmem>>, vector<16xf32>,
        %mul3A_481 = arith.constant 16 : i32
        %mul3A_482 = arith.muli %scan3A_446, %mul3A_481 : i32
        %add3A_483 = arith.constant 4 : i32
        %add3A_484 = arith.addi %mul3A_482, %add3A_483 : i32
        %get3A_485 = arith.index_cast %add3A_484 : i32 to index
        %get3A_486 = arith.constant 0 : index
        %get3A_487 = tpu.vector_load %arg12[%get3A_485, %get3A_486] {strides = array<i32>} : memref<256x16xf32, #tpu.memory_space<vmem>>, vector<16xf32>,
        %mul3A_488 = arith.constant 16 : i32
        %mul3A_489 = arith.muli %scan3A_446, %mul3A_488 : i32
        %add3A_490 = arith.constant 5 : i32
        %add3A_491 = arith.addi %mul3A_489, %add3A_490 : i32
        %get3A_492 = arith.index_cast %add3A_491 : i32 to index
        %get3A_493 = arith.constant 0 : index
        %get3A_494 = tpu.vector_load %arg12[%get3A_492, %get3A_493] {strides = array<i32>} : memref<256x16xf32, #tpu.memory_space<vmem>>, vector<16xf32>,
        %mul3A_495 = arith.constant 16 : i32
        %mul3A_496 = arith.muli %scan3A_446, %mul3A_495 : i32
        %add3A_497 = arith.constant 6 : i32
        %add3A_498 = arith.addi %mul3A_496, %add3A_497 : i32
        %get3A_499 = arith.index_cast %add3A_498 : i32 to index
        %get3A_500 = arith.constant 0 : index
        %get3A_501 = tpu.vector_load %arg12[%get3A_499, %get3A_500] {strides = array<i32>} : memref<256x16xf32, #tpu.memory_space<vmem>>, vector<16xf32>,
        %mul3A_502 = arith.constant 16 : i32
        %mul3A_503 = arith.muli %scan3A_446, %mul3A_502 : i32
        %add3A_504 = arith.constant 7 : i32
        %add3A_505 = arith.addi %mul3A_503, %add3A_504 : i32
        %get3A_506 = arith.index_cast %add3A_505 : i32 to index
        %get3A_507 = arith.constant 0 : index
        %get3A_508 = tpu.vector_load %arg12[%get3A_506, %get3A_507] {strides = array<i32>} : memref<256x16xf32, #tpu.memory_space<vmem>>, vector<16xf32>,
        %mul3A_509 = arith.constant 16 : i32
        %mul3A_510 = arith.muli %scan3A_446, %mul3A_509 : i32
        %add3A_511 = arith.constant 8 : i32
        %add3A_512 = arith.addi %mul3A_510, %add3A_511 : i32
        %get3A_513 = arith.index_cast %add3A_512 : i32 to index
        %get3A_514 = arith.constant 0 : index
        %get3A_515 = tpu.vector_load %arg12[%get3A_513, %get3A_514] {strides = array<i32>} : memref<256x16xf32, #tpu.memory_space<vmem>>, vector<16xf32>,
        %mul3A_516 = arith.constant 16 : i32
        %mul3A_517 = arith.muli %scan3A_446, %mul3A_516 : i32
        %add3A_518 = arith.constant 9 : i32
        %add3A_519 = arith.addi %mul3A_517, %add3A_518 : i32
        %get3A_520 = arith.index_cast %add3A_519 : i32 to index
        %get3A_521 = arith.constant 0 : index
        %get3A_522 = tpu.vector_load %arg12[%get3A_520, %get3A_521] {strides = array<i32>} : memref<256x16xf32, #tpu.memory_space<vmem>>, vector<16xf32>,
        %mul3A_523 = arith.constant 16 : i32
        %mul3A_524 = arith.muli %scan3A_446, %mul3A_523 : i32
        %add3A_525 = arith.constant 10 : i32
        %add3A_526 = arith.addi %mul3A_524, %add3A_525 : i32
        %get3A_527 = arith.index_cast %add3A_526 : i32 to index
        %get3A_528 = arith.constant 0 : index
        %get3A_529 = tpu.vector_load %arg12[%get3A_527, %get3A_528] {strides = array<i32>} : memref<256x16xf32, #tpu.memory_space<vmem>>, vector<16xf32>,
        %mul3A_530 = arith.constant 16 : i32
        %mul3A_531 = arith.muli %scan3A_446, %mul3A_530 : i32
        %add3A_532 = arith.constant 11 : i32
        %add3A_533 = arith.addi %mul3A_531, %add3A_532 : i32
        %get3A_534 = arith.index_cast %add3A_533 : i32 to index
        %get3A_535 = arith.constant 0 : index
        %get3A_536 = tpu.vector_load %arg12[%get3A_534, %get3A_535] {strides = array<i32>} : memref<256x16xf32, #tpu.memory_space<vmem>>, vector<16xf32>,
        %mul3A_537 = arith.constant 16 : i32
        %mul3A_538 = arith.muli %scan3A_446, %mul3A_537 : i32
        %add3A_539 = arith.constant 12 : i32
        %add3A_540 = arith.addi %mul3A_538, %add3A_539 : i32
        %get3A_541 = arith.index_cast %add3A_540 : i32 to index
        %get3A_542 = arith.constant 0 : index
        %get3A_543 = tpu.vector_load %arg12[%get3A_541, %get3A_542] {strides = array<i32>} : memref<256x16xf32, #tpu.memory_space<vmem>>, vector<16xf32>,
        %mul3A_544 = arith.constant 16 : i32
        %mul3A_545 = arith.muli %scan3A_446, %mul3A_544 : i32
        %add3A_546 = arith.constant 13 : i32
        %add3A_547 = arith.addi %mul3A_545, %add3A_546 : i32
        %get3A_548 = arith.index_cast %add3A_547 : i32 to index
        %get3A_549 = arith.constant 0 : index
        %get3A_550 = tpu.vector_load %arg12[%get3A_548, %get3A_549] {strides = array<i32>} : memref<256x16xf32, #tpu.memory_space<vmem>>, vector<16xf32>,
        %mul3A_551 = arith.constant 16 : i32
        %mul3A_552 = arith.muli %scan3A_446, %mul3A_551 : i32
        %add3A_553 = arith.constant 14 : i32
        %add3A_554 = arith.addi %mul3A_552, %add3A_553 : i32
        %get3A_555 = arith.index_cast %add3A_554 : i32 to index
        %get3A_556 = arith.constant 0 : index
        %get3A_557 = tpu.vector_load %arg12[%get3A_555, %get3A_556] {strides = array<i32>} : memref<256x16xf32, #tpu.memory_space<vmem>>, vector<16xf32>,
        %mul3A_558 = arith.constant 16 : i32
        %mul3A_559 = arith.muli %scan3A_446, %mul3A_558 : i32
        %add3A_560 = arith.constant 15 : i32
        %add3A_561 = arith.addi %mul3A_559, %add3A_560 : i32
        %get3A_562 = arith.index_cast %add3A_561 : i32 to index
        %get3A_563 = arith.constant 0 : index
        %get3A_564 = tpu.vector_load %arg12[%get3A_562, %get3A_563] {strides = array<i32>} : memref<256x16xf32, #tpu.memory_space<vmem>>, vector<16xf32>,
        %broadcast_in_dim3A_565 = arith.constant 0 : i32
        %broadcast_in_dim3A_566 = vector.broadcast %broadcast_in_dim3A_565 : i32 to vector<16x1xi32>
        %gather3A = vector.shape_cast %broadcast_in_dim3A_566 : vector<16x1xi32> to vector<16xi32>
        %gather3A_567 = tpu.dynamic_gather %get3A_452[%gather3A] in [0] : vector<16xi32>, vector<16xi32> -> vector<16xi32>
        %broadcast_in_dim3A_568 = arith.constant 1 : i32
        %broadcast_in_dim3A_569 = vector.broadcast %broadcast_in_dim3A_568 : i32 to vector<16x1xi32>
        %gather3A_570 = vector.shape_cast %broadcast_in_dim3A_569 : vector<16x1xi32> to vector<16xi32>
        %gather3A_571 = tpu.dynamic_gather %get3A_452[%gather3A_570] in [0] : vector<16xi32>, vector<16xi32> -> vector<16xi32>
        %broadcast_in_dim3A_572 = arith.constant 2 : i32
        %broadcast_in_dim3A_573 = vector.broadcast %broadcast_in_dim3A_572 : i32 to vector<16x1xi32>
        %gather3A_574 = vector.shape_cast %broadcast_in_dim3A_573 : vector<16x1xi32> to vector<16xi32>
        %gather3A_575 = tpu.dynamic_gather %get3A_452[%gather3A_574] in [0] : vector<16xi32>, vector<16xi32> -> vector<16xi32>
        %broadcast_in_dim3A_576 = arith.constant 3 : i32
        %broadcast_in_dim3A_577 = vector.broadcast %broadcast_in_dim3A_576 : i32 to vector<16x1xi32>
        %gather3A_578 = vector.shape_cast %broadcast_in_dim3A_577 : vector<16x1xi32> to vector<16xi32>
        %gather3A_579 = tpu.dynamic_gather %get3A_452[%gather3A_578] in [0] : vector<16xi32>, vector<16xi32> -> vector<16xi32>
        %broadcast_in_dim3A_580 = arith.constant 4 : i32
        %broadcast_in_dim3A_581 = vector.broadcast %broadcast_in_dim3A_580 : i32 to vector<16x1xi32>
        %gather3A_582 = vector.shape_cast %broadcast_in_dim3A_581 : vector<16x1xi32> to vector<16xi32>
        %gather3A_583 = tpu.dynamic_gather %get3A_452[%gather3A_582] in [0] : vector<16xi32>, vector<16xi32> -> vector<16xi32>
        %broadcast_in_dim3A_584 = arith.constant 5 : i32
        %broadcast_in_dim3A_585 = vector.broadcast %broadcast_in_dim3A_584 : i32 to vector<16x1xi32>
        %gather3A_586 = vector.shape_cast %broadcast_in_dim3A_585 : vector<16x1xi32> to vector<16xi32>
        %gather3A_587 = tpu.dynamic_gather %get3A_452[%gather3A_586] in [0] : vector<16xi32>, vector<16xi32> -> vector<16xi32>
        %broadcast_in_dim3A_588 = arith.constant 6 : i32
        %broadcast_in_dim3A_589 = vector.broadcast %broadcast_in_dim3A_588 : i32 to vector<16x1xi32>
        %gather3A_590 = vector.shape_cast %broadcast_in_dim3A_589 : vector<16x1xi32> to vector<16xi32>
        %gather3A_591 = tpu.dynamic_gather %get3A_452[%gather3A_590] in [0] : vector<16xi32>, vector<16xi32> -> vector<16xi32>
        %broadcast_in_dim3A_592 = arith.constant 7 : i32
        %broadcast_in_dim3A_593 = vector.broadcast %broadcast_in_dim3A_592 : i32 to vector<16x1xi32>
        %gather3A_594 = vector.shape_cast %broadcast_in_dim3A_593 : vector<16x1xi32> to vector<16xi32>
        %gather3A_595 = tpu.dynamic_gather %get3A_452[%gather3A_594] in [0] : vector<16xi32>, vector<16xi32> -> vector<16xi32>
        %broadcast_in_dim3A_596 = arith.constant 8 : i32
        %broadcast_in_dim3A_597 = vector.broadcast %broadcast_in_dim3A_596 : i32 to vector<16x1xi32>
        %gather3A_598 = vector.shape_cast %broadcast_in_dim3A_597 : vector<16x1xi32> to vector<16xi32>
        %gather3A_599 = tpu.dynamic_gather %get3A_452[%gather3A_598] in [0] : vector<16xi32>, vector<16xi32> -> vector<16xi32>
        %broadcast_in_dim3A_600 = arith.constant 9 : i32
        %broadcast_in_dim3A_601 = vector.broadcast %broadcast_in_dim3A_600 : i32 to vector<16x1xi32>
        %gather3A_602 = vector.shape_cast %broadcast_in_dim3A_601 : vector<16x1xi32> to vector<16xi32>
        %gather3A_603 = tpu.dynamic_gather %get3A_452[%gather3A_602] in [0] : vector<16xi32>, vector<16xi32> -> vector<16xi32>
        %broadcast_in_dim3A_604 = arith.constant 10 : i32
        %broadcast_in_dim3A_605 = vector.broadcast %broadcast_in_dim3A_604 : i32 to vector<16x1xi32>
        %gather3A_606 = vector.shape_cast %broadcast_in_dim3A_605 : vector<16x1xi32> to vector<16xi32>
        %gather3A_607 = tpu.dynamic_gather %get3A_452[%gather3A_606] in [0] : vector<16xi32>, vector<16xi32> -> vector<16xi32>
        %broadcast_in_dim3A_608 = arith.constant 11 : i32
        %broadcast_in_dim3A_609 = vector.broadcast %broadcast_in_dim3A_608 : i32 to vector<16x1xi32>
        %gather3A_610 = vector.shape_cast %broadcast_in_dim3A_609 : vector<16x1xi32> to vector<16xi32>
        %gather3A_611 = tpu.dynamic_gather %get3A_452[%gather3A_610] in [0] : vector<16xi32>, vector<16xi32> -> vector<16xi32>
        %broadcast_in_dim3A_612 = arith.constant 12 : i32
        %broadcast_in_dim3A_613 = vector.broadcast %broadcast_in_dim3A_612 : i32 to vector<16x1xi32>
        %gather3A_614 = vector.shape_cast %broadcast_in_dim3A_613 : vector<16x1xi32> to vector<16xi32>
        %gather3A_615 = tpu.dynamic_gather %get3A_452[%gather3A_614] in [0] : vector<16xi32>, vector<16xi32> -> vector<16xi32>
        %broadcast_in_dim3A_616 = arith.constant 13 : i32
        %broadcast_in_dim3A_617 = vector.broadcast %broadcast_in_dim3A_616 : i32 to vector<16x1xi32>
        %gather3A_618 = vector.shape_cast %broadcast_in_dim3A_617 : vector<16x1xi32> to vector<16xi32>
        %gather3A_619 = tpu.dynamic_gather %get3A_452[%gather3A_618] in [0] : vector<16xi32>, vector<16xi32> -> vector<16xi32>
        %broadcast_in_dim3A_620 = arith.constant 14 : i32
        %broadcast_in_dim3A_621 = vector.broadcast %broadcast_in_dim3A_620 : i32 to vector<16x1xi32>
        %gather3A_622 = vector.shape_cast %broadcast_in_dim3A_621 : vector<16x1xi32> to vector<16xi32>
        %gather3A_623 = tpu.dynamic_gather %get3A_452[%gather3A_622] in [0] : vector<16xi32>, vector<16xi32> -> vector<16xi32>
        %broadcast_in_dim3A_624 = arith.constant 15 : i32
        %broadcast_in_dim3A_625 = vector.broadcast %broadcast_in_dim3A_624 : i32 to vector<16x1xi32>
        %gather3A_626 = vector.shape_cast %broadcast_in_dim3A_625 : vector<16x1xi32> to vector<16xi32>
        %gather3A_627 = tpu.dynamic_gather %get3A_452[%gather3A_626] in [0] : vector<16xi32>, vector<16xi32> -> vector<16xi32>
        tpu.vector_store_idx %arg18[%gather3A_567, %iota3A], %get3A_459 {add = true} : memref<4096x16xf32, #tpu.memory_space<vmem>>[vector<16xi32>, vector<16xi32>], vector<16xf32>,
        tpu.vector_store_idx %arg18[%gather3A_571, %iota3A], %get3A_466 {add = true} : memref<4096x16xf32, #tpu.memory_space<vmem>>[vector<16xi32>, vector<16xi32>], vector<16xf32>,
        tpu.vector_store_idx %arg18[%gather3A_575, %iota3A], %get3A_473 {add = true} : memref<4096x16xf32, #tpu.memory_space<vmem>>[vector<16xi32>, vector<16xi32>], vector<16xf32>,
        tpu.vector_store_idx %arg18[%gather3A_579, %iota3A], %get3A_480 {add = true} : memref<4096x16xf32, #tpu.memory_space<vmem>>[vector<16xi32>, vector<16xi32>], vector<16xf32>,
        tpu.vector_store_idx %arg18[%gather3A_583, %iota3A], %get3A_487 {add = true} : memref<4096x16xf32, #tpu.memory_space<vmem>>[vector<16xi32>, vector<16xi32>], vector<16xf32>,
        tpu.vector_store_idx %arg18[%gather3A_587, %iota3A], %get3A_494 {add = true} : memref<4096x16xf32, #tpu.memory_space<vmem>>[vector<16xi32>, vector<16xi32>], vector<16xf32>,
        tpu.vector_store_idx %arg18[%gather3A_591, %iota3A], %get3A_501 {add = true} : memref<4096x16xf32, #tpu.memory_space<vmem>>[vector<16xi32>, vector<16xi32>], vector<16xf32>,
        tpu.vector_store_idx %arg18[%gather3A_595, %iota3A], %get3A_508 {add = true} : memref<4096x16xf32, #tpu.memory_space<vmem>>[vector<16xi32>, vector<16xi32>], vector<16xf32>,
        tpu.vector_store_idx %arg18[%gather3A_599, %iota3A], %get3A_515 {add = true} : memref<4096x16xf32, #tpu.memory_space<vmem>>[vector<16xi32>, vector<16xi32>], vector<16xf32>,
        tpu.vector_store_idx %arg18[%gather3A_603, %iota3A], %get3A_522 {add = true} : memref<4096x16xf32, #tpu.memory_space<vmem>>[vector<16xi32>, vector<16xi32>], vector<16xf32>,
        tpu.vector_store_idx %arg18[%gather3A_607, %iota3A], %get3A_529 {add = true} : memref<4096x16xf32, #tpu.memory_space<vmem>>[vector<16xi32>, vector<16xi32>], vector<16xf32>,
        tpu.vector_store_idx %arg18[%gather3A_611, %iota3A], %get3A_536 {add = true} : memref<4096x16xf32, #tpu.memory_space<vmem>>[vector<16xi32>, vector<16xi32>], vector<16xf32>,
        tpu.vector_store_idx %arg18[%gather3A_615, %iota3A], %get3A_543 {add = true} : memref<4096x16xf32, #tpu.memory_space<vmem>>[vector<16xi32>, vector<16xi32>], vector<16xf32>,
        tpu.vector_store_idx %arg18[%gather3A_619, %iota3A], %get3A_550 {add = true} : memref<4096x16xf32, #tpu.memory_space<vmem>>[vector<16xi32>, vector<16xi32>], vector<16xf32>,
        tpu.vector_store_idx %arg18[%gather3A_623, %iota3A], %get3A_557 {add = true} : memref<4096x16xf32, #tpu.memory_space<vmem>>[vector<16xi32>, vector<16xi32>], vector<16xf32>,
        tpu.vector_store_idx %arg18[%gather3A_627, %iota3A], %get3A_564 {add = true} : memref<4096x16xf32, #tpu.memory_space<vmem>>[vector<16xi32>, vector<16xi32>], vector<16xf32>,
        %scan3A_628 = arith.constant 0 : i32
        scf.yield %scan3A_628 : i32
      }
      %scan3A_167 = arith.constant 16 : i32
      %dma_wait3A_168 = arith.constant 3 : i32
      %dma_wait3A_169 = arith.constant 0 : i32
      %dma_wait3A_170 = tpu.memref_slice %arg8[%dma_wait3A_168, %dma_wait3A_169] : memref<8x256xi32, #tpu.memory_space<vmem>> -> memref<1x256xi32, #tpu.memory_space<vmem>>
      %dma_wait3A_171 = tpu.memref_squeeze %dma_wait3A_170 : memref<1x256xi32, #tpu.memory_space<vmem>> -> memref<256xi32, #tpu.memory_space<vmem>>
      %dma_wait3A_172 = arith.constant 0 : i32
      %dma_wait3A_173 = arith.constant 0 : i32
      %dma_wait3A_174 = tpu.memref_slice %arg2[%dma_wait3A_172, %dma_wait3A_173] : memref<65536x16xf32, #tpu.memory_space<hbm>> -> memref<65536x16xf32, #tpu.memory_space<hbm>>
      tpu.wait_indirect_dma semaphore(%arg24 : memref<!tpu.dma_semaphore, #tpu.memory_space<semaphore_mem>>) src(%dma_wait3A_174 : memref<65536x16xf32, #tpu.memory_space<hbm>>) dst(%arg13 : memref<256x16xf32, #tpu.memory_space<vmem>>)
      %scan3A_175 = arith.constant 0 : i32
      %scan3A_176 = arith.constant 0 : i32
      %scan3A_177 = arith.constant 16 : i32
      %scan3A_178 = arith.addi %scan3A_176, %scan3A_177 : i32
      %scan3A_179 = arith.constant 1 : i32
      %scan3A_180 = scf.for %scan3A_446 = %scan3A_176 to %scan3A_178 step %scan3A_179 iter_args(%scan3A_447 = %scan3A_175) -> (i32)  : i32 {
        %mul3A_448 = arith.constant 16 : i32
        %mul3A_449 = arith.muli %scan3A_446, %mul3A_448 : i32
        %get3A = arith.constant 3 : i32
        %get3A_450 = arith.index_cast %get3A : i32 to index
        %get3A_451 = arith.index_cast %mul3A_449 : i32 to index
        %get3A_452 = tpu.vector_load %arg6[%get3A_450, %get3A_451] {strides = array<i32>} : memref<8x256xi32, #tpu.memory_space<vmem>>, vector<16xi32>,
        %mul3A_453 = arith.constant 16 : i32
        %mul3A_454 = arith.muli %scan3A_446, %mul3A_453 : i32
        %add3A_455 = arith.constant 0 : i32
        %add3A_456 = arith.addi %mul3A_454, %add3A_455 : i32
        %get3A_457 = arith.index_cast %add3A_456 : i32 to index
        %get3A_458 = arith.constant 0 : index
        %get3A_459 = tpu.vector_load %arg13[%get3A_457, %get3A_458] {strides = array<i32>} : memref<256x16xf32, #tpu.memory_space<vmem>>, vector<16xf32>,
        %mul3A_460 = arith.constant 16 : i32
        %mul3A_461 = arith.muli %scan3A_446, %mul3A_460 : i32
        %add3A_462 = arith.constant 1 : i32
        %add3A_463 = arith.addi %mul3A_461, %add3A_462 : i32
        %get3A_464 = arith.index_cast %add3A_463 : i32 to index
        %get3A_465 = arith.constant 0 : index
        %get3A_466 = tpu.vector_load %arg13[%get3A_464, %get3A_465] {strides = array<i32>} : memref<256x16xf32, #tpu.memory_space<vmem>>, vector<16xf32>,
        %mul3A_467 = arith.constant 16 : i32
        %mul3A_468 = arith.muli %scan3A_446, %mul3A_467 : i32
        %add3A_469 = arith.constant 2 : i32
        %add3A_470 = arith.addi %mul3A_468, %add3A_469 : i32
        %get3A_471 = arith.index_cast %add3A_470 : i32 to index
        %get3A_472 = arith.constant 0 : index
        %get3A_473 = tpu.vector_load %arg13[%get3A_471, %get3A_472] {strides = array<i32>} : memref<256x16xf32, #tpu.memory_space<vmem>>, vector<16xf32>,
        %mul3A_474 = arith.constant 16 : i32
        %mul3A_475 = arith.muli %scan3A_446, %mul3A_474 : i32
        %add3A_476 = arith.constant 3 : i32
        %add3A_477 = arith.addi %mul3A_475, %add3A_476 : i32
        %get3A_478 = arith.index_cast %add3A_477 : i32 to index
        %get3A_479 = arith.constant 0 : index
        %get3A_480 = tpu.vector_load %arg13[%get3A_478, %get3A_479] {strides = array<i32>} : memref<256x16xf32, #tpu.memory_space<vmem>>, vector<16xf32>,
        %mul3A_481 = arith.constant 16 : i32
        %mul3A_482 = arith.muli %scan3A_446, %mul3A_481 : i32
        %add3A_483 = arith.constant 4 : i32
        %add3A_484 = arith.addi %mul3A_482, %add3A_483 : i32
        %get3A_485 = arith.index_cast %add3A_484 : i32 to index
        %get3A_486 = arith.constant 0 : index
        %get3A_487 = tpu.vector_load %arg13[%get3A_485, %get3A_486] {strides = array<i32>} : memref<256x16xf32, #tpu.memory_space<vmem>>, vector<16xf32>,
        %mul3A_488 = arith.constant 16 : i32
        %mul3A_489 = arith.muli %scan3A_446, %mul3A_488 : i32
        %add3A_490 = arith.constant 5 : i32
        %add3A_491 = arith.addi %mul3A_489, %add3A_490 : i32
        %get3A_492 = arith.index_cast %add3A_491 : i32 to index
        %get3A_493 = arith.constant 0 : index
        %get3A_494 = tpu.vector_load %arg13[%get3A_492, %get3A_493] {strides = array<i32>} : memref<256x16xf32, #tpu.memory_space<vmem>>, vector<16xf32>,
        %mul3A_495 = arith.constant 16 : i32
        %mul3A_496 = arith.muli %scan3A_446, %mul3A_495 : i32
        %add3A_497 = arith.constant 6 : i32
        %add3A_498 = arith.addi %mul3A_496, %add3A_497 : i32
        %get3A_499 = arith.index_cast %add3A_498 : i32 to index
        %get3A_500 = arith.constant 0 : index
        %get3A_501 = tpu.vector_load %arg13[%get3A_499, %get3A_500] {strides = array<i32>} : memref<256x16xf32, #tpu.memory_space<vmem>>, vector<16xf32>,
        %mul3A_502 = arith.constant 16 : i32
        %mul3A_503 = arith.muli %scan3A_446, %mul3A_502 : i32
        %add3A_504 = arith.constant 7 : i32
        %add3A_505 = arith.addi %mul3A_503, %add3A_504 : i32
        %get3A_506 = arith.index_cast %add3A_505 : i32 to index
        %get3A_507 = arith.constant 0 : index
        %get3A_508 = tpu.vector_load %arg13[%get3A_506, %get3A_507] {strides = array<i32>} : memref<256x16xf32, #tpu.memory_space<vmem>>, vector<16xf32>,
        %mul3A_509 = arith.constant 16 : i32
        %mul3A_510 = arith.muli %scan3A_446, %mul3A_509 : i32
        %add3A_511 = arith.constant 8 : i32
        %add3A_512 = arith.addi %mul3A_510, %add3A_511 : i32
        %get3A_513 = arith.index_cast %add3A_512 : i32 to index
        %get3A_514 = arith.constant 0 : index
        %get3A_515 = tpu.vector_load %arg13[%get3A_513, %get3A_514] {strides = array<i32>} : memref<256x16xf32, #tpu.memory_space<vmem>>, vector<16xf32>,
        %mul3A_516 = arith.constant 16 : i32
        %mul3A_517 = arith.muli %scan3A_446, %mul3A_516 : i32
        %add3A_518 = arith.constant 9 : i32
        %add3A_519 = arith.addi %mul3A_517, %add3A_518 : i32
        %get3A_520 = arith.index_cast %add3A_519 : i32 to index
        %get3A_521 = arith.constant 0 : index
        %get3A_522 = tpu.vector_load %arg13[%get3A_520, %get3A_521] {strides = array<i32>} : memref<256x16xf32, #tpu.memory_space<vmem>>, vector<16xf32>,
        %mul3A_523 = arith.constant 16 : i32
        %mul3A_524 = arith.muli %scan3A_446, %mul3A_523 : i32
        %add3A_525 = arith.constant 10 : i32
        %add3A_526 = arith.addi %mul3A_524, %add3A_525 : i32
        %get3A_527 = arith.index_cast %add3A_526 : i32 to index
        %get3A_528 = arith.constant 0 : index
        %get3A_529 = tpu.vector_load %arg13[%get3A_527, %get3A_528] {strides = array<i32>} : memref<256x16xf32, #tpu.memory_space<vmem>>, vector<16xf32>,
        %mul3A_530 = arith.constant 16 : i32
        %mul3A_531 = arith.muli %scan3A_446, %mul3A_530 : i32
        %add3A_532 = arith.constant 11 : i32
        %add3A_533 = arith.addi %mul3A_531, %add3A_532 : i32
        %get3A_534 = arith.index_cast %add3A_533 : i32 to index
        %get3A_535 = arith.constant 0 : index
        %get3A_536 = tpu.vector_load %arg13[%get3A_534, %get3A_535] {strides = array<i32>} : memref<256x16xf32, #tpu.memory_space<vmem>>, vector<16xf32>,
        %mul3A_537 = arith.constant 16 : i32
        %mul3A_538 = arith.muli %scan3A_446, %mul3A_537 : i32
        %add3A_539 = arith.constant 12 : i32
        %add3A_540 = arith.addi %mul3A_538, %add3A_539 : i32
        %get3A_541 = arith.index_cast %add3A_540 : i32 to index
        %get3A_542 = arith.constant 0 : index
        %get3A_543 = tpu.vector_load %arg13[%get3A_541, %get3A_542] {strides = array<i32>} : memref<256x16xf32, #tpu.memory_space<vmem>>, vector<16xf32>,
        %mul3A_544 = arith.constant 16 : i32
        %mul3A_545 = arith.muli %scan3A_446, %mul3A_544 : i32
        %add3A_546 = arith.constant 13 : i32
        %add3A_547 = arith.addi %mul3A_545, %add3A_546 : i32
        %get3A_548 = arith.index_cast %add3A_547 : i32 to index
        %get3A_549 = arith.constant 0 : index
        %get3A_550 = tpu.vector_load %arg13[%get3A_548, %get3A_549] {strides = array<i32>} : memref<256x16xf32, #tpu.memory_space<vmem>>, vector<16xf32>,
        %mul3A_551 = arith.constant 16 : i32
        %mul3A_552 = arith.muli %scan3A_446, %mul3A_551 : i32
        %add3A_553 = arith.constant 14 : i32
        %add3A_554 = arith.addi %mul3A_552, %add3A_553 : i32
        %get3A_555 = arith.index_cast %add3A_554 : i32 to index
        %get3A_556 = arith.constant 0 : index
        %get3A_557 = tpu.vector_load %arg13[%get3A_555, %get3A_556] {strides = array<i32>} : memref<256x16xf32, #tpu.memory_space<vmem>>, vector<16xf32>,
        %mul3A_558 = arith.constant 16 : i32
        %mul3A_559 = arith.muli %scan3A_446, %mul3A_558 : i32
        %add3A_560 = arith.constant 15 : i32
        %add3A_561 = arith.addi %mul3A_559, %add3A_560 : i32
        %get3A_562 = arith.index_cast %add3A_561 : i32 to index
        %get3A_563 = arith.constant 0 : index
        %get3A_564 = tpu.vector_load %arg13[%get3A_562, %get3A_563] {strides = array<i32>} : memref<256x16xf32, #tpu.memory_space<vmem>>, vector<16xf32>,
        %broadcast_in_dim3A_565 = arith.constant 0 : i32
        %broadcast_in_dim3A_566 = vector.broadcast %broadcast_in_dim3A_565 : i32 to vector<16x1xi32>
        %gather3A = vector.shape_cast %broadcast_in_dim3A_566 : vector<16x1xi32> to vector<16xi32>
        %gather3A_567 = tpu.dynamic_gather %get3A_452[%gather3A] in [0] : vector<16xi32>, vector<16xi32> -> vector<16xi32>
        %broadcast_in_dim3A_568 = arith.constant 1 : i32
        %broadcast_in_dim3A_569 = vector.broadcast %broadcast_in_dim3A_568 : i32 to vector<16x1xi32>
        %gather3A_570 = vector.shape_cast %broadcast_in_dim3A_569 : vector<16x1xi32> to vector<16xi32>
        %gather3A_571 = tpu.dynamic_gather %get3A_452[%gather3A_570] in [0] : vector<16xi32>, vector<16xi32> -> vector<16xi32>
        %broadcast_in_dim3A_572 = arith.constant 2 : i32
        %broadcast_in_dim3A_573 = vector.broadcast %broadcast_in_dim3A_572 : i32 to vector<16x1xi32>
        %gather3A_574 = vector.shape_cast %broadcast_in_dim3A_573 : vector<16x1xi32> to vector<16xi32>
        %gather3A_575 = tpu.dynamic_gather %get3A_452[%gather3A_574] in [0] : vector<16xi32>, vector<16xi32> -> vector<16xi32>
        %broadcast_in_dim3A_576 = arith.constant 3 : i32
        %broadcast_in_dim3A_577 = vector.broadcast %broadcast_in_dim3A_576 : i32 to vector<16x1xi32>
        %gather3A_578 = vector.shape_cast %broadcast_in_dim3A_577 : vector<16x1xi32> to vector<16xi32>
        %gather3A_579 = tpu.dynamic_gather %get3A_452[%gather3A_578] in [0] : vector<16xi32>, vector<16xi32> -> vector<16xi32>
        %broadcast_in_dim3A_580 = arith.constant 4 : i32
        %broadcast_in_dim3A_581 = vector.broadcast %broadcast_in_dim3A_580 : i32 to vector<16x1xi32>
        %gather3A_582 = vector.shape_cast %broadcast_in_dim3A_581 : vector<16x1xi32> to vector<16xi32>
        %gather3A_583 = tpu.dynamic_gather %get3A_452[%gather3A_582] in [0] : vector<16xi32>, vector<16xi32> -> vector<16xi32>
        %broadcast_in_dim3A_584 = arith.constant 5 : i32
        %broadcast_in_dim3A_585 = vector.broadcast %broadcast_in_dim3A_584 : i32 to vector<16x1xi32>
        %gather3A_586 = vector.shape_cast %broadcast_in_dim3A_585 : vector<16x1xi32> to vector<16xi32>
        %gather3A_587 = tpu.dynamic_gather %get3A_452[%gather3A_586] in [0] : vector<16xi32>, vector<16xi32> -> vector<16xi32>
        %broadcast_in_dim3A_588 = arith.constant 6 : i32
        %broadcast_in_dim3A_589 = vector.broadcast %broadcast_in_dim3A_588 : i32 to vector<16x1xi32>
        %gather3A_590 = vector.shape_cast %broadcast_in_dim3A_589 : vector<16x1xi32> to vector<16xi32>
        %gather3A_591 = tpu.dynamic_gather %get3A_452[%gather3A_590] in [0] : vector<16xi32>, vector<16xi32> -> vector<16xi32>
        %broadcast_in_dim3A_592 = arith.constant 7 : i32
        %broadcast_in_dim3A_593 = vector.broadcast %broadcast_in_dim3A_592 : i32 to vector<16x1xi32>
        %gather3A_594 = vector.shape_cast %broadcast_in_dim3A_593 : vector<16x1xi32> to vector<16xi32>
        %gather3A_595 = tpu.dynamic_gather %get3A_452[%gather3A_594] in [0] : vector<16xi32>, vector<16xi32> -> vector<16xi32>
        %broadcast_in_dim3A_596 = arith.constant 8 : i32
        %broadcast_in_dim3A_597 = vector.broadcast %broadcast_in_dim3A_596 : i32 to vector<16x1xi32>
        %gather3A_598 = vector.shape_cast %broadcast_in_dim3A_597 : vector<16x1xi32> to vector<16xi32>
        %gather3A_599 = tpu.dynamic_gather %get3A_452[%gather3A_598] in [0] : vector<16xi32>, vector<16xi32> -> vector<16xi32>
        %broadcast_in_dim3A_600 = arith.constant 9 : i32
        %broadcast_in_dim3A_601 = vector.broadcast %broadcast_in_dim3A_600 : i32 to vector<16x1xi32>
        %gather3A_602 = vector.shape_cast %broadcast_in_dim3A_601 : vector<16x1xi32> to vector<16xi32>
        %gather3A_603 = tpu.dynamic_gather %get3A_452[%gather3A_602] in [0] : vector<16xi32>, vector<16xi32> -> vector<16xi32>
        %broadcast_in_dim3A_604 = arith.constant 10 : i32
        %broadcast_in_dim3A_605 = vector.broadcast %broadcast_in_dim3A_604 : i32 to vector<16x1xi32>
        %gather3A_606 = vector.shape_cast %broadcast_in_dim3A_605 : vector<16x1xi32> to vector<16xi32>
        %gather3A_607 = tpu.dynamic_gather %get3A_452[%gather3A_606] in [0] : vector<16xi32>, vector<16xi32> -> vector<16xi32>
        %broadcast_in_dim3A_608 = arith.constant 11 : i32
        %broadcast_in_dim3A_609 = vector.broadcast %broadcast_in_dim3A_608 : i32 to vector<16x1xi32>
        %gather3A_610 = vector.shape_cast %broadcast_in_dim3A_609 : vector<16x1xi32> to vector<16xi32>
        %gather3A_611 = tpu.dynamic_gather %get3A_452[%gather3A_610] in [0] : vector<16xi32>, vector<16xi32> -> vector<16xi32>
        %broadcast_in_dim3A_612 = arith.constant 12 : i32
        %broadcast_in_dim3A_613 = vector.broadcast %broadcast_in_dim3A_612 : i32 to vector<16x1xi32>
        %gather3A_614 = vector.shape_cast %broadcast_in_dim3A_613 : vector<16x1xi32> to vector<16xi32>
        %gather3A_615 = tpu.dynamic_gather %get3A_452[%gather3A_614] in [0] : vector<16xi32>, vector<16xi32> -> vector<16xi32>
        %broadcast_in_dim3A_616 = arith.constant 13 : i32
        %broadcast_in_dim3A_617 = vector.broadcast %broadcast_in_dim3A_616 : i32 to vector<16x1xi32>
        %gather3A_618 = vector.shape_cast %broadcast_in_dim3A_617 : vector<16x1xi32> to vector<16xi32>
        %gather3A_619 = tpu.dynamic_gather %get3A_452[%gather3A_618] in [0] : vector<16xi32>, vector<16xi32> -> vector<16xi32>
        %broadcast_in_dim3A_620 = arith.constant 14 : i32
        %broadcast_in_dim3A_621 = vector.broadcast %broadcast_in_dim3A_620 : i32 to vector<16x1xi32>
        %gather3A_622 = vector.shape_cast %broadcast_in_dim3A_621 : vector<16x1xi32> to vector<16xi32>
        %gather3A_623 = tpu.dynamic_gather %get3A_452[%gather3A_622] in [0] : vector<16xi32>, vector<16xi32> -> vector<16xi32>
        %broadcast_in_dim3A_624 = arith.constant 15 : i32
        %broadcast_in_dim3A_625 = vector.broadcast %broadcast_in_dim3A_624 : i32 to vector<16x1xi32>
        %gather3A_626 = vector.shape_cast %broadcast_in_dim3A_625 : vector<16x1xi32> to vector<16xi32>
        %gather3A_627 = tpu.dynamic_gather %get3A_452[%gather3A_626] in [0] : vector<16xi32>, vector<16xi32> -> vector<16xi32>
        tpu.vector_store_idx %arg18[%gather3A_567, %iota3A], %get3A_459 {add = true} : memref<4096x16xf32, #tpu.memory_space<vmem>>[vector<16xi32>, vector<16xi32>], vector<16xf32>,
        tpu.vector_store_idx %arg18[%gather3A_571, %iota3A], %get3A_466 {add = true} : memref<4096x16xf32, #tpu.memory_space<vmem>>[vector<16xi32>, vector<16xi32>], vector<16xf32>,
        tpu.vector_store_idx %arg18[%gather3A_575, %iota3A], %get3A_473 {add = true} : memref<4096x16xf32, #tpu.memory_space<vmem>>[vector<16xi32>, vector<16xi32>], vector<16xf32>,
        tpu.vector_store_idx %arg18[%gather3A_579, %iota3A], %get3A_480 {add = true} : memref<4096x16xf32, #tpu.memory_space<vmem>>[vector<16xi32>, vector<16xi32>], vector<16xf32>,
        tpu.vector_store_idx %arg18[%gather3A_583, %iota3A], %get3A_487 {add = true} : memref<4096x16xf32, #tpu.memory_space<vmem>>[vector<16xi32>, vector<16xi32>], vector<16xf32>,
        tpu.vector_store_idx %arg18[%gather3A_587, %iota3A], %get3A_494 {add = true} : memref<4096x16xf32, #tpu.memory_space<vmem>>[vector<16xi32>, vector<16xi32>], vector<16xf32>,
        tpu.vector_store_idx %arg18[%gather3A_591, %iota3A], %get3A_501 {add = true} : memref<4096x16xf32, #tpu.memory_space<vmem>>[vector<16xi32>, vector<16xi32>], vector<16xf32>,
        tpu.vector_store_idx %arg18[%gather3A_595, %iota3A], %get3A_508 {add = true} : memref<4096x16xf32, #tpu.memory_space<vmem>>[vector<16xi32>, vector<16xi32>], vector<16xf32>,
        tpu.vector_store_idx %arg18[%gather3A_599, %iota3A], %get3A_515 {add = true} : memref<4096x16xf32, #tpu.memory_space<vmem>>[vector<16xi32>, vector<16xi32>], vector<16xf32>,
        tpu.vector_store_idx %arg18[%gather3A_603, %iota3A], %get3A_522 {add = true} : memref<4096x16xf32, #tpu.memory_space<vmem>>[vector<16xi32>, vector<16xi32>], vector<16xf32>,
        tpu.vector_store_idx %arg18[%gather3A_607, %iota3A], %get3A_529 {add = true} : memref<4096x16xf32, #tpu.memory_space<vmem>>[vector<16xi32>, vector<16xi32>], vector<16xf32>,
        tpu.vector_store_idx %arg18[%gather3A_611, %iota3A], %get3A_536 {add = true} : memref<4096x16xf32, #tpu.memory_space<vmem>>[vector<16xi32>, vector<16xi32>], vector<16xf32>,
        tpu.vector_store_idx %arg18[%gather3A_615, %iota3A], %get3A_543 {add = true} : memref<4096x16xf32, #tpu.memory_space<vmem>>[vector<16xi32>, vector<16xi32>], vector<16xf32>,
        tpu.vector_store_idx %arg18[%gather3A_619, %iota3A], %get3A_550 {add = true} : memref<4096x16xf32, #tpu.memory_space<vmem>>[vector<16xi32>, vector<16xi32>], vector<16xf32>,
        tpu.vector_store_idx %arg18[%gather3A_623, %iota3A], %get3A_557 {add = true} : memref<4096x16xf32, #tpu.memory_space<vmem>>[vector<16xi32>, vector<16xi32>], vector<16xf32>,
        tpu.vector_store_idx %arg18[%gather3A_627, %iota3A], %get3A_564 {add = true} : memref<4096x16xf32, #tpu.memory_space<vmem>>[vector<16xi32>, vector<16xi32>], vector<16xf32>,
        %scan3A_628 = arith.constant 0 : i32
        scf.yield %scan3A_628 : i32
      }
      %scan3A_181 = arith.constant 16 : i32
      %dma_wait3A_182 = arith.constant 4 : i32
      %dma_wait3A_183 = arith.constant 0 : i32
      %dma_wait3A_184 = tpu.memref_slice %arg8[%dma_wait3A_182, %dma_wait3A_183] : memref<8x256xi32, #tpu.memory_space<vmem>> -> memref<1x256xi32, #tpu.memory_space<vmem>>
      %dma_wait3A_185 = tpu.memref_squeeze %dma_wait3A_184 : memref<1x256xi32, #tpu.memory_space<vmem>> -> memref<256xi32, #tpu.memory_space<vmem>>
      %dma_wait3A_186 = arith.constant 0 : i32
      %dma_wait3A_187 = arith.constant 0 : i32
      %dma_wait3A_188 = tpu.memref_slice %arg2[%dma_wait3A_186, %dma_wait3A_187] : memref<65536x16xf32, #tpu.memory_space<hbm>> -> memref<65536x16xf32, #tpu.memory_space<hbm>>
      tpu.wait_indirect_dma semaphore(%arg25 : memref<!tpu.dma_semaphore, #tpu.memory_space<semaphore_mem>>) src(%dma_wait3A_188 : memref<65536x16xf32, #tpu.memory_space<hbm>>) dst(%arg14 : memref<256x16xf32, #tpu.memory_space<vmem>>)
      %scan3A_189 = arith.constant 0 : i32
      %scan3A_190 = arith.constant 0 : i32
      %scan3A_191 = arith.constant 16 : i32
      %scan3A_192 = arith.addi %scan3A_190, %scan3A_191 : i32
      %scan3A_193 = arith.constant 1 : i32
      %scan3A_194 = scf.for %scan3A_446 = %scan3A_190 to %scan3A_192 step %scan3A_193 iter_args(%scan3A_447 = %scan3A_189) -> (i32)  : i32 {
        %mul3A_448 = arith.constant 16 : i32
        %mul3A_449 = arith.muli %scan3A_446, %mul3A_448 : i32
        %get3A = arith.constant 4 : i32
        %get3A_450 = arith.index_cast %get3A : i32 to index
        %get3A_451 = arith.index_cast %mul3A_449 : i32 to index
        %get3A_452 = tpu.vector_load %arg6[%get3A_450, %get3A_451] {strides = array<i32>} : memref<8x256xi32, #tpu.memory_space<vmem>>, vector<16xi32>,
        %mul3A_453 = arith.constant 16 : i32
        %mul3A_454 = arith.muli %scan3A_446, %mul3A_453 : i32
        %add3A_455 = arith.constant 0 : i32
        %add3A_456 = arith.addi %mul3A_454, %add3A_455 : i32
        %get3A_457 = arith.index_cast %add3A_456 : i32 to index
        %get3A_458 = arith.constant 0 : index
        %get3A_459 = tpu.vector_load %arg14[%get3A_457, %get3A_458] {strides = array<i32>} : memref<256x16xf32, #tpu.memory_space<vmem>>, vector<16xf32>,
        %mul3A_460 = arith.constant 16 : i32
        %mul3A_461 = arith.muli %scan3A_446, %mul3A_460 : i32
        %add3A_462 = arith.constant 1 : i32
        %add3A_463 = arith.addi %mul3A_461, %add3A_462 : i32
        %get3A_464 = arith.index_cast %add3A_463 : i32 to index
        %get3A_465 = arith.constant 0 : index
        %get3A_466 = tpu.vector_load %arg14[%get3A_464, %get3A_465] {strides = array<i32>} : memref<256x16xf32, #tpu.memory_space<vmem>>, vector<16xf32>,
        %mul3A_467 = arith.constant 16 : i32
        %mul3A_468 = arith.muli %scan3A_446, %mul3A_467 : i32
        %add3A_469 = arith.constant 2 : i32
        %add3A_470 = arith.addi %mul3A_468, %add3A_469 : i32
        %get3A_471 = arith.index_cast %add3A_470 : i32 to index
        %get3A_472 = arith.constant 0 : index
        %get3A_473 = tpu.vector_load %arg14[%get3A_471, %get3A_472] {strides = array<i32>} : memref<256x16xf32, #tpu.memory_space<vmem>>, vector<16xf32>,
        %mul3A_474 = arith.constant 16 : i32
        %mul3A_475 = arith.muli %scan3A_446, %mul3A_474 : i32
        %add3A_476 = arith.constant 3 : i32
        %add3A_477 = arith.addi %mul3A_475, %add3A_476 : i32
        %get3A_478 = arith.index_cast %add3A_477 : i32 to index
        %get3A_479 = arith.constant 0 : index
        %get3A_480 = tpu.vector_load %arg14[%get3A_478, %get3A_479] {strides = array<i32>} : memref<256x16xf32, #tpu.memory_space<vmem>>, vector<16xf32>,
        %mul3A_481 = arith.constant 16 : i32
        %mul3A_482 = arith.muli %scan3A_446, %mul3A_481 : i32
        %add3A_483 = arith.constant 4 : i32
        %add3A_484 = arith.addi %mul3A_482, %add3A_483 : i32
        %get3A_485 = arith.index_cast %add3A_484 : i32 to index
        %get3A_486 = arith.constant 0 : index
        %get3A_487 = tpu.vector_load %arg14[%get3A_485, %get3A_486] {strides = array<i32>} : memref<256x16xf32, #tpu.memory_space<vmem>>, vector<16xf32>,
        %mul3A_488 = arith.constant 16 : i32
        %mul3A_489 = arith.muli %scan3A_446, %mul3A_488 : i32
        %add3A_490 = arith.constant 5 : i32
        %add3A_491 = arith.addi %mul3A_489, %add3A_490 : i32
        %get3A_492 = arith.index_cast %add3A_491 : i32 to index
        %get3A_493 = arith.constant 0 : index
        %get3A_494 = tpu.vector_load %arg14[%get3A_492, %get3A_493] {strides = array<i32>} : memref<256x16xf32, #tpu.memory_space<vmem>>, vector<16xf32>,
        %mul3A_495 = arith.constant 16 : i32
        %mul3A_496 = arith.muli %scan3A_446, %mul3A_495 : i32
        %add3A_497 = arith.constant 6 : i32
        %add3A_498 = arith.addi %mul3A_496, %add3A_497 : i32
        %get3A_499 = arith.index_cast %add3A_498 : i32 to index
        %get3A_500 = arith.constant 0 : index
        %get3A_501 = tpu.vector_load %arg14[%get3A_499, %get3A_500] {strides = array<i32>} : memref<256x16xf32, #tpu.memory_space<vmem>>, vector<16xf32>,
        %mul3A_502 = arith.constant 16 : i32
        %mul3A_503 = arith.muli %scan3A_446, %mul3A_502 : i32
        %add3A_504 = arith.constant 7 : i32
        %add3A_505 = arith.addi %mul3A_503, %add3A_504 : i32
        %get3A_506 = arith.index_cast %add3A_505 : i32 to index
        %get3A_507 = arith.constant 0 : index
        %get3A_508 = tpu.vector_load %arg14[%get3A_506, %get3A_507] {strides = array<i32>} : memref<256x16xf32, #tpu.memory_space<vmem>>, vector<16xf32>,
        %mul3A_509 = arith.constant 16 : i32
        %mul3A_510 = arith.muli %scan3A_446, %mul3A_509 : i32
        %add3A_511 = arith.constant 8 : i32
        %add3A_512 = arith.addi %mul3A_510, %add3A_511 : i32
        %get3A_513 = arith.index_cast %add3A_512 : i32 to index
        %get3A_514 = arith.constant 0 : index
        %get3A_515 = tpu.vector_load %arg14[%get3A_513, %get3A_514] {strides = array<i32>} : memref<256x16xf32, #tpu.memory_space<vmem>>, vector<16xf32>,
        %mul3A_516 = arith.constant 16 : i32
        %mul3A_517 = arith.muli %scan3A_446, %mul3A_516 : i32
        %add3A_518 = arith.constant 9 : i32
        %add3A_519 = arith.addi %mul3A_517, %add3A_518 : i32
        %get3A_520 = arith.index_cast %add3A_519 : i32 to index
        %get3A_521 = arith.constant 0 : index
        %get3A_522 = tpu.vector_load %arg14[%get3A_520, %get3A_521] {strides = array<i32>} : memref<256x16xf32, #tpu.memory_space<vmem>>, vector<16xf32>,
        %mul3A_523 = arith.constant 16 : i32
        %mul3A_524 = arith.muli %scan3A_446, %mul3A_523 : i32
        %add3A_525 = arith.constant 10 : i32
        %add3A_526 = arith.addi %mul3A_524, %add3A_525 : i32
        %get3A_527 = arith.index_cast %add3A_526 : i32 to index
        %get3A_528 = arith.constant 0 : index
        %get3A_529 = tpu.vector_load %arg14[%get3A_527, %get3A_528] {strides = array<i32>} : memref<256x16xf32, #tpu.memory_space<vmem>>, vector<16xf32>,
        %mul3A_530 = arith.constant 16 : i32
        %mul3A_531 = arith.muli %scan3A_446, %mul3A_530 : i32
        %add3A_532 = arith.constant 11 : i32
        %add3A_533 = arith.addi %mul3A_531, %add3A_532 : i32
        %get3A_534 = arith.index_cast %add3A_533 : i32 to index
        %get3A_535 = arith.constant 0 : index
        %get3A_536 = tpu.vector_load %arg14[%get3A_534, %get3A_535] {strides = array<i32>} : memref<256x16xf32, #tpu.memory_space<vmem>>, vector<16xf32>,
        %mul3A_537 = arith.constant 16 : i32
        %mul3A_538 = arith.muli %scan3A_446, %mul3A_537 : i32
        %add3A_539 = arith.constant 12 : i32
        %add3A_540 = arith.addi %mul3A_538, %add3A_539 : i32
        %get3A_541 = arith.index_cast %add3A_540 : i32 to index
        %get3A_542 = arith.constant 0 : index
        %get3A_543 = tpu.vector_load %arg14[%get3A_541, %get3A_542] {strides = array<i32>} : memref<256x16xf32, #tpu.memory_space<vmem>>, vector<16xf32>,
        %mul3A_544 = arith.constant 16 : i32
        %mul3A_545 = arith.muli %scan3A_446, %mul3A_544 : i32
        %add3A_546 = arith.constant 13 : i32
        %add3A_547 = arith.addi %mul3A_545, %add3A_546 : i32
        %get3A_548 = arith.index_cast %add3A_547 : i32 to index
        %get3A_549 = arith.constant 0 : index
        %get3A_550 = tpu.vector_load %arg14[%get3A_548, %get3A_549] {strides = array<i32>} : memref<256x16xf32, #tpu.memory_space<vmem>>, vector<16xf32>,
        %mul3A_551 = arith.constant 16 : i32
        %mul3A_552 = arith.muli %scan3A_446, %mul3A_551 : i32
        %add3A_553 = arith.constant 14 : i32
        %add3A_554 = arith.addi %mul3A_552, %add3A_553 : i32
        %get3A_555 = arith.index_cast %add3A_554 : i32 to index
        %get3A_556 = arith.constant 0 : index
        %get3A_557 = tpu.vector_load %arg14[%get3A_555, %get3A_556] {strides = array<i32>} : memref<256x16xf32, #tpu.memory_space<vmem>>, vector<16xf32>,
        %mul3A_558 = arith.constant 16 : i32
        %mul3A_559 = arith.muli %scan3A_446, %mul3A_558 : i32
        %add3A_560 = arith.constant 15 : i32
        %add3A_561 = arith.addi %mul3A_559, %add3A_560 : i32
        %get3A_562 = arith.index_cast %add3A_561 : i32 to index
        %get3A_563 = arith.constant 0 : index
        %get3A_564 = tpu.vector_load %arg14[%get3A_562, %get3A_563] {strides = array<i32>} : memref<256x16xf32, #tpu.memory_space<vmem>>, vector<16xf32>,
        %broadcast_in_dim3A_565 = arith.constant 0 : i32
        %broadcast_in_dim3A_566 = vector.broadcast %broadcast_in_dim3A_565 : i32 to vector<16x1xi32>
        %gather3A = vector.shape_cast %broadcast_in_dim3A_566 : vector<16x1xi32> to vector<16xi32>
        %gather3A_567 = tpu.dynamic_gather %get3A_452[%gather3A] in [0] : vector<16xi32>, vector<16xi32> -> vector<16xi32>
        %broadcast_in_dim3A_568 = arith.constant 1 : i32
        %broadcast_in_dim3A_569 = vector.broadcast %broadcast_in_dim3A_568 : i32 to vector<16x1xi32>
        %gather3A_570 = vector.shape_cast %broadcast_in_dim3A_569 : vector<16x1xi32> to vector<16xi32>
        %gather3A_571 = tpu.dynamic_gather %get3A_452[%gather3A_570] in [0] : vector<16xi32>, vector<16xi32> -> vector<16xi32>
        %broadcast_in_dim3A_572 = arith.constant 2 : i32
        %broadcast_in_dim3A_573 = vector.broadcast %broadcast_in_dim3A_572 : i32 to vector<16x1xi32>
        %gather3A_574 = vector.shape_cast %broadcast_in_dim3A_573 : vector<16x1xi32> to vector<16xi32>
        %gather3A_575 = tpu.dynamic_gather %get3A_452[%gather3A_574] in [0] : vector<16xi32>, vector<16xi32> -> vector<16xi32>
        %broadcast_in_dim3A_576 = arith.constant 3 : i32
        %broadcast_in_dim3A_577 = vector.broadcast %broadcast_in_dim3A_576 : i32 to vector<16x1xi32>
        %gather3A_578 = vector.shape_cast %broadcast_in_dim3A_577 : vector<16x1xi32> to vector<16xi32>
        %gather3A_579 = tpu.dynamic_gather %get3A_452[%gather3A_578] in [0] : vector<16xi32>, vector<16xi32> -> vector<16xi32>
        %broadcast_in_dim3A_580 = arith.constant 4 : i32
        %broadcast_in_dim3A_581 = vector.broadcast %broadcast_in_dim3A_580 : i32 to vector<16x1xi32>
        %gather3A_582 = vector.shape_cast %broadcast_in_dim3A_581 : vector<16x1xi32> to vector<16xi32>
        %gather3A_583 = tpu.dynamic_gather %get3A_452[%gather3A_582] in [0] : vector<16xi32>, vector<16xi32> -> vector<16xi32>
        %broadcast_in_dim3A_584 = arith.constant 5 : i32
        %broadcast_in_dim3A_585 = vector.broadcast %broadcast_in_dim3A_584 : i32 to vector<16x1xi32>
        %gather3A_586 = vector.shape_cast %broadcast_in_dim3A_585 : vector<16x1xi32> to vector<16xi32>
        %gather3A_587 = tpu.dynamic_gather %get3A_452[%gather3A_586] in [0] : vector<16xi32>, vector<16xi32> -> vector<16xi32>
        %broadcast_in_dim3A_588 = arith.constant 6 : i32
        %broadcast_in_dim3A_589 = vector.broadcast %broadcast_in_dim3A_588 : i32 to vector<16x1xi32>
        %gather3A_590 = vector.shape_cast %broadcast_in_dim3A_589 : vector<16x1xi32> to vector<16xi32>
        %gather3A_591 = tpu.dynamic_gather %get3A_452[%gather3A_590] in [0] : vector<16xi32>, vector<16xi32> -> vector<16xi32>
        %broadcast_in_dim3A_592 = arith.constant 7 : i32
        %broadcast_in_dim3A_593 = vector.broadcast %broadcast_in_dim3A_592 : i32 to vector<16x1xi32>
        %gather3A_594 = vector.shape_cast %broadcast_in_dim3A_593 : vector<16x1xi32> to vector<16xi32>
        %gather3A_595 = tpu.dynamic_gather %get3A_452[%gather3A_594] in [0] : vector<16xi32>, vector<16xi32> -> vector<16xi32>
        %broadcast_in_dim3A_596 = arith.constant 8 : i32
        %broadcast_in_dim3A_597 = vector.broadcast %broadcast_in_dim3A_596 : i32 to vector<16x1xi32>
        %gather3A_598 = vector.shape_cast %broadcast_in_dim3A_597 : vector<16x1xi32> to vector<16xi32>
        %gather3A_599 = tpu.dynamic_gather %get3A_452[%gather3A_598] in [0] : vector<16xi32>, vector<16xi32> -> vector<16xi32>
        %broadcast_in_dim3A_600 = arith.constant 9 : i32
        %broadcast_in_dim3A_601 = vector.broadcast %broadcast_in_dim3A_600 : i32 to vector<16x1xi32>
        %gather3A_602 = vector.shape_cast %broadcast_in_dim3A_601 : vector<16x1xi32> to vector<16xi32>
        %gather3A_603 = tpu.dynamic_gather %get3A_452[%gather3A_602] in [0] : vector<16xi32>, vector<16xi32> -> vector<16xi32>
        %broadcast_in_dim3A_604 = arith.constant 10 : i32
        %broadcast_in_dim3A_605 = vector.broadcast %broadcast_in_dim3A_604 : i32 to vector<16x1xi32>
        %gather3A_606 = vector.shape_cast %broadcast_in_dim3A_605 : vector<16x1xi32> to vector<16xi32>
        %gather3A_607 = tpu.dynamic_gather %get3A_452[%gather3A_606] in [0] : vector<16xi32>, vector<16xi32> -> vector<16xi32>
        %broadcast_in_dim3A_608 = arith.constant 11 : i32
        %broadcast_in_dim3A_609 = vector.broadcast %broadcast_in_dim3A_608 : i32 to vector<16x1xi32>
        %gather3A_610 = vector.shape_cast %broadcast_in_dim3A_609 : vector<16x1xi32> to vector<16xi32>
        %gather3A_611 = tpu.dynamic_gather %get3A_452[%gather3A_610] in [0] : vector<16xi32>, vector<16xi32> -> vector<16xi32>
        %broadcast_in_dim3A_612 = arith.constant 12 : i32
        %broadcast_in_dim3A_613 = vector.broadcast %broadcast_in_dim3A_612 : i32 to vector<16x1xi32>
        %gather3A_614 = vector.shape_cast %broadcast_in_dim3A_613 : vector<16x1xi32> to vector<16xi32>
        %gather3A_615 = tpu.dynamic_gather %get3A_452[%gather3A_614] in [0] : vector<16xi32>, vector<16xi32> -> vector<16xi32>
        %broadcast_in_dim3A_616 = arith.constant 13 : i32
        %broadcast_in_dim3A_617 = vector.broadcast %broadcast_in_dim3A_616 : i32 to vector<16x1xi32>
        %gather3A_618 = vector.shape_cast %broadcast_in_dim3A_617 : vector<16x1xi32> to vector<16xi32>
        %gather3A_619 = tpu.dynamic_gather %get3A_452[%gather3A_618] in [0] : vector<16xi32>, vector<16xi32> -> vector<16xi32>
        %broadcast_in_dim3A_620 = arith.constant 14 : i32
        %broadcast_in_dim3A_621 = vector.broadcast %broadcast_in_dim3A_620 : i32 to vector<16x1xi32>
        %gather3A_622 = vector.shape_cast %broadcast_in_dim3A_621 : vector<16x1xi32> to vector<16xi32>
        %gather3A_623 = tpu.dynamic_gather %get3A_452[%gather3A_622] in [0] : vector<16xi32>, vector<16xi32> -> vector<16xi32>
        %broadcast_in_dim3A_624 = arith.constant 15 : i32
        %broadcast_in_dim3A_625 = vector.broadcast %broadcast_in_dim3A_624 : i32 to vector<16x1xi32>
        %gather3A_626 = vector.shape_cast %broadcast_in_dim3A_625 : vector<16x1xi32> to vector<16xi32>
        %gather3A_627 = tpu.dynamic_gather %get3A_452[%gather3A_626] in [0] : vector<16xi32>, vector<16xi32> -> vector<16xi32>
        tpu.vector_store_idx %arg18[%gather3A_567, %iota3A], %get3A_459 {add = true} : memref<4096x16xf32, #tpu.memory_space<vmem>>[vector<16xi32>, vector<16xi32>], vector<16xf32>,
        tpu.vector_store_idx %arg18[%gather3A_571, %iota3A], %get3A_466 {add = true} : memref<4096x16xf32, #tpu.memory_space<vmem>>[vector<16xi32>, vector<16xi32>], vector<16xf32>,
        tpu.vector_store_idx %arg18[%gather3A_575, %iota3A], %get3A_473 {add = true} : memref<4096x16xf32, #tpu.memory_space<vmem>>[vector<16xi32>, vector<16xi32>], vector<16xf32>,
        tpu.vector_store_idx %arg18[%gather3A_579, %iota3A], %get3A_480 {add = true} : memref<4096x16xf32, #tpu.memory_space<vmem>>[vector<16xi32>, vector<16xi32>], vector<16xf32>,
        tpu.vector_store_idx %arg18[%gather3A_583, %iota3A], %get3A_487 {add = true} : memref<4096x16xf32, #tpu.memory_space<vmem>>[vector<16xi32>, vector<16xi32>], vector<16xf32>,
        tpu.vector_store_idx %arg18[%gather3A_587, %iota3A], %get3A_494 {add = true} : memref<4096x16xf32, #tpu.memory_space<vmem>>[vector<16xi32>, vector<16xi32>], vector<16xf32>,
        tpu.vector_store_idx %arg18[%gather3A_591, %iota3A], %get3A_501 {add = true} : memref<4096x16xf32, #tpu.memory_space<vmem>>[vector<16xi32>, vector<16xi32>], vector<16xf32>,
        tpu.vector_store_idx %arg18[%gather3A_595, %iota3A], %get3A_508 {add = true} : memref<4096x16xf32, #tpu.memory_space<vmem>>[vector<16xi32>, vector<16xi32>], vector<16xf32>,
        tpu.vector_store_idx %arg18[%gather3A_599, %iota3A], %get3A_515 {add = true} : memref<4096x16xf32, #tpu.memory_space<vmem>>[vector<16xi32>, vector<16xi32>], vector<16xf32>,
        tpu.vector_store_idx %arg18[%gather3A_603, %iota3A], %get3A_522 {add = true} : memref<4096x16xf32, #tpu.memory_space<vmem>>[vector<16xi32>, vector<16xi32>], vector<16xf32>,
        tpu.vector_store_idx %arg18[%gather3A_607, %iota3A], %get3A_529 {add = true} : memref<4096x16xf32, #tpu.memory_space<vmem>>[vector<16xi32>, vector<16xi32>], vector<16xf32>,
        tpu.vector_store_idx %arg18[%gather3A_611, %iota3A], %get3A_536 {add = true} : memref<4096x16xf32, #tpu.memory_space<vmem>>[vector<16xi32>, vector<16xi32>], vector<16xf32>,
        tpu.vector_store_idx %arg18[%gather3A_615, %iota3A], %get3A_543 {add = true} : memref<4096x16xf32, #tpu.memory_space<vmem>>[vector<16xi32>, vector<16xi32>], vector<16xf32>,
        tpu.vector_store_idx %arg18[%gather3A_619, %iota3A], %get3A_550 {add = true} : memref<4096x16xf32, #tpu.memory_space<vmem>>[vector<16xi32>, vector<16xi32>], vector<16xf32>,
        tpu.vector_store_idx %arg18[%gather3A_623, %iota3A], %get3A_557 {add = true} : memref<4096x16xf32, #tpu.memory_space<vmem>>[vector<16xi32>, vector<16xi32>], vector<16xf32>,
        tpu.vector_store_idx %arg18[%gather3A_627, %iota3A], %get3A_564 {add = true} : memref<4096x16xf32, #tpu.memory_space<vmem>>[vector<16xi32>, vector<16xi32>], vector<16xf32>,
        %scan3A_628 = arith.constant 0 : i32
        scf.yield %scan3A_628 : i32
      }
      %scan3A_195 = arith.constant 16 : i32
      %dma_wait3A_196 = arith.constant 5 : i32
      %dma_wait3A_197 = arith.constant 0 : i32
      %dma_wait3A_198 = tpu.memref_slice %arg8[%dma_wait3A_196, %dma_wait3A_197] : memref<8x256xi32, #tpu.memory_space<vmem>> -> memref<1x256xi32, #tpu.memory_space<vmem>>
      %dma_wait3A_199 = tpu.memref_squeeze %dma_wait3A_198 : memref<1x256xi32, #tpu.memory_space<vmem>> -> memref<256xi32, #tpu.memory_space<vmem>>
      %dma_wait3A_200 = arith.constant 0 : i32
      %dma_wait3A_201 = arith.constant 0 : i32
      %dma_wait3A_202 = tpu.memref_slice %arg2[%dma_wait3A_200, %dma_wait3A_201] : memref<65536x16xf32, #tpu.memory_space<hbm>> -> memref<65536x16xf32, #tpu.memory_space<hbm>>
      tpu.wait_indirect_dma semaphore(%arg26 : memref<!tpu.dma_semaphore, #tpu.memory_space<semaphore_mem>>) src(%dma_wait3A_202 : memref<65536x16xf32, #tpu.memory_space<hbm>>) dst(%arg15 : memref<256x16xf32, #tpu.memory_space<vmem>>)
      %scan3A_203 = arith.constant 0 : i32
      %scan3A_204 = arith.constant 0 : i32
      %scan3A_205 = arith.constant 16 : i32
      %scan3A_206 = arith.addi %scan3A_204, %scan3A_205 : i32
      %scan3A_207 = arith.constant 1 : i32
      %scan3A_208 = scf.for %scan3A_446 = %scan3A_204 to %scan3A_206 step %scan3A_207 iter_args(%scan3A_447 = %scan3A_203) -> (i32)  : i32 {
        %mul3A_448 = arith.constant 16 : i32
        %mul3A_449 = arith.muli %scan3A_446, %mul3A_448 : i32
        %get3A = arith.constant 5 : i32
        %get3A_450 = arith.index_cast %get3A : i32 to index
        %get3A_451 = arith.index_cast %mul3A_449 : i32 to index
        %get3A_452 = tpu.vector_load %arg6[%get3A_450, %get3A_451] {strides = array<i32>} : memref<8x256xi32, #tpu.memory_space<vmem>>, vector<16xi32>,
        %mul3A_453 = arith.constant 16 : i32
        %mul3A_454 = arith.muli %scan3A_446, %mul3A_453 : i32
        %add3A_455 = arith.constant 0 : i32
        %add3A_456 = arith.addi %mul3A_454, %add3A_455 : i32
        %get3A_457 = arith.index_cast %add3A_456 : i32 to index
        %get3A_458 = arith.constant 0 : index
        %get3A_459 = tpu.vector_load %arg15[%get3A_457, %get3A_458] {strides = array<i32>} : memref<256x16xf32, #tpu.memory_space<vmem>>, vector<16xf32>,
        %mul3A_460 = arith.constant 16 : i32
        %mul3A_461 = arith.muli %scan3A_446, %mul3A_460 : i32
        %add3A_462 = arith.constant 1 : i32
        %add3A_463 = arith.addi %mul3A_461, %add3A_462 : i32
        %get3A_464 = arith.index_cast %add3A_463 : i32 to index
        %get3A_465 = arith.constant 0 : index
        %get3A_466 = tpu.vector_load %arg15[%get3A_464, %get3A_465] {strides = array<i32>} : memref<256x16xf32, #tpu.memory_space<vmem>>, vector<16xf32>,
        %mul3A_467 = arith.constant 16 : i32
        %mul3A_468 = arith.muli %scan3A_446, %mul3A_467 : i32
        %add3A_469 = arith.constant 2 : i32
        %add3A_470 = arith.addi %mul3A_468, %add3A_469 : i32
        %get3A_471 = arith.index_cast %add3A_470 : i32 to index
        %get3A_472 = arith.constant 0 : index
        %get3A_473 = tpu.vector_load %arg15[%get3A_471, %get3A_472] {strides = array<i32>} : memref<256x16xf32, #tpu.memory_space<vmem>>, vector<16xf32>,
        %mul3A_474 = arith.constant 16 : i32
        %mul3A_475 = arith.muli %scan3A_446, %mul3A_474 : i32
        %add3A_476 = arith.constant 3 : i32
        %add3A_477 = arith.addi %mul3A_475, %add3A_476 : i32
        %get3A_478 = arith.index_cast %add3A_477 : i32 to index
        %get3A_479 = arith.constant 0 : index
        %get3A_480 = tpu.vector_load %arg15[%get3A_478, %get3A_479] {strides = array<i32>} : memref<256x16xf32, #tpu.memory_space<vmem>>, vector<16xf32>,
        %mul3A_481 = arith.constant 16 : i32
        %mul3A_482 = arith.muli %scan3A_446, %mul3A_481 : i32
        %add3A_483 = arith.constant 4 : i32
        %add3A_484 = arith.addi %mul3A_482, %add3A_483 : i32
        %get3A_485 = arith.index_cast %add3A_484 : i32 to index
        %get3A_486 = arith.constant 0 : index
        %get3A_487 = tpu.vector_load %arg15[%get3A_485, %get3A_486] {strides = array<i32>} : memref<256x16xf32, #tpu.memory_space<vmem>>, vector<16xf32>,
        %mul3A_488 = arith.constant 16 : i32
        %mul3A_489 = arith.muli %scan3A_446, %mul3A_488 : i32
        %add3A_490 = arith.constant 5 : i32
        %add3A_491 = arith.addi %mul3A_489, %add3A_490 : i32
        %get3A_492 = arith.index_cast %add3A_491 : i32 to index
        %get3A_493 = arith.constant 0 : index
        %get3A_494 = tpu.vector_load %arg15[%get3A_492, %get3A_493] {strides = array<i32>} : memref<256x16xf32, #tpu.memory_space<vmem>>, vector<16xf32>,
        %mul3A_495 = arith.constant 16 : i32
        %mul3A_496 = arith.muli %scan3A_446, %mul3A_495 : i32
        %add3A_497 = arith.constant 6 : i32
        %add3A_498 = arith.addi %mul3A_496, %add3A_497 : i32
        %get3A_499 = arith.index_cast %add3A_498 : i32 to index
        %get3A_500 = arith.constant 0 : index
        %get3A_501 = tpu.vector_load %arg15[%get3A_499, %get3A_500] {strides = array<i32>} : memref<256x16xf32, #tpu.memory_space<vmem>>, vector<16xf32>,
        %mul3A_502 = arith.constant 16 : i32
        %mul3A_503 = arith.muli %scan3A_446, %mul3A_502 : i32
        %add3A_504 = arith.constant 7 : i32
        %add3A_505 = arith.addi %mul3A_503, %add3A_504 : i32
        %get3A_506 = arith.index_cast %add3A_505 : i32 to index
        %get3A_507 = arith.constant 0 : index
        %get3A_508 = tpu.vector_load %arg15[%get3A_506, %get3A_507] {strides = array<i32>} : memref<256x16xf32, #tpu.memory_space<vmem>>, vector<16xf32>,
        %mul3A_509 = arith.constant 16 : i32
        %mul3A_510 = arith.muli %scan3A_446, %mul3A_509 : i32
        %add3A_511 = arith.constant 8 : i32
        %add3A_512 = arith.addi %mul3A_510, %add3A_511 : i32
        %get3A_513 = arith.index_cast %add3A_512 : i32 to index
        %get3A_514 = arith.constant 0 : index
        %get3A_515 = tpu.vector_load %arg15[%get3A_513, %get3A_514] {strides = array<i32>} : memref<256x16xf32, #tpu.memory_space<vmem>>, vector<16xf32>,
        %mul3A_516 = arith.constant 16 : i32
        %mul3A_517 = arith.muli %scan3A_446, %mul3A_516 : i32
        %add3A_518 = arith.constant 9 : i32
        %add3A_519 = arith.addi %mul3A_517, %add3A_518 : i32
        %get3A_520 = arith.index_cast %add3A_519 : i32 to index
        %get3A_521 = arith.constant 0 : index
        %get3A_522 = tpu.vector_load %arg15[%get3A_520, %get3A_521] {strides = array<i32>} : memref<256x16xf32, #tpu.memory_space<vmem>>, vector<16xf32>,
        %mul3A_523 = arith.constant 16 : i32
        %mul3A_524 = arith.muli %scan3A_446, %mul3A_523 : i32
        %add3A_525 = arith.constant 10 : i32
        %add3A_526 = arith.addi %mul3A_524, %add3A_525 : i32
        %get3A_527 = arith.index_cast %add3A_526 : i32 to index
        %get3A_528 = arith.constant 0 : index
        %get3A_529 = tpu.vector_load %arg15[%get3A_527, %get3A_528] {strides = array<i32>} : memref<256x16xf32, #tpu.memory_space<vmem>>, vector<16xf32>,
        %mul3A_530 = arith.constant 16 : i32
        %mul3A_531 = arith.muli %scan3A_446, %mul3A_530 : i32
        %add3A_532 = arith.constant 11 : i32
        %add3A_533 = arith.addi %mul3A_531, %add3A_532 : i32
        %get3A_534 = arith.index_cast %add3A_533 : i32 to index
        %get3A_535 = arith.constant 0 : index
        %get3A_536 = tpu.vector_load %arg15[%get3A_534, %get3A_535] {strides = array<i32>} : memref<256x16xf32, #tpu.memory_space<vmem>>, vector<16xf32>,
        %mul3A_537 = arith.constant 16 : i32
        %mul3A_538 = arith.muli %scan3A_446, %mul3A_537 : i32
        %add3A_539 = arith.constant 12 : i32
        %add3A_540 = arith.addi %mul3A_538, %add3A_539 : i32
        %get3A_541 = arith.index_cast %add3A_540 : i32 to index
        %get3A_542 = arith.constant 0 : index
        %get3A_543 = tpu.vector_load %arg15[%get3A_541, %get3A_542] {strides = array<i32>} : memref<256x16xf32, #tpu.memory_space<vmem>>, vector<16xf32>,
        %mul3A_544 = arith.constant 16 : i32
        %mul3A_545 = arith.muli %scan3A_446, %mul3A_544 : i32
        %add3A_546 = arith.constant 13 : i32
        %add3A_547 = arith.addi %mul3A_545, %add3A_546 : i32
        %get3A_548 = arith.index_cast %add3A_547 : i32 to index
        %get3A_549 = arith.constant 0 : index
        %get3A_550 = tpu.vector_load %arg15[%get3A_548, %get3A_549] {strides = array<i32>} : memref<256x16xf32, #tpu.memory_space<vmem>>, vector<16xf32>,
        %mul3A_551 = arith.constant 16 : i32
        %mul3A_552 = arith.muli %scan3A_446, %mul3A_551 : i32
        %add3A_553 = arith.constant 14 : i32
        %add3A_554 = arith.addi %mul3A_552, %add3A_553 : i32
        %get3A_555 = arith.index_cast %add3A_554 : i32 to index
        %get3A_556 = arith.constant 0 : index
        %get3A_557 = tpu.vector_load %arg15[%get3A_555, %get3A_556] {strides = array<i32>} : memref<256x16xf32, #tpu.memory_space<vmem>>, vector<16xf32>,
        %mul3A_558 = arith.constant 16 : i32
        %mul3A_559 = arith.muli %scan3A_446, %mul3A_558 : i32
        %add3A_560 = arith.constant 15 : i32
        %add3A_561 = arith.addi %mul3A_559, %add3A_560 : i32
        %get3A_562 = arith.index_cast %add3A_561 : i32 to index
        %get3A_563 = arith.constant 0 : index
        %get3A_564 = tpu.vector_load %arg15[%get3A_562, %get3A_563] {strides = array<i32>} : memref<256x16xf32, #tpu.memory_space<vmem>>, vector<16xf32>,
        %broadcast_in_dim3A_565 = arith.constant 0 : i32
        %broadcast_in_dim3A_566 = vector.broadcast %broadcast_in_dim3A_565 : i32 to vector<16x1xi32>
        %gather3A = vector.shape_cast %broadcast_in_dim3A_566 : vector<16x1xi32> to vector<16xi32>
        %gather3A_567 = tpu.dynamic_gather %get3A_452[%gather3A] in [0] : vector<16xi32>, vector<16xi32> -> vector<16xi32>
        %broadcast_in_dim3A_568 = arith.constant 1 : i32
        %broadcast_in_dim3A_569 = vector.broadcast %broadcast_in_dim3A_568 : i32 to vector<16x1xi32>
        %gather3A_570 = vector.shape_cast %broadcast_in_dim3A_569 : vector<16x1xi32> to vector<16xi32>
        %gather3A_571 = tpu.dynamic_gather %get3A_452[%gather3A_570] in [0] : vector<16xi32>, vector<16xi32> -> vector<16xi32>
        %broadcast_in_dim3A_572 = arith.constant 2 : i32
        %broadcast_in_dim3A_573 = vector.broadcast %broadcast_in_dim3A_572 : i32 to vector<16x1xi32>
        %gather3A_574 = vector.shape_cast %broadcast_in_dim3A_573 : vector<16x1xi32> to vector<16xi32>
        %gather3A_575 = tpu.dynamic_gather %get3A_452[%gather3A_574] in [0] : vector<16xi32>, vector<16xi32> -> vector<16xi32>
        %broadcast_in_dim3A_576 = arith.constant 3 : i32
        %broadcast_in_dim3A_577 = vector.broadcast %broadcast_in_dim3A_576 : i32 to vector<16x1xi32>
        %gather3A_578 = vector.shape_cast %broadcast_in_dim3A_577 : vector<16x1xi32> to vector<16xi32>
        %gather3A_579 = tpu.dynamic_gather %get3A_452[%gather3A_578] in [0] : vector<16xi32>, vector<16xi32> -> vector<16xi32>
        %broadcast_in_dim3A_580 = arith.constant 4 : i32
        %broadcast_in_dim3A_581 = vector.broadcast %broadcast_in_dim3A_580 : i32 to vector<16x1xi32>
        %gather3A_582 = vector.shape_cast %broadcast_in_dim3A_581 : vector<16x1xi32> to vector<16xi32>
        %gather3A_583 = tpu.dynamic_gather %get3A_452[%gather3A_582] in [0] : vector<16xi32>, vector<16xi32> -> vector<16xi32>
        %broadcast_in_dim3A_584 = arith.constant 5 : i32
        %broadcast_in_dim3A_585 = vector.broadcast %broadcast_in_dim3A_584 : i32 to vector<16x1xi32>
        %gather3A_586 = vector.shape_cast %broadcast_in_dim3A_585 : vector<16x1xi32> to vector<16xi32>
        %gather3A_587 = tpu.dynamic_gather %get3A_452[%gather3A_586] in [0] : vector<16xi32>, vector<16xi32> -> vector<16xi32>
        %broadcast_in_dim3A_588 = arith.constant 6 : i32
        %broadcast_in_dim3A_589 = vector.broadcast %broadcast_in_dim3A_588 : i32 to vector<16x1xi32>
        %gather3A_590 = vector.shape_cast %broadcast_in_dim3A_589 : vector<16x1xi32> to vector<16xi32>
        %gather3A_591 = tpu.dynamic_gather %get3A_452[%gather3A_590] in [0] : vector<16xi32>, vector<16xi32> -> vector<16xi32>
        %broadcast_in_dim3A_592 = arith.constant 7 : i32
        %broadcast_in_dim3A_593 = vector.broadcast %broadcast_in_dim3A_592 : i32 to vector<16x1xi32>
        %gather3A_594 = vector.shape_cast %broadcast_in_dim3A_593 : vector<16x1xi32> to vector<16xi32>
        %gather3A_595 = tpu.dynamic_gather %get3A_452[%gather3A_594] in [0] : vector<16xi32>, vector<16xi32> -> vector<16xi32>
        %broadcast_in_dim3A_596 = arith.constant 8 : i32
        %broadcast_in_dim3A_597 = vector.broadcast %broadcast_in_dim3A_596 : i32 to vector<16x1xi32>
        %gather3A_598 = vector.shape_cast %broadcast_in_dim3A_597 : vector<16x1xi32> to vector<16xi32>
        %gather3A_599 = tpu.dynamic_gather %get3A_452[%gather3A_598] in [0] : vector<16xi32>, vector<16xi32> -> vector<16xi32>
        %broadcast_in_dim3A_600 = arith.constant 9 : i32
        %broadcast_in_dim3A_601 = vector.broadcast %broadcast_in_dim3A_600 : i32 to vector<16x1xi32>
        %gather3A_602 = vector.shape_cast %broadcast_in_dim3A_601 : vector<16x1xi32> to vector<16xi32>
        %gather3A_603 = tpu.dynamic_gather %get3A_452[%gather3A_602] in [0] : vector<16xi32>, vector<16xi32> -> vector<16xi32>
        %broadcast_in_dim3A_604 = arith.constant 10 : i32
        %broadcast_in_dim3A_605 = vector.broadcast %broadcast_in_dim3A_604 : i32 to vector<16x1xi32>
        %gather3A_606 = vector.shape_cast %broadcast_in_dim3A_605 : vector<16x1xi32> to vector<16xi32>
        %gather3A_607 = tpu.dynamic_gather %get3A_452[%gather3A_606] in [0] : vector<16xi32>, vector<16xi32> -> vector<16xi32>
        %broadcast_in_dim3A_608 = arith.constant 11 : i32
        %broadcast_in_dim3A_609 = vector.broadcast %broadcast_in_dim3A_608 : i32 to vector<16x1xi32>
        %gather3A_610 = vector.shape_cast %broadcast_in_dim3A_609 : vector<16x1xi32> to vector<16xi32>
        %gather3A_611 = tpu.dynamic_gather %get3A_452[%gather3A_610] in [0] : vector<16xi32>, vector<16xi32> -> vector<16xi32>
        %broadcast_in_dim3A_612 = arith.constant 12 : i32
        %broadcast_in_dim3A_613 = vector.broadcast %broadcast_in_dim3A_612 : i32 to vector<16x1xi32>
        %gather3A_614 = vector.shape_cast %broadcast_in_dim3A_613 : vector<16x1xi32> to vector<16xi32>
        %gather3A_615 = tpu.dynamic_gather %get3A_452[%gather3A_614] in [0] : vector<16xi32>, vector<16xi32> -> vector<16xi32>
        %broadcast_in_dim3A_616 = arith.constant 13 : i32
        %broadcast_in_dim3A_617 = vector.broadcast %broadcast_in_dim3A_616 : i32 to vector<16x1xi32>
        %gather3A_618 = vector.shape_cast %broadcast_in_dim3A_617 : vector<16x1xi32> to vector<16xi32>
        %gather3A_619 = tpu.dynamic_gather %get3A_452[%gather3A_618] in [0] : vector<16xi32>, vector<16xi32> -> vector<16xi32>
        %broadcast_in_dim3A_620 = arith.constant 14 : i32
        %broadcast_in_dim3A_621 = vector.broadcast %broadcast_in_dim3A_620 : i32 to vector<16x1xi32>
        %gather3A_622 = vector.shape_cast %broadcast_in_dim3A_621 : vector<16x1xi32> to vector<16xi32>
        %gather3A_623 = tpu.dynamic_gather %get3A_452[%gather3A_622] in [0] : vector<16xi32>, vector<16xi32> -> vector<16xi32>
        %broadcast_in_dim3A_624 = arith.constant 15 : i32
        %broadcast_in_dim3A_625 = vector.broadcast %broadcast_in_dim3A_624 : i32 to vector<16x1xi32>
        %gather3A_626 = vector.shape_cast %broadcast_in_dim3A_625 : vector<16x1xi32> to vector<16xi32>
        %gather3A_627 = tpu.dynamic_gather %get3A_452[%gather3A_626] in [0] : vector<16xi32>, vector<16xi32> -> vector<16xi32>
        tpu.vector_store_idx %arg18[%gather3A_567, %iota3A], %get3A_459 {add = true} : memref<4096x16xf32, #tpu.memory_space<vmem>>[vector<16xi32>, vector<16xi32>], vector<16xf32>,
        tpu.vector_store_idx %arg18[%gather3A_571, %iota3A], %get3A_466 {add = true} : memref<4096x16xf32, #tpu.memory_space<vmem>>[vector<16xi32>, vector<16xi32>], vector<16xf32>,
        tpu.vector_store_idx %arg18[%gather3A_575, %iota3A], %get3A_473 {add = true} : memref<4096x16xf32, #tpu.memory_space<vmem>>[vector<16xi32>, vector<16xi32>], vector<16xf32>,
        tpu.vector_store_idx %arg18[%gather3A_579, %iota3A], %get3A_480 {add = true} : memref<4096x16xf32, #tpu.memory_space<vmem>>[vector<16xi32>, vector<16xi32>], vector<16xf32>,
        tpu.vector_store_idx %arg18[%gather3A_583, %iota3A], %get3A_487 {add = true} : memref<4096x16xf32, #tpu.memory_space<vmem>>[vector<16xi32>, vector<16xi32>], vector<16xf32>,
        tpu.vector_store_idx %arg18[%gather3A_587, %iota3A], %get3A_494 {add = true} : memref<4096x16xf32, #tpu.memory_space<vmem>>[vector<16xi32>, vector<16xi32>], vector<16xf32>,
        tpu.vector_store_idx %arg18[%gather3A_591, %iota3A], %get3A_501 {add = true} : memref<4096x16xf32, #tpu.memory_space<vmem>>[vector<16xi32>, vector<16xi32>], vector<16xf32>,
        tpu.vector_store_idx %arg18[%gather3A_595, %iota3A], %get3A_508 {add = true} : memref<4096x16xf32, #tpu.memory_space<vmem>>[vector<16xi32>, vector<16xi32>], vector<16xf32>,
        tpu.vector_store_idx %arg18[%gather3A_599, %iota3A], %get3A_515 {add = true} : memref<4096x16xf32, #tpu.memory_space<vmem>>[vector<16xi32>, vector<16xi32>], vector<16xf32>,
        tpu.vector_store_idx %arg18[%gather3A_603, %iota3A], %get3A_522 {add = true} : memref<4096x16xf32, #tpu.memory_space<vmem>>[vector<16xi32>, vector<16xi32>], vector<16xf32>,
        tpu.vector_store_idx %arg18[%gather3A_607, %iota3A], %get3A_529 {add = true} : memref<4096x16xf32, #tpu.memory_space<vmem>>[vector<16xi32>, vector<16xi32>], vector<16xf32>,
        tpu.vector_store_idx %arg18[%gather3A_611, %iota3A], %get3A_536 {add = true} : memref<4096x16xf32, #tpu.memory_space<vmem>>[vector<16xi32>, vector<16xi32>], vector<16xf32>,
        tpu.vector_store_idx %arg18[%gather3A_615, %iota3A], %get3A_543 {add = true} : memref<4096x16xf32, #tpu.memory_space<vmem>>[vector<16xi32>, vector<16xi32>], vector<16xf32>,
        tpu.vector_store_idx %arg18[%gather3A_619, %iota3A], %get3A_550 {add = true} : memref<4096x16xf32, #tpu.memory_space<vmem>>[vector<16xi32>, vector<16xi32>], vector<16xf32>,
        tpu.vector_store_idx %arg18[%gather3A_623, %iota3A], %get3A_557 {add = true} : memref<4096x16xf32, #tpu.memory_space<vmem>>[vector<16xi32>, vector<16xi32>], vector<16xf32>,
        tpu.vector_store_idx %arg18[%gather3A_627, %iota3A], %get3A_564 {add = true} : memref<4096x16xf32, #tpu.memory_space<vmem>>[vector<16xi32>, vector<16xi32>], vector<16xf32>,
        %scan3A_628 = arith.constant 0 : i32
        scf.yield %scan3A_628 : i32
      }
      %scan3A_209 = arith.constant 16 : i32
      %dma_wait3A_210 = arith.constant 6 : i32
      %dma_wait3A_211 = arith.constant 0 : i32
      %dma_wait3A_212 = tpu.memref_slice %arg8[%dma_wait3A_210, %dma_wait3A_211] : memref<8x256xi32, #tpu.memory_space<vmem>> -> memref<1x256xi32, #tpu.memory_space<vmem>>
      %dma_wait3A_213 = tpu.memref_squeeze %dma_wait3A_212 : memref<1x256xi32, #tpu.memory_space<vmem>> -> memref<256xi32, #tpu.memory_space<vmem>>
      %dma_wait3A_214 = arith.constant 0 : i32
      %dma_wait3A_215 = arith.constant 0 : i32
      %dma_wait3A_216 = tpu.memref_slice %arg2[%dma_wait3A_214, %dma_wait3A_215] : memref<65536x16xf32, #tpu.memory_space<hbm>> -> memref<65536x16xf32, #tpu.memory_space<hbm>>
      tpu.wait_indirect_dma semaphore(%arg27 : memref<!tpu.dma_semaphore, #tpu.memory_space<semaphore_mem>>) src(%dma_wait3A_216 : memref<65536x16xf32, #tpu.memory_space<hbm>>) dst(%arg16 : memref<256x16xf32, #tpu.memory_space<vmem>>)
      %scan3A_217 = arith.constant 0 : i32
      %scan3A_218 = arith.constant 0 : i32
      %scan3A_219 = arith.constant 16 : i32
      %scan3A_220 = arith.addi %scan3A_218, %scan3A_219 : i32
      %scan3A_221 = arith.constant 1 : i32
      %scan3A_222 = scf.for %scan3A_446 = %scan3A_218 to %scan3A_220 step %scan3A_221 iter_args(%scan3A_447 = %scan3A_217) -> (i32)  : i32 {
        %mul3A_448 = arith.constant 16 : i32
        %mul3A_449 = arith.muli %scan3A_446, %mul3A_448 : i32
        %get3A = arith.constant 6 : i32
        %get3A_450 = arith.index_cast %get3A : i32 to index
        %get3A_451 = arith.index_cast %mul3A_449 : i32 to index
        %get3A_452 = tpu.vector_load %arg6[%get3A_450, %get3A_451] {strides = array<i32>} : memref<8x256xi32, #tpu.memory_space<vmem>>, vector<16xi32>,
        %mul3A_453 = arith.constant 16 : i32
        %mul3A_454 = arith.muli %scan3A_446, %mul3A_453 : i32
        %add3A_455 = arith.constant 0 : i32
        %add3A_456 = arith.addi %mul3A_454, %add3A_455 : i32
        %get3A_457 = arith.index_cast %add3A_456 : i32 to index
        %get3A_458 = arith.constant 0 : index
        %get3A_459 = tpu.vector_load %arg16[%get3A_457, %get3A_458] {strides = array<i32>} : memref<256x16xf32, #tpu.memory_space<vmem>>, vector<16xf32>,
        %mul3A_460 = arith.constant 16 : i32
        %mul3A_461 = arith.muli %scan3A_446, %mul3A_460 : i32
        %add3A_462 = arith.constant 1 : i32
        %add3A_463 = arith.addi %mul3A_461, %add3A_462 : i32
        %get3A_464 = arith.index_cast %add3A_463 : i32 to index
        %get3A_465 = arith.constant 0 : index
        %get3A_466 = tpu.vector_load %arg16[%get3A_464, %get3A_465] {strides = array<i32>} : memref<256x16xf32, #tpu.memory_space<vmem>>, vector<16xf32>,
        %mul3A_467 = arith.constant 16 : i32
        %mul3A_468 = arith.muli %scan3A_446, %mul3A_467 : i32
        %add3A_469 = arith.constant 2 : i32
        %add3A_470 = arith.addi %mul3A_468, %add3A_469 : i32
        %get3A_471 = arith.index_cast %add3A_470 : i32 to index
        %get3A_472 = arith.constant 0 : index
        %get3A_473 = tpu.vector_load %arg16[%get3A_471, %get3A_472] {strides = array<i32>} : memref<256x16xf32, #tpu.memory_space<vmem>>, vector<16xf32>,
        %mul3A_474 = arith.constant 16 : i32
        %mul3A_475 = arith.muli %scan3A_446, %mul3A_474 : i32
        %add3A_476 = arith.constant 3 : i32
        %add3A_477 = arith.addi %mul3A_475, %add3A_476 : i32
        %get3A_478 = arith.index_cast %add3A_477 : i32 to index
        %get3A_479 = arith.constant 0 : index
        %get3A_480 = tpu.vector_load %arg16[%get3A_478, %get3A_479] {strides = array<i32>} : memref<256x16xf32, #tpu.memory_space<vmem>>, vector<16xf32>,
        %mul3A_481 = arith.constant 16 : i32
        %mul3A_482 = arith.muli %scan3A_446, %mul3A_481 : i32
        %add3A_483 = arith.constant 4 : i32
        %add3A_484 = arith.addi %mul3A_482, %add3A_483 : i32
        %get3A_485 = arith.index_cast %add3A_484 : i32 to index
        %get3A_486 = arith.constant 0 : index
        %get3A_487 = tpu.vector_load %arg16[%get3A_485, %get3A_486] {strides = array<i32>} : memref<256x16xf32, #tpu.memory_space<vmem>>, vector<16xf32>,
        %mul3A_488 = arith.constant 16 : i32
        %mul3A_489 = arith.muli %scan3A_446, %mul3A_488 : i32
        %add3A_490 = arith.constant 5 : i32
        %add3A_491 = arith.addi %mul3A_489, %add3A_490 : i32
        %get3A_492 = arith.index_cast %add3A_491 : i32 to index
        %get3A_493 = arith.constant 0 : index
        %get3A_494 = tpu.vector_load %arg16[%get3A_492, %get3A_493] {strides = array<i32>} : memref<256x16xf32, #tpu.memory_space<vmem>>, vector<16xf32>,
        %mul3A_495 = arith.constant 16 : i32
        %mul3A_496 = arith.muli %scan3A_446, %mul3A_495 : i32
        %add3A_497 = arith.constant 6 : i32
        %add3A_498 = arith.addi %mul3A_496, %add3A_497 : i32
        %get3A_499 = arith.index_cast %add3A_498 : i32 to index
        %get3A_500 = arith.constant 0 : index
        %get3A_501 = tpu.vector_load %arg16[%get3A_499, %get3A_500] {strides = array<i32>} : memref<256x16xf32, #tpu.memory_space<vmem>>, vector<16xf32>,
        %mul3A_502 = arith.constant 16 : i32
        %mul3A_503 = arith.muli %scan3A_446, %mul3A_502 : i32
        %add3A_504 = arith.constant 7 : i32
        %add3A_505 = arith.addi %mul3A_503, %add3A_504 : i32
        %get3A_506 = arith.index_cast %add3A_505 : i32 to index
        %get3A_507 = arith.constant 0 : index
        %get3A_508 = tpu.vector_load %arg16[%get3A_506, %get3A_507] {strides = array<i32>} : memref<256x16xf32, #tpu.memory_space<vmem>>, vector<16xf32>,
        %mul3A_509 = arith.constant 16 : i32
        %mul3A_510 = arith.muli %scan3A_446, %mul3A_509 : i32
        %add3A_511 = arith.constant 8 : i32
        %add3A_512 = arith.addi %mul3A_510, %add3A_511 : i32
        %get3A_513 = arith.index_cast %add3A_512 : i32 to index
        %get3A_514 = arith.constant 0 : index
        %get3A_515 = tpu.vector_load %arg16[%get3A_513, %get3A_514] {strides = array<i32>} : memref<256x16xf32, #tpu.memory_space<vmem>>, vector<16xf32>,
        %mul3A_516 = arith.constant 16 : i32
        %mul3A_517 = arith.muli %scan3A_446, %mul3A_516 : i32
        %add3A_518 = arith.constant 9 : i32
        %add3A_519 = arith.addi %mul3A_517, %add3A_518 : i32
        %get3A_520 = arith.index_cast %add3A_519 : i32 to index
        %get3A_521 = arith.constant 0 : index
        %get3A_522 = tpu.vector_load %arg16[%get3A_520, %get3A_521] {strides = array<i32>} : memref<256x16xf32, #tpu.memory_space<vmem>>, vector<16xf32>,
        %mul3A_523 = arith.constant 16 : i32
        %mul3A_524 = arith.muli %scan3A_446, %mul3A_523 : i32
        %add3A_525 = arith.constant 10 : i32
        %add3A_526 = arith.addi %mul3A_524, %add3A_525 : i32
        %get3A_527 = arith.index_cast %add3A_526 : i32 to index
        %get3A_528 = arith.constant 0 : index
        %get3A_529 = tpu.vector_load %arg16[%get3A_527, %get3A_528] {strides = array<i32>} : memref<256x16xf32, #tpu.memory_space<vmem>>, vector<16xf32>,
        %mul3A_530 = arith.constant 16 : i32
        %mul3A_531 = arith.muli %scan3A_446, %mul3A_530 : i32
        %add3A_532 = arith.constant 11 : i32
        %add3A_533 = arith.addi %mul3A_531, %add3A_532 : i32
        %get3A_534 = arith.index_cast %add3A_533 : i32 to index
        %get3A_535 = arith.constant 0 : index
        %get3A_536 = tpu.vector_load %arg16[%get3A_534, %get3A_535] {strides = array<i32>} : memref<256x16xf32, #tpu.memory_space<vmem>>, vector<16xf32>,
        %mul3A_537 = arith.constant 16 : i32
        %mul3A_538 = arith.muli %scan3A_446, %mul3A_537 : i32
        %add3A_539 = arith.constant 12 : i32
        %add3A_540 = arith.addi %mul3A_538, %add3A_539 : i32
        %get3A_541 = arith.index_cast %add3A_540 : i32 to index
        %get3A_542 = arith.constant 0 : index
        %get3A_543 = tpu.vector_load %arg16[%get3A_541, %get3A_542] {strides = array<i32>} : memref<256x16xf32, #tpu.memory_space<vmem>>, vector<16xf32>,
        %mul3A_544 = arith.constant 16 : i32
        %mul3A_545 = arith.muli %scan3A_446, %mul3A_544 : i32
        %add3A_546 = arith.constant 13 : i32
        %add3A_547 = arith.addi %mul3A_545, %add3A_546 : i32
        %get3A_548 = arith.index_cast %add3A_547 : i32 to index
        %get3A_549 = arith.constant 0 : index
        %get3A_550 = tpu.vector_load %arg16[%get3A_548, %get3A_549] {strides = array<i32>} : memref<256x16xf32, #tpu.memory_space<vmem>>, vector<16xf32>,
        %mul3A_551 = arith.constant 16 : i32
        %mul3A_552 = arith.muli %scan3A_446, %mul3A_551 : i32
        %add3A_553 = arith.constant 14 : i32
        %add3A_554 = arith.addi %mul3A_552, %add3A_553 : i32
        %get3A_555 = arith.index_cast %add3A_554 : i32 to index
        %get3A_556 = arith.constant 0 : index
        %get3A_557 = tpu.vector_load %arg16[%get3A_555, %get3A_556] {strides = array<i32>} : memref<256x16xf32, #tpu.memory_space<vmem>>, vector<16xf32>,
        %mul3A_558 = arith.constant 16 : i32
        %mul3A_559 = arith.muli %scan3A_446, %mul3A_558 : i32
        %add3A_560 = arith.constant 15 : i32
        %add3A_561 = arith.addi %mul3A_559, %add3A_560 : i32
        %get3A_562 = arith.index_cast %add3A_561 : i32 to index
        %get3A_563 = arith.constant 0 : index
        %get3A_564 = tpu.vector_load %arg16[%get3A_562, %get3A_563] {strides = array<i32>} : memref<256x16xf32, #tpu.memory_space<vmem>>, vector<16xf32>,
        %broadcast_in_dim3A_565 = arith.constant 0 : i32
        %broadcast_in_dim3A_566 = vector.broadcast %broadcast_in_dim3A_565 : i32 to vector<16x1xi32>
        %gather3A = vector.shape_cast %broadcast_in_dim3A_566 : vector<16x1xi32> to vector<16xi32>
        %gather3A_567 = tpu.dynamic_gather %get3A_452[%gather3A] in [0] : vector<16xi32>, vector<16xi32> -> vector<16xi32>
        %broadcast_in_dim3A_568 = arith.constant 1 : i32
        %broadcast_in_dim3A_569 = vector.broadcast %broadcast_in_dim3A_568 : i32 to vector<16x1xi32>
        %gather3A_570 = vector.shape_cast %broadcast_in_dim3A_569 : vector<16x1xi32> to vector<16xi32>
        %gather3A_571 = tpu.dynamic_gather %get3A_452[%gather3A_570] in [0] : vector<16xi32>, vector<16xi32> -> vector<16xi32>
        %broadcast_in_dim3A_572 = arith.constant 2 : i32
        %broadcast_in_dim3A_573 = vector.broadcast %broadcast_in_dim3A_572 : i32 to vector<16x1xi32>
        %gather3A_574 = vector.shape_cast %broadcast_in_dim3A_573 : vector<16x1xi32> to vector<16xi32>
        %gather3A_575 = tpu.dynamic_gather %get3A_452[%gather3A_574] in [0] : vector<16xi32>, vector<16xi32> -> vector<16xi32>
        %broadcast_in_dim3A_576 = arith.constant 3 : i32
        %broadcast_in_dim3A_577 = vector.broadcast %broadcast_in_dim3A_576 : i32 to vector<16x1xi32>
        %gather3A_578 = vector.shape_cast %broadcast_in_dim3A_577 : vector<16x1xi32> to vector<16xi32>
        %gather3A_579 = tpu.dynamic_gather %get3A_452[%gather3A_578] in [0] : vector<16xi32>, vector<16xi32> -> vector<16xi32>
        %broadcast_in_dim3A_580 = arith.constant 4 : i32
        %broadcast_in_dim3A_581 = vector.broadcast %broadcast_in_dim3A_580 : i32 to vector<16x1xi32>
        %gather3A_582 = vector.shape_cast %broadcast_in_dim3A_581 : vector<16x1xi32> to vector<16xi32>
        %gather3A_583 = tpu.dynamic_gather %get3A_452[%gather3A_582] in [0] : vector<16xi32>, vector<16xi32> -> vector<16xi32>
        %broadcast_in_dim3A_584 = arith.constant 5 : i32
        %broadcast_in_dim3A_585 = vector.broadcast %broadcast_in_dim3A_584 : i32 to vector<16x1xi32>
        %gather3A_586 = vector.shape_cast %broadcast_in_dim3A_585 : vector<16x1xi32> to vector<16xi32>
        %gather3A_587 = tpu.dynamic_gather %get3A_452[%gather3A_586] in [0] : vector<16xi32>, vector<16xi32> -> vector<16xi32>
        %broadcast_in_dim3A_588 = arith.constant 6 : i32
        %broadcast_in_dim3A_589 = vector.broadcast %broadcast_in_dim3A_588 : i32 to vector<16x1xi32>
        %gather3A_590 = vector.shape_cast %broadcast_in_dim3A_589 : vector<16x1xi32> to vector<16xi32>
        %gather3A_591 = tpu.dynamic_gather %get3A_452[%gather3A_590] in [0] : vector<16xi32>, vector<16xi32> -> vector<16xi32>
        %broadcast_in_dim3A_592 = arith.constant 7 : i32
        %broadcast_in_dim3A_593 = vector.broadcast %broadcast_in_dim3A_592 : i32 to vector<16x1xi32>
        %gather3A_594 = vector.shape_cast %broadcast_in_dim3A_593 : vector<16x1xi32> to vector<16xi32>
        %gather3A_595 = tpu.dynamic_gather %get3A_452[%gather3A_594] in [0] : vector<16xi32>, vector<16xi32> -> vector<16xi32>
        %broadcast_in_dim3A_596 = arith.constant 8 : i32
        %broadcast_in_dim3A_597 = vector.broadcast %broadcast_in_dim3A_596 : i32 to vector<16x1xi32>
        %gather3A_598 = vector.shape_cast %broadcast_in_dim3A_597 : vector<16x1xi32> to vector<16xi32>
        %gather3A_599 = tpu.dynamic_gather %get3A_452[%gather3A_598] in [0] : vector<16xi32>, vector<16xi32> -> vector<16xi32>
        %broadcast_in_dim3A_600 = arith.constant 9 : i32
        %broadcast_in_dim3A_601 = vector.broadcast %broadcast_in_dim3A_600 : i32 to vector<16x1xi32>
        %gather3A_602 = vector.shape_cast %broadcast_in_dim3A_601 : vector<16x1xi32> to vector<16xi32>
        %gather3A_603 = tpu.dynamic_gather %get3A_452[%gather3A_602] in [0] : vector<16xi32>, vector<16xi32> -> vector<16xi32>
        %broadcast_in_dim3A_604 = arith.constant 10 : i32
        %broadcast_in_dim3A_605 = vector.broadcast %broadcast_in_dim3A_604 : i32 to vector<16x1xi32>
        %gather3A_606 = vector.shape_cast %broadcast_in_dim3A_605 : vector<16x1xi32> to vector<16xi32>
        %gather3A_607 = tpu.dynamic_gather %get3A_452[%gather3A_606] in [0] : vector<16xi32>, vector<16xi32> -> vector<16xi32>
        %broadcast_in_dim3A_608 = arith.constant 11 : i32
        %broadcast_in_dim3A_609 = vector.broadcast %broadcast_in_dim3A_608 : i32 to vector<16x1xi32>
        %gather3A_610 = vector.shape_cast %broadcast_in_dim3A_609 : vector<16x1xi32> to vector<16xi32>
        %gather3A_611 = tpu.dynamic_gather %get3A_452[%gather3A_610] in [0] : vector<16xi32>, vector<16xi32> -> vector<16xi32>
        %broadcast_in_dim3A_612 = arith.constant 12 : i32
        %broadcast_in_dim3A_613 = vector.broadcast %broadcast_in_dim3A_612 : i32 to vector<16x1xi32>
        %gather3A_614 = vector.shape_cast %broadcast_in_dim3A_613 : vector<16x1xi32> to vector<16xi32>
        %gather3A_615 = tpu.dynamic_gather %get3A_452[%gather3A_614] in [0] : vector<16xi32>, vector<16xi32> -> vector<16xi32>
        %broadcast_in_dim3A_616 = arith.constant 13 : i32
        %broadcast_in_dim3A_617 = vector.broadcast %broadcast_in_dim3A_616 : i32 to vector<16x1xi32>
        %gather3A_618 = vector.shape_cast %broadcast_in_dim3A_617 : vector<16x1xi32> to vector<16xi32>
        %gather3A_619 = tpu.dynamic_gather %get3A_452[%gather3A_618] in [0] : vector<16xi32>, vector<16xi32> -> vector<16xi32>
        %broadcast_in_dim3A_620 = arith.constant 14 : i32
        %broadcast_in_dim3A_621 = vector.broadcast %broadcast_in_dim3A_620 : i32 to vector<16x1xi32>
        %gather3A_622 = vector.shape_cast %broadcast_in_dim3A_621 : vector<16x1xi32> to vector<16xi32>
        %gather3A_623 = tpu.dynamic_gather %get3A_452[%gather3A_622] in [0] : vector<16xi32>, vector<16xi32> -> vector<16xi32>
        %broadcast_in_dim3A_624 = arith.constant 15 : i32
        %broadcast_in_dim3A_625 = vector.broadcast %broadcast_in_dim3A_624 : i32 to vector<16x1xi32>
        %gather3A_626 = vector.shape_cast %broadcast_in_dim3A_625 : vector<16x1xi32> to vector<16xi32>
        %gather3A_627 = tpu.dynamic_gather %get3A_452[%gather3A_626] in [0] : vector<16xi32>, vector<16xi32> -> vector<16xi32>
        tpu.vector_store_idx %arg18[%gather3A_567, %iota3A], %get3A_459 {add = true} : memref<4096x16xf32, #tpu.memory_space<vmem>>[vector<16xi32>, vector<16xi32>], vector<16xf32>,
        tpu.vector_store_idx %arg18[%gather3A_571, %iota3A], %get3A_466 {add = true} : memref<4096x16xf32, #tpu.memory_space<vmem>>[vector<16xi32>, vector<16xi32>], vector<16xf32>,
        tpu.vector_store_idx %arg18[%gather3A_575, %iota3A], %get3A_473 {add = true} : memref<4096x16xf32, #tpu.memory_space<vmem>>[vector<16xi32>, vector<16xi32>], vector<16xf32>,
        tpu.vector_store_idx %arg18[%gather3A_579, %iota3A], %get3A_480 {add = true} : memref<4096x16xf32, #tpu.memory_space<vmem>>[vector<16xi32>, vector<16xi32>], vector<16xf32>,
        tpu.vector_store_idx %arg18[%gather3A_583, %iota3A], %get3A_487 {add = true} : memref<4096x16xf32, #tpu.memory_space<vmem>>[vector<16xi32>, vector<16xi32>], vector<16xf32>,
        tpu.vector_store_idx %arg18[%gather3A_587, %iota3A], %get3A_494 {add = true} : memref<4096x16xf32, #tpu.memory_space<vmem>>[vector<16xi32>, vector<16xi32>], vector<16xf32>,
        tpu.vector_store_idx %arg18[%gather3A_591, %iota3A], %get3A_501 {add = true} : memref<4096x16xf32, #tpu.memory_space<vmem>>[vector<16xi32>, vector<16xi32>], vector<16xf32>,
        tpu.vector_store_idx %arg18[%gather3A_595, %iota3A], %get3A_508 {add = true} : memref<4096x16xf32, #tpu.memory_space<vmem>>[vector<16xi32>, vector<16xi32>], vector<16xf32>,
        tpu.vector_store_idx %arg18[%gather3A_599, %iota3A], %get3A_515 {add = true} : memref<4096x16xf32, #tpu.memory_space<vmem>>[vector<16xi32>, vector<16xi32>], vector<16xf32>,
        tpu.vector_store_idx %arg18[%gather3A_603, %iota3A], %get3A_522 {add = true} : memref<4096x16xf32, #tpu.memory_space<vmem>>[vector<16xi32>, vector<16xi32>], vector<16xf32>,
        tpu.vector_store_idx %arg18[%gather3A_607, %iota3A], %get3A_529 {add = true} : memref<4096x16xf32, #tpu.memory_space<vmem>>[vector<16xi32>, vector<16xi32>], vector<16xf32>,
        tpu.vector_store_idx %arg18[%gather3A_611, %iota3A], %get3A_536 {add = true} : memref<4096x16xf32, #tpu.memory_space<vmem>>[vector<16xi32>, vector<16xi32>], vector<16xf32>,
        tpu.vector_store_idx %arg18[%gather3A_615, %iota3A], %get3A_543 {add = true} : memref<4096x16xf32, #tpu.memory_space<vmem>>[vector<16xi32>, vector<16xi32>], vector<16xf32>,
        tpu.vector_store_idx %arg18[%gather3A_619, %iota3A], %get3A_550 {add = true} : memref<4096x16xf32, #tpu.memory_space<vmem>>[vector<16xi32>, vector<16xi32>], vector<16xf32>,
        tpu.vector_store_idx %arg18[%gather3A_623, %iota3A], %get3A_557 {add = true} : memref<4096x16xf32, #tpu.memory_space<vmem>>[vector<16xi32>, vector<16xi32>], vector<16xf32>,
        tpu.vector_store_idx %arg18[%gather3A_627, %iota3A], %get3A_564 {add = true} : memref<4096x16xf32, #tpu.memory_space<vmem>>[vector<16xi32>, vector<16xi32>], vector<16xf32>,
        %scan3A_628 = arith.constant 0 : i32
        scf.yield %scan3A_628 : i32
      }
      %scan3A_223 = arith.constant 16 : i32
      %dma_wait3A_224 = arith.constant 7 : i32
      %dma_wait3A_225 = arith.constant 0 : i32
      %dma_wait3A_226 = tpu.memref_slice %arg8[%dma_wait3A_224, %dma_wait3A_225] : memref<8x256xi32, #tpu.memory_space<vmem>> -> memref<1x256xi32, #tpu.memory_space<vmem>>
      %dma_wait3A_227 = tpu.memref_squeeze %dma_wait3A_226 : memref<1x256xi32, #tpu.memory_space<vmem>> -> memref<256xi32, #tpu.memory_space<vmem>>
      %dma_wait3A_228 = arith.constant 0 : i32
      %dma_wait3A_229 = arith.constant 0 : i32
      %dma_wait3A_230 = tpu.memref_slice %arg2[%dma_wait3A_228, %dma_wait3A_229] : memref<65536x16xf32, #tpu.memory_space<hbm>> -> memref<65536x16xf32, #tpu.memory_space<hbm>>
      tpu.wait_indirect_dma semaphore(%arg28 : memref<!tpu.dma_semaphore, #tpu.memory_space<semaphore_mem>>) src(%dma_wait3A_230 : memref<65536x16xf32, #tpu.memory_space<hbm>>) dst(%arg17 : memref<256x16xf32, #tpu.memory_space<vmem>>)
      %scan3A_231 = arith.constant 0 : i32
      %scan3A_232 = arith.constant 0 : i32
      %scan3A_233 = arith.constant 16 : i32
      %scan3A_234 = arith.addi %scan3A_232, %scan3A_233 : i32
      %scan3A_235 = arith.constant 1 : i32
      %scan3A_236 = scf.for %scan3A_446 = %scan3A_232 to %scan3A_234 step %scan3A_235 iter_args(%scan3A_447 = %scan3A_231) -> (i32)  : i32 {
        %mul3A_448 = arith.constant 16 : i32
        %mul3A_449 = arith.muli %scan3A_446, %mul3A_448 : i32
        %get3A = arith.constant 7 : i32
        %get3A_450 = arith.index_cast %get3A : i32 to index
        %get3A_451 = arith.index_cast %mul3A_449 : i32 to index
        %get3A_452 = tpu.vector_load %arg6[%get3A_450, %get3A_451] {strides = array<i32>} : memref<8x256xi32, #tpu.memory_space<vmem>>, vector<16xi32>,
        %mul3A_453 = arith.constant 16 : i32
        %mul3A_454 = arith.muli %scan3A_446, %mul3A_453 : i32
        %add3A_455 = arith.constant 0 : i32
        %add3A_456 = arith.addi %mul3A_454, %add3A_455 : i32
        %get3A_457 = arith.index_cast %add3A_456 : i32 to index
        %get3A_458 = arith.constant 0 : index
        %get3A_459 = tpu.vector_load %arg17[%get3A_457, %get3A_458] {strides = array<i32>} : memref<256x16xf32, #tpu.memory_space<vmem>>, vector<16xf32>,
        %mul3A_460 = arith.constant 16 : i32
        %mul3A_461 = arith.muli %scan3A_446, %mul3A_460 : i32
        %add3A_462 = arith.constant 1 : i32
        %add3A_463 = arith.addi %mul3A_461, %add3A_462 : i32
        %get3A_464 = arith.index_cast %add3A_463 : i32 to index
        %get3A_465 = arith.constant 0 : index
        %get3A_466 = tpu.vector_load %arg17[%get3A_464, %get3A_465] {strides = array<i32>} : memref<256x16xf32, #tpu.memory_space<vmem>>, vector<16xf32>,
        %mul3A_467 = arith.constant 16 : i32
        %mul3A_468 = arith.muli %scan3A_446, %mul3A_467 : i32
        %add3A_469 = arith.constant 2 : i32
        %add3A_470 = arith.addi %mul3A_468, %add3A_469 : i32
        %get3A_471 = arith.index_cast %add3A_470 : i32 to index
        %get3A_472 = arith.constant 0 : index
        %get3A_473 = tpu.vector_load %arg17[%get3A_471, %get3A_472] {strides = array<i32>} : memref<256x16xf32, #tpu.memory_space<vmem>>, vector<16xf32>,
        %mul3A_474 = arith.constant 16 : i32
        %mul3A_475 = arith.muli %scan3A_446, %mul3A_474 : i32
        %add3A_476 = arith.constant 3 : i32
        %add3A_477 = arith.addi %mul3A_475, %add3A_476 : i32
        %get3A_478 = arith.index_cast %add3A_477 : i32 to index
        %get3A_479 = arith.constant 0 : index
        %get3A_480 = tpu.vector_load %arg17[%get3A_478, %get3A_479] {strides = array<i32>} : memref<256x16xf32, #tpu.memory_space<vmem>>, vector<16xf32>,
        %mul3A_481 = arith.constant 16 : i32
        %mul3A_482 = arith.muli %scan3A_446, %mul3A_481 : i32
        %add3A_483 = arith.constant 4 : i32
        %add3A_484 = arith.addi %mul3A_482, %add3A_483 : i32
        %get3A_485 = arith.index_cast %add3A_484 : i32 to index
        %get3A_486 = arith.constant 0 : index
        %get3A_487 = tpu.vector_load %arg17[%get3A_485, %get3A_486] {strides = array<i32>} : memref<256x16xf32, #tpu.memory_space<vmem>>, vector<16xf32>,
        %mul3A_488 = arith.constant 16 : i32
        %mul3A_489 = arith.muli %scan3A_446, %mul3A_488 : i32
        %add3A_490 = arith.constant 5 : i32
        %add3A_491 = arith.addi %mul3A_489, %add3A_490 : i32
        %get3A_492 = arith.index_cast %add3A_491 : i32 to index
        %get3A_493 = arith.constant 0 : index
        %get3A_494 = tpu.vector_load %arg17[%get3A_492, %get3A_493] {strides = array<i32>} : memref<256x16xf32, #tpu.memory_space<vmem>>, vector<16xf32>,
        %mul3A_495 = arith.constant 16 : i32
        %mul3A_496 = arith.muli %scan3A_446, %mul3A_495 : i32
        %add3A_497 = arith.constant 6 : i32
        %add3A_498 = arith.addi %mul3A_496, %add3A_497 : i32
        %get3A_499 = arith.index_cast %add3A_498 : i32 to index
        %get3A_500 = arith.constant 0 : index
        %get3A_501 = tpu.vector_load %arg17[%get3A_499, %get3A_500] {strides = array<i32>} : memref<256x16xf32, #tpu.memory_space<vmem>>, vector<16xf32>,
        %mul3A_502 = arith.constant 16 : i32
        %mul3A_503 = arith.muli %scan3A_446, %mul3A_502 : i32
        %add3A_504 = arith.constant 7 : i32
        %add3A_505 = arith.addi %mul3A_503, %add3A_504 : i32
        %get3A_506 = arith.index_cast %add3A_505 : i32 to index
        %get3A_507 = arith.constant 0 : index
        %get3A_508 = tpu.vector_load %arg17[%get3A_506, %get3A_507] {strides = array<i32>} : memref<256x16xf32, #tpu.memory_space<vmem>>, vector<16xf32>,
        %mul3A_509 = arith.constant 16 : i32
        %mul3A_510 = arith.muli %scan3A_446, %mul3A_509 : i32
        %add3A_511 = arith.constant 8 : i32
        %add3A_512 = arith.addi %mul3A_510, %add3A_511 : i32
        %get3A_513 = arith.index_cast %add3A_512 : i32 to index
        %get3A_514 = arith.constant 0 : index
        %get3A_515 = tpu.vector_load %arg17[%get3A_513, %get3A_514] {strides = array<i32>} : memref<256x16xf32, #tpu.memory_space<vmem>>, vector<16xf32>,
        %mul3A_516 = arith.constant 16 : i32
        %mul3A_517 = arith.muli %scan3A_446, %mul3A_516 : i32
        %add3A_518 = arith.constant 9 : i32
        %add3A_519 = arith.addi %mul3A_517, %add3A_518 : i32
        %get3A_520 = arith.index_cast %add3A_519 : i32 to index
        %get3A_521 = arith.constant 0 : index
        %get3A_522 = tpu.vector_load %arg17[%get3A_520, %get3A_521] {strides = array<i32>} : memref<256x16xf32, #tpu.memory_space<vmem>>, vector<16xf32>,
        %mul3A_523 = arith.constant 16 : i32
        %mul3A_524 = arith.muli %scan3A_446, %mul3A_523 : i32
        %add3A_525 = arith.constant 10 : i32
        %add3A_526 = arith.addi %mul3A_524, %add3A_525 : i32
        %get3A_527 = arith.index_cast %add3A_526 : i32 to index
        %get3A_528 = arith.constant 0 : index
        %get3A_529 = tpu.vector_load %arg17[%get3A_527, %get3A_528] {strides = array<i32>} : memref<256x16xf32, #tpu.memory_space<vmem>>, vector<16xf32>,
        %mul3A_530 = arith.constant 16 : i32
        %mul3A_531 = arith.muli %scan3A_446, %mul3A_530 : i32
        %add3A_532 = arith.constant 11 : i32
        %add3A_533 = arith.addi %mul3A_531, %add3A_532 : i32
        %get3A_534 = arith.index_cast %add3A_533 : i32 to index
        %get3A_535 = arith.constant 0 : index
        %get3A_536 = tpu.vector_load %arg17[%get3A_534, %get3A_535] {strides = array<i32>} : memref<256x16xf32, #tpu.memory_space<vmem>>, vector<16xf32>,
        %mul3A_537 = arith.constant 16 : i32
        %mul3A_538 = arith.muli %scan3A_446, %mul3A_537 : i32
        %add3A_539 = arith.constant 12 : i32
        %add3A_540 = arith.addi %mul3A_538, %add3A_539 : i32
        %get3A_541 = arith.index_cast %add3A_540 : i32 to index
        %get3A_542 = arith.constant 0 : index
        %get3A_543 = tpu.vector_load %arg17[%get3A_541, %get3A_542] {strides = array<i32>} : memref<256x16xf32, #tpu.memory_space<vmem>>, vector<16xf32>,
        %mul3A_544 = arith.constant 16 : i32
        %mul3A_545 = arith.muli %scan3A_446, %mul3A_544 : i32
        %add3A_546 = arith.constant 13 : i32
        %add3A_547 = arith.addi %mul3A_545, %add3A_546 : i32
        %get3A_548 = arith.index_cast %add3A_547 : i32 to index
        %get3A_549 = arith.constant 0 : index
        %get3A_550 = tpu.vector_load %arg17[%get3A_548, %get3A_549] {strides = array<i32>} : memref<256x16xf32, #tpu.memory_space<vmem>>, vector<16xf32>,
        %mul3A_551 = arith.constant 16 : i32
        %mul3A_552 = arith.muli %scan3A_446, %mul3A_551 : i32
        %add3A_553 = arith.constant 14 : i32
        %add3A_554 = arith.addi %mul3A_552, %add3A_553 : i32
        %get3A_555 = arith.index_cast %add3A_554 : i32 to index
        %get3A_556 = arith.constant 0 : index
        %get3A_557 = tpu.vector_load %arg17[%get3A_555, %get3A_556] {strides = array<i32>} : memref<256x16xf32, #tpu.memory_space<vmem>>, vector<16xf32>,
        %mul3A_558 = arith.constant 16 : i32
        %mul3A_559 = arith.muli %scan3A_446, %mul3A_558 : i32
        %add3A_560 = arith.constant 15 : i32
        %add3A_561 = arith.addi %mul3A_559, %add3A_560 : i32
        %get3A_562 = arith.index_cast %add3A_561 : i32 to index
        %get3A_563 = arith.constant 0 : index
        %get3A_564 = tpu.vector_load %arg17[%get3A_562, %get3A_563] {strides = array<i32>} : memref<256x16xf32, #tpu.memory_space<vmem>>, vector<16xf32>,
        %broadcast_in_dim3A_565 = arith.constant 0 : i32
        %broadcast_in_dim3A_566 = vector.broadcast %broadcast_in_dim3A_565 : i32 to vector<16x1xi32>
        %gather3A = vector.shape_cast %broadcast_in_dim3A_566 : vector<16x1xi32> to vector<16xi32>
        %gather3A_567 = tpu.dynamic_gather %get3A_452[%gather3A] in [0] : vector<16xi32>, vector<16xi32> -> vector<16xi32>
        %broadcast_in_dim3A_568 = arith.constant 1 : i32
        %broadcast_in_dim3A_569 = vector.broadcast %broadcast_in_dim3A_568 : i32 to vector<16x1xi32>
        %gather3A_570 = vector.shape_cast %broadcast_in_dim3A_569 : vector<16x1xi32> to vector<16xi32>
        %gather3A_571 = tpu.dynamic_gather %get3A_452[%gather3A_570] in [0] : vector<16xi32>, vector<16xi32> -> vector<16xi32>
        %broadcast_in_dim3A_572 = arith.constant 2 : i32
        %broadcast_in_dim3A_573 = vector.broadcast %broadcast_in_dim3A_572 : i32 to vector<16x1xi32>
        %gather3A_574 = vector.shape_cast %broadcast_in_dim3A_573 : vector<16x1xi32> to vector<16xi32>
        %gather3A_575 = tpu.dynamic_gather %get3A_452[%gather3A_574] in [0] : vector<16xi32>, vector<16xi32> -> vector<16xi32>
        %broadcast_in_dim3A_576 = arith.constant 3 : i32
        %broadcast_in_dim3A_577 = vector.broadcast %broadcast_in_dim3A_576 : i32 to vector<16x1xi32>
        %gather3A_578 = vector.shape_cast %broadcast_in_dim3A_577 : vector<16x1xi32> to vector<16xi32>
        %gather3A_579 = tpu.dynamic_gather %get3A_452[%gather3A_578] in [0] : vector<16xi32>, vector<16xi32> -> vector<16xi32>
        %broadcast_in_dim3A_580 = arith.constant 4 : i32
        %broadcast_in_dim3A_581 = vector.broadcast %broadcast_in_dim3A_580 : i32 to vector<16x1xi32>
        %gather3A_582 = vector.shape_cast %broadcast_in_dim3A_581 : vector<16x1xi32> to vector<16xi32>
        %gather3A_583 = tpu.dynamic_gather %get3A_452[%gather3A_582] in [0] : vector<16xi32>, vector<16xi32> -> vector<16xi32>
        %broadcast_in_dim3A_584 = arith.constant 5 : i32
        %broadcast_in_dim3A_585 = vector.broadcast %broadcast_in_dim3A_584 : i32 to vector<16x1xi32>
        %gather3A_586 = vector.shape_cast %broadcast_in_dim3A_585 : vector<16x1xi32> to vector<16xi32>
        %gather3A_587 = tpu.dynamic_gather %get3A_452[%gather3A_586] in [0] : vector<16xi32>, vector<16xi32> -> vector<16xi32>
        %broadcast_in_dim3A_588 = arith.constant 6 : i32
        %broadcast_in_dim3A_589 = vector.broadcast %broadcast_in_dim3A_588 : i32 to vector<16x1xi32>
        %gather3A_590 = vector.shape_cast %broadcast_in_dim3A_589 : vector<16x1xi32> to vector<16xi32>
        %gather3A_591 = tpu.dynamic_gather %get3A_452[%gather3A_590] in [0] : vector<16xi32>, vector<16xi32> -> vector<16xi32>
        %broadcast_in_dim3A_592 = arith.constant 7 : i32
        %broadcast_in_dim3A_593 = vector.broadcast %broadcast_in_dim3A_592 : i32 to vector<16x1xi32>
        %gather3A_594 = vector.shape_cast %broadcast_in_dim3A_593 : vector<16x1xi32> to vector<16xi32>
        %gather3A_595 = tpu.dynamic_gather %get3A_452[%gather3A_594] in [0] : vector<16xi32>, vector<16xi32> -> vector<16xi32>
        %broadcast_in_dim3A_596 = arith.constant 8 : i32
        %broadcast_in_dim3A_597 = vector.broadcast %broadcast_in_dim3A_596 : i32 to vector<16x1xi32>
        %gather3A_598 = vector.shape_cast %broadcast_in_dim3A_597 : vector<16x1xi32> to vector<16xi32>
        %gather3A_599 = tpu.dynamic_gather %get3A_452[%gather3A_598] in [0] : vector<16xi32>, vector<16xi32> -> vector<16xi32>
        %broadcast_in_dim3A_600 = arith.constant 9 : i32
        %broadcast_in_dim3A_601 = vector.broadcast %broadcast_in_dim3A_600 : i32 to vector<16x1xi32>
        %gather3A_602 = vector.shape_cast %broadcast_in_dim3A_601 : vector<16x1xi32> to vector<16xi32>
        %gather3A_603 = tpu.dynamic_gather %get3A_452[%gather3A_602] in [0] : vector<16xi32>, vector<16xi32> -> vector<16xi32>
        %broadcast_in_dim3A_604 = arith.constant 10 : i32
        %broadcast_in_dim3A_605 = vector.broadcast %broadcast_in_dim3A_604 : i32 to vector<16x1xi32>
        %gather3A_606 = vector.shape_cast %broadcast_in_dim3A_605 : vector<16x1xi32> to vector<16xi32>
        %gather3A_607 = tpu.dynamic_gather %get3A_452[%gather3A_606] in [0] : vector<16xi32>, vector<16xi32> -> vector<16xi32>
        %broadcast_in_dim3A_608 = arith.constant 11 : i32
        %broadcast_in_dim3A_609 = vector.broadcast %broadcast_in_dim3A_608 : i32 to vector<16x1xi32>
        %gather3A_610 = vector.shape_cast %broadcast_in_dim3A_609 : vector<16x1xi32> to vector<16xi32>
        %gather3A_611 = tpu.dynamic_gather %get3A_452[%gather3A_610] in [0] : vector<16xi32>, vector<16xi32> -> vector<16xi32>
        %broadcast_in_dim3A_612 = arith.constant 12 : i32
        %broadcast_in_dim3A_613 = vector.broadcast %broadcast_in_dim3A_612 : i32 to vector<16x1xi32>
        %gather3A_614 = vector.shape_cast %broadcast_in_dim3A_613 : vector<16x1xi32> to vector<16xi32>
        %gather3A_615 = tpu.dynamic_gather %get3A_452[%gather3A_614] in [0] : vector<16xi32>, vector<16xi32> -> vector<16xi32>
        %broadcast_in_dim3A_616 = arith.constant 13 : i32
        %broadcast_in_dim3A_617 = vector.broadcast %broadcast_in_dim3A_616 : i32 to vector<16x1xi32>
        %gather3A_618 = vector.shape_cast %broadcast_in_dim3A_617 : vector<16x1xi32> to vector<16xi32>
        %gather3A_619 = tpu.dynamic_gather %get3A_452[%gather3A_618] in [0] : vector<16xi32>, vector<16xi32> -> vector<16xi32>
        %broadcast_in_dim3A_620 = arith.constant 14 : i32
        %broadcast_in_dim3A_621 = vector.broadcast %broadcast_in_dim3A_620 : i32 to vector<16x1xi32>
        %gather3A_622 = vector.shape_cast %broadcast_in_dim3A_621 : vector<16x1xi32> to vector<16xi32>
        %gather3A_623 = tpu.dynamic_gather %get3A_452[%gather3A_622] in [0] : vector<16xi32>, vector<16xi32> -> vector<16xi32>
        %broadcast_in_dim3A_624 = arith.constant 15 : i32
        %broadcast_in_dim3A_625 = vector.broadcast %broadcast_in_dim3A_624 : i32 to vector<16x1xi32>
        %gather3A_626 = vector.shape_cast %broadcast_in_dim3A_625 : vector<16x1xi32> to vector<16xi32>
        %gather3A_627 = tpu.dynamic_gather %get3A_452[%gather3A_626] in [0] : vector<16xi32>, vector<16xi32> -> vector<16xi32>
        tpu.vector_store_idx %arg18[%gather3A_567, %iota3A], %get3A_459 {add = true} : memref<4096x16xf32, #tpu.memory_space<vmem>>[vector<16xi32>, vector<16xi32>], vector<16xf32>,
        tpu.vector_store_idx %arg18[%gather3A_571, %iota3A], %get3A_466 {add = true} : memref<4096x16xf32, #tpu.memory_space<vmem>>[vector<16xi32>, vector<16xi32>], vector<16xf32>,
        tpu.vector_store_idx %arg18[%gather3A_575, %iota3A], %get3A_473 {add = true} : memref<4096x16xf32, #tpu.memory_space<vmem>>[vector<16xi32>, vector<16xi32>], vector<16xf32>,
        tpu.vector_store_idx %arg18[%gather3A_579, %iota3A], %get3A_480 {add = true} : memref<4096x16xf32, #tpu.memory_space<vmem>>[vector<16xi32>, vector<16xi32>], vector<16xf32>,
        tpu.vector_store_idx %arg18[%gather3A_583, %iota3A], %get3A_487 {add = true} : memref<4096x16xf32, #tpu.memory_space<vmem>>[vector<16xi32>, vector<16xi32>], vector<16xf32>,
        tpu.vector_store_idx %arg18[%gather3A_587, %iota3A], %get3A_494 {add = true} : memref<4096x16xf32, #tpu.memory_space<vmem>>[vector<16xi32>, vector<16xi32>], vector<16xf32>,
        tpu.vector_store_idx %arg18[%gather3A_591, %iota3A], %get3A_501 {add = true} : memref<4096x16xf32, #tpu.memory_space<vmem>>[vector<16xi32>, vector<16xi32>], vector<16xf32>,
        tpu.vector_store_idx %arg18[%gather3A_595, %iota3A], %get3A_508 {add = true} : memref<4096x16xf32, #tpu.memory_space<vmem>>[vector<16xi32>, vector<16xi32>], vector<16xf32>,
        tpu.vector_store_idx %arg18[%gather3A_599, %iota3A], %get3A_515 {add = true} : memref<4096x16xf32, #tpu.memory_space<vmem>>[vector<16xi32>, vector<16xi32>], vector<16xf32>,
        tpu.vector_store_idx %arg18[%gather3A_603, %iota3A], %get3A_522 {add = true} : memref<4096x16xf32, #tpu.memory_space<vmem>>[vector<16xi32>, vector<16xi32>], vector<16xf32>,
        tpu.vector_store_idx %arg18[%gather3A_607, %iota3A], %get3A_529 {add = true} : memref<4096x16xf32, #tpu.memory_space<vmem>>[vector<16xi32>, vector<16xi32>], vector<16xf32>,
        tpu.vector_store_idx %arg18[%gather3A_611, %iota3A], %get3A_536 {add = true} : memref<4096x16xf32, #tpu.memory_space<vmem>>[vector<16xi32>, vector<16xi32>], vector<16xf32>,
        tpu.vector_store_idx %arg18[%gather3A_615, %iota3A], %get3A_543 {add = true} : memref<4096x16xf32, #tpu.memory_space<vmem>>[vector<16xi32>, vector<16xi32>], vector<16xf32>,
        tpu.vector_store_idx %arg18[%gather3A_619, %iota3A], %get3A_550 {add = true} : memref<4096x16xf32, #tpu.memory_space<vmem>>[vector<16xi32>, vector<16xi32>], vector<16xf32>,
        tpu.vector_store_idx %arg18[%gather3A_623, %iota3A], %get3A_557 {add = true} : memref<4096x16xf32, #tpu.memory_space<vmem>>[vector<16xi32>, vector<16xi32>], vector<16xf32>,
        tpu.vector_store_idx %arg18[%gather3A_627, %iota3A], %get3A_564 {add = true} : memref<4096x16xf32, #tpu.memory_space<vmem>>[vector<16xi32>, vector<16xi32>], vector<16xf32>,
        %scan3A_628 = arith.constant 0 : i32
        scf.yield %scan3A_628 : i32
      }
      %scan3A_237 = arith.constant 16 : i32
      %add3A_238 = arith.constant 2 : i32
      %add3A_239 = arith.addi %add3A_46, %add3A_238 : i32
      %lt3A = arith.constant 32 : i32
      %lt3A_240 = arith.cmpi slt, %add3A_239, %lt3A : i32
      %convert_element_type3A = arith.extui %lt3A_240 : i1 to i32
      %cond3A = arith.constant 0 : i32
      %cond3A_241 = arith.cmpi ne, %convert_element_type3A, %cond3A : i32
      scf.if %cond3A_241 {
        %add3A_446 = arith.addi %mul3A_9, %add3A_46 : i32
        %add3A_447 = arith.constant 2 : i32
        %add3A_448 = arith.addi %add3A_446, %add3A_447 : i32
        %mul3A_449 = arith.constant 8 : i32
        %mul3A_450 = arith.muli %add3A_448, %mul3A_449 : i32
        %dma_start3A_451 = arith.constant 0 : i32
        %dma_start3A_452 = tpu.memref_slice %arg3[%mul3A_450, %dma_start3A_451] : memref<512x256xi32, #tpu.memory_space<hbm>> -> memref<8x256xi32, #tpu.memory_space<hbm>>
        %dma_start3A_453 = arith.constant 0 : i32
        %dma_start3A_454 = tpu.memref_slice %arg3[%mul3A_450, %dma_start3A_453] : memref<512x256xi32, #tpu.memory_space<hbm>> -> memref<8x256xi32, #tpu.memory_space<hbm>>
        tpu.enqueue_dma source(%dma_start3A_454 : memref<8x256xi32, #tpu.memory_space<hbm>>) target(%arg6 : memref<8x256xi32, #tpu.memory_space<vmem>>) target_semaphore(%arg19 : memref<!tpu.dma_semaphore, #tpu.memory_space<semaphore_mem>>)
        %mul3A_455 = arith.constant 8 : i32
        %mul3A_456 = arith.muli %add3A_448, %mul3A_455 : i32
        %dma_start3A_457 = arith.constant 0 : i32
        %dma_start3A_458 = tpu.memref_slice %arg4[%mul3A_456, %dma_start3A_457] : memref<512x256xi32, #tpu.memory_space<hbm>> -> memref<8x256xi32, #tpu.memory_space<hbm>>
        %dma_start3A_459 = arith.constant 0 : i32
        %dma_start3A_460 = tpu.memref_slice %arg4[%mul3A_456, %dma_start3A_459] : memref<512x256xi32, #tpu.memory_space<hbm>> -> memref<8x256xi32, #tpu.memory_space<hbm>>
        tpu.enqueue_dma source(%dma_start3A_460 : memref<8x256xi32, #tpu.memory_space<hbm>>) target(%arg8 : memref<8x256xi32, #tpu.memory_space<vmem>>) target_semaphore(%arg19 : memref<!tpu.dma_semaphore, #tpu.memory_space<semaphore_mem>>)
      } else {
      }
      %mul3A_242 = arith.constant 2 : i32
      %mul3A_243 = arith.muli %mul3A_242, %scan3A_41 : i32
      %add3A_244 = arith.constant 1 : i32
      %add3A_245 = arith.addi %mul3A_243, %add3A_244 : i32
      %dma_wait3A_246 = arith.constant 0 : i32
      %dma_wait3A_247 = arith.constant 0 : i32
      %dma_wait3A_248 = tpu.memref_slice %arg3[%dma_wait3A_246, %dma_wait3A_247] : memref<512x256xi32, #tpu.memory_space<hbm>> -> memref<8x256xi32, #tpu.memory_space<hbm>>
      %dma_wait3A_249 = arith.constant 0 : i32
      %dma_wait3A_250 = arith.constant 0 : i32
      %dma_wait3A_251 = tpu.memref_slice %arg3[%dma_wait3A_249, %dma_wait3A_250] : memref<512x256xi32, #tpu.memory_space<hbm>> -> memref<8x256xi32, #tpu.memory_space<hbm>>
      tpu.wait_dma2 semaphore(%arg20 : memref<!tpu.dma_semaphore, #tpu.memory_space<semaphore_mem>>) src(%dma_wait3A_251 : memref<8x256xi32, #tpu.memory_space<hbm>>) dst(%arg7 : memref<8x256xi32, #tpu.memory_space<vmem>>)
      %dma_wait3A_252 = arith.constant 0 : i32
      %dma_wait3A_253 = arith.constant 0 : i32
      %dma_wait3A_254 = tpu.memref_slice %arg4[%dma_wait3A_252, %dma_wait3A_253] : memref<512x256xi32, #tpu.memory_space<hbm>> -> memref<8x256xi32, #tpu.memory_space<hbm>>
      %dma_wait3A_255 = arith.constant 0 : i32
      %dma_wait3A_256 = arith.constant 0 : i32
      %dma_wait3A_257 = tpu.memref_slice %arg4[%dma_wait3A_255, %dma_wait3A_256] : memref<512x256xi32, #tpu.memory_space<hbm>> -> memref<8x256xi32, #tpu.memory_space<hbm>>
      tpu.wait_dma2 semaphore(%arg20 : memref<!tpu.dma_semaphore, #tpu.memory_space<semaphore_mem>>) src(%dma_wait3A_257 : memref<8x256xi32, #tpu.memory_space<hbm>>) dst(%arg9 : memref<8x256xi32, #tpu.memory_space<vmem>>)
      %scan3A_258 = arith.constant 0 : i32
      %scan3A_259 = arith.constant 0 : i32
      %scan3A_260 = arith.constant 8 : i32
      %scan3A_261 = arith.addi %scan3A_259, %scan3A_260 : i32
      %scan3A_262 = arith.constant 1 : i32
      %scan3A_263 = scf.for %scan3A_446 = %scan3A_259 to %scan3A_261 step %scan3A_262 iter_args(%scan3A_447 = %scan3A_258) -> (i32)  : i32 {
        %get3A = arith.index_cast %scan3A_446 : i32 to index
        %get3A_448 = arith.constant 0 : index
        %get3A_449 = tpu.vector_load %arg9[%get3A, %get3A_448] {strides = array<i32>} : memref<8x256xi32, #tpu.memory_space<vmem>>, vector<16xi32>,
        %mul3A_450 = arith.constant 16 : i32
        %mul3A_451 = vector.broadcast %mul3A_450 : i32 to vector<16xi32>
        %mul3A_452 = arith.muli %get3A_449, %mul3A_451 : vector<16xi32>
        %add3A_453 = vector.broadcast %arg1 : i32 to vector<16xi32>
        %add3A_454 = arith.addi %mul3A_452, %add3A_453 : vector<16xi32>
        %swap3A = arith.index_cast %scan3A_446 : i32 to index
        %swap3A_455 = arith.constant 0 : index
        %swap3A_456 = tpu.vector_load %arg9[%swap3A, %swap3A_455] {strides = array<i32>} : memref<8x256xi32, #tpu.memory_space<vmem>>, vector<16xi32>,
        tpu.vector_store %arg9[%swap3A, %swap3A_455], %add3A_454 {strides = array<i32>} : memref<8x256xi32, #tpu.memory_space<vmem>>, vector<16xi32>,
        %get3A_457 = arith.index_cast %scan3A_446 : i32 to index
        %get3A_458 = arith.constant 16 : index
        %get3A_459 = tpu.vector_load %arg9[%get3A_457, %get3A_458] {strides = array<i32>} : memref<8x256xi32, #tpu.memory_space<vmem>>, vector<16xi32>,
        %mul3A_460 = arith.constant 16 : i32
        %mul3A_461 = vector.broadcast %mul3A_460 : i32 to vector<16xi32>
        %mul3A_462 = arith.muli %get3A_459, %mul3A_461 : vector<16xi32>
        %add3A_463 = vector.broadcast %arg1 : i32 to vector<16xi32>
        %add3A_464 = arith.addi %mul3A_462, %add3A_463 : vector<16xi32>
        %swap3A_465 = arith.index_cast %scan3A_446 : i32 to index
        %swap3A_466 = arith.constant 16 : index
        %swap3A_467 = tpu.vector_load %arg9[%swap3A_465, %swap3A_466] {strides = array<i32>} : memref<8x256xi32, #tpu.memory_space<vmem>>, vector<16xi32>,
        tpu.vector_store %arg9[%swap3A_465, %swap3A_466], %add3A_464 {strides = array<i32>} : memref<8x256xi32, #tpu.memory_space<vmem>>, vector<16xi32>,
        %get3A_468 = arith.index_cast %scan3A_446 : i32 to index
        %get3A_469 = arith.constant 32 : index
        %get3A_470 = tpu.vector_load %arg9[%get3A_468, %get3A_469] {strides = array<i32>} : memref<8x256xi32, #tpu.memory_space<vmem>>, vector<16xi32>,
        %mul3A_471 = arith.constant 16 : i32
        %mul3A_472 = vector.broadcast %mul3A_471 : i32 to vector<16xi32>
        %mul3A_473 = arith.muli %get3A_470, %mul3A_472 : vector<16xi32>
        %add3A_474 = vector.broadcast %arg1 : i32 to vector<16xi32>
        %add3A_475 = arith.addi %mul3A_473, %add3A_474 : vector<16xi32>
        %swap3A_476 = arith.index_cast %scan3A_446 : i32 to index
        %swap3A_477 = arith.constant 32 : index
        %swap3A_478 = tpu.vector_load %arg9[%swap3A_476, %swap3A_477] {strides = array<i32>} : memref<8x256xi32, #tpu.memory_space<vmem>>, vector<16xi32>,
        tpu.vector_store %arg9[%swap3A_476, %swap3A_477], %add3A_475 {strides = array<i32>} : memref<8x256xi32, #tpu.memory_space<vmem>>, vector<16xi32>,
        %get3A_479 = arith.index_cast %scan3A_446 : i32 to index
        %get3A_480 = arith.constant 48 : index
        %get3A_481 = tpu.vector_load %arg9[%get3A_479, %get3A_480] {strides = array<i32>} : memref<8x256xi32, #tpu.memory_space<vmem>>, vector<16xi32>,
        %mul3A_482 = arith.constant 16 : i32
        %mul3A_483 = vector.broadcast %mul3A_482 : i32 to vector<16xi32>
        %mul3A_484 = arith.muli %get3A_481, %mul3A_483 : vector<16xi32>
        %add3A_485 = vector.broadcast %arg1 : i32 to vector<16xi32>
        %add3A_486 = arith.addi %mul3A_484, %add3A_485 : vector<16xi32>
        %swap3A_487 = arith.index_cast %scan3A_446 : i32 to index
        %swap3A_488 = arith.constant 48 : index
        %swap3A_489 = tpu.vector_load %arg9[%swap3A_487, %swap3A_488] {strides = array<i32>} : memref<8x256xi32, #tpu.memory_space<vmem>>, vector<16xi32>,
        tpu.vector_store %arg9[%swap3A_487, %swap3A_488], %add3A_486 {strides = array<i32>} : memref<8x256xi32, #tpu.memory_space<vmem>>, vector<16xi32>,
        %get3A_490 = arith.index_cast %scan3A_446 : i32 to index
        %get3A_491 = arith.constant 64 : index
        %get3A_492 = tpu.vector_load %arg9[%get3A_490, %get3A_491] {strides = array<i32>} : memref<8x256xi32, #tpu.memory_space<vmem>>, vector<16xi32>,
        %mul3A_493 = arith.constant 16 : i32
        %mul3A_494 = vector.broadcast %mul3A_493 : i32 to vector<16xi32>
        %mul3A_495 = arith.muli %get3A_492, %mul3A_494 : vector<16xi32>
        %add3A_496 = vector.broadcast %arg1 : i32 to vector<16xi32>
        %add3A_497 = arith.addi %mul3A_495, %add3A_496 : vector<16xi32>
        %swap3A_498 = arith.index_cast %scan3A_446 : i32 to index
        %swap3A_499 = arith.constant 64 : index
        %swap3A_500 = tpu.vector_load %arg9[%swap3A_498, %swap3A_499] {strides = array<i32>} : memref<8x256xi32, #tpu.memory_space<vmem>>, vector<16xi32>,
        tpu.vector_store %arg9[%swap3A_498, %swap3A_499], %add3A_497 {strides = array<i32>} : memref<8x256xi32, #tpu.memory_space<vmem>>, vector<16xi32>,
        %get3A_501 = arith.index_cast %scan3A_446 : i32 to index
        %get3A_502 = arith.constant 80 : index
        %get3A_503 = tpu.vector_load %arg9[%get3A_501, %get3A_502] {strides = array<i32>} : memref<8x256xi32, #tpu.memory_space<vmem>>, vector<16xi32>,
        %mul3A_504 = arith.constant 16 : i32
        %mul3A_505 = vector.broadcast %mul3A_504 : i32 to vector<16xi32>
        %mul3A_506 = arith.muli %get3A_503, %mul3A_505 : vector<16xi32>
        %add3A_507 = vector.broadcast %arg1 : i32 to vector<16xi32>
        %add3A_508 = arith.addi %mul3A_506, %add3A_507 : vector<16xi32>
        %swap3A_509 = arith.index_cast %scan3A_446 : i32 to index
        %swap3A_510 = arith.constant 80 : index
        %swap3A_511 = tpu.vector_load %arg9[%swap3A_509, %swap3A_510] {strides = array<i32>} : memref<8x256xi32, #tpu.memory_space<vmem>>, vector<16xi32>,
        tpu.vector_store %arg9[%swap3A_509, %swap3A_510], %add3A_508 {strides = array<i32>} : memref<8x256xi32, #tpu.memory_space<vmem>>, vector<16xi32>,
        %get3A_512 = arith.index_cast %scan3A_446 : i32 to index
        %get3A_513 = arith.constant 96 : index
        %get3A_514 = tpu.vector_load %arg9[%get3A_512, %get3A_513] {strides = array<i32>} : memref<8x256xi32, #tpu.memory_space<vmem>>, vector<16xi32>,
        %mul3A_515 = arith.constant 16 : i32
        %mul3A_516 = vector.broadcast %mul3A_515 : i32 to vector<16xi32>
        %mul3A_517 = arith.muli %get3A_514, %mul3A_516 : vector<16xi32>
        %add3A_518 = vector.broadcast %arg1 : i32 to vector<16xi32>
        %add3A_519 = arith.addi %mul3A_517, %add3A_518 : vector<16xi32>
        %swap3A_520 = arith.index_cast %scan3A_446 : i32 to index
        %swap3A_521 = arith.constant 96 : index
        %swap3A_522 = tpu.vector_load %arg9[%swap3A_520, %swap3A_521] {strides = array<i32>} : memref<8x256xi32, #tpu.memory_space<vmem>>, vector<16xi32>,
        tpu.vector_store %arg9[%swap3A_520, %swap3A_521], %add3A_519 {strides = array<i32>} : memref<8x256xi32, #tpu.memory_space<vmem>>, vector<16xi32>,
        %get3A_523 = arith.index_cast %scan3A_446 : i32 to index
        %get3A_524 = arith.constant 112 : index
        %get3A_525 = tpu.vector_load %arg9[%get3A_523, %get3A_524] {strides = array<i32>} : memref<8x256xi32, #tpu.memory_space<vmem>>, vector<16xi32>,
        %mul3A_526 = arith.constant 16 : i32
        %mul3A_527 = vector.broadcast %mul3A_526 : i32 to vector<16xi32>
        %mul3A_528 = arith.muli %get3A_525, %mul3A_527 : vector<16xi32>
        %add3A_529 = vector.broadcast %arg1 : i32 to vector<16xi32>
        %add3A_530 = arith.addi %mul3A_528, %add3A_529 : vector<16xi32>
        %swap3A_531 = arith.index_cast %scan3A_446 : i32 to index
        %swap3A_532 = arith.constant 112 : index
        %swap3A_533 = tpu.vector_load %arg9[%swap3A_531, %swap3A_532] {strides = array<i32>} : memref<8x256xi32, #tpu.memory_space<vmem>>, vector<16xi32>,
        tpu.vector_store %arg9[%swap3A_531, %swap3A_532], %add3A_530 {strides = array<i32>} : memref<8x256xi32, #tpu.memory_space<vmem>>, vector<16xi32>,
        %get3A_534 = arith.index_cast %scan3A_446 : i32 to index
        %get3A_535 = arith.constant 128 : index
        %get3A_536 = tpu.vector_load %arg9[%get3A_534, %get3A_535] {strides = array<i32>} : memref<8x256xi32, #tpu.memory_space<vmem>>, vector<16xi32>,
        %mul3A_537 = arith.constant 16 : i32
        %mul3A_538 = vector.broadcast %mul3A_537 : i32 to vector<16xi32>
        %mul3A_539 = arith.muli %get3A_536, %mul3A_538 : vector<16xi32>
        %add3A_540 = vector.broadcast %arg1 : i32 to vector<16xi32>
        %add3A_541 = arith.addi %mul3A_539, %add3A_540 : vector<16xi32>
        %swap3A_542 = arith.index_cast %scan3A_446 : i32 to index
        %swap3A_543 = arith.constant 128 : index
        %swap3A_544 = tpu.vector_load %arg9[%swap3A_542, %swap3A_543] {strides = array<i32>} : memref<8x256xi32, #tpu.memory_space<vmem>>, vector<16xi32>,
        tpu.vector_store %arg9[%swap3A_542, %swap3A_543], %add3A_541 {strides = array<i32>} : memref<8x256xi32, #tpu.memory_space<vmem>>, vector<16xi32>,
        %get3A_545 = arith.index_cast %scan3A_446 : i32 to index
        %get3A_546 = arith.constant 144 : index
        %get3A_547 = tpu.vector_load %arg9[%get3A_545, %get3A_546] {strides = array<i32>} : memref<8x256xi32, #tpu.memory_space<vmem>>, vector<16xi32>,
        %mul3A_548 = arith.constant 16 : i32
        %mul3A_549 = vector.broadcast %mul3A_548 : i32 to vector<16xi32>
        %mul3A_550 = arith.muli %get3A_547, %mul3A_549 : vector<16xi32>
        %add3A_551 = vector.broadcast %arg1 : i32 to vector<16xi32>
        %add3A_552 = arith.addi %mul3A_550, %add3A_551 : vector<16xi32>
        %swap3A_553 = arith.index_cast %scan3A_446 : i32 to index
        %swap3A_554 = arith.constant 144 : index
        %swap3A_555 = tpu.vector_load %arg9[%swap3A_553, %swap3A_554] {strides = array<i32>} : memref<8x256xi32, #tpu.memory_space<vmem>>, vector<16xi32>,
        tpu.vector_store %arg9[%swap3A_553, %swap3A_554], %add3A_552 {strides = array<i32>} : memref<8x256xi32, #tpu.memory_space<vmem>>, vector<16xi32>,
        %get3A_556 = arith.index_cast %scan3A_446 : i32 to index
        %get3A_557 = arith.constant 160 : index
        %get3A_558 = tpu.vector_load %arg9[%get3A_556, %get3A_557] {strides = array<i32>} : memref<8x256xi32, #tpu.memory_space<vmem>>, vector<16xi32>,
        %mul3A_559 = arith.constant 16 : i32
        %mul3A_560 = vector.broadcast %mul3A_559 : i32 to vector<16xi32>
        %mul3A_561 = arith.muli %get3A_558, %mul3A_560 : vector<16xi32>
        %add3A_562 = vector.broadcast %arg1 : i32 to vector<16xi32>
        %add3A_563 = arith.addi %mul3A_561, %add3A_562 : vector<16xi32>
        %swap3A_564 = arith.index_cast %scan3A_446 : i32 to index
        %swap3A_565 = arith.constant 160 : index
        %swap3A_566 = tpu.vector_load %arg9[%swap3A_564, %swap3A_565] {strides = array<i32>} : memref<8x256xi32, #tpu.memory_space<vmem>>, vector<16xi32>,
        tpu.vector_store %arg9[%swap3A_564, %swap3A_565], %add3A_563 {strides = array<i32>} : memref<8x256xi32, #tpu.memory_space<vmem>>, vector<16xi32>,
        %get3A_567 = arith.index_cast %scan3A_446 : i32 to index
        %get3A_568 = arith.constant 176 : index
        %get3A_569 = tpu.vector_load %arg9[%get3A_567, %get3A_568] {strides = array<i32>} : memref<8x256xi32, #tpu.memory_space<vmem>>, vector<16xi32>,
        %mul3A_570 = arith.constant 16 : i32
        %mul3A_571 = vector.broadcast %mul3A_570 : i32 to vector<16xi32>
        %mul3A_572 = arith.muli %get3A_569, %mul3A_571 : vector<16xi32>
        %add3A_573 = vector.broadcast %arg1 : i32 to vector<16xi32>
        %add3A_574 = arith.addi %mul3A_572, %add3A_573 : vector<16xi32>
        %swap3A_575 = arith.index_cast %scan3A_446 : i32 to index
        %swap3A_576 = arith.constant 176 : index
        %swap3A_577 = tpu.vector_load %arg9[%swap3A_575, %swap3A_576] {strides = array<i32>} : memref<8x256xi32, #tpu.memory_space<vmem>>, vector<16xi32>,
        tpu.vector_store %arg9[%swap3A_575, %swap3A_576], %add3A_574 {strides = array<i32>} : memref<8x256xi32, #tpu.memory_space<vmem>>, vector<16xi32>,
        %get3A_578 = arith.index_cast %scan3A_446 : i32 to index
        %get3A_579 = arith.constant 192 : index
        %get3A_580 = tpu.vector_load %arg9[%get3A_578, %get3A_579] {strides = array<i32>} : memref<8x256xi32, #tpu.memory_space<vmem>>, vector<16xi32>,
        %mul3A_581 = arith.constant 16 : i32
        %mul3A_582 = vector.broadcast %mul3A_581 : i32 to vector<16xi32>
        %mul3A_583 = arith.muli %get3A_580, %mul3A_582 : vector<16xi32>
        %add3A_584 = vector.broadcast %arg1 : i32 to vector<16xi32>
        %add3A_585 = arith.addi %mul3A_583, %add3A_584 : vector<16xi32>
        %swap3A_586 = arith.index_cast %scan3A_446 : i32 to index
        %swap3A_587 = arith.constant 192 : index
        %swap3A_588 = tpu.vector_load %arg9[%swap3A_586, %swap3A_587] {strides = array<i32>} : memref<8x256xi32, #tpu.memory_space<vmem>>, vector<16xi32>,
        tpu.vector_store %arg9[%swap3A_586, %swap3A_587], %add3A_585 {strides = array<i32>} : memref<8x256xi32, #tpu.memory_space<vmem>>, vector<16xi32>,
        %get3A_589 = arith.index_cast %scan3A_446 : i32 to index
        %get3A_590 = arith.constant 208 : index
        %get3A_591 = tpu.vector_load %arg9[%get3A_589, %get3A_590] {strides = array<i32>} : memref<8x256xi32, #tpu.memory_space<vmem>>, vector<16xi32>,
        %mul3A_592 = arith.constant 16 : i32
        %mul3A_593 = vector.broadcast %mul3A_592 : i32 to vector<16xi32>
        %mul3A_594 = arith.muli %get3A_591, %mul3A_593 : vector<16xi32>
        %add3A_595 = vector.broadcast %arg1 : i32 to vector<16xi32>
        %add3A_596 = arith.addi %mul3A_594, %add3A_595 : vector<16xi32>
        %swap3A_597 = arith.index_cast %scan3A_446 : i32 to index
        %swap3A_598 = arith.constant 208 : index
        %swap3A_599 = tpu.vector_load %arg9[%swap3A_597, %swap3A_598] {strides = array<i32>} : memref<8x256xi32, #tpu.memory_space<vmem>>, vector<16xi32>,
        tpu.vector_store %arg9[%swap3A_597, %swap3A_598], %add3A_596 {strides = array<i32>} : memref<8x256xi32, #tpu.memory_space<vmem>>, vector<16xi32>,
        %get3A_600 = arith.index_cast %scan3A_446 : i32 to index
        %get3A_601 = arith.constant 224 : index
        %get3A_602 = tpu.vector_load %arg9[%get3A_600, %get3A_601] {strides = array<i32>} : memref<8x256xi32, #tpu.memory_space<vmem>>, vector<16xi32>,
        %mul3A_603 = arith.constant 16 : i32
        %mul3A_604 = vector.broadcast %mul3A_603 : i32 to vector<16xi32>
        %mul3A_605 = arith.muli %get3A_602, %mul3A_604 : vector<16xi32>
        %add3A_606 = vector.broadcast %arg1 : i32 to vector<16xi32>
        %add3A_607 = arith.addi %mul3A_605, %add3A_606 : vector<16xi32>
        %swap3A_608 = arith.index_cast %scan3A_446 : i32 to index
        %swap3A_609 = arith.constant 224 : index
        %swap3A_610 = tpu.vector_load %arg9[%swap3A_608, %swap3A_609] {strides = array<i32>} : memref<8x256xi32, #tpu.memory_space<vmem>>, vector<16xi32>,
        tpu.vector_store %arg9[%swap3A_608, %swap3A_609], %add3A_607 {strides = array<i32>} : memref<8x256xi32, #tpu.memory_space<vmem>>, vector<16xi32>,
        %get3A_611 = arith.index_cast %scan3A_446 : i32 to index
        %get3A_612 = arith.constant 240 : index
        %get3A_613 = tpu.vector_load %arg9[%get3A_611, %get3A_612] {strides = array<i32>} : memref<8x256xi32, #tpu.memory_space<vmem>>, vector<16xi32>,
        %mul3A_614 = arith.constant 16 : i32
        %mul3A_615 = vector.broadcast %mul3A_614 : i32 to vector<16xi32>
        %mul3A_616 = arith.muli %get3A_613, %mul3A_615 : vector<16xi32>
        %add3A_617 = vector.broadcast %arg1 : i32 to vector<16xi32>
        %add3A_618 = arith.addi %mul3A_616, %add3A_617 : vector<16xi32>
        %swap3A_619 = arith.index_cast %scan3A_446 : i32 to index
        %swap3A_620 = arith.constant 240 : index
        %swap3A_621 = tpu.vector_load %arg9[%swap3A_619, %swap3A_620] {strides = array<i32>} : memref<8x256xi32, #tpu.memory_space<vmem>>, vector<16xi32>,
        tpu.vector_store %arg9[%swap3A_619, %swap3A_620], %add3A_618 {strides = array<i32>} : memref<8x256xi32, #tpu.memory_space<vmem>>, vector<16xi32>,
        %scan3A_622 = arith.constant 0 : i32
        scf.yield %scan3A_622 : i32
      }
      %scan3A_264 = arith.constant 8 : i32
      %dma_start3A_265 = arith.constant 0 : i32
      %dma_start3A_266 = arith.constant 0 : i32
      %dma_start3A_267 = tpu.memref_slice %arg9[%dma_start3A_265, %dma_start3A_266] : memref<8x256xi32, #tpu.memory_space<vmem>> -> memref<1x256xi32, #tpu.memory_space<vmem>>
      %dma_start3A_268 = tpu.memref_squeeze %dma_start3A_267 : memref<1x256xi32, #tpu.memory_space<vmem>> -> memref<256xi32, #tpu.memory_space<vmem>>
      %dma_start3A_269 = arith.constant 0 : i32
      %dma_start3A_270 = arith.constant 0 : i32
      %dma_start3A_271 = tpu.memref_slice %arg2[%dma_start3A_269, %dma_start3A_270] : memref<65536x16xf32, #tpu.memory_space<hbm>> -> memref<65536x16xf32, #tpu.memory_space<hbm>>
      tpu.enqueue_indirect_dma source(%dma_start3A_271 : memref<65536x16xf32, #tpu.memory_space<hbm>>) target(%arg10 : memref<256x16xf32, #tpu.memory_space<vmem>>) offsets(%dma_start3A_268 : memref<256xi32, #tpu.memory_space<vmem>>) semaphore(%arg21 : memref<!tpu.dma_semaphore, #tpu.memory_space<semaphore_mem>>)
      %dma_start3A_272 = arith.constant 1 : i32
      %dma_start3A_273 = arith.constant 0 : i32
      %dma_start3A_274 = tpu.memref_slice %arg9[%dma_start3A_272, %dma_start3A_273] : memref<8x256xi32, #tpu.memory_space<vmem>> -> memref<1x256xi32, #tpu.memory_space<vmem>>
      %dma_start3A_275 = tpu.memref_squeeze %dma_start3A_274 : memref<1x256xi32, #tpu.memory_space<vmem>> -> memref<256xi32, #tpu.memory_space<vmem>>
      %dma_start3A_276 = arith.constant 0 : i32
      %dma_start3A_277 = arith.constant 0 : i32
      %dma_start3A_278 = tpu.memref_slice %arg2[%dma_start3A_276, %dma_start3A_277] : memref<65536x16xf32, #tpu.memory_space<hbm>> -> memref<65536x16xf32, #tpu.memory_space<hbm>>
      tpu.enqueue_indirect_dma source(%dma_start3A_278 : memref<65536x16xf32, #tpu.memory_space<hbm>>) target(%arg11 : memref<256x16xf32, #tpu.memory_space<vmem>>) offsets(%dma_start3A_275 : memref<256xi32, #tpu.memory_space<vmem>>) semaphore(%arg22 : memref<!tpu.dma_semaphore, #tpu.memory_space<semaphore_mem>>)
      %dma_start3A_279 = arith.constant 2 : i32
      %dma_start3A_280 = arith.constant 0 : i32
      %dma_start3A_281 = tpu.memref_slice %arg9[%dma_start3A_279, %dma_start3A_280] : memref<8x256xi32, #tpu.memory_space<vmem>> -> memref<1x256xi32, #tpu.memory_space<vmem>>
      %dma_start3A_282 = tpu.memref_squeeze %dma_start3A_281 : memref<1x256xi32, #tpu.memory_space<vmem>> -> memref<256xi32, #tpu.memory_space<vmem>>
      %dma_start3A_283 = arith.constant 0 : i32
      %dma_start3A_284 = arith.constant 0 : i32
      %dma_start3A_285 = tpu.memref_slice %arg2[%dma_start3A_283, %dma_start3A_284] : memref<65536x16xf32, #tpu.memory_space<hbm>> -> memref<65536x16xf32, #tpu.memory_space<hbm>>
      tpu.enqueue_indirect_dma source(%dma_start3A_285 : memref<65536x16xf32, #tpu.memory_space<hbm>>) target(%arg12 : memref<256x16xf32, #tpu.memory_space<vmem>>) offsets(%dma_start3A_282 : memref<256xi32, #tpu.memory_space<vmem>>) semaphore(%arg23 : memref<!tpu.dma_semaphore, #tpu.memory_space<semaphore_mem>>)
      %dma_start3A_286 = arith.constant 3 : i32
      %dma_start3A_287 = arith.constant 0 : i32
      %dma_start3A_288 = tpu.memref_slice %arg9[%dma_start3A_286, %dma_start3A_287] : memref<8x256xi32, #tpu.memory_space<vmem>> -> memref<1x256xi32, #tpu.memory_space<vmem>>
      %dma_start3A_289 = tpu.memref_squeeze %dma_start3A_288 : memref<1x256xi32, #tpu.memory_space<vmem>> -> memref<256xi32, #tpu.memory_space<vmem>>
      %dma_start3A_290 = arith.constant 0 : i32
      %dma_start3A_291 = arith.constant 0 : i32
      %dma_start3A_292 = tpu.memref_slice %arg2[%dma_start3A_290, %dma_start3A_291] : memref<65536x16xf32, #tpu.memory_space<hbm>> -> memref<65536x16xf32, #tpu.memory_space<hbm>>
      tpu.enqueue_indirect_dma source(%dma_start3A_292 : memref<65536x16xf32, #tpu.memory_space<hbm>>) target(%arg13 : memref<256x16xf32, #tpu.memory_space<vmem>>) offsets(%dma_start3A_289 : memref<256xi32, #tpu.memory_space<vmem>>) semaphore(%arg24 : memref<!tpu.dma_semaphore, #tpu.memory_space<semaphore_mem>>)
      %dma_start3A_293 = arith.constant 4 : i32
      %dma_start3A_294 = arith.constant 0 : i32
      %dma_start3A_295 = tpu.memref_slice %arg9[%dma_start3A_293, %dma_start3A_294] : memref<8x256xi32, #tpu.memory_space<vmem>> -> memref<1x256xi32, #tpu.memory_space<vmem>>
      %dma_start3A_296 = tpu.memref_squeeze %dma_start3A_295 : memref<1x256xi32, #tpu.memory_space<vmem>> -> memref<256xi32, #tpu.memory_space<vmem>>
      %dma_start3A_297 = arith.constant 0 : i32
      %dma_start3A_298 = arith.constant 0 : i32
      %dma_start3A_299 = tpu.memref_slice %arg2[%dma_start3A_297, %dma_start3A_298] : memref<65536x16xf32, #tpu.memory_space<hbm>> -> memref<65536x16xf32, #tpu.memory_space<hbm>>
      tpu.enqueue_indirect_dma source(%dma_start3A_299 : memref<65536x16xf32, #tpu.memory_space<hbm>>) target(%arg14 : memref<256x16xf32, #tpu.memory_space<vmem>>) offsets(%dma_start3A_296 : memref<256xi32, #tpu.memory_space<vmem>>) semaphore(%arg25 : memref<!tpu.dma_semaphore, #tpu.memory_space<semaphore_mem>>)
      %dma_start3A_300 = arith.constant 5 : i32
      %dma_start3A_301 = arith.constant 0 : i32
      %dma_start3A_302 = tpu.memref_slice %arg9[%dma_start3A_300, %dma_start3A_301] : memref<8x256xi32, #tpu.memory_space<vmem>> -> memref<1x256xi32, #tpu.memory_space<vmem>>
      %dma_start3A_303 = tpu.memref_squeeze %dma_start3A_302 : memref<1x256xi32, #tpu.memory_space<vmem>> -> memref<256xi32, #tpu.memory_space<vmem>>
      %dma_start3A_304 = arith.constant 0 : i32
      %dma_start3A_305 = arith.constant 0 : i32
      %dma_start3A_306 = tpu.memref_slice %arg2[%dma_start3A_304, %dma_start3A_305] : memref<65536x16xf32, #tpu.memory_space<hbm>> -> memref<65536x16xf32, #tpu.memory_space<hbm>>
      tpu.enqueue_indirect_dma source(%dma_start3A_306 : memref<65536x16xf32, #tpu.memory_space<hbm>>) target(%arg15 : memref<256x16xf32, #tpu.memory_space<vmem>>) offsets(%dma_start3A_303 : memref<256xi32, #tpu.memory_space<vmem>>) semaphore(%arg26 : memref<!tpu.dma_semaphore, #tpu.memory_space<semaphore_mem>>)
      %dma_start3A_307 = arith.constant 6 : i32
      %dma_start3A_308 = arith.constant 0 : i32
      %dma_start3A_309 = tpu.memref_slice %arg9[%dma_start3A_307, %dma_start3A_308] : memref<8x256xi32, #tpu.memory_space<vmem>> -> memref<1x256xi32, #tpu.memory_space<vmem>>
      %dma_start3A_310 = tpu.memref_squeeze %dma_start3A_309 : memref<1x256xi32, #tpu.memory_space<vmem>> -> memref<256xi32, #tpu.memory_space<vmem>>
      %dma_start3A_311 = arith.constant 0 : i32
      %dma_start3A_312 = arith.constant 0 : i32
      %dma_start3A_313 = tpu.memref_slice %arg2[%dma_start3A_311, %dma_start3A_312] : memref<65536x16xf32, #tpu.memory_space<hbm>> -> memref<65536x16xf32, #tpu.memory_space<hbm>>
      tpu.enqueue_indirect_dma source(%dma_start3A_313 : memref<65536x16xf32, #tpu.memory_space<hbm>>) target(%arg16 : memref<256x16xf32, #tpu.memory_space<vmem>>) offsets(%dma_start3A_310 : memref<256xi32, #tpu.memory_space<vmem>>) semaphore(%arg27 : memref<!tpu.dma_semaphore, #tpu.memory_space<semaphore_mem>>)
      %dma_start3A_314 = arith.constant 7 : i32
      %dma_start3A_315 = arith.constant 0 : i32
      %dma_start3A_316 = tpu.memref_slice %arg9[%dma_start3A_314, %dma_start3A_315] : memref<8x256xi32, #tpu.memory_space<vmem>> -> memref<1x256xi32, #tpu.memory_space<vmem>>
      %dma_start3A_317 = tpu.memref_squeeze %dma_start3A_316 : memref<1x256xi32, #tpu.memory_space<vmem>> -> memref<256xi32, #tpu.memory_space<vmem>>
      %dma_start3A_318 = arith.constant 0 : i32
      %dma_start3A_319 = arith.constant 0 : i32
      %dma_start3A_320 = tpu.memref_slice %arg2[%dma_start3A_318, %dma_start3A_319] : memref<65536x16xf32, #tpu.memory_space<hbm>> -> memref<65536x16xf32, #tpu.memory_space<hbm>>
      tpu.enqueue_indirect_dma source(%dma_start3A_320 : memref<65536x16xf32, #tpu.memory_space<hbm>>) target(%arg17 : memref<256x16xf32, #tpu.memory_space<vmem>>) offsets(%dma_start3A_317 : memref<256xi32, #tpu.memory_space<vmem>>) semaphore(%arg28 : memref<!tpu.dma_semaphore, #tpu.memory_space<semaphore_mem>>)
      %scan3A_321 = arith.constant 0 : i32
      %scan3A_322 = arith.constant 0 : i32
      %scan3A_323 = arith.constant 0 : i32
      %scan3A_324 = arith.addi %scan3A_322, %scan3A_323 : i32
      %scan3A_325 = arith.constant 0 : i32
      %dma_wait3A_326 = arith.constant 0 : i32
      %dma_wait3A_327 = arith.constant 0 : i32
      %dma_wait3A_328 = tpu.memref_slice %arg9[%dma_wait3A_326, %dma_wait3A_327] : memref<8x256xi32, #tpu.memory_space<vmem>> -> memref<1x256xi32, #tpu.memory_space<vmem>>
      %dma_wait3A_329 = tpu.memref_squeeze %dma_wait3A_328 : memref<1x256xi32, #tpu.memory_space<vmem>> -> memref<256xi32, #tpu.memory_space<vmem>>
      %dma_wait3A_330 = arith.constant 0 : i32
      %dma_wait3A_331 = arith.constant 0 : i32
      %dma_wait3A_332 = tpu.memref_slice %arg2[%dma_wait3A_330, %dma_wait3A_331] : memref<65536x16xf32, #tpu.memory_space<hbm>> -> memref<65536x16xf32, #tpu.memory_space<hbm>>
      tpu.wait_indirect_dma semaphore(%arg21 : memref<!tpu.dma_semaphore, #tpu.memory_space<semaphore_mem>>) src(%dma_wait3A_332 : memref<65536x16xf32, #tpu.memory_space<hbm>>) dst(%arg10 : memref<256x16xf32, #tpu.memory_space<vmem>>)
      %scan3A_333 = arith.constant 0 : i32
      %scan3A_334 = arith.constant 0 : i32
      %scan3A_335 = arith.constant 16 : i32
      %scan3A_336 = arith.addi %scan3A_334, %scan3A_335 : i32
      %scan3A_337 = arith.constant 1 : i32
      %scan3A_338 = scf.for %scan3A_446 = %scan3A_334 to %scan3A_336 step %scan3A_337 iter_args(%scan3A_447 = %scan3A_333) -> (i32)  : i32 {
        %mul3A_448 = arith.constant 16 : i32
        %mul3A_449 = arith.muli %scan3A_446, %mul3A_448 : i32
        %get3A = arith.constant 0 : i32
        %get3A_450 = arith.index_cast %get3A : i32 to index
        %get3A_451 = arith.index_cast %mul3A_449 : i32 to index
        %get3A_452 = tpu.vector_load %arg7[%get3A_450, %get3A_451] {strides = array<i32>} : memref<8x256xi32, #tpu.memory_space<vmem>>, vector<16xi32>,
        %mul3A_453 = arith.constant 16 : i32
        %mul3A_454 = arith.muli %scan3A_446, %mul3A_453 : i32
        %add3A_455 = arith.constant 0 : i32
        %add3A_456 = arith.addi %mul3A_454, %add3A_455 : i32
        %get3A_457 = arith.index_cast %add3A_456 : i32 to index
        %get3A_458 = arith.constant 0 : index
        %get3A_459 = tpu.vector_load %arg10[%get3A_457, %get3A_458] {strides = array<i32>} : memref<256x16xf32, #tpu.memory_space<vmem>>, vector<16xf32>,
        %mul3A_460 = arith.constant 16 : i32
        %mul3A_461 = arith.muli %scan3A_446, %mul3A_460 : i32
        %add3A_462 = arith.constant 1 : i32
        %add3A_463 = arith.addi %mul3A_461, %add3A_462 : i32
        %get3A_464 = arith.index_cast %add3A_463 : i32 to index
        %get3A_465 = arith.constant 0 : index
        %get3A_466 = tpu.vector_load %arg10[%get3A_464, %get3A_465] {strides = array<i32>} : memref<256x16xf32, #tpu.memory_space<vmem>>, vector<16xf32>,
        %mul3A_467 = arith.constant 16 : i32
        %mul3A_468 = arith.muli %scan3A_446, %mul3A_467 : i32
        %add3A_469 = arith.constant 2 : i32
        %add3A_470 = arith.addi %mul3A_468, %add3A_469 : i32
        %get3A_471 = arith.index_cast %add3A_470 : i32 to index
        %get3A_472 = arith.constant 0 : index
        %get3A_473 = tpu.vector_load %arg10[%get3A_471, %get3A_472] {strides = array<i32>} : memref<256x16xf32, #tpu.memory_space<vmem>>, vector<16xf32>,
        %mul3A_474 = arith.constant 16 : i32
        %mul3A_475 = arith.muli %scan3A_446, %mul3A_474 : i32
        %add3A_476 = arith.constant 3 : i32
        %add3A_477 = arith.addi %mul3A_475, %add3A_476 : i32
        %get3A_478 = arith.index_cast %add3A_477 : i32 to index
        %get3A_479 = arith.constant 0 : index
        %get3A_480 = tpu.vector_load %arg10[%get3A_478, %get3A_479] {strides = array<i32>} : memref<256x16xf32, #tpu.memory_space<vmem>>, vector<16xf32>,
        %mul3A_481 = arith.constant 16 : i32
        %mul3A_482 = arith.muli %scan3A_446, %mul3A_481 : i32
        %add3A_483 = arith.constant 4 : i32
        %add3A_484 = arith.addi %mul3A_482, %add3A_483 : i32
        %get3A_485 = arith.index_cast %add3A_484 : i32 to index
        %get3A_486 = arith.constant 0 : index
        %get3A_487 = tpu.vector_load %arg10[%get3A_485, %get3A_486] {strides = array<i32>} : memref<256x16xf32, #tpu.memory_space<vmem>>, vector<16xf32>,
        %mul3A_488 = arith.constant 16 : i32
        %mul3A_489 = arith.muli %scan3A_446, %mul3A_488 : i32
        %add3A_490 = arith.constant 5 : i32
        %add3A_491 = arith.addi %mul3A_489, %add3A_490 : i32
        %get3A_492 = arith.index_cast %add3A_491 : i32 to index
        %get3A_493 = arith.constant 0 : index
        %get3A_494 = tpu.vector_load %arg10[%get3A_492, %get3A_493] {strides = array<i32>} : memref<256x16xf32, #tpu.memory_space<vmem>>, vector<16xf32>,
        %mul3A_495 = arith.constant 16 : i32
        %mul3A_496 = arith.muli %scan3A_446, %mul3A_495 : i32
        %add3A_497 = arith.constant 6 : i32
        %add3A_498 = arith.addi %mul3A_496, %add3A_497 : i32
        %get3A_499 = arith.index_cast %add3A_498 : i32 to index
        %get3A_500 = arith.constant 0 : index
        %get3A_501 = tpu.vector_load %arg10[%get3A_499, %get3A_500] {strides = array<i32>} : memref<256x16xf32, #tpu.memory_space<vmem>>, vector<16xf32>,
        %mul3A_502 = arith.constant 16 : i32
        %mul3A_503 = arith.muli %scan3A_446, %mul3A_502 : i32
        %add3A_504 = arith.constant 7 : i32
        %add3A_505 = arith.addi %mul3A_503, %add3A_504 : i32
        %get3A_506 = arith.index_cast %add3A_505 : i32 to index
        %get3A_507 = arith.constant 0 : index
        %get3A_508 = tpu.vector_load %arg10[%get3A_506, %get3A_507] {strides = array<i32>} : memref<256x16xf32, #tpu.memory_space<vmem>>, vector<16xf32>,
        %mul3A_509 = arith.constant 16 : i32
        %mul3A_510 = arith.muli %scan3A_446, %mul3A_509 : i32
        %add3A_511 = arith.constant 8 : i32
        %add3A_512 = arith.addi %mul3A_510, %add3A_511 : i32
        %get3A_513 = arith.index_cast %add3A_512 : i32 to index
        %get3A_514 = arith.constant 0 : index
        %get3A_515 = tpu.vector_load %arg10[%get3A_513, %get3A_514] {strides = array<i32>} : memref<256x16xf32, #tpu.memory_space<vmem>>, vector<16xf32>,
        %mul3A_516 = arith.constant 16 : i32
        %mul3A_517 = arith.muli %scan3A_446, %mul3A_516 : i32
        %add3A_518 = arith.constant 9 : i32
        %add3A_519 = arith.addi %mul3A_517, %add3A_518 : i32
        %get3A_520 = arith.index_cast %add3A_519 : i32 to index
        %get3A_521 = arith.constant 0 : index
        %get3A_522 = tpu.vector_load %arg10[%get3A_520, %get3A_521] {strides = array<i32>} : memref<256x16xf32, #tpu.memory_space<vmem>>, vector<16xf32>,
        %mul3A_523 = arith.constant 16 : i32
        %mul3A_524 = arith.muli %scan3A_446, %mul3A_523 : i32
        %add3A_525 = arith.constant 10 : i32
        %add3A_526 = arith.addi %mul3A_524, %add3A_525 : i32
        %get3A_527 = arith.index_cast %add3A_526 : i32 to index
        %get3A_528 = arith.constant 0 : index
        %get3A_529 = tpu.vector_load %arg10[%get3A_527, %get3A_528] {strides = array<i32>} : memref<256x16xf32, #tpu.memory_space<vmem>>, vector<16xf32>,
        %mul3A_530 = arith.constant 16 : i32
        %mul3A_531 = arith.muli %scan3A_446, %mul3A_530 : i32
        %add3A_532 = arith.constant 11 : i32
        %add3A_533 = arith.addi %mul3A_531, %add3A_532 : i32
        %get3A_534 = arith.index_cast %add3A_533 : i32 to index
        %get3A_535 = arith.constant 0 : index
        %get3A_536 = tpu.vector_load %arg10[%get3A_534, %get3A_535] {strides = array<i32>} : memref<256x16xf32, #tpu.memory_space<vmem>>, vector<16xf32>,
        %mul3A_537 = arith.constant 16 : i32
        %mul3A_538 = arith.muli %scan3A_446, %mul3A_537 : i32
        %add3A_539 = arith.constant 12 : i32
        %add3A_540 = arith.addi %mul3A_538, %add3A_539 : i32
        %get3A_541 = arith.index_cast %add3A_540 : i32 to index
        %get3A_542 = arith.constant 0 : index
        %get3A_543 = tpu.vector_load %arg10[%get3A_541, %get3A_542] {strides = array<i32>} : memref<256x16xf32, #tpu.memory_space<vmem>>, vector<16xf32>,
        %mul3A_544 = arith.constant 16 : i32
        %mul3A_545 = arith.muli %scan3A_446, %mul3A_544 : i32
        %add3A_546 = arith.constant 13 : i32
        %add3A_547 = arith.addi %mul3A_545, %add3A_546 : i32
        %get3A_548 = arith.index_cast %add3A_547 : i32 to index
        %get3A_549 = arith.constant 0 : index
        %get3A_550 = tpu.vector_load %arg10[%get3A_548, %get3A_549] {strides = array<i32>} : memref<256x16xf32, #tpu.memory_space<vmem>>, vector<16xf32>,
        %mul3A_551 = arith.constant 16 : i32
        %mul3A_552 = arith.muli %scan3A_446, %mul3A_551 : i32
        %add3A_553 = arith.constant 14 : i32
        %add3A_554 = arith.addi %mul3A_552, %add3A_553 : i32
        %get3A_555 = arith.index_cast %add3A_554 : i32 to index
        %get3A_556 = arith.constant 0 : index
        %get3A_557 = tpu.vector_load %arg10[%get3A_555, %get3A_556] {strides = array<i32>} : memref<256x16xf32, #tpu.memory_space<vmem>>, vector<16xf32>,
        %mul3A_558 = arith.constant 16 : i32
        %mul3A_559 = arith.muli %scan3A_446, %mul3A_558 : i32
        %add3A_560 = arith.constant 15 : i32
        %add3A_561 = arith.addi %mul3A_559, %add3A_560 : i32
        %get3A_562 = arith.index_cast %add3A_561 : i32 to index
        %get3A_563 = arith.constant 0 : index
        %get3A_564 = tpu.vector_load %arg10[%get3A_562, %get3A_563] {strides = array<i32>} : memref<256x16xf32, #tpu.memory_space<vmem>>, vector<16xf32>,
        %broadcast_in_dim3A_565 = arith.constant 0 : i32
        %broadcast_in_dim3A_566 = vector.broadcast %broadcast_in_dim3A_565 : i32 to vector<16x1xi32>
        %gather3A = vector.shape_cast %broadcast_in_dim3A_566 : vector<16x1xi32> to vector<16xi32>
        %gather3A_567 = tpu.dynamic_gather %get3A_452[%gather3A] in [0] : vector<16xi32>, vector<16xi32> -> vector<16xi32>
        %broadcast_in_dim3A_568 = arith.constant 1 : i32
        %broadcast_in_dim3A_569 = vector.broadcast %broadcast_in_dim3A_568 : i32 to vector<16x1xi32>
        %gather3A_570 = vector.shape_cast %broadcast_in_dim3A_569 : vector<16x1xi32> to vector<16xi32>
        %gather3A_571 = tpu.dynamic_gather %get3A_452[%gather3A_570] in [0] : vector<16xi32>, vector<16xi32> -> vector<16xi32>
        %broadcast_in_dim3A_572 = arith.constant 2 : i32
        %broadcast_in_dim3A_573 = vector.broadcast %broadcast_in_dim3A_572 : i32 to vector<16x1xi32>
        %gather3A_574 = vector.shape_cast %broadcast_in_dim3A_573 : vector<16x1xi32> to vector<16xi32>
        %gather3A_575 = tpu.dynamic_gather %get3A_452[%gather3A_574] in [0] : vector<16xi32>, vector<16xi32> -> vector<16xi32>
        %broadcast_in_dim3A_576 = arith.constant 3 : i32
        %broadcast_in_dim3A_577 = vector.broadcast %broadcast_in_dim3A_576 : i32 to vector<16x1xi32>
        %gather3A_578 = vector.shape_cast %broadcast_in_dim3A_577 : vector<16x1xi32> to vector<16xi32>
        %gather3A_579 = tpu.dynamic_gather %get3A_452[%gather3A_578] in [0] : vector<16xi32>, vector<16xi32> -> vector<16xi32>
        %broadcast_in_dim3A_580 = arith.constant 4 : i32
        %broadcast_in_dim3A_581 = vector.broadcast %broadcast_in_dim3A_580 : i32 to vector<16x1xi32>
        %gather3A_582 = vector.shape_cast %broadcast_in_dim3A_581 : vector<16x1xi32> to vector<16xi32>
        %gather3A_583 = tpu.dynamic_gather %get3A_452[%gather3A_582] in [0] : vector<16xi32>, vector<16xi32> -> vector<16xi32>
        %broadcast_in_dim3A_584 = arith.constant 5 : i32
        %broadcast_in_dim3A_585 = vector.broadcast %broadcast_in_dim3A_584 : i32 to vector<16x1xi32>
        %gather3A_586 = vector.shape_cast %broadcast_in_dim3A_585 : vector<16x1xi32> to vector<16xi32>
        %gather3A_587 = tpu.dynamic_gather %get3A_452[%gather3A_586] in [0] : vector<16xi32>, vector<16xi32> -> vector<16xi32>
        %broadcast_in_dim3A_588 = arith.constant 6 : i32
        %broadcast_in_dim3A_589 = vector.broadcast %broadcast_in_dim3A_588 : i32 to vector<16x1xi32>
        %gather3A_590 = vector.shape_cast %broadcast_in_dim3A_589 : vector<16x1xi32> to vector<16xi32>
        %gather3A_591 = tpu.dynamic_gather %get3A_452[%gather3A_590] in [0] : vector<16xi32>, vector<16xi32> -> vector<16xi32>
        %broadcast_in_dim3A_592 = arith.constant 7 : i32
        %broadcast_in_dim3A_593 = vector.broadcast %broadcast_in_dim3A_592 : i32 to vector<16x1xi32>
        %gather3A_594 = vector.shape_cast %broadcast_in_dim3A_593 : vector<16x1xi32> to vector<16xi32>
        %gather3A_595 = tpu.dynamic_gather %get3A_452[%gather3A_594] in [0] : vector<16xi32>, vector<16xi32> -> vector<16xi32>
        %broadcast_in_dim3A_596 = arith.constant 8 : i32
        %broadcast_in_dim3A_597 = vector.broadcast %broadcast_in_dim3A_596 : i32 to vector<16x1xi32>
        %gather3A_598 = vector.shape_cast %broadcast_in_dim3A_597 : vector<16x1xi32> to vector<16xi32>
        %gather3A_599 = tpu.dynamic_gather %get3A_452[%gather3A_598] in [0] : vector<16xi32>, vector<16xi32> -> vector<16xi32>
        %broadcast_in_dim3A_600 = arith.constant 9 : i32
        %broadcast_in_dim3A_601 = vector.broadcast %broadcast_in_dim3A_600 : i32 to vector<16x1xi32>
        %gather3A_602 = vector.shape_cast %broadcast_in_dim3A_601 : vector<16x1xi32> to vector<16xi32>
        %gather3A_603 = tpu.dynamic_gather %get3A_452[%gather3A_602] in [0] : vector<16xi32>, vector<16xi32> -> vector<16xi32>
        %broadcast_in_dim3A_604 = arith.constant 10 : i32
        %broadcast_in_dim3A_605 = vector.broadcast %broadcast_in_dim3A_604 : i32 to vector<16x1xi32>
        %gather3A_606 = vector.shape_cast %broadcast_in_dim3A_605 : vector<16x1xi32> to vector<16xi32>
        %gather3A_607 = tpu.dynamic_gather %get3A_452[%gather3A_606] in [0] : vector<16xi32>, vector<16xi32> -> vector<16xi32>
        %broadcast_in_dim3A_608 = arith.constant 11 : i32
        %broadcast_in_dim3A_609 = vector.broadcast %broadcast_in_dim3A_608 : i32 to vector<16x1xi32>
        %gather3A_610 = vector.shape_cast %broadcast_in_dim3A_609 : vector<16x1xi32> to vector<16xi32>
        %gather3A_611 = tpu.dynamic_gather %get3A_452[%gather3A_610] in [0] : vector<16xi32>, vector<16xi32> -> vector<16xi32>
        %broadcast_in_dim3A_612 = arith.constant 12 : i32
        %broadcast_in_dim3A_613 = vector.broadcast %broadcast_in_dim3A_612 : i32 to vector<16x1xi32>
        %gather3A_614 = vector.shape_cast %broadcast_in_dim3A_613 : vector<16x1xi32> to vector<16xi32>
        %gather3A_615 = tpu.dynamic_gather %get3A_452[%gather3A_614] in [0] : vector<16xi32>, vector<16xi32> -> vector<16xi32>
        %broadcast_in_dim3A_616 = arith.constant 13 : i32
        %broadcast_in_dim3A_617 = vector.broadcast %broadcast_in_dim3A_616 : i32 to vector<16x1xi32>
        %gather3A_618 = vector.shape_cast %broadcast_in_dim3A_617 : vector<16x1xi32> to vector<16xi32>
        %gather3A_619 = tpu.dynamic_gather %get3A_452[%gather3A_618] in [0] : vector<16xi32>, vector<16xi32> -> vector<16xi32>
        %broadcast_in_dim3A_620 = arith.constant 14 : i32
        %broadcast_in_dim3A_621 = vector.broadcast %broadcast_in_dim3A_620 : i32 to vector<16x1xi32>
        %gather3A_622 = vector.shape_cast %broadcast_in_dim3A_621 : vector<16x1xi32> to vector<16xi32>
        %gather3A_623 = tpu.dynamic_gather %get3A_452[%gather3A_622] in [0] : vector<16xi32>, vector<16xi32> -> vector<16xi32>
        %broadcast_in_dim3A_624 = arith.constant 15 : i32
        %broadcast_in_dim3A_625 = vector.broadcast %broadcast_in_dim3A_624 : i32 to vector<16x1xi32>
        %gather3A_626 = vector.shape_cast %broadcast_in_dim3A_625 : vector<16x1xi32> to vector<16xi32>
        %gather3A_627 = tpu.dynamic_gather %get3A_452[%gather3A_626] in [0] : vector<16xi32>, vector<16xi32> -> vector<16xi32>
        tpu.vector_store_idx %arg18[%gather3A_567, %iota3A], %get3A_459 {add = true} : memref<4096x16xf32, #tpu.memory_space<vmem>>[vector<16xi32>, vector<16xi32>], vector<16xf32>,
        tpu.vector_store_idx %arg18[%gather3A_571, %iota3A], %get3A_466 {add = true} : memref<4096x16xf32, #tpu.memory_space<vmem>>[vector<16xi32>, vector<16xi32>], vector<16xf32>,
        tpu.vector_store_idx %arg18[%gather3A_575, %iota3A], %get3A_473 {add = true} : memref<4096x16xf32, #tpu.memory_space<vmem>>[vector<16xi32>, vector<16xi32>], vector<16xf32>,
        tpu.vector_store_idx %arg18[%gather3A_579, %iota3A], %get3A_480 {add = true} : memref<4096x16xf32, #tpu.memory_space<vmem>>[vector<16xi32>, vector<16xi32>], vector<16xf32>,
        tpu.vector_store_idx %arg18[%gather3A_583, %iota3A], %get3A_487 {add = true} : memref<4096x16xf32, #tpu.memory_space<vmem>>[vector<16xi32>, vector<16xi32>], vector<16xf32>,
        tpu.vector_store_idx %arg18[%gather3A_587, %iota3A], %get3A_494 {add = true} : memref<4096x16xf32, #tpu.memory_space<vmem>>[vector<16xi32>, vector<16xi32>], vector<16xf32>,
        tpu.vector_store_idx %arg18[%gather3A_591, %iota3A], %get3A_501 {add = true} : memref<4096x16xf32, #tpu.memory_space<vmem>>[vector<16xi32>, vector<16xi32>], vector<16xf32>,
        tpu.vector_store_idx %arg18[%gather3A_595, %iota3A], %get3A_508 {add = true} : memref<4096x16xf32, #tpu.memory_space<vmem>>[vector<16xi32>, vector<16xi32>], vector<16xf32>,
        tpu.vector_store_idx %arg18[%gather3A_599, %iota3A], %get3A_515 {add = true} : memref<4096x16xf32, #tpu.memory_space<vmem>>[vector<16xi32>, vector<16xi32>], vector<16xf32>,
        tpu.vector_store_idx %arg18[%gather3A_603, %iota3A], %get3A_522 {add = true} : memref<4096x16xf32, #tpu.memory_space<vmem>>[vector<16xi32>, vector<16xi32>], vector<16xf32>,
        tpu.vector_store_idx %arg18[%gather3A_607, %iota3A], %get3A_529 {add = true} : memref<4096x16xf32, #tpu.memory_space<vmem>>[vector<16xi32>, vector<16xi32>], vector<16xf32>,
        tpu.vector_store_idx %arg18[%gather3A_611, %iota3A], %get3A_536 {add = true} : memref<4096x16xf32, #tpu.memory_space<vmem>>[vector<16xi32>, vector<16xi32>], vector<16xf32>,
        tpu.vector_store_idx %arg18[%gather3A_615, %iota3A], %get3A_543 {add = true} : memref<4096x16xf32, #tpu.memory_space<vmem>>[vector<16xi32>, vector<16xi32>], vector<16xf32>,
        tpu.vector_store_idx %arg18[%gather3A_619, %iota3A], %get3A_550 {add = true} : memref<4096x16xf32, #tpu.memory_space<vmem>>[vector<16xi32>, vector<16xi32>], vector<16xf32>,
        tpu.vector_store_idx %arg18[%gather3A_623, %iota3A], %get3A_557 {add = true} : memref<4096x16xf32, #tpu.memory_space<vmem>>[vector<16xi32>, vector<16xi32>], vector<16xf32>,
        tpu.vector_store_idx %arg18[%gather3A_627, %iota3A], %get3A_564 {add = true} : memref<4096x16xf32, #tpu.memory_space<vmem>>[vector<16xi32>, vector<16xi32>], vector<16xf32>,
        %scan3A_628 = arith.constant 0 : i32
        scf.yield %scan3A_628 : i32
      }
      %scan3A_339 = arith.constant 16 : i32
      %dma_wait3A_340 = arith.constant 1 : i32
      %dma_wait3A_341 = arith.constant 0 : i32
      %dma_wait3A_342 = tpu.memref_slice %arg9[%dma_wait3A_340, %dma_wait3A_341] : memref<8x256xi32, #tpu.memory_space<vmem>> -> memref<1x256xi32, #tpu.memory_space<vmem>>
      %dma_wait3A_343 = tpu.memref_squeeze %dma_wait3A_342 : memref<1x256xi32, #tpu.memory_space<vmem>> -> memref<256xi32, #tpu.memory_space<vmem>>
      %dma_wait3A_344 = arith.constant 0 : i32
      %dma_wait3A_345 = arith.constant 0 : i32
      %dma_wait3A_346 = tpu.memref_slice %arg2[%dma_wait3A_344, %dma_wait3A_345] : memref<65536x16xf32, #tpu.memory_space<hbm>> -> memref<65536x16xf32, #tpu.memory_space<hbm>>
      tpu.wait_indirect_dma semaphore(%arg22 : memref<!tpu.dma_semaphore, #tpu.memory_space<semaphore_mem>>) src(%dma_wait3A_346 : memref<65536x16xf32, #tpu.memory_space<hbm>>) dst(%arg11 : memref<256x16xf32, #tpu.memory_space<vmem>>)
      %scan3A_347 = arith.constant 0 : i32
      %scan3A_348 = arith.constant 0 : i32
      %scan3A_349 = arith.constant 16 : i32
      %scan3A_350 = arith.addi %scan3A_348, %scan3A_349 : i32
      %scan3A_351 = arith.constant 1 : i32
      %scan3A_352 = scf.for %scan3A_446 = %scan3A_348 to %scan3A_350 step %scan3A_351 iter_args(%scan3A_447 = %scan3A_347) -> (i32)  : i32 {
        %mul3A_448 = arith.constant 16 : i32
        %mul3A_449 = arith.muli %scan3A_446, %mul3A_448 : i32
        %get3A = arith.constant 1 : i32
        %get3A_450 = arith.index_cast %get3A : i32 to index
        %get3A_451 = arith.index_cast %mul3A_449 : i32 to index
        %get3A_452 = tpu.vector_load %arg7[%get3A_450, %get3A_451] {strides = array<i32>} : memref<8x256xi32, #tpu.memory_space<vmem>>, vector<16xi32>,
        %mul3A_453 = arith.constant 16 : i32
        %mul3A_454 = arith.muli %scan3A_446, %mul3A_453 : i32
        %add3A_455 = arith.constant 0 : i32
        %add3A_456 = arith.addi %mul3A_454, %add3A_455 : i32
        %get3A_457 = arith.index_cast %add3A_456 : i32 to index
        %get3A_458 = arith.constant 0 : index
        %get3A_459 = tpu.vector_load %arg11[%get3A_457, %get3A_458] {strides = array<i32>} : memref<256x16xf32, #tpu.memory_space<vmem>>, vector<16xf32>,
        %mul3A_460 = arith.constant 16 : i32
        %mul3A_461 = arith.muli %scan3A_446, %mul3A_460 : i32
        %add3A_462 = arith.constant 1 : i32
        %add3A_463 = arith.addi %mul3A_461, %add3A_462 : i32
        %get3A_464 = arith.index_cast %add3A_463 : i32 to index
        %get3A_465 = arith.constant 0 : index
        %get3A_466 = tpu.vector_load %arg11[%get3A_464, %get3A_465] {strides = array<i32>} : memref<256x16xf32, #tpu.memory_space<vmem>>, vector<16xf32>,
        %mul3A_467 = arith.constant 16 : i32
        %mul3A_468 = arith.muli %scan3A_446, %mul3A_467 : i32
        %add3A_469 = arith.constant 2 : i32
        %add3A_470 = arith.addi %mul3A_468, %add3A_469 : i32
        %get3A_471 = arith.index_cast %add3A_470 : i32 to index
        %get3A_472 = arith.constant 0 : index
        %get3A_473 = tpu.vector_load %arg11[%get3A_471, %get3A_472] {strides = array<i32>} : memref<256x16xf32, #tpu.memory_space<vmem>>, vector<16xf32>,
        %mul3A_474 = arith.constant 16 : i32
        %mul3A_475 = arith.muli %scan3A_446, %mul3A_474 : i32
        %add3A_476 = arith.constant 3 : i32
        %add3A_477 = arith.addi %mul3A_475, %add3A_476 : i32
        %get3A_478 = arith.index_cast %add3A_477 : i32 to index
        %get3A_479 = arith.constant 0 : index
        %get3A_480 = tpu.vector_load %arg11[%get3A_478, %get3A_479] {strides = array<i32>} : memref<256x16xf32, #tpu.memory_space<vmem>>, vector<16xf32>,
        %mul3A_481 = arith.constant 16 : i32
        %mul3A_482 = arith.muli %scan3A_446, %mul3A_481 : i32
        %add3A_483 = arith.constant 4 : i32
        %add3A_484 = arith.addi %mul3A_482, %add3A_483 : i32
        %get3A_485 = arith.index_cast %add3A_484 : i32 to index
        %get3A_486 = arith.constant 0 : index
        %get3A_487 = tpu.vector_load %arg11[%get3A_485, %get3A_486] {strides = array<i32>} : memref<256x16xf32, #tpu.memory_space<vmem>>, vector<16xf32>,
        %mul3A_488 = arith.constant 16 : i32
        %mul3A_489 = arith.muli %scan3A_446, %mul3A_488 : i32
        %add3A_490 = arith.constant 5 : i32
        %add3A_491 = arith.addi %mul3A_489, %add3A_490 : i32
        %get3A_492 = arith.index_cast %add3A_491 : i32 to index
        %get3A_493 = arith.constant 0 : index
        %get3A_494 = tpu.vector_load %arg11[%get3A_492, %get3A_493] {strides = array<i32>} : memref<256x16xf32, #tpu.memory_space<vmem>>, vector<16xf32>,
        %mul3A_495 = arith.constant 16 : i32
        %mul3A_496 = arith.muli %scan3A_446, %mul3A_495 : i32
        %add3A_497 = arith.constant 6 : i32
        %add3A_498 = arith.addi %mul3A_496, %add3A_497 : i32
        %get3A_499 = arith.index_cast %add3A_498 : i32 to index
        %get3A_500 = arith.constant 0 : index
        %get3A_501 = tpu.vector_load %arg11[%get3A_499, %get3A_500] {strides = array<i32>} : memref<256x16xf32, #tpu.memory_space<vmem>>, vector<16xf32>,
        %mul3A_502 = arith.constant 16 : i32
        %mul3A_503 = arith.muli %scan3A_446, %mul3A_502 : i32
        %add3A_504 = arith.constant 7 : i32
        %add3A_505 = arith.addi %mul3A_503, %add3A_504 : i32
        %get3A_506 = arith.index_cast %add3A_505 : i32 to index
        %get3A_507 = arith.constant 0 : index
        %get3A_508 = tpu.vector_load %arg11[%get3A_506, %get3A_507] {strides = array<i32>} : memref<256x16xf32, #tpu.memory_space<vmem>>, vector<16xf32>,
        %mul3A_509 = arith.constant 16 : i32
        %mul3A_510 = arith.muli %scan3A_446, %mul3A_509 : i32
        %add3A_511 = arith.constant 8 : i32
        %add3A_512 = arith.addi %mul3A_510, %add3A_511 : i32
        %get3A_513 = arith.index_cast %add3A_512 : i32 to index
        %get3A_514 = arith.constant 0 : index
        %get3A_515 = tpu.vector_load %arg11[%get3A_513, %get3A_514] {strides = array<i32>} : memref<256x16xf32, #tpu.memory_space<vmem>>, vector<16xf32>,
        %mul3A_516 = arith.constant 16 : i32
        %mul3A_517 = arith.muli %scan3A_446, %mul3A_516 : i32
        %add3A_518 = arith.constant 9 : i32
        %add3A_519 = arith.addi %mul3A_517, %add3A_518 : i32
        %get3A_520 = arith.index_cast %add3A_519 : i32 to index
        %get3A_521 = arith.constant 0 : index
        %get3A_522 = tpu.vector_load %arg11[%get3A_520, %get3A_521] {strides = array<i32>} : memref<256x16xf32, #tpu.memory_space<vmem>>, vector<16xf32>,
        %mul3A_523 = arith.constant 16 : i32
        %mul3A_524 = arith.muli %scan3A_446, %mul3A_523 : i32
        %add3A_525 = arith.constant 10 : i32
        %add3A_526 = arith.addi %mul3A_524, %add3A_525 : i32
        %get3A_527 = arith.index_cast %add3A_526 : i32 to index
        %get3A_528 = arith.constant 0 : index
        %get3A_529 = tpu.vector_load %arg11[%get3A_527, %get3A_528] {strides = array<i32>} : memref<256x16xf32, #tpu.memory_space<vmem>>, vector<16xf32>,
        %mul3A_530 = arith.constant 16 : i32
        %mul3A_531 = arith.muli %scan3A_446, %mul3A_530 : i32
        %add3A_532 = arith.constant 11 : i32
        %add3A_533 = arith.addi %mul3A_531, %add3A_532 : i32
        %get3A_534 = arith.index_cast %add3A_533 : i32 to index
        %get3A_535 = arith.constant 0 : index
        %get3A_536 = tpu.vector_load %arg11[%get3A_534, %get3A_535] {strides = array<i32>} : memref<256x16xf32, #tpu.memory_space<vmem>>, vector<16xf32>,
        %mul3A_537 = arith.constant 16 : i32
        %mul3A_538 = arith.muli %scan3A_446, %mul3A_537 : i32
        %add3A_539 = arith.constant 12 : i32
        %add3A_540 = arith.addi %mul3A_538, %add3A_539 : i32
        %get3A_541 = arith.index_cast %add3A_540 : i32 to index
        %get3A_542 = arith.constant 0 : index
        %get3A_543 = tpu.vector_load %arg11[%get3A_541, %get3A_542] {strides = array<i32>} : memref<256x16xf32, #tpu.memory_space<vmem>>, vector<16xf32>,
        %mul3A_544 = arith.constant 16 : i32
        %mul3A_545 = arith.muli %scan3A_446, %mul3A_544 : i32
        %add3A_546 = arith.constant 13 : i32
        %add3A_547 = arith.addi %mul3A_545, %add3A_546 : i32
        %get3A_548 = arith.index_cast %add3A_547 : i32 to index
        %get3A_549 = arith.constant 0 : index
        %get3A_550 = tpu.vector_load %arg11[%get3A_548, %get3A_549] {strides = array<i32>} : memref<256x16xf32, #tpu.memory_space<vmem>>, vector<16xf32>,
        %mul3A_551 = arith.constant 16 : i32
        %mul3A_552 = arith.muli %scan3A_446, %mul3A_551 : i32
        %add3A_553 = arith.constant 14 : i32
        %add3A_554 = arith.addi %mul3A_552, %add3A_553 : i32
        %get3A_555 = arith.index_cast %add3A_554 : i32 to index
        %get3A_556 = arith.constant 0 : index
        %get3A_557 = tpu.vector_load %arg11[%get3A_555, %get3A_556] {strides = array<i32>} : memref<256x16xf32, #tpu.memory_space<vmem>>, vector<16xf32>,
        %mul3A_558 = arith.constant 16 : i32
        %mul3A_559 = arith.muli %scan3A_446, %mul3A_558 : i32
        %add3A_560 = arith.constant 15 : i32
        %add3A_561 = arith.addi %mul3A_559, %add3A_560 : i32
        %get3A_562 = arith.index_cast %add3A_561 : i32 to index
        %get3A_563 = arith.constant 0 : index
        %get3A_564 = tpu.vector_load %arg11[%get3A_562, %get3A_563] {strides = array<i32>} : memref<256x16xf32, #tpu.memory_space<vmem>>, vector<16xf32>,
        %broadcast_in_dim3A_565 = arith.constant 0 : i32
        %broadcast_in_dim3A_566 = vector.broadcast %broadcast_in_dim3A_565 : i32 to vector<16x1xi32>
        %gather3A = vector.shape_cast %broadcast_in_dim3A_566 : vector<16x1xi32> to vector<16xi32>
        %gather3A_567 = tpu.dynamic_gather %get3A_452[%gather3A] in [0] : vector<16xi32>, vector<16xi32> -> vector<16xi32>
        %broadcast_in_dim3A_568 = arith.constant 1 : i32
        %broadcast_in_dim3A_569 = vector.broadcast %broadcast_in_dim3A_568 : i32 to vector<16x1xi32>
        %gather3A_570 = vector.shape_cast %broadcast_in_dim3A_569 : vector<16x1xi32> to vector<16xi32>
        %gather3A_571 = tpu.dynamic_gather %get3A_452[%gather3A_570] in [0] : vector<16xi32>, vector<16xi32> -> vector<16xi32>
        %broadcast_in_dim3A_572 = arith.constant 2 : i32
        %broadcast_in_dim3A_573 = vector.broadcast %broadcast_in_dim3A_572 : i32 to vector<16x1xi32>
        %gather3A_574 = vector.shape_cast %broadcast_in_dim3A_573 : vector<16x1xi32> to vector<16xi32>
        %gather3A_575 = tpu.dynamic_gather %get3A_452[%gather3A_574] in [0] : vector<16xi32>, vector<16xi32> -> vector<16xi32>
        %broadcast_in_dim3A_576 = arith.constant 3 : i32
        %broadcast_in_dim3A_577 = vector.broadcast %broadcast_in_dim3A_576 : i32 to vector<16x1xi32>
        %gather3A_578 = vector.shape_cast %broadcast_in_dim3A_577 : vector<16x1xi32> to vector<16xi32>
        %gather3A_579 = tpu.dynamic_gather %get3A_452[%gather3A_578] in [0] : vector<16xi32>, vector<16xi32> -> vector<16xi32>
        %broadcast_in_dim3A_580 = arith.constant 4 : i32
        %broadcast_in_dim3A_581 = vector.broadcast %broadcast_in_dim3A_580 : i32 to vector<16x1xi32>
        %gather3A_582 = vector.shape_cast %broadcast_in_dim3A_581 : vector<16x1xi32> to vector<16xi32>
        %gather3A_583 = tpu.dynamic_gather %get3A_452[%gather3A_582] in [0] : vector<16xi32>, vector<16xi32> -> vector<16xi32>
        %broadcast_in_dim3A_584 = arith.constant 5 : i32
        %broadcast_in_dim3A_585 = vector.broadcast %broadcast_in_dim3A_584 : i32 to vector<16x1xi32>
        %gather3A_586 = vector.shape_cast %broadcast_in_dim3A_585 : vector<16x1xi32> to vector<16xi32>
        %gather3A_587 = tpu.dynamic_gather %get3A_452[%gather3A_586] in [0] : vector<16xi32>, vector<16xi32> -> vector<16xi32>
        %broadcast_in_dim3A_588 = arith.constant 6 : i32
        %broadcast_in_dim3A_589 = vector.broadcast %broadcast_in_dim3A_588 : i32 to vector<16x1xi32>
        %gather3A_590 = vector.shape_cast %broadcast_in_dim3A_589 : vector<16x1xi32> to vector<16xi32>
        %gather3A_591 = tpu.dynamic_gather %get3A_452[%gather3A_590] in [0] : vector<16xi32>, vector<16xi32> -> vector<16xi32>
        %broadcast_in_dim3A_592 = arith.constant 7 : i32
        %broadcast_in_dim3A_593 = vector.broadcast %broadcast_in_dim3A_592 : i32 to vector<16x1xi32>
        %gather3A_594 = vector.shape_cast %broadcast_in_dim3A_593 : vector<16x1xi32> to vector<16xi32>
        %gather3A_595 = tpu.dynamic_gather %get3A_452[%gather3A_594] in [0] : vector<16xi32>, vector<16xi32> -> vector<16xi32>
        %broadcast_in_dim3A_596 = arith.constant 8 : i32
        %broadcast_in_dim3A_597 = vector.broadcast %broadcast_in_dim3A_596 : i32 to vector<16x1xi32>
        %gather3A_598 = vector.shape_cast %broadcast_in_dim3A_597 : vector<16x1xi32> to vector<16xi32>
        %gather3A_599 = tpu.dynamic_gather %get3A_452[%gather3A_598] in [0] : vector<16xi32>, vector<16xi32> -> vector<16xi32>
        %broadcast_in_dim3A_600 = arith.constant 9 : i32
        %broadcast_in_dim3A_601 = vector.broadcast %broadcast_in_dim3A_600 : i32 to vector<16x1xi32>
        %gather3A_602 = vector.shape_cast %broadcast_in_dim3A_601 : vector<16x1xi32> to vector<16xi32>
        %gather3A_603 = tpu.dynamic_gather %get3A_452[%gather3A_602] in [0] : vector<16xi32>, vector<16xi32> -> vector<16xi32>
        %broadcast_in_dim3A_604 = arith.constant 10 : i32
        %broadcast_in_dim3A_605 = vector.broadcast %broadcast_in_dim3A_604 : i32 to vector<16x1xi32>
        %gather3A_606 = vector.shape_cast %broadcast_in_dim3A_605 : vector<16x1xi32> to vector<16xi32>
        %gather3A_607 = tpu.dynamic_gather %get3A_452[%gather3A_606] in [0] : vector<16xi32>, vector<16xi32> -> vector<16xi32>
        %broadcast_in_dim3A_608 = arith.constant 11 : i32
        %broadcast_in_dim3A_609 = vector.broadcast %broadcast_in_dim3A_608 : i32 to vector<16x1xi32>
        %gather3A_610 = vector.shape_cast %broadcast_in_dim3A_609 : vector<16x1xi32> to vector<16xi32>
        %gather3A_611 = tpu.dynamic_gather %get3A_452[%gather3A_610] in [0] : vector<16xi32>, vector<16xi32> -> vector<16xi32>
        %broadcast_in_dim3A_612 = arith.constant 12 : i32
        %broadcast_in_dim3A_613 = vector.broadcast %broadcast_in_dim3A_612 : i32 to vector<16x1xi32>
        %gather3A_614 = vector.shape_cast %broadcast_in_dim3A_613 : vector<16x1xi32> to vector<16xi32>
        %gather3A_615 = tpu.dynamic_gather %get3A_452[%gather3A_614] in [0] : vector<16xi32>, vector<16xi32> -> vector<16xi32>
        %broadcast_in_dim3A_616 = arith.constant 13 : i32
        %broadcast_in_dim3A_617 = vector.broadcast %broadcast_in_dim3A_616 : i32 to vector<16x1xi32>
        %gather3A_618 = vector.shape_cast %broadcast_in_dim3A_617 : vector<16x1xi32> to vector<16xi32>
        %gather3A_619 = tpu.dynamic_gather %get3A_452[%gather3A_618] in [0] : vector<16xi32>, vector<16xi32> -> vector<16xi32>
        %broadcast_in_dim3A_620 = arith.constant 14 : i32
        %broadcast_in_dim3A_621 = vector.broadcast %broadcast_in_dim3A_620 : i32 to vector<16x1xi32>
        %gather3A_622 = vector.shape_cast %broadcast_in_dim3A_621 : vector<16x1xi32> to vector<16xi32>
        %gather3A_623 = tpu.dynamic_gather %get3A_452[%gather3A_622] in [0] : vector<16xi32>, vector<16xi32> -> vector<16xi32>
        %broadcast_in_dim3A_624 = arith.constant 15 : i32
        %broadcast_in_dim3A_625 = vector.broadcast %broadcast_in_dim3A_624 : i32 to vector<16x1xi32>
        %gather3A_626 = vector.shape_cast %broadcast_in_dim3A_625 : vector<16x1xi32> to vector<16xi32>
        %gather3A_627 = tpu.dynamic_gather %get3A_452[%gather3A_626] in [0] : vector<16xi32>, vector<16xi32> -> vector<16xi32>
        tpu.vector_store_idx %arg18[%gather3A_567, %iota3A], %get3A_459 {add = true} : memref<4096x16xf32, #tpu.memory_space<vmem>>[vector<16xi32>, vector<16xi32>], vector<16xf32>,
        tpu.vector_store_idx %arg18[%gather3A_571, %iota3A], %get3A_466 {add = true} : memref<4096x16xf32, #tpu.memory_space<vmem>>[vector<16xi32>, vector<16xi32>], vector<16xf32>,
        tpu.vector_store_idx %arg18[%gather3A_575, %iota3A], %get3A_473 {add = true} : memref<4096x16xf32, #tpu.memory_space<vmem>>[vector<16xi32>, vector<16xi32>], vector<16xf32>,
        tpu.vector_store_idx %arg18[%gather3A_579, %iota3A], %get3A_480 {add = true} : memref<4096x16xf32, #tpu.memory_space<vmem>>[vector<16xi32>, vector<16xi32>], vector<16xf32>,
        tpu.vector_store_idx %arg18[%gather3A_583, %iota3A], %get3A_487 {add = true} : memref<4096x16xf32, #tpu.memory_space<vmem>>[vector<16xi32>, vector<16xi32>], vector<16xf32>,
        tpu.vector_store_idx %arg18[%gather3A_587, %iota3A], %get3A_494 {add = true} : memref<4096x16xf32, #tpu.memory_space<vmem>>[vector<16xi32>, vector<16xi32>], vector<16xf32>,
        tpu.vector_store_idx %arg18[%gather3A_591, %iota3A], %get3A_501 {add = true} : memref<4096x16xf32, #tpu.memory_space<vmem>>[vector<16xi32>, vector<16xi32>], vector<16xf32>,
        tpu.vector_store_idx %arg18[%gather3A_595, %iota3A], %get3A_508 {add = true} : memref<4096x16xf32, #tpu.memory_space<vmem>>[vector<16xi32>, vector<16xi32>], vector<16xf32>,
        tpu.vector_store_idx %arg18[%gather3A_599, %iota3A], %get3A_515 {add = true} : memref<4096x16xf32, #tpu.memory_space<vmem>>[vector<16xi32>, vector<16xi32>], vector<16xf32>,
        tpu.vector_store_idx %arg18[%gather3A_603, %iota3A], %get3A_522 {add = true} : memref<4096x16xf32, #tpu.memory_space<vmem>>[vector<16xi32>, vector<16xi32>], vector<16xf32>,
        tpu.vector_store_idx %arg18[%gather3A_607, %iota3A], %get3A_529 {add = true} : memref<4096x16xf32, #tpu.memory_space<vmem>>[vector<16xi32>, vector<16xi32>], vector<16xf32>,
        tpu.vector_store_idx %arg18[%gather3A_611, %iota3A], %get3A_536 {add = true} : memref<4096x16xf32, #tpu.memory_space<vmem>>[vector<16xi32>, vector<16xi32>], vector<16xf32>,
        tpu.vector_store_idx %arg18[%gather3A_615, %iota3A], %get3A_543 {add = true} : memref<4096x16xf32, #tpu.memory_space<vmem>>[vector<16xi32>, vector<16xi32>], vector<16xf32>,
        tpu.vector_store_idx %arg18[%gather3A_619, %iota3A], %get3A_550 {add = true} : memref<4096x16xf32, #tpu.memory_space<vmem>>[vector<16xi32>, vector<16xi32>], vector<16xf32>,
        tpu.vector_store_idx %arg18[%gather3A_623, %iota3A], %get3A_557 {add = true} : memref<4096x16xf32, #tpu.memory_space<vmem>>[vector<16xi32>, vector<16xi32>], vector<16xf32>,
        tpu.vector_store_idx %arg18[%gather3A_627, %iota3A], %get3A_564 {add = true} : memref<4096x16xf32, #tpu.memory_space<vmem>>[vector<16xi32>, vector<16xi32>], vector<16xf32>,
        %scan3A_628 = arith.constant 0 : i32
        scf.yield %scan3A_628 : i32
      }
      %scan3A_353 = arith.constant 16 : i32
      %dma_wait3A_354 = arith.constant 2 : i32
      %dma_wait3A_355 = arith.constant 0 : i32
      %dma_wait3A_356 = tpu.memref_slice %arg9[%dma_wait3A_354, %dma_wait3A_355] : memref<8x256xi32, #tpu.memory_space<vmem>> -> memref<1x256xi32, #tpu.memory_space<vmem>>
      %dma_wait3A_357 = tpu.memref_squeeze %dma_wait3A_356 : memref<1x256xi32, #tpu.memory_space<vmem>> -> memref<256xi32, #tpu.memory_space<vmem>>
      %dma_wait3A_358 = arith.constant 0 : i32
      %dma_wait3A_359 = arith.constant 0 : i32
      %dma_wait3A_360 = tpu.memref_slice %arg2[%dma_wait3A_358, %dma_wait3A_359] : memref<65536x16xf32, #tpu.memory_space<hbm>> -> memref<65536x16xf32, #tpu.memory_space<hbm>>
      tpu.wait_indirect_dma semaphore(%arg23 : memref<!tpu.dma_semaphore, #tpu.memory_space<semaphore_mem>>) src(%dma_wait3A_360 : memref<65536x16xf32, #tpu.memory_space<hbm>>) dst(%arg12 : memref<256x16xf32, #tpu.memory_space<vmem>>)
      %scan3A_361 = arith.constant 0 : i32
      %scan3A_362 = arith.constant 0 : i32
      %scan3A_363 = arith.constant 16 : i32
      %scan3A_364 = arith.addi %scan3A_362, %scan3A_363 : i32
      %scan3A_365 = arith.constant 1 : i32
      %scan3A_366 = scf.for %scan3A_446 = %scan3A_362 to %scan3A_364 step %scan3A_365 iter_args(%scan3A_447 = %scan3A_361) -> (i32)  : i32 {
        %mul3A_448 = arith.constant 16 : i32
        %mul3A_449 = arith.muli %scan3A_446, %mul3A_448 : i32
        %get3A = arith.constant 2 : i32
        %get3A_450 = arith.index_cast %get3A : i32 to index
        %get3A_451 = arith.index_cast %mul3A_449 : i32 to index
        %get3A_452 = tpu.vector_load %arg7[%get3A_450, %get3A_451] {strides = array<i32>} : memref<8x256xi32, #tpu.memory_space<vmem>>, vector<16xi32>,
        %mul3A_453 = arith.constant 16 : i32
        %mul3A_454 = arith.muli %scan3A_446, %mul3A_453 : i32
        %add3A_455 = arith.constant 0 : i32
        %add3A_456 = arith.addi %mul3A_454, %add3A_455 : i32
        %get3A_457 = arith.index_cast %add3A_456 : i32 to index
        %get3A_458 = arith.constant 0 : index
        %get3A_459 = tpu.vector_load %arg12[%get3A_457, %get3A_458] {strides = array<i32>} : memref<256x16xf32, #tpu.memory_space<vmem>>, vector<16xf32>,
        %mul3A_460 = arith.constant 16 : i32
        %mul3A_461 = arith.muli %scan3A_446, %mul3A_460 : i32
        %add3A_462 = arith.constant 1 : i32
        %add3A_463 = arith.addi %mul3A_461, %add3A_462 : i32
        %get3A_464 = arith.index_cast %add3A_463 : i32 to index
        %get3A_465 = arith.constant 0 : index
        %get3A_466 = tpu.vector_load %arg12[%get3A_464, %get3A_465] {strides = array<i32>} : memref<256x16xf32, #tpu.memory_space<vmem>>, vector<16xf32>,
        %mul3A_467 = arith.constant 16 : i32
        %mul3A_468 = arith.muli %scan3A_446, %mul3A_467 : i32
        %add3A_469 = arith.constant 2 : i32
        %add3A_470 = arith.addi %mul3A_468, %add3A_469 : i32
        %get3A_471 = arith.index_cast %add3A_470 : i32 to index
        %get3A_472 = arith.constant 0 : index
        %get3A_473 = tpu.vector_load %arg12[%get3A_471, %get3A_472] {strides = array<i32>} : memref<256x16xf32, #tpu.memory_space<vmem>>, vector<16xf32>,
        %mul3A_474 = arith.constant 16 : i32
        %mul3A_475 = arith.muli %scan3A_446, %mul3A_474 : i32
        %add3A_476 = arith.constant 3 : i32
        %add3A_477 = arith.addi %mul3A_475, %add3A_476 : i32
        %get3A_478 = arith.index_cast %add3A_477 : i32 to index
        %get3A_479 = arith.constant 0 : index
        %get3A_480 = tpu.vector_load %arg12[%get3A_478, %get3A_479] {strides = array<i32>} : memref<256x16xf32, #tpu.memory_space<vmem>>, vector<16xf32>,
        %mul3A_481 = arith.constant 16 : i32
        %mul3A_482 = arith.muli %scan3A_446, %mul3A_481 : i32
        %add3A_483 = arith.constant 4 : i32
        %add3A_484 = arith.addi %mul3A_482, %add3A_483 : i32
        %get3A_485 = arith.index_cast %add3A_484 : i32 to index
        %get3A_486 = arith.constant 0 : index
        %get3A_487 = tpu.vector_load %arg12[%get3A_485, %get3A_486] {strides = array<i32>} : memref<256x16xf32, #tpu.memory_space<vmem>>, vector<16xf32>,
        %mul3A_488 = arith.constant 16 : i32
        %mul3A_489 = arith.muli %scan3A_446, %mul3A_488 : i32
        %add3A_490 = arith.constant 5 : i32
        %add3A_491 = arith.addi %mul3A_489, %add3A_490 : i32
        %get3A_492 = arith.index_cast %add3A_491 : i32 to index
        %get3A_493 = arith.constant 0 : index
        %get3A_494 = tpu.vector_load %arg12[%get3A_492, %get3A_493] {strides = array<i32>} : memref<256x16xf32, #tpu.memory_space<vmem>>, vector<16xf32>,
        %mul3A_495 = arith.constant 16 : i32
        %mul3A_496 = arith.muli %scan3A_446, %mul3A_495 : i32
        %add3A_497 = arith.constant 6 : i32
        %add3A_498 = arith.addi %mul3A_496, %add3A_497 : i32
        %get3A_499 = arith.index_cast %add3A_498 : i32 to index
        %get3A_500 = arith.constant 0 : index
        %get3A_501 = tpu.vector_load %arg12[%get3A_499, %get3A_500] {strides = array<i32>} : memref<256x16xf32, #tpu.memory_space<vmem>>, vector<16xf32>,
        %mul3A_502 = arith.constant 16 : i32
        %mul3A_503 = arith.muli %scan3A_446, %mul3A_502 : i32
        %add3A_504 = arith.constant 7 : i32
        %add3A_505 = arith.addi %mul3A_503, %add3A_504 : i32
        %get3A_506 = arith.index_cast %add3A_505 : i32 to index
        %get3A_507 = arith.constant 0 : index
        %get3A_508 = tpu.vector_load %arg12[%get3A_506, %get3A_507] {strides = array<i32>} : memref<256x16xf32, #tpu.memory_space<vmem>>, vector<16xf32>,
        %mul3A_509 = arith.constant 16 : i32
        %mul3A_510 = arith.muli %scan3A_446, %mul3A_509 : i32
        %add3A_511 = arith.constant 8 : i32
        %add3A_512 = arith.addi %mul3A_510, %add3A_511 : i32
        %get3A_513 = arith.index_cast %add3A_512 : i32 to index
        %get3A_514 = arith.constant 0 : index
        %get3A_515 = tpu.vector_load %arg12[%get3A_513, %get3A_514] {strides = array<i32>} : memref<256x16xf32, #tpu.memory_space<vmem>>, vector<16xf32>,
        %mul3A_516 = arith.constant 16 : i32
        %mul3A_517 = arith.muli %scan3A_446, %mul3A_516 : i32
        %add3A_518 = arith.constant 9 : i32
        %add3A_519 = arith.addi %mul3A_517, %add3A_518 : i32
        %get3A_520 = arith.index_cast %add3A_519 : i32 to index
        %get3A_521 = arith.constant 0 : index
        %get3A_522 = tpu.vector_load %arg12[%get3A_520, %get3A_521] {strides = array<i32>} : memref<256x16xf32, #tpu.memory_space<vmem>>, vector<16xf32>,
        %mul3A_523 = arith.constant 16 : i32
        %mul3A_524 = arith.muli %scan3A_446, %mul3A_523 : i32
        %add3A_525 = arith.constant 10 : i32
        %add3A_526 = arith.addi %mul3A_524, %add3A_525 : i32
        %get3A_527 = arith.index_cast %add3A_526 : i32 to index
        %get3A_528 = arith.constant 0 : index
        %get3A_529 = tpu.vector_load %arg12[%get3A_527, %get3A_528] {strides = array<i32>} : memref<256x16xf32, #tpu.memory_space<vmem>>, vector<16xf32>,
        %mul3A_530 = arith.constant 16 : i32
        %mul3A_531 = arith.muli %scan3A_446, %mul3A_530 : i32
        %add3A_532 = arith.constant 11 : i32
        %add3A_533 = arith.addi %mul3A_531, %add3A_532 : i32
        %get3A_534 = arith.index_cast %add3A_533 : i32 to index
        %get3A_535 = arith.constant 0 : index
        %get3A_536 = tpu.vector_load %arg12[%get3A_534, %get3A_535] {strides = array<i32>} : memref<256x16xf32, #tpu.memory_space<vmem>>, vector<16xf32>,
        %mul3A_537 = arith.constant 16 : i32
        %mul3A_538 = arith.muli %scan3A_446, %mul3A_537 : i32
        %add3A_539 = arith.constant 12 : i32
        %add3A_540 = arith.addi %mul3A_538, %add3A_539 : i32
        %get3A_541 = arith.index_cast %add3A_540 : i32 to index
        %get3A_542 = arith.constant 0 : index
        %get3A_543 = tpu.vector_load %arg12[%get3A_541, %get3A_542] {strides = array<i32>} : memref<256x16xf32, #tpu.memory_space<vmem>>, vector<16xf32>,
        %mul3A_544 = arith.constant 16 : i32
        %mul3A_545 = arith.muli %scan3A_446, %mul3A_544 : i32
        %add3A_546 = arith.constant 13 : i32
        %add3A_547 = arith.addi %mul3A_545, %add3A_546 : i32
        %get3A_548 = arith.index_cast %add3A_547 : i32 to index
        %get3A_549 = arith.constant 0 : index
        %get3A_550 = tpu.vector_load %arg12[%get3A_548, %get3A_549] {strides = array<i32>} : memref<256x16xf32, #tpu.memory_space<vmem>>, vector<16xf32>,
        %mul3A_551 = arith.constant 16 : i32
        %mul3A_552 = arith.muli %scan3A_446, %mul3A_551 : i32
        %add3A_553 = arith.constant 14 : i32
        %add3A_554 = arith.addi %mul3A_552, %add3A_553 : i32
        %get3A_555 = arith.index_cast %add3A_554 : i32 to index
        %get3A_556 = arith.constant 0 : index
        %get3A_557 = tpu.vector_load %arg12[%get3A_555, %get3A_556] {strides = array<i32>} : memref<256x16xf32, #tpu.memory_space<vmem>>, vector<16xf32>,
        %mul3A_558 = arith.constant 16 : i32
        %mul3A_559 = arith.muli %scan3A_446, %mul3A_558 : i32
        %add3A_560 = arith.constant 15 : i32
        %add3A_561 = arith.addi %mul3A_559, %add3A_560 : i32
        %get3A_562 = arith.index_cast %add3A_561 : i32 to index
        %get3A_563 = arith.constant 0 : index
        %get3A_564 = tpu.vector_load %arg12[%get3A_562, %get3A_563] {strides = array<i32>} : memref<256x16xf32, #tpu.memory_space<vmem>>, vector<16xf32>,
        %broadcast_in_dim3A_565 = arith.constant 0 : i32
        %broadcast_in_dim3A_566 = vector.broadcast %broadcast_in_dim3A_565 : i32 to vector<16x1xi32>
        %gather3A = vector.shape_cast %broadcast_in_dim3A_566 : vector<16x1xi32> to vector<16xi32>
        %gather3A_567 = tpu.dynamic_gather %get3A_452[%gather3A] in [0] : vector<16xi32>, vector<16xi32> -> vector<16xi32>
        %broadcast_in_dim3A_568 = arith.constant 1 : i32
        %broadcast_in_dim3A_569 = vector.broadcast %broadcast_in_dim3A_568 : i32 to vector<16x1xi32>
        %gather3A_570 = vector.shape_cast %broadcast_in_dim3A_569 : vector<16x1xi32> to vector<16xi32>
        %gather3A_571 = tpu.dynamic_gather %get3A_452[%gather3A_570] in [0] : vector<16xi32>, vector<16xi32> -> vector<16xi32>
        %broadcast_in_dim3A_572 = arith.constant 2 : i32
        %broadcast_in_dim3A_573 = vector.broadcast %broadcast_in_dim3A_572 : i32 to vector<16x1xi32>
        %gather3A_574 = vector.shape_cast %broadcast_in_dim3A_573 : vector<16x1xi32> to vector<16xi32>
        %gather3A_575 = tpu.dynamic_gather %get3A_452[%gather3A_574] in [0] : vector<16xi32>, vector<16xi32> -> vector<16xi32>
        %broadcast_in_dim3A_576 = arith.constant 3 : i32
        %broadcast_in_dim3A_577 = vector.broadcast %broadcast_in_dim3A_576 : i32 to vector<16x1xi32>
        %gather3A_578 = vector.shape_cast %broadcast_in_dim3A_577 : vector<16x1xi32> to vector<16xi32>
        %gather3A_579 = tpu.dynamic_gather %get3A_452[%gather3A_578] in [0] : vector<16xi32>, vector<16xi32> -> vector<16xi32>
        %broadcast_in_dim3A_580 = arith.constant 4 : i32
        %broadcast_in_dim3A_581 = vector.broadcast %broadcast_in_dim3A_580 : i32 to vector<16x1xi32>
        %gather3A_582 = vector.shape_cast %broadcast_in_dim3A_581 : vector<16x1xi32> to vector<16xi32>
        %gather3A_583 = tpu.dynamic_gather %get3A_452[%gather3A_582] in [0] : vector<16xi32>, vector<16xi32> -> vector<16xi32>
        %broadcast_in_dim3A_584 = arith.constant 5 : i32
        %broadcast_in_dim3A_585 = vector.broadcast %broadcast_in_dim3A_584 : i32 to vector<16x1xi32>
        %gather3A_586 = vector.shape_cast %broadcast_in_dim3A_585 : vector<16x1xi32> to vector<16xi32>
        %gather3A_587 = tpu.dynamic_gather %get3A_452[%gather3A_586] in [0] : vector<16xi32>, vector<16xi32> -> vector<16xi32>
        %broadcast_in_dim3A_588 = arith.constant 6 : i32
        %broadcast_in_dim3A_589 = vector.broadcast %broadcast_in_dim3A_588 : i32 to vector<16x1xi32>
        %gather3A_590 = vector.shape_cast %broadcast_in_dim3A_589 : vector<16x1xi32> to vector<16xi32>
        %gather3A_591 = tpu.dynamic_gather %get3A_452[%gather3A_590] in [0] : vector<16xi32>, vector<16xi32> -> vector<16xi32>
        %broadcast_in_dim3A_592 = arith.constant 7 : i32
        %broadcast_in_dim3A_593 = vector.broadcast %broadcast_in_dim3A_592 : i32 to vector<16x1xi32>
        %gather3A_594 = vector.shape_cast %broadcast_in_dim3A_593 : vector<16x1xi32> to vector<16xi32>
        %gather3A_595 = tpu.dynamic_gather %get3A_452[%gather3A_594] in [0] : vector<16xi32>, vector<16xi32> -> vector<16xi32>
        %broadcast_in_dim3A_596 = arith.constant 8 : i32
        %broadcast_in_dim3A_597 = vector.broadcast %broadcast_in_dim3A_596 : i32 to vector<16x1xi32>
        %gather3A_598 = vector.shape_cast %broadcast_in_dim3A_597 : vector<16x1xi32> to vector<16xi32>
        %gather3A_599 = tpu.dynamic_gather %get3A_452[%gather3A_598] in [0] : vector<16xi32>, vector<16xi32> -> vector<16xi32>
        %broadcast_in_dim3A_600 = arith.constant 9 : i32
        %broadcast_in_dim3A_601 = vector.broadcast %broadcast_in_dim3A_600 : i32 to vector<16x1xi32>
        %gather3A_602 = vector.shape_cast %broadcast_in_dim3A_601 : vector<16x1xi32> to vector<16xi32>
        %gather3A_603 = tpu.dynamic_gather %get3A_452[%gather3A_602] in [0] : vector<16xi32>, vector<16xi32> -> vector<16xi32>
        %broadcast_in_dim3A_604 = arith.constant 10 : i32
        %broadcast_in_dim3A_605 = vector.broadcast %broadcast_in_dim3A_604 : i32 to vector<16x1xi32>
        %gather3A_606 = vector.shape_cast %broadcast_in_dim3A_605 : vector<16x1xi32> to vector<16xi32>
        %gather3A_607 = tpu.dynamic_gather %get3A_452[%gather3A_606] in [0] : vector<16xi32>, vector<16xi32> -> vector<16xi32>
        %broadcast_in_dim3A_608 = arith.constant 11 : i32
        %broadcast_in_dim3A_609 = vector.broadcast %broadcast_in_dim3A_608 : i32 to vector<16x1xi32>
        %gather3A_610 = vector.shape_cast %broadcast_in_dim3A_609 : vector<16x1xi32> to vector<16xi32>
        %gather3A_611 = tpu.dynamic_gather %get3A_452[%gather3A_610] in [0] : vector<16xi32>, vector<16xi32> -> vector<16xi32>
        %broadcast_in_dim3A_612 = arith.constant 12 : i32
        %broadcast_in_dim3A_613 = vector.broadcast %broadcast_in_dim3A_612 : i32 to vector<16x1xi32>
        %gather3A_614 = vector.shape_cast %broadcast_in_dim3A_613 : vector<16x1xi32> to vector<16xi32>
        %gather3A_615 = tpu.dynamic_gather %get3A_452[%gather3A_614] in [0] : vector<16xi32>, vector<16xi32> -> vector<16xi32>
        %broadcast_in_dim3A_616 = arith.constant 13 : i32
        %broadcast_in_dim3A_617 = vector.broadcast %broadcast_in_dim3A_616 : i32 to vector<16x1xi32>
        %gather3A_618 = vector.shape_cast %broadcast_in_dim3A_617 : vector<16x1xi32> to vector<16xi32>
        %gather3A_619 = tpu.dynamic_gather %get3A_452[%gather3A_618] in [0] : vector<16xi32>, vector<16xi32> -> vector<16xi32>
        %broadcast_in_dim3A_620 = arith.constant 14 : i32
        %broadcast_in_dim3A_621 = vector.broadcast %broadcast_in_dim3A_620 : i32 to vector<16x1xi32>
        %gather3A_622 = vector.shape_cast %broadcast_in_dim3A_621 : vector<16x1xi32> to vector<16xi32>
        %gather3A_623 = tpu.dynamic_gather %get3A_452[%gather3A_622] in [0] : vector<16xi32>, vector<16xi32> -> vector<16xi32>
        %broadcast_in_dim3A_624 = arith.constant 15 : i32
        %broadcast_in_dim3A_625 = vector.broadcast %broadcast_in_dim3A_624 : i32 to vector<16x1xi32>
        %gather3A_626 = vector.shape_cast %broadcast_in_dim3A_625 : vector<16x1xi32> to vector<16xi32>
        %gather3A_627 = tpu.dynamic_gather %get3A_452[%gather3A_626] in [0] : vector<16xi32>, vector<16xi32> -> vector<16xi32>
        tpu.vector_store_idx %arg18[%gather3A_567, %iota3A], %get3A_459 {add = true} : memref<4096x16xf32, #tpu.memory_space<vmem>>[vector<16xi32>, vector<16xi32>], vector<16xf32>,
        tpu.vector_store_idx %arg18[%gather3A_571, %iota3A], %get3A_466 {add = true} : memref<4096x16xf32, #tpu.memory_space<vmem>>[vector<16xi32>, vector<16xi32>], vector<16xf32>,
        tpu.vector_store_idx %arg18[%gather3A_575, %iota3A], %get3A_473 {add = true} : memref<4096x16xf32, #tpu.memory_space<vmem>>[vector<16xi32>, vector<16xi32>], vector<16xf32>,
        tpu.vector_store_idx %arg18[%gather3A_579, %iota3A], %get3A_480 {add = true} : memref<4096x16xf32, #tpu.memory_space<vmem>>[vector<16xi32>, vector<16xi32>], vector<16xf32>,
        tpu.vector_store_idx %arg18[%gather3A_583, %iota3A], %get3A_487 {add = true} : memref<4096x16xf32, #tpu.memory_space<vmem>>[vector<16xi32>, vector<16xi32>], vector<16xf32>,
        tpu.vector_store_idx %arg18[%gather3A_587, %iota3A], %get3A_494 {add = true} : memref<4096x16xf32, #tpu.memory_space<vmem>>[vector<16xi32>, vector<16xi32>], vector<16xf32>,
        tpu.vector_store_idx %arg18[%gather3A_591, %iota3A], %get3A_501 {add = true} : memref<4096x16xf32, #tpu.memory_space<vmem>>[vector<16xi32>, vector<16xi32>], vector<16xf32>,
        tpu.vector_store_idx %arg18[%gather3A_595, %iota3A], %get3A_508 {add = true} : memref<4096x16xf32, #tpu.memory_space<vmem>>[vector<16xi32>, vector<16xi32>], vector<16xf32>,
        tpu.vector_store_idx %arg18[%gather3A_599, %iota3A], %get3A_515 {add = true} : memref<4096x16xf32, #tpu.memory_space<vmem>>[vector<16xi32>, vector<16xi32>], vector<16xf32>,
        tpu.vector_store_idx %arg18[%gather3A_603, %iota3A], %get3A_522 {add = true} : memref<4096x16xf32, #tpu.memory_space<vmem>>[vector<16xi32>, vector<16xi32>], vector<16xf32>,
        tpu.vector_store_idx %arg18[%gather3A_607, %iota3A], %get3A_529 {add = true} : memref<4096x16xf32, #tpu.memory_space<vmem>>[vector<16xi32>, vector<16xi32>], vector<16xf32>,
        tpu.vector_store_idx %arg18[%gather3A_611, %iota3A], %get3A_536 {add = true} : memref<4096x16xf32, #tpu.memory_space<vmem>>[vector<16xi32>, vector<16xi32>], vector<16xf32>,
        tpu.vector_store_idx %arg18[%gather3A_615, %iota3A], %get3A_543 {add = true} : memref<4096x16xf32, #tpu.memory_space<vmem>>[vector<16xi32>, vector<16xi32>], vector<16xf32>,
        tpu.vector_store_idx %arg18[%gather3A_619, %iota3A], %get3A_550 {add = true} : memref<4096x16xf32, #tpu.memory_space<vmem>>[vector<16xi32>, vector<16xi32>], vector<16xf32>,
        tpu.vector_store_idx %arg18[%gather3A_623, %iota3A], %get3A_557 {add = true} : memref<4096x16xf32, #tpu.memory_space<vmem>>[vector<16xi32>, vector<16xi32>], vector<16xf32>,
        tpu.vector_store_idx %arg18[%gather3A_627, %iota3A], %get3A_564 {add = true} : memref<4096x16xf32, #tpu.memory_space<vmem>>[vector<16xi32>, vector<16xi32>], vector<16xf32>,
        %scan3A_628 = arith.constant 0 : i32
        scf.yield %scan3A_628 : i32
      }
      %scan3A_367 = arith.constant 16 : i32
      %dma_wait3A_368 = arith.constant 3 : i32
      %dma_wait3A_369 = arith.constant 0 : i32
      %dma_wait3A_370 = tpu.memref_slice %arg9[%dma_wait3A_368, %dma_wait3A_369] : memref<8x256xi32, #tpu.memory_space<vmem>> -> memref<1x256xi32, #tpu.memory_space<vmem>>
      %dma_wait3A_371 = tpu.memref_squeeze %dma_wait3A_370 : memref<1x256xi32, #tpu.memory_space<vmem>> -> memref<256xi32, #tpu.memory_space<vmem>>
      %dma_wait3A_372 = arith.constant 0 : i32
      %dma_wait3A_373 = arith.constant 0 : i32
      %dma_wait3A_374 = tpu.memref_slice %arg2[%dma_wait3A_372, %dma_wait3A_373] : memref<65536x16xf32, #tpu.memory_space<hbm>> -> memref<65536x16xf32, #tpu.memory_space<hbm>>
      tpu.wait_indirect_dma semaphore(%arg24 : memref<!tpu.dma_semaphore, #tpu.memory_space<semaphore_mem>>) src(%dma_wait3A_374 : memref<65536x16xf32, #tpu.memory_space<hbm>>) dst(%arg13 : memref<256x16xf32, #tpu.memory_space<vmem>>)
      %scan3A_375 = arith.constant 0 : i32
      %scan3A_376 = arith.constant 0 : i32
      %scan3A_377 = arith.constant 16 : i32
      %scan3A_378 = arith.addi %scan3A_376, %scan3A_377 : i32
      %scan3A_379 = arith.constant 1 : i32
      %scan3A_380 = scf.for %scan3A_446 = %scan3A_376 to %scan3A_378 step %scan3A_379 iter_args(%scan3A_447 = %scan3A_375) -> (i32)  : i32 {
        %mul3A_448 = arith.constant 16 : i32
        %mul3A_449 = arith.muli %scan3A_446, %mul3A_448 : i32
        %get3A = arith.constant 3 : i32
        %get3A_450 = arith.index_cast %get3A : i32 to index
        %get3A_451 = arith.index_cast %mul3A_449 : i32 to index
        %get3A_452 = tpu.vector_load %arg7[%get3A_450, %get3A_451] {strides = array<i32>} : memref<8x256xi32, #tpu.memory_space<vmem>>, vector<16xi32>,
        %mul3A_453 = arith.constant 16 : i32
        %mul3A_454 = arith.muli %scan3A_446, %mul3A_453 : i32
        %add3A_455 = arith.constant 0 : i32
        %add3A_456 = arith.addi %mul3A_454, %add3A_455 : i32
        %get3A_457 = arith.index_cast %add3A_456 : i32 to index
        %get3A_458 = arith.constant 0 : index
        %get3A_459 = tpu.vector_load %arg13[%get3A_457, %get3A_458] {strides = array<i32>} : memref<256x16xf32, #tpu.memory_space<vmem>>, vector<16xf32>,
        %mul3A_460 = arith.constant 16 : i32
        %mul3A_461 = arith.muli %scan3A_446, %mul3A_460 : i32
        %add3A_462 = arith.constant 1 : i32
        %add3A_463 = arith.addi %mul3A_461, %add3A_462 : i32
        %get3A_464 = arith.index_cast %add3A_463 : i32 to index
        %get3A_465 = arith.constant 0 : index
        %get3A_466 = tpu.vector_load %arg13[%get3A_464, %get3A_465] {strides = array<i32>} : memref<256x16xf32, #tpu.memory_space<vmem>>, vector<16xf32>,
        %mul3A_467 = arith.constant 16 : i32
        %mul3A_468 = arith.muli %scan3A_446, %mul3A_467 : i32
        %add3A_469 = arith.constant 2 : i32
        %add3A_470 = arith.addi %mul3A_468, %add3A_469 : i32
        %get3A_471 = arith.index_cast %add3A_470 : i32 to index
        %get3A_472 = arith.constant 0 : index
        %get3A_473 = tpu.vector_load %arg13[%get3A_471, %get3A_472] {strides = array<i32>} : memref<256x16xf32, #tpu.memory_space<vmem>>, vector<16xf32>,
        %mul3A_474 = arith.constant 16 : i32
        %mul3A_475 = arith.muli %scan3A_446, %mul3A_474 : i32
        %add3A_476 = arith.constant 3 : i32
        %add3A_477 = arith.addi %mul3A_475, %add3A_476 : i32
        %get3A_478 = arith.index_cast %add3A_477 : i32 to index
        %get3A_479 = arith.constant 0 : index
        %get3A_480 = tpu.vector_load %arg13[%get3A_478, %get3A_479] {strides = array<i32>} : memref<256x16xf32, #tpu.memory_space<vmem>>, vector<16xf32>,
        %mul3A_481 = arith.constant 16 : i32
        %mul3A_482 = arith.muli %scan3A_446, %mul3A_481 : i32
        %add3A_483 = arith.constant 4 : i32
        %add3A_484 = arith.addi %mul3A_482, %add3A_483 : i32
        %get3A_485 = arith.index_cast %add3A_484 : i32 to index
        %get3A_486 = arith.constant 0 : index
        %get3A_487 = tpu.vector_load %arg13[%get3A_485, %get3A_486] {strides = array<i32>} : memref<256x16xf32, #tpu.memory_space<vmem>>, vector<16xf32>,
        %mul3A_488 = arith.constant 16 : i32
        %mul3A_489 = arith.muli %scan3A_446, %mul3A_488 : i32
        %add3A_490 = arith.constant 5 : i32
        %add3A_491 = arith.addi %mul3A_489, %add3A_490 : i32
        %get3A_492 = arith.index_cast %add3A_491 : i32 to index
        %get3A_493 = arith.constant 0 : index
        %get3A_494 = tpu.vector_load %arg13[%get3A_492, %get3A_493] {strides = array<i32>} : memref<256x16xf32, #tpu.memory_space<vmem>>, vector<16xf32>,
        %mul3A_495 = arith.constant 16 : i32
        %mul3A_496 = arith.muli %scan3A_446, %mul3A_495 : i32
        %add3A_497 = arith.constant 6 : i32
        %add3A_498 = arith.addi %mul3A_496, %add3A_497 : i32
        %get3A_499 = arith.index_cast %add3A_498 : i32 to index
        %get3A_500 = arith.constant 0 : index
        %get3A_501 = tpu.vector_load %arg13[%get3A_499, %get3A_500] {strides = array<i32>} : memref<256x16xf32, #tpu.memory_space<vmem>>, vector<16xf32>,
        %mul3A_502 = arith.constant 16 : i32
        %mul3A_503 = arith.muli %scan3A_446, %mul3A_502 : i32
        %add3A_504 = arith.constant 7 : i32
        %add3A_505 = arith.addi %mul3A_503, %add3A_504 : i32
        %get3A_506 = arith.index_cast %add3A_505 : i32 to index
        %get3A_507 = arith.constant 0 : index
        %get3A_508 = tpu.vector_load %arg13[%get3A_506, %get3A_507] {strides = array<i32>} : memref<256x16xf32, #tpu.memory_space<vmem>>, vector<16xf32>,
        %mul3A_509 = arith.constant 16 : i32
        %mul3A_510 = arith.muli %scan3A_446, %mul3A_509 : i32
        %add3A_511 = arith.constant 8 : i32
        %add3A_512 = arith.addi %mul3A_510, %add3A_511 : i32
        %get3A_513 = arith.index_cast %add3A_512 : i32 to index
        %get3A_514 = arith.constant 0 : index
        %get3A_515 = tpu.vector_load %arg13[%get3A_513, %get3A_514] {strides = array<i32>} : memref<256x16xf32, #tpu.memory_space<vmem>>, vector<16xf32>,
        %mul3A_516 = arith.constant 16 : i32
        %mul3A_517 = arith.muli %scan3A_446, %mul3A_516 : i32
        %add3A_518 = arith.constant 9 : i32
        %add3A_519 = arith.addi %mul3A_517, %add3A_518 : i32
        %get3A_520 = arith.index_cast %add3A_519 : i32 to index
        %get3A_521 = arith.constant 0 : index
        %get3A_522 = tpu.vector_load %arg13[%get3A_520, %get3A_521] {strides = array<i32>} : memref<256x16xf32, #tpu.memory_space<vmem>>, vector<16xf32>,
        %mul3A_523 = arith.constant 16 : i32
        %mul3A_524 = arith.muli %scan3A_446, %mul3A_523 : i32
        %add3A_525 = arith.constant 10 : i32
        %add3A_526 = arith.addi %mul3A_524, %add3A_525 : i32
        %get3A_527 = arith.index_cast %add3A_526 : i32 to index
        %get3A_528 = arith.constant 0 : index
        %get3A_529 = tpu.vector_load %arg13[%get3A_527, %get3A_528] {strides = array<i32>} : memref<256x16xf32, #tpu.memory_space<vmem>>, vector<16xf32>,
        %mul3A_530 = arith.constant 16 : i32
        %mul3A_531 = arith.muli %scan3A_446, %mul3A_530 : i32
        %add3A_532 = arith.constant 11 : i32
        %add3A_533 = arith.addi %mul3A_531, %add3A_532 : i32
        %get3A_534 = arith.index_cast %add3A_533 : i32 to index
        %get3A_535 = arith.constant 0 : index
        %get3A_536 = tpu.vector_load %arg13[%get3A_534, %get3A_535] {strides = array<i32>} : memref<256x16xf32, #tpu.memory_space<vmem>>, vector<16xf32>,
        %mul3A_537 = arith.constant 16 : i32
        %mul3A_538 = arith.muli %scan3A_446, %mul3A_537 : i32
        %add3A_539 = arith.constant 12 : i32
        %add3A_540 = arith.addi %mul3A_538, %add3A_539 : i32
        %get3A_541 = arith.index_cast %add3A_540 : i32 to index
        %get3A_542 = arith.constant 0 : index
        %get3A_543 = tpu.vector_load %arg13[%get3A_541, %get3A_542] {strides = array<i32>} : memref<256x16xf32, #tpu.memory_space<vmem>>, vector<16xf32>,
        %mul3A_544 = arith.constant 16 : i32
        %mul3A_545 = arith.muli %scan3A_446, %mul3A_544 : i32
        %add3A_546 = arith.constant 13 : i32
        %add3A_547 = arith.addi %mul3A_545, %add3A_546 : i32
        %get3A_548 = arith.index_cast %add3A_547 : i32 to index
        %get3A_549 = arith.constant 0 : index
        %get3A_550 = tpu.vector_load %arg13[%get3A_548, %get3A_549] {strides = array<i32>} : memref<256x16xf32, #tpu.memory_space<vmem>>, vector<16xf32>,
        %mul3A_551 = arith.constant 16 : i32
        %mul3A_552 = arith.muli %scan3A_446, %mul3A_551 : i32
        %add3A_553 = arith.constant 14 : i32
        %add3A_554 = arith.addi %mul3A_552, %add3A_553 : i32
        %get3A_555 = arith.index_cast %add3A_554 : i32 to index
        %get3A_556 = arith.constant 0 : index
        %get3A_557 = tpu.vector_load %arg13[%get3A_555, %get3A_556] {strides = array<i32>} : memref<256x16xf32, #tpu.memory_space<vmem>>, vector<16xf32>,
        %mul3A_558 = arith.constant 16 : i32
        %mul3A_559 = arith.muli %scan3A_446, %mul3A_558 : i32
        %add3A_560 = arith.constant 15 : i32
        %add3A_561 = arith.addi %mul3A_559, %add3A_560 : i32
        %get3A_562 = arith.index_cast %add3A_561 : i32 to index
        %get3A_563 = arith.constant 0 : index
        %get3A_564 = tpu.vector_load %arg13[%get3A_562, %get3A_563] {strides = array<i32>} : memref<256x16xf32, #tpu.memory_space<vmem>>, vector<16xf32>,
        %broadcast_in_dim3A_565 = arith.constant 0 : i32
        %broadcast_in_dim3A_566 = vector.broadcast %broadcast_in_dim3A_565 : i32 to vector<16x1xi32>
        %gather3A = vector.shape_cast %broadcast_in_dim3A_566 : vector<16x1xi32> to vector<16xi32>
        %gather3A_567 = tpu.dynamic_gather %get3A_452[%gather3A] in [0] : vector<16xi32>, vector<16xi32> -> vector<16xi32>
        %broadcast_in_dim3A_568 = arith.constant 1 : i32
        %broadcast_in_dim3A_569 = vector.broadcast %broadcast_in_dim3A_568 : i32 to vector<16x1xi32>
        %gather3A_570 = vector.shape_cast %broadcast_in_dim3A_569 : vector<16x1xi32> to vector<16xi32>
        %gather3A_571 = tpu.dynamic_gather %get3A_452[%gather3A_570] in [0] : vector<16xi32>, vector<16xi32> -> vector<16xi32>
        %broadcast_in_dim3A_572 = arith.constant 2 : i32
        %broadcast_in_dim3A_573 = vector.broadcast %broadcast_in_dim3A_572 : i32 to vector<16x1xi32>
        %gather3A_574 = vector.shape_cast %broadcast_in_dim3A_573 : vector<16x1xi32> to vector<16xi32>
        %gather3A_575 = tpu.dynamic_gather %get3A_452[%gather3A_574] in [0] : vector<16xi32>, vector<16xi32> -> vector<16xi32>
        %broadcast_in_dim3A_576 = arith.constant 3 : i32
        %broadcast_in_dim3A_577 = vector.broadcast %broadcast_in_dim3A_576 : i32 to vector<16x1xi32>
        %gather3A_578 = vector.shape_cast %broadcast_in_dim3A_577 : vector<16x1xi32> to vector<16xi32>
        %gather3A_579 = tpu.dynamic_gather %get3A_452[%gather3A_578] in [0] : vector<16xi32>, vector<16xi32> -> vector<16xi32>
        %broadcast_in_dim3A_580 = arith.constant 4 : i32
        %broadcast_in_dim3A_581 = vector.broadcast %broadcast_in_dim3A_580 : i32 to vector<16x1xi32>
        %gather3A_582 = vector.shape_cast %broadcast_in_dim3A_581 : vector<16x1xi32> to vector<16xi32>
        %gather3A_583 = tpu.dynamic_gather %get3A_452[%gather3A_582] in [0] : vector<16xi32>, vector<16xi32> -> vector<16xi32>
        %broadcast_in_dim3A_584 = arith.constant 5 : i32
        %broadcast_in_dim3A_585 = vector.broadcast %broadcast_in_dim3A_584 : i32 to vector<16x1xi32>
        %gather3A_586 = vector.shape_cast %broadcast_in_dim3A_585 : vector<16x1xi32> to vector<16xi32>
        %gather3A_587 = tpu.dynamic_gather %get3A_452[%gather3A_586] in [0] : vector<16xi32>, vector<16xi32> -> vector<16xi32>
        %broadcast_in_dim3A_588 = arith.constant 6 : i32
        %broadcast_in_dim3A_589 = vector.broadcast %broadcast_in_dim3A_588 : i32 to vector<16x1xi32>
        %gather3A_590 = vector.shape_cast %broadcast_in_dim3A_589 : vector<16x1xi32> to vector<16xi32>
        %gather3A_591 = tpu.dynamic_gather %get3A_452[%gather3A_590] in [0] : vector<16xi32>, vector<16xi32> -> vector<16xi32>
        %broadcast_in_dim3A_592 = arith.constant 7 : i32
        %broadcast_in_dim3A_593 = vector.broadcast %broadcast_in_dim3A_592 : i32 to vector<16x1xi32>
        %gather3A_594 = vector.shape_cast %broadcast_in_dim3A_593 : vector<16x1xi32> to vector<16xi32>
        %gather3A_595 = tpu.dynamic_gather %get3A_452[%gather3A_594] in [0] : vector<16xi32>, vector<16xi32> -> vector<16xi32>
        %broadcast_in_dim3A_596 = arith.constant 8 : i32
        %broadcast_in_dim3A_597 = vector.broadcast %broadcast_in_dim3A_596 : i32 to vector<16x1xi32>
        %gather3A_598 = vector.shape_cast %broadcast_in_dim3A_597 : vector<16x1xi32> to vector<16xi32>
        %gather3A_599 = tpu.dynamic_gather %get3A_452[%gather3A_598] in [0] : vector<16xi32>, vector<16xi32> -> vector<16xi32>
        %broadcast_in_dim3A_600 = arith.constant 9 : i32
        %broadcast_in_dim3A_601 = vector.broadcast %broadcast_in_dim3A_600 : i32 to vector<16x1xi32>
        %gather3A_602 = vector.shape_cast %broadcast_in_dim3A_601 : vector<16x1xi32> to vector<16xi32>
        %gather3A_603 = tpu.dynamic_gather %get3A_452[%gather3A_602] in [0] : vector<16xi32>, vector<16xi32> -> vector<16xi32>
        %broadcast_in_dim3A_604 = arith.constant 10 : i32
        %broadcast_in_dim3A_605 = vector.broadcast %broadcast_in_dim3A_604 : i32 to vector<16x1xi32>
        %gather3A_606 = vector.shape_cast %broadcast_in_dim3A_605 : vector<16x1xi32> to vector<16xi32>
        %gather3A_607 = tpu.dynamic_gather %get3A_452[%gather3A_606] in [0] : vector<16xi32>, vector<16xi32> -> vector<16xi32>
        %broadcast_in_dim3A_608 = arith.constant 11 : i32
        %broadcast_in_dim3A_609 = vector.broadcast %broadcast_in_dim3A_608 : i32 to vector<16x1xi32>
        %gather3A_610 = vector.shape_cast %broadcast_in_dim3A_609 : vector<16x1xi32> to vector<16xi32>
        %gather3A_611 = tpu.dynamic_gather %get3A_452[%gather3A_610] in [0] : vector<16xi32>, vector<16xi32> -> vector<16xi32>
        %broadcast_in_dim3A_612 = arith.constant 12 : i32
        %broadcast_in_dim3A_613 = vector.broadcast %broadcast_in_dim3A_612 : i32 to vector<16x1xi32>
        %gather3A_614 = vector.shape_cast %broadcast_in_dim3A_613 : vector<16x1xi32> to vector<16xi32>
        %gather3A_615 = tpu.dynamic_gather %get3A_452[%gather3A_614] in [0] : vector<16xi32>, vector<16xi32> -> vector<16xi32>
        %broadcast_in_dim3A_616 = arith.constant 13 : i32
        %broadcast_in_dim3A_617 = vector.broadcast %broadcast_in_dim3A_616 : i32 to vector<16x1xi32>
        %gather3A_618 = vector.shape_cast %broadcast_in_dim3A_617 : vector<16x1xi32> to vector<16xi32>
        %gather3A_619 = tpu.dynamic_gather %get3A_452[%gather3A_618] in [0] : vector<16xi32>, vector<16xi32> -> vector<16xi32>
        %broadcast_in_dim3A_620 = arith.constant 14 : i32
        %broadcast_in_dim3A_621 = vector.broadcast %broadcast_in_dim3A_620 : i32 to vector<16x1xi32>
        %gather3A_622 = vector.shape_cast %broadcast_in_dim3A_621 : vector<16x1xi32> to vector<16xi32>
        %gather3A_623 = tpu.dynamic_gather %get3A_452[%gather3A_622] in [0] : vector<16xi32>, vector<16xi32> -> vector<16xi32>
        %broadcast_in_dim3A_624 = arith.constant 15 : i32
        %broadcast_in_dim3A_625 = vector.broadcast %broadcast_in_dim3A_624 : i32 to vector<16x1xi32>
        %gather3A_626 = vector.shape_cast %broadcast_in_dim3A_625 : vector<16x1xi32> to vector<16xi32>
        %gather3A_627 = tpu.dynamic_gather %get3A_452[%gather3A_626] in [0] : vector<16xi32>, vector<16xi32> -> vector<16xi32>
        tpu.vector_store_idx %arg18[%gather3A_567, %iota3A], %get3A_459 {add = true} : memref<4096x16xf32, #tpu.memory_space<vmem>>[vector<16xi32>, vector<16xi32>], vector<16xf32>,
        tpu.vector_store_idx %arg18[%gather3A_571, %iota3A], %get3A_466 {add = true} : memref<4096x16xf32, #tpu.memory_space<vmem>>[vector<16xi32>, vector<16xi32>], vector<16xf32>,
        tpu.vector_store_idx %arg18[%gather3A_575, %iota3A], %get3A_473 {add = true} : memref<4096x16xf32, #tpu.memory_space<vmem>>[vector<16xi32>, vector<16xi32>], vector<16xf32>,
        tpu.vector_store_idx %arg18[%gather3A_579, %iota3A], %get3A_480 {add = true} : memref<4096x16xf32, #tpu.memory_space<vmem>>[vector<16xi32>, vector<16xi32>], vector<16xf32>,
        tpu.vector_store_idx %arg18[%gather3A_583, %iota3A], %get3A_487 {add = true} : memref<4096x16xf32, #tpu.memory_space<vmem>>[vector<16xi32>, vector<16xi32>], vector<16xf32>,
        tpu.vector_store_idx %arg18[%gather3A_587, %iota3A], %get3A_494 {add = true} : memref<4096x16xf32, #tpu.memory_space<vmem>>[vector<16xi32>, vector<16xi32>], vector<16xf32>,
        tpu.vector_store_idx %arg18[%gather3A_591, %iota3A], %get3A_501 {add = true} : memref<4096x16xf32, #tpu.memory_space<vmem>>[vector<16xi32>, vector<16xi32>], vector<16xf32>,
        tpu.vector_store_idx %arg18[%gather3A_595, %iota3A], %get3A_508 {add = true} : memref<4096x16xf32, #tpu.memory_space<vmem>>[vector<16xi32>, vector<16xi32>], vector<16xf32>,
        tpu.vector_store_idx %arg18[%gather3A_599, %iota3A], %get3A_515 {add = true} : memref<4096x16xf32, #tpu.memory_space<vmem>>[vector<16xi32>, vector<16xi32>], vector<16xf32>,
        tpu.vector_store_idx %arg18[%gather3A_603, %iota3A], %get3A_522 {add = true} : memref<4096x16xf32, #tpu.memory_space<vmem>>[vector<16xi32>, vector<16xi32>], vector<16xf32>,
        tpu.vector_store_idx %arg18[%gather3A_607, %iota3A], %get3A_529 {add = true} : memref<4096x16xf32, #tpu.memory_space<vmem>>[vector<16xi32>, vector<16xi32>], vector<16xf32>,
        tpu.vector_store_idx %arg18[%gather3A_611, %iota3A], %get3A_536 {add = true} : memref<4096x16xf32, #tpu.memory_space<vmem>>[vector<16xi32>, vector<16xi32>], vector<16xf32>,
        tpu.vector_store_idx %arg18[%gather3A_615, %iota3A], %get3A_543 {add = true} : memref<4096x16xf32, #tpu.memory_space<vmem>>[vector<16xi32>, vector<16xi32>], vector<16xf32>,
        tpu.vector_store_idx %arg18[%gather3A_619, %iota3A], %get3A_550 {add = true} : memref<4096x16xf32, #tpu.memory_space<vmem>>[vector<16xi32>, vector<16xi32>], vector<16xf32>,
        tpu.vector_store_idx %arg18[%gather3A_623, %iota3A], %get3A_557 {add = true} : memref<4096x16xf32, #tpu.memory_space<vmem>>[vector<16xi32>, vector<16xi32>], vector<16xf32>,
        tpu.vector_store_idx %arg18[%gather3A_627, %iota3A], %get3A_564 {add = true} : memref<4096x16xf32, #tpu.memory_space<vmem>>[vector<16xi32>, vector<16xi32>], vector<16xf32>,
        %scan3A_628 = arith.constant 0 : i32
        scf.yield %scan3A_628 : i32
      }
      %scan3A_381 = arith.constant 16 : i32
      %dma_wait3A_382 = arith.constant 4 : i32
      %dma_wait3A_383 = arith.constant 0 : i32
      %dma_wait3A_384 = tpu.memref_slice %arg9[%dma_wait3A_382, %dma_wait3A_383] : memref<8x256xi32, #tpu.memory_space<vmem>> -> memref<1x256xi32, #tpu.memory_space<vmem>>
      %dma_wait3A_385 = tpu.memref_squeeze %dma_wait3A_384 : memref<1x256xi32, #tpu.memory_space<vmem>> -> memref<256xi32, #tpu.memory_space<vmem>>
      %dma_wait3A_386 = arith.constant 0 : i32
      %dma_wait3A_387 = arith.constant 0 : i32
      %dma_wait3A_388 = tpu.memref_slice %arg2[%dma_wait3A_386, %dma_wait3A_387] : memref<65536x16xf32, #tpu.memory_space<hbm>> -> memref<65536x16xf32, #tpu.memory_space<hbm>>
      tpu.wait_indirect_dma semaphore(%arg25 : memref<!tpu.dma_semaphore, #tpu.memory_space<semaphore_mem>>) src(%dma_wait3A_388 : memref<65536x16xf32, #tpu.memory_space<hbm>>) dst(%arg14 : memref<256x16xf32, #tpu.memory_space<vmem>>)
      %scan3A_389 = arith.constant 0 : i32
      %scan3A_390 = arith.constant 0 : i32
      %scan3A_391 = arith.constant 16 : i32
      %scan3A_392 = arith.addi %scan3A_390, %scan3A_391 : i32
      %scan3A_393 = arith.constant 1 : i32
      %scan3A_394 = scf.for %scan3A_446 = %scan3A_390 to %scan3A_392 step %scan3A_393 iter_args(%scan3A_447 = %scan3A_389) -> (i32)  : i32 {
        %mul3A_448 = arith.constant 16 : i32
        %mul3A_449 = arith.muli %scan3A_446, %mul3A_448 : i32
        %get3A = arith.constant 4 : i32
        %get3A_450 = arith.index_cast %get3A : i32 to index
        %get3A_451 = arith.index_cast %mul3A_449 : i32 to index
        %get3A_452 = tpu.vector_load %arg7[%get3A_450, %get3A_451] {strides = array<i32>} : memref<8x256xi32, #tpu.memory_space<vmem>>, vector<16xi32>,
        %mul3A_453 = arith.constant 16 : i32
        %mul3A_454 = arith.muli %scan3A_446, %mul3A_453 : i32
        %add3A_455 = arith.constant 0 : i32
        %add3A_456 = arith.addi %mul3A_454, %add3A_455 : i32
        %get3A_457 = arith.index_cast %add3A_456 : i32 to index
        %get3A_458 = arith.constant 0 : index
        %get3A_459 = tpu.vector_load %arg14[%get3A_457, %get3A_458] {strides = array<i32>} : memref<256x16xf32, #tpu.memory_space<vmem>>, vector<16xf32>,
        %mul3A_460 = arith.constant 16 : i32
        %mul3A_461 = arith.muli %scan3A_446, %mul3A_460 : i32
        %add3A_462 = arith.constant 1 : i32
        %add3A_463 = arith.addi %mul3A_461, %add3A_462 : i32
        %get3A_464 = arith.index_cast %add3A_463 : i32 to index
        %get3A_465 = arith.constant 0 : index
        %get3A_466 = tpu.vector_load %arg14[%get3A_464, %get3A_465] {strides = array<i32>} : memref<256x16xf32, #tpu.memory_space<vmem>>, vector<16xf32>,
        %mul3A_467 = arith.constant 16 : i32
        %mul3A_468 = arith.muli %scan3A_446, %mul3A_467 : i32
        %add3A_469 = arith.constant 2 : i32
        %add3A_470 = arith.addi %mul3A_468, %add3A_469 : i32
        %get3A_471 = arith.index_cast %add3A_470 : i32 to index
        %get3A_472 = arith.constant 0 : index
        %get3A_473 = tpu.vector_load %arg14[%get3A_471, %get3A_472] {strides = array<i32>} : memref<256x16xf32, #tpu.memory_space<vmem>>, vector<16xf32>,
        %mul3A_474 = arith.constant 16 : i32
        %mul3A_475 = arith.muli %scan3A_446, %mul3A_474 : i32
        %add3A_476 = arith.constant 3 : i32
        %add3A_477 = arith.addi %mul3A_475, %add3A_476 : i32
        %get3A_478 = arith.index_cast %add3A_477 : i32 to index
        %get3A_479 = arith.constant 0 : index
        %get3A_480 = tpu.vector_load %arg14[%get3A_478, %get3A_479] {strides = array<i32>} : memref<256x16xf32, #tpu.memory_space<vmem>>, vector<16xf32>,
        %mul3A_481 = arith.constant 16 : i32
        %mul3A_482 = arith.muli %scan3A_446, %mul3A_481 : i32
        %add3A_483 = arith.constant 4 : i32
        %add3A_484 = arith.addi %mul3A_482, %add3A_483 : i32
        %get3A_485 = arith.index_cast %add3A_484 : i32 to index
        %get3A_486 = arith.constant 0 : index
        %get3A_487 = tpu.vector_load %arg14[%get3A_485, %get3A_486] {strides = array<i32>} : memref<256x16xf32, #tpu.memory_space<vmem>>, vector<16xf32>,
        %mul3A_488 = arith.constant 16 : i32
        %mul3A_489 = arith.muli %scan3A_446, %mul3A_488 : i32
        %add3A_490 = arith.constant 5 : i32
        %add3A_491 = arith.addi %mul3A_489, %add3A_490 : i32
        %get3A_492 = arith.index_cast %add3A_491 : i32 to index
        %get3A_493 = arith.constant 0 : index
        %get3A_494 = tpu.vector_load %arg14[%get3A_492, %get3A_493] {strides = array<i32>} : memref<256x16xf32, #tpu.memory_space<vmem>>, vector<16xf32>,
        %mul3A_495 = arith.constant 16 : i32
        %mul3A_496 = arith.muli %scan3A_446, %mul3A_495 : i32
        %add3A_497 = arith.constant 6 : i32
        %add3A_498 = arith.addi %mul3A_496, %add3A_497 : i32
        %get3A_499 = arith.index_cast %add3A_498 : i32 to index
        %get3A_500 = arith.constant 0 : index
        %get3A_501 = tpu.vector_load %arg14[%get3A_499, %get3A_500] {strides = array<i32>} : memref<256x16xf32, #tpu.memory_space<vmem>>, vector<16xf32>,
        %mul3A_502 = arith.constant 16 : i32
        %mul3A_503 = arith.muli %scan3A_446, %mul3A_502 : i32
        %add3A_504 = arith.constant 7 : i32
        %add3A_505 = arith.addi %mul3A_503, %add3A_504 : i32
        %get3A_506 = arith.index_cast %add3A_505 : i32 to index
        %get3A_507 = arith.constant 0 : index
        %get3A_508 = tpu.vector_load %arg14[%get3A_506, %get3A_507] {strides = array<i32>} : memref<256x16xf32, #tpu.memory_space<vmem>>, vector<16xf32>,
        %mul3A_509 = arith.constant 16 : i32
        %mul3A_510 = arith.muli %scan3A_446, %mul3A_509 : i32
        %add3A_511 = arith.constant 8 : i32
        %add3A_512 = arith.addi %mul3A_510, %add3A_511 : i32
        %get3A_513 = arith.index_cast %add3A_512 : i32 to index
        %get3A_514 = arith.constant 0 : index
        %get3A_515 = tpu.vector_load %arg14[%get3A_513, %get3A_514] {strides = array<i32>} : memref<256x16xf32, #tpu.memory_space<vmem>>, vector<16xf32>,
        %mul3A_516 = arith.constant 16 : i32
        %mul3A_517 = arith.muli %scan3A_446, %mul3A_516 : i32
        %add3A_518 = arith.constant 9 : i32
        %add3A_519 = arith.addi %mul3A_517, %add3A_518 : i32
        %get3A_520 = arith.index_cast %add3A_519 : i32 to index
        %get3A_521 = arith.constant 0 : index
        %get3A_522 = tpu.vector_load %arg14[%get3A_520, %get3A_521] {strides = array<i32>} : memref<256x16xf32, #tpu.memory_space<vmem>>, vector<16xf32>,
        %mul3A_523 = arith.constant 16 : i32
        %mul3A_524 = arith.muli %scan3A_446, %mul3A_523 : i32
        %add3A_525 = arith.constant 10 : i32
        %add3A_526 = arith.addi %mul3A_524, %add3A_525 : i32
        %get3A_527 = arith.index_cast %add3A_526 : i32 to index
        %get3A_528 = arith.constant 0 : index
        %get3A_529 = tpu.vector_load %arg14[%get3A_527, %get3A_528] {strides = array<i32>} : memref<256x16xf32, #tpu.memory_space<vmem>>, vector<16xf32>,
        %mul3A_530 = arith.constant 16 : i32
        %mul3A_531 = arith.muli %scan3A_446, %mul3A_530 : i32
        %add3A_532 = arith.constant 11 : i32
        %add3A_533 = arith.addi %mul3A_531, %add3A_532 : i32
        %get3A_534 = arith.index_cast %add3A_533 : i32 to index
        %get3A_535 = arith.constant 0 : index
        %get3A_536 = tpu.vector_load %arg14[%get3A_534, %get3A_535] {strides = array<i32>} : memref<256x16xf32, #tpu.memory_space<vmem>>, vector<16xf32>,
        %mul3A_537 = arith.constant 16 : i32
        %mul3A_538 = arith.muli %scan3A_446, %mul3A_537 : i32
        %add3A_539 = arith.constant 12 : i32
        %add3A_540 = arith.addi %mul3A_538, %add3A_539 : i32
        %get3A_541 = arith.index_cast %add3A_540 : i32 to index
        %get3A_542 = arith.constant 0 : index
        %get3A_543 = tpu.vector_load %arg14[%get3A_541, %get3A_542] {strides = array<i32>} : memref<256x16xf32, #tpu.memory_space<vmem>>, vector<16xf32>,
        %mul3A_544 = arith.constant 16 : i32
        %mul3A_545 = arith.muli %scan3A_446, %mul3A_544 : i32
        %add3A_546 = arith.constant 13 : i32
        %add3A_547 = arith.addi %mul3A_545, %add3A_546 : i32
        %get3A_548 = arith.index_cast %add3A_547 : i32 to index
        %get3A_549 = arith.constant 0 : index
        %get3A_550 = tpu.vector_load %arg14[%get3A_548, %get3A_549] {strides = array<i32>} : memref<256x16xf32, #tpu.memory_space<vmem>>, vector<16xf32>,
        %mul3A_551 = arith.constant 16 : i32
        %mul3A_552 = arith.muli %scan3A_446, %mul3A_551 : i32
        %add3A_553 = arith.constant 14 : i32
        %add3A_554 = arith.addi %mul3A_552, %add3A_553 : i32
        %get3A_555 = arith.index_cast %add3A_554 : i32 to index
        %get3A_556 = arith.constant 0 : index
        %get3A_557 = tpu.vector_load %arg14[%get3A_555, %get3A_556] {strides = array<i32>} : memref<256x16xf32, #tpu.memory_space<vmem>>, vector<16xf32>,
        %mul3A_558 = arith.constant 16 : i32
        %mul3A_559 = arith.muli %scan3A_446, %mul3A_558 : i32
        %add3A_560 = arith.constant 15 : i32
        %add3A_561 = arith.addi %mul3A_559, %add3A_560 : i32
        %get3A_562 = arith.index_cast %add3A_561 : i32 to index
        %get3A_563 = arith.constant 0 : index
        %get3A_564 = tpu.vector_load %arg14[%get3A_562, %get3A_563] {strides = array<i32>} : memref<256x16xf32, #tpu.memory_space<vmem>>, vector<16xf32>,
        %broadcast_in_dim3A_565 = arith.constant 0 : i32
        %broadcast_in_dim3A_566 = vector.broadcast %broadcast_in_dim3A_565 : i32 to vector<16x1xi32>
        %gather3A = vector.shape_cast %broadcast_in_dim3A_566 : vector<16x1xi32> to vector<16xi32>
        %gather3A_567 = tpu.dynamic_gather %get3A_452[%gather3A] in [0] : vector<16xi32>, vector<16xi32> -> vector<16xi32>
        %broadcast_in_dim3A_568 = arith.constant 1 : i32
        %broadcast_in_dim3A_569 = vector.broadcast %broadcast_in_dim3A_568 : i32 to vector<16x1xi32>
        %gather3A_570 = vector.shape_cast %broadcast_in_dim3A_569 : vector<16x1xi32> to vector<16xi32>
        %gather3A_571 = tpu.dynamic_gather %get3A_452[%gather3A_570] in [0] : vector<16xi32>, vector<16xi32> -> vector<16xi32>
        %broadcast_in_dim3A_572 = arith.constant 2 : i32
        %broadcast_in_dim3A_573 = vector.broadcast %broadcast_in_dim3A_572 : i32 to vector<16x1xi32>
        %gather3A_574 = vector.shape_cast %broadcast_in_dim3A_573 : vector<16x1xi32> to vector<16xi32>
        %gather3A_575 = tpu.dynamic_gather %get3A_452[%gather3A_574] in [0] : vector<16xi32>, vector<16xi32> -> vector<16xi32>
        %broadcast_in_dim3A_576 = arith.constant 3 : i32
        %broadcast_in_dim3A_577 = vector.broadcast %broadcast_in_dim3A_576 : i32 to vector<16x1xi32>
        %gather3A_578 = vector.shape_cast %broadcast_in_dim3A_577 : vector<16x1xi32> to vector<16xi32>
        %gather3A_579 = tpu.dynamic_gather %get3A_452[%gather3A_578] in [0] : vector<16xi32>, vector<16xi32> -> vector<16xi32>
        %broadcast_in_dim3A_580 = arith.constant 4 : i32
        %broadcast_in_dim3A_581 = vector.broadcast %broadcast_in_dim3A_580 : i32 to vector<16x1xi32>
        %gather3A_582 = vector.shape_cast %broadcast_in_dim3A_581 : vector<16x1xi32> to vector<16xi32>
        %gather3A_583 = tpu.dynamic_gather %get3A_452[%gather3A_582] in [0] : vector<16xi32>, vector<16xi32> -> vector<16xi32>
        %broadcast_in_dim3A_584 = arith.constant 5 : i32
        %broadcast_in_dim3A_585 = vector.broadcast %broadcast_in_dim3A_584 : i32 to vector<16x1xi32>
        %gather3A_586 = vector.shape_cast %broadcast_in_dim3A_585 : vector<16x1xi32> to vector<16xi32>
        %gather3A_587 = tpu.dynamic_gather %get3A_452[%gather3A_586] in [0] : vector<16xi32>, vector<16xi32> -> vector<16xi32>
        %broadcast_in_dim3A_588 = arith.constant 6 : i32
        %broadcast_in_dim3A_589 = vector.broadcast %broadcast_in_dim3A_588 : i32 to vector<16x1xi32>
        %gather3A_590 = vector.shape_cast %broadcast_in_dim3A_589 : vector<16x1xi32> to vector<16xi32>
        %gather3A_591 = tpu.dynamic_gather %get3A_452[%gather3A_590] in [0] : vector<16xi32>, vector<16xi32> -> vector<16xi32>
        %broadcast_in_dim3A_592 = arith.constant 7 : i32
        %broadcast_in_dim3A_593 = vector.broadcast %broadcast_in_dim3A_592 : i32 to vector<16x1xi32>
        %gather3A_594 = vector.shape_cast %broadcast_in_dim3A_593 : vector<16x1xi32> to vector<16xi32>
        %gather3A_595 = tpu.dynamic_gather %get3A_452[%gather3A_594] in [0] : vector<16xi32>, vector<16xi32> -> vector<16xi32>
        %broadcast_in_dim3A_596 = arith.constant 8 : i32
        %broadcast_in_dim3A_597 = vector.broadcast %broadcast_in_dim3A_596 : i32 to vector<16x1xi32>
        %gather3A_598 = vector.shape_cast %broadcast_in_dim3A_597 : vector<16x1xi32> to vector<16xi32>
        %gather3A_599 = tpu.dynamic_gather %get3A_452[%gather3A_598] in [0] : vector<16xi32>, vector<16xi32> -> vector<16xi32>
        %broadcast_in_dim3A_600 = arith.constant 9 : i32
        %broadcast_in_dim3A_601 = vector.broadcast %broadcast_in_dim3A_600 : i32 to vector<16x1xi32>
        %gather3A_602 = vector.shape_cast %broadcast_in_dim3A_601 : vector<16x1xi32> to vector<16xi32>
        %gather3A_603 = tpu.dynamic_gather %get3A_452[%gather3A_602] in [0] : vector<16xi32>, vector<16xi32> -> vector<16xi32>
        %broadcast_in_dim3A_604 = arith.constant 10 : i32
        %broadcast_in_dim3A_605 = vector.broadcast %broadcast_in_dim3A_604 : i32 to vector<16x1xi32>
        %gather3A_606 = vector.shape_cast %broadcast_in_dim3A_605 : vector<16x1xi32> to vector<16xi32>
        %gather3A_607 = tpu.dynamic_gather %get3A_452[%gather3A_606] in [0] : vector<16xi32>, vector<16xi32> -> vector<16xi32>
        %broadcast_in_dim3A_608 = arith.constant 11 : i32
        %broadcast_in_dim3A_609 = vector.broadcast %broadcast_in_dim3A_608 : i32 to vector<16x1xi32>
        %gather3A_610 = vector.shape_cast %broadcast_in_dim3A_609 : vector<16x1xi32> to vector<16xi32>
        %gather3A_611 = tpu.dynamic_gather %get3A_452[%gather3A_610] in [0] : vector<16xi32>, vector<16xi32> -> vector<16xi32>
        %broadcast_in_dim3A_612 = arith.constant 12 : i32
        %broadcast_in_dim3A_613 = vector.broadcast %broadcast_in_dim3A_612 : i32 to vector<16x1xi32>
        %gather3A_614 = vector.shape_cast %broadcast_in_dim3A_613 : vector<16x1xi32> to vector<16xi32>
        %gather3A_615 = tpu.dynamic_gather %get3A_452[%gather3A_614] in [0] : vector<16xi32>, vector<16xi32> -> vector<16xi32>
        %broadcast_in_dim3A_616 = arith.constant 13 : i32
        %broadcast_in_dim3A_617 = vector.broadcast %broadcast_in_dim3A_616 : i32 to vector<16x1xi32>
        %gather3A_618 = vector.shape_cast %broadcast_in_dim3A_617 : vector<16x1xi32> to vector<16xi32>
        %gather3A_619 = tpu.dynamic_gather %get3A_452[%gather3A_618] in [0] : vector<16xi32>, vector<16xi32> -> vector<16xi32>
        %broadcast_in_dim3A_620 = arith.constant 14 : i32
        %broadcast_in_dim3A_621 = vector.broadcast %broadcast_in_dim3A_620 : i32 to vector<16x1xi32>
        %gather3A_622 = vector.shape_cast %broadcast_in_dim3A_621 : vector<16x1xi32> to vector<16xi32>
        %gather3A_623 = tpu.dynamic_gather %get3A_452[%gather3A_622] in [0] : vector<16xi32>, vector<16xi32> -> vector<16xi32>
        %broadcast_in_dim3A_624 = arith.constant 15 : i32
        %broadcast_in_dim3A_625 = vector.broadcast %broadcast_in_dim3A_624 : i32 to vector<16x1xi32>
        %gather3A_626 = vector.shape_cast %broadcast_in_dim3A_625 : vector<16x1xi32> to vector<16xi32>
        %gather3A_627 = tpu.dynamic_gather %get3A_452[%gather3A_626] in [0] : vector<16xi32>, vector<16xi32> -> vector<16xi32>
        tpu.vector_store_idx %arg18[%gather3A_567, %iota3A], %get3A_459 {add = true} : memref<4096x16xf32, #tpu.memory_space<vmem>>[vector<16xi32>, vector<16xi32>], vector<16xf32>,
        tpu.vector_store_idx %arg18[%gather3A_571, %iota3A], %get3A_466 {add = true} : memref<4096x16xf32, #tpu.memory_space<vmem>>[vector<16xi32>, vector<16xi32>], vector<16xf32>,
        tpu.vector_store_idx %arg18[%gather3A_575, %iota3A], %get3A_473 {add = true} : memref<4096x16xf32, #tpu.memory_space<vmem>>[vector<16xi32>, vector<16xi32>], vector<16xf32>,
        tpu.vector_store_idx %arg18[%gather3A_579, %iota3A], %get3A_480 {add = true} : memref<4096x16xf32, #tpu.memory_space<vmem>>[vector<16xi32>, vector<16xi32>], vector<16xf32>,
        tpu.vector_store_idx %arg18[%gather3A_583, %iota3A], %get3A_487 {add = true} : memref<4096x16xf32, #tpu.memory_space<vmem>>[vector<16xi32>, vector<16xi32>], vector<16xf32>,
        tpu.vector_store_idx %arg18[%gather3A_587, %iota3A], %get3A_494 {add = true} : memref<4096x16xf32, #tpu.memory_space<vmem>>[vector<16xi32>, vector<16xi32>], vector<16xf32>,
        tpu.vector_store_idx %arg18[%gather3A_591, %iota3A], %get3A_501 {add = true} : memref<4096x16xf32, #tpu.memory_space<vmem>>[vector<16xi32>, vector<16xi32>], vector<16xf32>,
        tpu.vector_store_idx %arg18[%gather3A_595, %iota3A], %get3A_508 {add = true} : memref<4096x16xf32, #tpu.memory_space<vmem>>[vector<16xi32>, vector<16xi32>], vector<16xf32>,
        tpu.vector_store_idx %arg18[%gather3A_599, %iota3A], %get3A_515 {add = true} : memref<4096x16xf32, #tpu.memory_space<vmem>>[vector<16xi32>, vector<16xi32>], vector<16xf32>,
        tpu.vector_store_idx %arg18[%gather3A_603, %iota3A], %get3A_522 {add = true} : memref<4096x16xf32, #tpu.memory_space<vmem>>[vector<16xi32>, vector<16xi32>], vector<16xf32>,
        tpu.vector_store_idx %arg18[%gather3A_607, %iota3A], %get3A_529 {add = true} : memref<4096x16xf32, #tpu.memory_space<vmem>>[vector<16xi32>, vector<16xi32>], vector<16xf32>,
        tpu.vector_store_idx %arg18[%gather3A_611, %iota3A], %get3A_536 {add = true} : memref<4096x16xf32, #tpu.memory_space<vmem>>[vector<16xi32>, vector<16xi32>], vector<16xf32>,
        tpu.vector_store_idx %arg18[%gather3A_615, %iota3A], %get3A_543 {add = true} : memref<4096x16xf32, #tpu.memory_space<vmem>>[vector<16xi32>, vector<16xi32>], vector<16xf32>,
        tpu.vector_store_idx %arg18[%gather3A_619, %iota3A], %get3A_550 {add = true} : memref<4096x16xf32, #tpu.memory_space<vmem>>[vector<16xi32>, vector<16xi32>], vector<16xf32>,
        tpu.vector_store_idx %arg18[%gather3A_623, %iota3A], %get3A_557 {add = true} : memref<4096x16xf32, #tpu.memory_space<vmem>>[vector<16xi32>, vector<16xi32>], vector<16xf32>,
        tpu.vector_store_idx %arg18[%gather3A_627, %iota3A], %get3A_564 {add = true} : memref<4096x16xf32, #tpu.memory_space<vmem>>[vector<16xi32>, vector<16xi32>], vector<16xf32>,
        %scan3A_628 = arith.constant 0 : i32
        scf.yield %scan3A_628 : i32
      }
      %scan3A_395 = arith.constant 16 : i32
      %dma_wait3A_396 = arith.constant 5 : i32
      %dma_wait3A_397 = arith.constant 0 : i32
      %dma_wait3A_398 = tpu.memref_slice %arg9[%dma_wait3A_396, %dma_wait3A_397] : memref<8x256xi32, #tpu.memory_space<vmem>> -> memref<1x256xi32, #tpu.memory_space<vmem>>
      %dma_wait3A_399 = tpu.memref_squeeze %dma_wait3A_398 : memref<1x256xi32, #tpu.memory_space<vmem>> -> memref<256xi32, #tpu.memory_space<vmem>>
      %dma_wait3A_400 = arith.constant 0 : i32
      %dma_wait3A_401 = arith.constant 0 : i32
      %dma_wait3A_402 = tpu.memref_slice %arg2[%dma_wait3A_400, %dma_wait3A_401] : memref<65536x16xf32, #tpu.memory_space<hbm>> -> memref<65536x16xf32, #tpu.memory_space<hbm>>
      tpu.wait_indirect_dma semaphore(%arg26 : memref<!tpu.dma_semaphore, #tpu.memory_space<semaphore_mem>>) src(%dma_wait3A_402 : memref<65536x16xf32, #tpu.memory_space<hbm>>) dst(%arg15 : memref<256x16xf32, #tpu.memory_space<vmem>>)
      %scan3A_403 = arith.constant 0 : i32
      %scan3A_404 = arith.constant 0 : i32
      %scan3A_405 = arith.constant 16 : i32
      %scan3A_406 = arith.addi %scan3A_404, %scan3A_405 : i32
      %scan3A_407 = arith.constant 1 : i32
      %scan3A_408 = scf.for %scan3A_446 = %scan3A_404 to %scan3A_406 step %scan3A_407 iter_args(%scan3A_447 = %scan3A_403) -> (i32)  : i32 {
        %mul3A_448 = arith.constant 16 : i32
        %mul3A_449 = arith.muli %scan3A_446, %mul3A_448 : i32
        %get3A = arith.constant 5 : i32
        %get3A_450 = arith.index_cast %get3A : i32 to index
        %get3A_451 = arith.index_cast %mul3A_449 : i32 to index
        %get3A_452 = tpu.vector_load %arg7[%get3A_450, %get3A_451] {strides = array<i32>} : memref<8x256xi32, #tpu.memory_space<vmem>>, vector<16xi32>,
        %mul3A_453 = arith.constant 16 : i32
        %mul3A_454 = arith.muli %scan3A_446, %mul3A_453 : i32
        %add3A_455 = arith.constant 0 : i32
        %add3A_456 = arith.addi %mul3A_454, %add3A_455 : i32
        %get3A_457 = arith.index_cast %add3A_456 : i32 to index
        %get3A_458 = arith.constant 0 : index
        %get3A_459 = tpu.vector_load %arg15[%get3A_457, %get3A_458] {strides = array<i32>} : memref<256x16xf32, #tpu.memory_space<vmem>>, vector<16xf32>,
        %mul3A_460 = arith.constant 16 : i32
        %mul3A_461 = arith.muli %scan3A_446, %mul3A_460 : i32
        %add3A_462 = arith.constant 1 : i32
        %add3A_463 = arith.addi %mul3A_461, %add3A_462 : i32
        %get3A_464 = arith.index_cast %add3A_463 : i32 to index
        %get3A_465 = arith.constant 0 : index
        %get3A_466 = tpu.vector_load %arg15[%get3A_464, %get3A_465] {strides = array<i32>} : memref<256x16xf32, #tpu.memory_space<vmem>>, vector<16xf32>,
        %mul3A_467 = arith.constant 16 : i32
        %mul3A_468 = arith.muli %scan3A_446, %mul3A_467 : i32
        %add3A_469 = arith.constant 2 : i32
        %add3A_470 = arith.addi %mul3A_468, %add3A_469 : i32
        %get3A_471 = arith.index_cast %add3A_470 : i32 to index
        %get3A_472 = arith.constant 0 : index
        %get3A_473 = tpu.vector_load %arg15[%get3A_471, %get3A_472] {strides = array<i32>} : memref<256x16xf32, #tpu.memory_space<vmem>>, vector<16xf32>,
        %mul3A_474 = arith.constant 16 : i32
        %mul3A_475 = arith.muli %scan3A_446, %mul3A_474 : i32
        %add3A_476 = arith.constant 3 : i32
        %add3A_477 = arith.addi %mul3A_475, %add3A_476 : i32
        %get3A_478 = arith.index_cast %add3A_477 : i32 to index
        %get3A_479 = arith.constant 0 : index
        %get3A_480 = tpu.vector_load %arg15[%get3A_478, %get3A_479] {strides = array<i32>} : memref<256x16xf32, #tpu.memory_space<vmem>>, vector<16xf32>,
        %mul3A_481 = arith.constant 16 : i32
        %mul3A_482 = arith.muli %scan3A_446, %mul3A_481 : i32
        %add3A_483 = arith.constant 4 : i32
        %add3A_484 = arith.addi %mul3A_482, %add3A_483 : i32
        %get3A_485 = arith.index_cast %add3A_484 : i32 to index
        %get3A_486 = arith.constant 0 : index
        %get3A_487 = tpu.vector_load %arg15[%get3A_485, %get3A_486] {strides = array<i32>} : memref<256x16xf32, #tpu.memory_space<vmem>>, vector<16xf32>,
        %mul3A_488 = arith.constant 16 : i32
        %mul3A_489 = arith.muli %scan3A_446, %mul3A_488 : i32
        %add3A_490 = arith.constant 5 : i32
        %add3A_491 = arith.addi %mul3A_489, %add3A_490 : i32
        %get3A_492 = arith.index_cast %add3A_491 : i32 to index
        %get3A_493 = arith.constant 0 : index
        %get3A_494 = tpu.vector_load %arg15[%get3A_492, %get3A_493] {strides = array<i32>} : memref<256x16xf32, #tpu.memory_space<vmem>>, vector<16xf32>,
        %mul3A_495 = arith.constant 16 : i32
        %mul3A_496 = arith.muli %scan3A_446, %mul3A_495 : i32
        %add3A_497 = arith.constant 6 : i32
        %add3A_498 = arith.addi %mul3A_496, %add3A_497 : i32
        %get3A_499 = arith.index_cast %add3A_498 : i32 to index
        %get3A_500 = arith.constant 0 : index
        %get3A_501 = tpu.vector_load %arg15[%get3A_499, %get3A_500] {strides = array<i32>} : memref<256x16xf32, #tpu.memory_space<vmem>>, vector<16xf32>,
        %mul3A_502 = arith.constant 16 : i32
        %mul3A_503 = arith.muli %scan3A_446, %mul3A_502 : i32
        %add3A_504 = arith.constant 7 : i32
        %add3A_505 = arith.addi %mul3A_503, %add3A_504 : i32
        %get3A_506 = arith.index_cast %add3A_505 : i32 to index
        %get3A_507 = arith.constant 0 : index
        %get3A_508 = tpu.vector_load %arg15[%get3A_506, %get3A_507] {strides = array<i32>} : memref<256x16xf32, #tpu.memory_space<vmem>>, vector<16xf32>,
        %mul3A_509 = arith.constant 16 : i32
        %mul3A_510 = arith.muli %scan3A_446, %mul3A_509 : i32
        %add3A_511 = arith.constant 8 : i32
        %add3A_512 = arith.addi %mul3A_510, %add3A_511 : i32
        %get3A_513 = arith.index_cast %add3A_512 : i32 to index
        %get3A_514 = arith.constant 0 : index
        %get3A_515 = tpu.vector_load %arg15[%get3A_513, %get3A_514] {strides = array<i32>} : memref<256x16xf32, #tpu.memory_space<vmem>>, vector<16xf32>,
        %mul3A_516 = arith.constant 16 : i32
        %mul3A_517 = arith.muli %scan3A_446, %mul3A_516 : i32
        %add3A_518 = arith.constant 9 : i32
        %add3A_519 = arith.addi %mul3A_517, %add3A_518 : i32
        %get3A_520 = arith.index_cast %add3A_519 : i32 to index
        %get3A_521 = arith.constant 0 : index
        %get3A_522 = tpu.vector_load %arg15[%get3A_520, %get3A_521] {strides = array<i32>} : memref<256x16xf32, #tpu.memory_space<vmem>>, vector<16xf32>,
        %mul3A_523 = arith.constant 16 : i32
        %mul3A_524 = arith.muli %scan3A_446, %mul3A_523 : i32
        %add3A_525 = arith.constant 10 : i32
        %add3A_526 = arith.addi %mul3A_524, %add3A_525 : i32
        %get3A_527 = arith.index_cast %add3A_526 : i32 to index
        %get3A_528 = arith.constant 0 : index
        %get3A_529 = tpu.vector_load %arg15[%get3A_527, %get3A_528] {strides = array<i32>} : memref<256x16xf32, #tpu.memory_space<vmem>>, vector<16xf32>,
        %mul3A_530 = arith.constant 16 : i32
        %mul3A_531 = arith.muli %scan3A_446, %mul3A_530 : i32
        %add3A_532 = arith.constant 11 : i32
        %add3A_533 = arith.addi %mul3A_531, %add3A_532 : i32
        %get3A_534 = arith.index_cast %add3A_533 : i32 to index
        %get3A_535 = arith.constant 0 : index
        %get3A_536 = tpu.vector_load %arg15[%get3A_534, %get3A_535] {strides = array<i32>} : memref<256x16xf32, #tpu.memory_space<vmem>>, vector<16xf32>,
        %mul3A_537 = arith.constant 16 : i32
        %mul3A_538 = arith.muli %scan3A_446, %mul3A_537 : i32
        %add3A_539 = arith.constant 12 : i32
        %add3A_540 = arith.addi %mul3A_538, %add3A_539 : i32
        %get3A_541 = arith.index_cast %add3A_540 : i32 to index
        %get3A_542 = arith.constant 0 : index
        %get3A_543 = tpu.vector_load %arg15[%get3A_541, %get3A_542] {strides = array<i32>} : memref<256x16xf32, #tpu.memory_space<vmem>>, vector<16xf32>,
        %mul3A_544 = arith.constant 16 : i32
        %mul3A_545 = arith.muli %scan3A_446, %mul3A_544 : i32
        %add3A_546 = arith.constant 13 : i32
        %add3A_547 = arith.addi %mul3A_545, %add3A_546 : i32
        %get3A_548 = arith.index_cast %add3A_547 : i32 to index
        %get3A_549 = arith.constant 0 : index
        %get3A_550 = tpu.vector_load %arg15[%get3A_548, %get3A_549] {strides = array<i32>} : memref<256x16xf32, #tpu.memory_space<vmem>>, vector<16xf32>,
        %mul3A_551 = arith.constant 16 : i32
        %mul3A_552 = arith.muli %scan3A_446, %mul3A_551 : i32
        %add3A_553 = arith.constant 14 : i32
        %add3A_554 = arith.addi %mul3A_552, %add3A_553 : i32
        %get3A_555 = arith.index_cast %add3A_554 : i32 to index
        %get3A_556 = arith.constant 0 : index
        %get3A_557 = tpu.vector_load %arg15[%get3A_555, %get3A_556] {strides = array<i32>} : memref<256x16xf32, #tpu.memory_space<vmem>>, vector<16xf32>,
        %mul3A_558 = arith.constant 16 : i32
        %mul3A_559 = arith.muli %scan3A_446, %mul3A_558 : i32
        %add3A_560 = arith.constant 15 : i32
        %add3A_561 = arith.addi %mul3A_559, %add3A_560 : i32
        %get3A_562 = arith.index_cast %add3A_561 : i32 to index
        %get3A_563 = arith.constant 0 : index
        %get3A_564 = tpu.vector_load %arg15[%get3A_562, %get3A_563] {strides = array<i32>} : memref<256x16xf32, #tpu.memory_space<vmem>>, vector<16xf32>,
        %broadcast_in_dim3A_565 = arith.constant 0 : i32
        %broadcast_in_dim3A_566 = vector.broadcast %broadcast_in_dim3A_565 : i32 to vector<16x1xi32>
        %gather3A = vector.shape_cast %broadcast_in_dim3A_566 : vector<16x1xi32> to vector<16xi32>
        %gather3A_567 = tpu.dynamic_gather %get3A_452[%gather3A] in [0] : vector<16xi32>, vector<16xi32> -> vector<16xi32>
        %broadcast_in_dim3A_568 = arith.constant 1 : i32
        %broadcast_in_dim3A_569 = vector.broadcast %broadcast_in_dim3A_568 : i32 to vector<16x1xi32>
        %gather3A_570 = vector.shape_cast %broadcast_in_dim3A_569 : vector<16x1xi32> to vector<16xi32>
        %gather3A_571 = tpu.dynamic_gather %get3A_452[%gather3A_570] in [0] : vector<16xi32>, vector<16xi32> -> vector<16xi32>
        %broadcast_in_dim3A_572 = arith.constant 2 : i32
        %broadcast_in_dim3A_573 = vector.broadcast %broadcast_in_dim3A_572 : i32 to vector<16x1xi32>
        %gather3A_574 = vector.shape_cast %broadcast_in_dim3A_573 : vector<16x1xi32> to vector<16xi32>
        %gather3A_575 = tpu.dynamic_gather %get3A_452[%gather3A_574] in [0] : vector<16xi32>, vector<16xi32> -> vector<16xi32>
        %broadcast_in_dim3A_576 = arith.constant 3 : i32
        %broadcast_in_dim3A_577 = vector.broadcast %broadcast_in_dim3A_576 : i32 to vector<16x1xi32>
        %gather3A_578 = vector.shape_cast %broadcast_in_dim3A_577 : vector<16x1xi32> to vector<16xi32>
        %gather3A_579 = tpu.dynamic_gather %get3A_452[%gather3A_578] in [0] : vector<16xi32>, vector<16xi32> -> vector<16xi32>
        %broadcast_in_dim3A_580 = arith.constant 4 : i32
        %broadcast_in_dim3A_581 = vector.broadcast %broadcast_in_dim3A_580 : i32 to vector<16x1xi32>
        %gather3A_582 = vector.shape_cast %broadcast_in_dim3A_581 : vector<16x1xi32> to vector<16xi32>
        %gather3A_583 = tpu.dynamic_gather %get3A_452[%gather3A_582] in [0] : vector<16xi32>, vector<16xi32> -> vector<16xi32>
        %broadcast_in_dim3A_584 = arith.constant 5 : i32
        %broadcast_in_dim3A_585 = vector.broadcast %broadcast_in_dim3A_584 : i32 to vector<16x1xi32>
        %gather3A_586 = vector.shape_cast %broadcast_in_dim3A_585 : vector<16x1xi32> to vector<16xi32>
        %gather3A_587 = tpu.dynamic_gather %get3A_452[%gather3A_586] in [0] : vector<16xi32>, vector<16xi32> -> vector<16xi32>
        %broadcast_in_dim3A_588 = arith.constant 6 : i32
        %broadcast_in_dim3A_589 = vector.broadcast %broadcast_in_dim3A_588 : i32 to vector<16x1xi32>
        %gather3A_590 = vector.shape_cast %broadcast_in_dim3A_589 : vector<16x1xi32> to vector<16xi32>
        %gather3A_591 = tpu.dynamic_gather %get3A_452[%gather3A_590] in [0] : vector<16xi32>, vector<16xi32> -> vector<16xi32>
        %broadcast_in_dim3A_592 = arith.constant 7 : i32
        %broadcast_in_dim3A_593 = vector.broadcast %broadcast_in_dim3A_592 : i32 to vector<16x1xi32>
        %gather3A_594 = vector.shape_cast %broadcast_in_dim3A_593 : vector<16x1xi32> to vector<16xi32>
        %gather3A_595 = tpu.dynamic_gather %get3A_452[%gather3A_594] in [0] : vector<16xi32>, vector<16xi32> -> vector<16xi32>
        %broadcast_in_dim3A_596 = arith.constant 8 : i32
        %broadcast_in_dim3A_597 = vector.broadcast %broadcast_in_dim3A_596 : i32 to vector<16x1xi32>
        %gather3A_598 = vector.shape_cast %broadcast_in_dim3A_597 : vector<16x1xi32> to vector<16xi32>
        %gather3A_599 = tpu.dynamic_gather %get3A_452[%gather3A_598] in [0] : vector<16xi32>, vector<16xi32> -> vector<16xi32>
        %broadcast_in_dim3A_600 = arith.constant 9 : i32
        %broadcast_in_dim3A_601 = vector.broadcast %broadcast_in_dim3A_600 : i32 to vector<16x1xi32>
        %gather3A_602 = vector.shape_cast %broadcast_in_dim3A_601 : vector<16x1xi32> to vector<16xi32>
        %gather3A_603 = tpu.dynamic_gather %get3A_452[%gather3A_602] in [0] : vector<16xi32>, vector<16xi32> -> vector<16xi32>
        %broadcast_in_dim3A_604 = arith.constant 10 : i32
        %broadcast_in_dim3A_605 = vector.broadcast %broadcast_in_dim3A_604 : i32 to vector<16x1xi32>
        %gather3A_606 = vector.shape_cast %broadcast_in_dim3A_605 : vector<16x1xi32> to vector<16xi32>
        %gather3A_607 = tpu.dynamic_gather %get3A_452[%gather3A_606] in [0] : vector<16xi32>, vector<16xi32> -> vector<16xi32>
        %broadcast_in_dim3A_608 = arith.constant 11 : i32
        %broadcast_in_dim3A_609 = vector.broadcast %broadcast_in_dim3A_608 : i32 to vector<16x1xi32>
        %gather3A_610 = vector.shape_cast %broadcast_in_dim3A_609 : vector<16x1xi32> to vector<16xi32>
        %gather3A_611 = tpu.dynamic_gather %get3A_452[%gather3A_610] in [0] : vector<16xi32>, vector<16xi32> -> vector<16xi32>
        %broadcast_in_dim3A_612 = arith.constant 12 : i32
        %broadcast_in_dim3A_613 = vector.broadcast %broadcast_in_dim3A_612 : i32 to vector<16x1xi32>
        %gather3A_614 = vector.shape_cast %broadcast_in_dim3A_613 : vector<16x1xi32> to vector<16xi32>
        %gather3A_615 = tpu.dynamic_gather %get3A_452[%gather3A_614] in [0] : vector<16xi32>, vector<16xi32> -> vector<16xi32>
        %broadcast_in_dim3A_616 = arith.constant 13 : i32
        %broadcast_in_dim3A_617 = vector.broadcast %broadcast_in_dim3A_616 : i32 to vector<16x1xi32>
        %gather3A_618 = vector.shape_cast %broadcast_in_dim3A_617 : vector<16x1xi32> to vector<16xi32>
        %gather3A_619 = tpu.dynamic_gather %get3A_452[%gather3A_618] in [0] : vector<16xi32>, vector<16xi32> -> vector<16xi32>
        %broadcast_in_dim3A_620 = arith.constant 14 : i32
        %broadcast_in_dim3A_621 = vector.broadcast %broadcast_in_dim3A_620 : i32 to vector<16x1xi32>
        %gather3A_622 = vector.shape_cast %broadcast_in_dim3A_621 : vector<16x1xi32> to vector<16xi32>
        %gather3A_623 = tpu.dynamic_gather %get3A_452[%gather3A_622] in [0] : vector<16xi32>, vector<16xi32> -> vector<16xi32>
        %broadcast_in_dim3A_624 = arith.constant 15 : i32
        %broadcast_in_dim3A_625 = vector.broadcast %broadcast_in_dim3A_624 : i32 to vector<16x1xi32>
        %gather3A_626 = vector.shape_cast %broadcast_in_dim3A_625 : vector<16x1xi32> to vector<16xi32>
        %gather3A_627 = tpu.dynamic_gather %get3A_452[%gather3A_626] in [0] : vector<16xi32>, vector<16xi32> -> vector<16xi32>
        tpu.vector_store_idx %arg18[%gather3A_567, %iota3A], %get3A_459 {add = true} : memref<4096x16xf32, #tpu.memory_space<vmem>>[vector<16xi32>, vector<16xi32>], vector<16xf32>,
        tpu.vector_store_idx %arg18[%gather3A_571, %iota3A], %get3A_466 {add = true} : memref<4096x16xf32, #tpu.memory_space<vmem>>[vector<16xi32>, vector<16xi32>], vector<16xf32>,
        tpu.vector_store_idx %arg18[%gather3A_575, %iota3A], %get3A_473 {add = true} : memref<4096x16xf32, #tpu.memory_space<vmem>>[vector<16xi32>, vector<16xi32>], vector<16xf32>,
        tpu.vector_store_idx %arg18[%gather3A_579, %iota3A], %get3A_480 {add = true} : memref<4096x16xf32, #tpu.memory_space<vmem>>[vector<16xi32>, vector<16xi32>], vector<16xf32>,
        tpu.vector_store_idx %arg18[%gather3A_583, %iota3A], %get3A_487 {add = true} : memref<4096x16xf32, #tpu.memory_space<vmem>>[vector<16xi32>, vector<16xi32>], vector<16xf32>,
        tpu.vector_store_idx %arg18[%gather3A_587, %iota3A], %get3A_494 {add = true} : memref<4096x16xf32, #tpu.memory_space<vmem>>[vector<16xi32>, vector<16xi32>], vector<16xf32>,
        tpu.vector_store_idx %arg18[%gather3A_591, %iota3A], %get3A_501 {add = true} : memref<4096x16xf32, #tpu.memory_space<vmem>>[vector<16xi32>, vector<16xi32>], vector<16xf32>,
        tpu.vector_store_idx %arg18[%gather3A_595, %iota3A], %get3A_508 {add = true} : memref<4096x16xf32, #tpu.memory_space<vmem>>[vector<16xi32>, vector<16xi32>], vector<16xf32>,
        tpu.vector_store_idx %arg18[%gather3A_599, %iota3A], %get3A_515 {add = true} : memref<4096x16xf32, #tpu.memory_space<vmem>>[vector<16xi32>, vector<16xi32>], vector<16xf32>,
        tpu.vector_store_idx %arg18[%gather3A_603, %iota3A], %get3A_522 {add = true} : memref<4096x16xf32, #tpu.memory_space<vmem>>[vector<16xi32>, vector<16xi32>], vector<16xf32>,
        tpu.vector_store_idx %arg18[%gather3A_607, %iota3A], %get3A_529 {add = true} : memref<4096x16xf32, #tpu.memory_space<vmem>>[vector<16xi32>, vector<16xi32>], vector<16xf32>,
        tpu.vector_store_idx %arg18[%gather3A_611, %iota3A], %get3A_536 {add = true} : memref<4096x16xf32, #tpu.memory_space<vmem>>[vector<16xi32>, vector<16xi32>], vector<16xf32>,
        tpu.vector_store_idx %arg18[%gather3A_615, %iota3A], %get3A_543 {add = true} : memref<4096x16xf32, #tpu.memory_space<vmem>>[vector<16xi32>, vector<16xi32>], vector<16xf32>,
        tpu.vector_store_idx %arg18[%gather3A_619, %iota3A], %get3A_550 {add = true} : memref<4096x16xf32, #tpu.memory_space<vmem>>[vector<16xi32>, vector<16xi32>], vector<16xf32>,
        tpu.vector_store_idx %arg18[%gather3A_623, %iota3A], %get3A_557 {add = true} : memref<4096x16xf32, #tpu.memory_space<vmem>>[vector<16xi32>, vector<16xi32>], vector<16xf32>,
        tpu.vector_store_idx %arg18[%gather3A_627, %iota3A], %get3A_564 {add = true} : memref<4096x16xf32, #tpu.memory_space<vmem>>[vector<16xi32>, vector<16xi32>], vector<16xf32>,
        %scan3A_628 = arith.constant 0 : i32
        scf.yield %scan3A_628 : i32
      }
      %scan3A_409 = arith.constant 16 : i32
      %dma_wait3A_410 = arith.constant 6 : i32
      %dma_wait3A_411 = arith.constant 0 : i32
      %dma_wait3A_412 = tpu.memref_slice %arg9[%dma_wait3A_410, %dma_wait3A_411] : memref<8x256xi32, #tpu.memory_space<vmem>> -> memref<1x256xi32, #tpu.memory_space<vmem>>
      %dma_wait3A_413 = tpu.memref_squeeze %dma_wait3A_412 : memref<1x256xi32, #tpu.memory_space<vmem>> -> memref<256xi32, #tpu.memory_space<vmem>>
      %dma_wait3A_414 = arith.constant 0 : i32
      %dma_wait3A_415 = arith.constant 0 : i32
      %dma_wait3A_416 = tpu.memref_slice %arg2[%dma_wait3A_414, %dma_wait3A_415] : memref<65536x16xf32, #tpu.memory_space<hbm>> -> memref<65536x16xf32, #tpu.memory_space<hbm>>
      tpu.wait_indirect_dma semaphore(%arg27 : memref<!tpu.dma_semaphore, #tpu.memory_space<semaphore_mem>>) src(%dma_wait3A_416 : memref<65536x16xf32, #tpu.memory_space<hbm>>) dst(%arg16 : memref<256x16xf32, #tpu.memory_space<vmem>>)
      %scan3A_417 = arith.constant 0 : i32
      %scan3A_418 = arith.constant 0 : i32
      %scan3A_419 = arith.constant 16 : i32
      %scan3A_420 = arith.addi %scan3A_418, %scan3A_419 : i32
      %scan3A_421 = arith.constant 1 : i32
      %scan3A_422 = scf.for %scan3A_446 = %scan3A_418 to %scan3A_420 step %scan3A_421 iter_args(%scan3A_447 = %scan3A_417) -> (i32)  : i32 {
        %mul3A_448 = arith.constant 16 : i32
        %mul3A_449 = arith.muli %scan3A_446, %mul3A_448 : i32
        %get3A = arith.constant 6 : i32
        %get3A_450 = arith.index_cast %get3A : i32 to index
        %get3A_451 = arith.index_cast %mul3A_449 : i32 to index
        %get3A_452 = tpu.vector_load %arg7[%get3A_450, %get3A_451] {strides = array<i32>} : memref<8x256xi32, #tpu.memory_space<vmem>>, vector<16xi32>,
        %mul3A_453 = arith.constant 16 : i32
        %mul3A_454 = arith.muli %scan3A_446, %mul3A_453 : i32
        %add3A_455 = arith.constant 0 : i32
        %add3A_456 = arith.addi %mul3A_454, %add3A_455 : i32
        %get3A_457 = arith.index_cast %add3A_456 : i32 to index
        %get3A_458 = arith.constant 0 : index
        %get3A_459 = tpu.vector_load %arg16[%get3A_457, %get3A_458] {strides = array<i32>} : memref<256x16xf32, #tpu.memory_space<vmem>>, vector<16xf32>,
        %mul3A_460 = arith.constant 16 : i32
        %mul3A_461 = arith.muli %scan3A_446, %mul3A_460 : i32
        %add3A_462 = arith.constant 1 : i32
        %add3A_463 = arith.addi %mul3A_461, %add3A_462 : i32
        %get3A_464 = arith.index_cast %add3A_463 : i32 to index
        %get3A_465 = arith.constant 0 : index
        %get3A_466 = tpu.vector_load %arg16[%get3A_464, %get3A_465] {strides = array<i32>} : memref<256x16xf32, #tpu.memory_space<vmem>>, vector<16xf32>,
        %mul3A_467 = arith.constant 16 : i32
        %mul3A_468 = arith.muli %scan3A_446, %mul3A_467 : i32
        %add3A_469 = arith.constant 2 : i32
        %add3A_470 = arith.addi %mul3A_468, %add3A_469 : i32
        %get3A_471 = arith.index_cast %add3A_470 : i32 to index
        %get3A_472 = arith.constant 0 : index
        %get3A_473 = tpu.vector_load %arg16[%get3A_471, %get3A_472] {strides = array<i32>} : memref<256x16xf32, #tpu.memory_space<vmem>>, vector<16xf32>,
        %mul3A_474 = arith.constant 16 : i32
        %mul3A_475 = arith.muli %scan3A_446, %mul3A_474 : i32
        %add3A_476 = arith.constant 3 : i32
        %add3A_477 = arith.addi %mul3A_475, %add3A_476 : i32
        %get3A_478 = arith.index_cast %add3A_477 : i32 to index
        %get3A_479 = arith.constant 0 : index
        %get3A_480 = tpu.vector_load %arg16[%get3A_478, %get3A_479] {strides = array<i32>} : memref<256x16xf32, #tpu.memory_space<vmem>>, vector<16xf32>,
        %mul3A_481 = arith.constant 16 : i32
        %mul3A_482 = arith.muli %scan3A_446, %mul3A_481 : i32
        %add3A_483 = arith.constant 4 : i32
        %add3A_484 = arith.addi %mul3A_482, %add3A_483 : i32
        %get3A_485 = arith.index_cast %add3A_484 : i32 to index
        %get3A_486 = arith.constant 0 : index
        %get3A_487 = tpu.vector_load %arg16[%get3A_485, %get3A_486] {strides = array<i32>} : memref<256x16xf32, #tpu.memory_space<vmem>>, vector<16xf32>,
        %mul3A_488 = arith.constant 16 : i32
        %mul3A_489 = arith.muli %scan3A_446, %mul3A_488 : i32
        %add3A_490 = arith.constant 5 : i32
        %add3A_491 = arith.addi %mul3A_489, %add3A_490 : i32
        %get3A_492 = arith.index_cast %add3A_491 : i32 to index
        %get3A_493 = arith.constant 0 : index
        %get3A_494 = tpu.vector_load %arg16[%get3A_492, %get3A_493] {strides = array<i32>} : memref<256x16xf32, #tpu.memory_space<vmem>>, vector<16xf32>,
        %mul3A_495 = arith.constant 16 : i32
        %mul3A_496 = arith.muli %scan3A_446, %mul3A_495 : i32
        %add3A_497 = arith.constant 6 : i32
        %add3A_498 = arith.addi %mul3A_496, %add3A_497 : i32
        %get3A_499 = arith.index_cast %add3A_498 : i32 to index
        %get3A_500 = arith.constant 0 : index
        %get3A_501 = tpu.vector_load %arg16[%get3A_499, %get3A_500] {strides = array<i32>} : memref<256x16xf32, #tpu.memory_space<vmem>>, vector<16xf32>,
        %mul3A_502 = arith.constant 16 : i32
        %mul3A_503 = arith.muli %scan3A_446, %mul3A_502 : i32
        %add3A_504 = arith.constant 7 : i32
        %add3A_505 = arith.addi %mul3A_503, %add3A_504 : i32
        %get3A_506 = arith.index_cast %add3A_505 : i32 to index
        %get3A_507 = arith.constant 0 : index
        %get3A_508 = tpu.vector_load %arg16[%get3A_506, %get3A_507] {strides = array<i32>} : memref<256x16xf32, #tpu.memory_space<vmem>>, vector<16xf32>,
        %mul3A_509 = arith.constant 16 : i32
        %mul3A_510 = arith.muli %scan3A_446, %mul3A_509 : i32
        %add3A_511 = arith.constant 8 : i32
        %add3A_512 = arith.addi %mul3A_510, %add3A_511 : i32
        %get3A_513 = arith.index_cast %add3A_512 : i32 to index
        %get3A_514 = arith.constant 0 : index
        %get3A_515 = tpu.vector_load %arg16[%get3A_513, %get3A_514] {strides = array<i32>} : memref<256x16xf32, #tpu.memory_space<vmem>>, vector<16xf32>,
        %mul3A_516 = arith.constant 16 : i32
        %mul3A_517 = arith.muli %scan3A_446, %mul3A_516 : i32
        %add3A_518 = arith.constant 9 : i32
        %add3A_519 = arith.addi %mul3A_517, %add3A_518 : i32
        %get3A_520 = arith.index_cast %add3A_519 : i32 to index
        %get3A_521 = arith.constant 0 : index
        %get3A_522 = tpu.vector_load %arg16[%get3A_520, %get3A_521] {strides = array<i32>} : memref<256x16xf32, #tpu.memory_space<vmem>>, vector<16xf32>,
        %mul3A_523 = arith.constant 16 : i32
        %mul3A_524 = arith.muli %scan3A_446, %mul3A_523 : i32
        %add3A_525 = arith.constant 10 : i32
        %add3A_526 = arith.addi %mul3A_524, %add3A_525 : i32
        %get3A_527 = arith.index_cast %add3A_526 : i32 to index
        %get3A_528 = arith.constant 0 : index
        %get3A_529 = tpu.vector_load %arg16[%get3A_527, %get3A_528] {strides = array<i32>} : memref<256x16xf32, #tpu.memory_space<vmem>>, vector<16xf32>,
        %mul3A_530 = arith.constant 16 : i32
        %mul3A_531 = arith.muli %scan3A_446, %mul3A_530 : i32
        %add3A_532 = arith.constant 11 : i32
        %add3A_533 = arith.addi %mul3A_531, %add3A_532 : i32
        %get3A_534 = arith.index_cast %add3A_533 : i32 to index
        %get3A_535 = arith.constant 0 : index
        %get3A_536 = tpu.vector_load %arg16[%get3A_534, %get3A_535] {strides = array<i32>} : memref<256x16xf32, #tpu.memory_space<vmem>>, vector<16xf32>,
        %mul3A_537 = arith.constant 16 : i32
        %mul3A_538 = arith.muli %scan3A_446, %mul3A_537 : i32
        %add3A_539 = arith.constant 12 : i32
        %add3A_540 = arith.addi %mul3A_538, %add3A_539 : i32
        %get3A_541 = arith.index_cast %add3A_540 : i32 to index
        %get3A_542 = arith.constant 0 : index
        %get3A_543 = tpu.vector_load %arg16[%get3A_541, %get3A_542] {strides = array<i32>} : memref<256x16xf32, #tpu.memory_space<vmem>>, vector<16xf32>,
        %mul3A_544 = arith.constant 16 : i32
        %mul3A_545 = arith.muli %scan3A_446, %mul3A_544 : i32
        %add3A_546 = arith.constant 13 : i32
        %add3A_547 = arith.addi %mul3A_545, %add3A_546 : i32
        %get3A_548 = arith.index_cast %add3A_547 : i32 to index
        %get3A_549 = arith.constant 0 : index
        %get3A_550 = tpu.vector_load %arg16[%get3A_548, %get3A_549] {strides = array<i32>} : memref<256x16xf32, #tpu.memory_space<vmem>>, vector<16xf32>,
        %mul3A_551 = arith.constant 16 : i32
        %mul3A_552 = arith.muli %scan3A_446, %mul3A_551 : i32
        %add3A_553 = arith.constant 14 : i32
        %add3A_554 = arith.addi %mul3A_552, %add3A_553 : i32
        %get3A_555 = arith.index_cast %add3A_554 : i32 to index
        %get3A_556 = arith.constant 0 : index
        %get3A_557 = tpu.vector_load %arg16[%get3A_555, %get3A_556] {strides = array<i32>} : memref<256x16xf32, #tpu.memory_space<vmem>>, vector<16xf32>,
        %mul3A_558 = arith.constant 16 : i32
        %mul3A_559 = arith.muli %scan3A_446, %mul3A_558 : i32
        %add3A_560 = arith.constant 15 : i32
        %add3A_561 = arith.addi %mul3A_559, %add3A_560 : i32
        %get3A_562 = arith.index_cast %add3A_561 : i32 to index
        %get3A_563 = arith.constant 0 : index
        %get3A_564 = tpu.vector_load %arg16[%get3A_562, %get3A_563] {strides = array<i32>} : memref<256x16xf32, #tpu.memory_space<vmem>>, vector<16xf32>,
        %broadcast_in_dim3A_565 = arith.constant 0 : i32
        %broadcast_in_dim3A_566 = vector.broadcast %broadcast_in_dim3A_565 : i32 to vector<16x1xi32>
        %gather3A = vector.shape_cast %broadcast_in_dim3A_566 : vector<16x1xi32> to vector<16xi32>
        %gather3A_567 = tpu.dynamic_gather %get3A_452[%gather3A] in [0] : vector<16xi32>, vector<16xi32> -> vector<16xi32>
        %broadcast_in_dim3A_568 = arith.constant 1 : i32
        %broadcast_in_dim3A_569 = vector.broadcast %broadcast_in_dim3A_568 : i32 to vector<16x1xi32>
        %gather3A_570 = vector.shape_cast %broadcast_in_dim3A_569 : vector<16x1xi32> to vector<16xi32>
        %gather3A_571 = tpu.dynamic_gather %get3A_452[%gather3A_570] in [0] : vector<16xi32>, vector<16xi32> -> vector<16xi32>
        %broadcast_in_dim3A_572 = arith.constant 2 : i32
        %broadcast_in_dim3A_573 = vector.broadcast %broadcast_in_dim3A_572 : i32 to vector<16x1xi32>
        %gather3A_574 = vector.shape_cast %broadcast_in_dim3A_573 : vector<16x1xi32> to vector<16xi32>
        %gather3A_575 = tpu.dynamic_gather %get3A_452[%gather3A_574] in [0] : vector<16xi32>, vector<16xi32> -> vector<16xi32>
        %broadcast_in_dim3A_576 = arith.constant 3 : i32
        %broadcast_in_dim3A_577 = vector.broadcast %broadcast_in_dim3A_576 : i32 to vector<16x1xi32>
        %gather3A_578 = vector.shape_cast %broadcast_in_dim3A_577 : vector<16x1xi32> to vector<16xi32>
        %gather3A_579 = tpu.dynamic_gather %get3A_452[%gather3A_578] in [0] : vector<16xi32>, vector<16xi32> -> vector<16xi32>
        %broadcast_in_dim3A_580 = arith.constant 4 : i32
        %broadcast_in_dim3A_581 = vector.broadcast %broadcast_in_dim3A_580 : i32 to vector<16x1xi32>
        %gather3A_582 = vector.shape_cast %broadcast_in_dim3A_581 : vector<16x1xi32> to vector<16xi32>
        %gather3A_583 = tpu.dynamic_gather %get3A_452[%gather3A_582] in [0] : vector<16xi32>, vector<16xi32> -> vector<16xi32>
        %broadcast_in_dim3A_584 = arith.constant 5 : i32
        %broadcast_in_dim3A_585 = vector.broadcast %broadcast_in_dim3A_584 : i32 to vector<16x1xi32>
        %gather3A_586 = vector.shape_cast %broadcast_in_dim3A_585 : vector<16x1xi32> to vector<16xi32>
        %gather3A_587 = tpu.dynamic_gather %get3A_452[%gather3A_586] in [0] : vector<16xi32>, vector<16xi32> -> vector<16xi32>
        %broadcast_in_dim3A_588 = arith.constant 6 : i32
        %broadcast_in_dim3A_589 = vector.broadcast %broadcast_in_dim3A_588 : i32 to vector<16x1xi32>
        %gather3A_590 = vector.shape_cast %broadcast_in_dim3A_589 : vector<16x1xi32> to vector<16xi32>
        %gather3A_591 = tpu.dynamic_gather %get3A_452[%gather3A_590] in [0] : vector<16xi32>, vector<16xi32> -> vector<16xi32>
        %broadcast_in_dim3A_592 = arith.constant 7 : i32
        %broadcast_in_dim3A_593 = vector.broadcast %broadcast_in_dim3A_592 : i32 to vector<16x1xi32>
        %gather3A_594 = vector.shape_cast %broadcast_in_dim3A_593 : vector<16x1xi32> to vector<16xi32>
        %gather3A_595 = tpu.dynamic_gather %get3A_452[%gather3A_594] in [0] : vector<16xi32>, vector<16xi32> -> vector<16xi32>
        %broadcast_in_dim3A_596 = arith.constant 8 : i32
        %broadcast_in_dim3A_597 = vector.broadcast %broadcast_in_dim3A_596 : i32 to vector<16x1xi32>
        %gather3A_598 = vector.shape_cast %broadcast_in_dim3A_597 : vector<16x1xi32> to vector<16xi32>
        %gather3A_599 = tpu.dynamic_gather %get3A_452[%gather3A_598] in [0] : vector<16xi32>, vector<16xi32> -> vector<16xi32>
        %broadcast_in_dim3A_600 = arith.constant 9 : i32
        %broadcast_in_dim3A_601 = vector.broadcast %broadcast_in_dim3A_600 : i32 to vector<16x1xi32>
        %gather3A_602 = vector.shape_cast %broadcast_in_dim3A_601 : vector<16x1xi32> to vector<16xi32>
        %gather3A_603 = tpu.dynamic_gather %get3A_452[%gather3A_602] in [0] : vector<16xi32>, vector<16xi32> -> vector<16xi32>
        %broadcast_in_dim3A_604 = arith.constant 10 : i32
        %broadcast_in_dim3A_605 = vector.broadcast %broadcast_in_dim3A_604 : i32 to vector<16x1xi32>
        %gather3A_606 = vector.shape_cast %broadcast_in_dim3A_605 : vector<16x1xi32> to vector<16xi32>
        %gather3A_607 = tpu.dynamic_gather %get3A_452[%gather3A_606] in [0] : vector<16xi32>, vector<16xi32> -> vector<16xi32>
        %broadcast_in_dim3A_608 = arith.constant 11 : i32
        %broadcast_in_dim3A_609 = vector.broadcast %broadcast_in_dim3A_608 : i32 to vector<16x1xi32>
        %gather3A_610 = vector.shape_cast %broadcast_in_dim3A_609 : vector<16x1xi32> to vector<16xi32>
        %gather3A_611 = tpu.dynamic_gather %get3A_452[%gather3A_610] in [0] : vector<16xi32>, vector<16xi32> -> vector<16xi32>
        %broadcast_in_dim3A_612 = arith.constant 12 : i32
        %broadcast_in_dim3A_613 = vector.broadcast %broadcast_in_dim3A_612 : i32 to vector<16x1xi32>
        %gather3A_614 = vector.shape_cast %broadcast_in_dim3A_613 : vector<16x1xi32> to vector<16xi32>
        %gather3A_615 = tpu.dynamic_gather %get3A_452[%gather3A_614] in [0] : vector<16xi32>, vector<16xi32> -> vector<16xi32>
        %broadcast_in_dim3A_616 = arith.constant 13 : i32
        %broadcast_in_dim3A_617 = vector.broadcast %broadcast_in_dim3A_616 : i32 to vector<16x1xi32>
        %gather3A_618 = vector.shape_cast %broadcast_in_dim3A_617 : vector<16x1xi32> to vector<16xi32>
        %gather3A_619 = tpu.dynamic_gather %get3A_452[%gather3A_618] in [0] : vector<16xi32>, vector<16xi32> -> vector<16xi32>
        %broadcast_in_dim3A_620 = arith.constant 14 : i32
        %broadcast_in_dim3A_621 = vector.broadcast %broadcast_in_dim3A_620 : i32 to vector<16x1xi32>
        %gather3A_622 = vector.shape_cast %broadcast_in_dim3A_621 : vector<16x1xi32> to vector<16xi32>
        %gather3A_623 = tpu.dynamic_gather %get3A_452[%gather3A_622] in [0] : vector<16xi32>, vector<16xi32> -> vector<16xi32>
        %broadcast_in_dim3A_624 = arith.constant 15 : i32
        %broadcast_in_dim3A_625 = vector.broadcast %broadcast_in_dim3A_624 : i32 to vector<16x1xi32>
        %gather3A_626 = vector.shape_cast %broadcast_in_dim3A_625 : vector<16x1xi32> to vector<16xi32>
        %gather3A_627 = tpu.dynamic_gather %get3A_452[%gather3A_626] in [0] : vector<16xi32>, vector<16xi32> -> vector<16xi32>
        tpu.vector_store_idx %arg18[%gather3A_567, %iota3A], %get3A_459 {add = true} : memref<4096x16xf32, #tpu.memory_space<vmem>>[vector<16xi32>, vector<16xi32>], vector<16xf32>,
        tpu.vector_store_idx %arg18[%gather3A_571, %iota3A], %get3A_466 {add = true} : memref<4096x16xf32, #tpu.memory_space<vmem>>[vector<16xi32>, vector<16xi32>], vector<16xf32>,
        tpu.vector_store_idx %arg18[%gather3A_575, %iota3A], %get3A_473 {add = true} : memref<4096x16xf32, #tpu.memory_space<vmem>>[vector<16xi32>, vector<16xi32>], vector<16xf32>,
        tpu.vector_store_idx %arg18[%gather3A_579, %iota3A], %get3A_480 {add = true} : memref<4096x16xf32, #tpu.memory_space<vmem>>[vector<16xi32>, vector<16xi32>], vector<16xf32>,
        tpu.vector_store_idx %arg18[%gather3A_583, %iota3A], %get3A_487 {add = true} : memref<4096x16xf32, #tpu.memory_space<vmem>>[vector<16xi32>, vector<16xi32>], vector<16xf32>,
        tpu.vector_store_idx %arg18[%gather3A_587, %iota3A], %get3A_494 {add = true} : memref<4096x16xf32, #tpu.memory_space<vmem>>[vector<16xi32>, vector<16xi32>], vector<16xf32>,
        tpu.vector_store_idx %arg18[%gather3A_591, %iota3A], %get3A_501 {add = true} : memref<4096x16xf32, #tpu.memory_space<vmem>>[vector<16xi32>, vector<16xi32>], vector<16xf32>,
        tpu.vector_store_idx %arg18[%gather3A_595, %iota3A], %get3A_508 {add = true} : memref<4096x16xf32, #tpu.memory_space<vmem>>[vector<16xi32>, vector<16xi32>], vector<16xf32>,
        tpu.vector_store_idx %arg18[%gather3A_599, %iota3A], %get3A_515 {add = true} : memref<4096x16xf32, #tpu.memory_space<vmem>>[vector<16xi32>, vector<16xi32>], vector<16xf32>,
        tpu.vector_store_idx %arg18[%gather3A_603, %iota3A], %get3A_522 {add = true} : memref<4096x16xf32, #tpu.memory_space<vmem>>[vector<16xi32>, vector<16xi32>], vector<16xf32>,
        tpu.vector_store_idx %arg18[%gather3A_607, %iota3A], %get3A_529 {add = true} : memref<4096x16xf32, #tpu.memory_space<vmem>>[vector<16xi32>, vector<16xi32>], vector<16xf32>,
        tpu.vector_store_idx %arg18[%gather3A_611, %iota3A], %get3A_536 {add = true} : memref<4096x16xf32, #tpu.memory_space<vmem>>[vector<16xi32>, vector<16xi32>], vector<16xf32>,
        tpu.vector_store_idx %arg18[%gather3A_615, %iota3A], %get3A_543 {add = true} : memref<4096x16xf32, #tpu.memory_space<vmem>>[vector<16xi32>, vector<16xi32>], vector<16xf32>,
        tpu.vector_store_idx %arg18[%gather3A_619, %iota3A], %get3A_550 {add = true} : memref<4096x16xf32, #tpu.memory_space<vmem>>[vector<16xi32>, vector<16xi32>], vector<16xf32>,
        tpu.vector_store_idx %arg18[%gather3A_623, %iota3A], %get3A_557 {add = true} : memref<4096x16xf32, #tpu.memory_space<vmem>>[vector<16xi32>, vector<16xi32>], vector<16xf32>,
        tpu.vector_store_idx %arg18[%gather3A_627, %iota3A], %get3A_564 {add = true} : memref<4096x16xf32, #tpu.memory_space<vmem>>[vector<16xi32>, vector<16xi32>], vector<16xf32>,
        %scan3A_628 = arith.constant 0 : i32
        scf.yield %scan3A_628 : i32
      }
      %scan3A_423 = arith.constant 16 : i32
      %dma_wait3A_424 = arith.constant 7 : i32
      %dma_wait3A_425 = arith.constant 0 : i32
      %dma_wait3A_426 = tpu.memref_slice %arg9[%dma_wait3A_424, %dma_wait3A_425] : memref<8x256xi32, #tpu.memory_space<vmem>> -> memref<1x256xi32, #tpu.memory_space<vmem>>
      %dma_wait3A_427 = tpu.memref_squeeze %dma_wait3A_426 : memref<1x256xi32, #tpu.memory_space<vmem>> -> memref<256xi32, #tpu.memory_space<vmem>>
      %dma_wait3A_428 = arith.constant 0 : i32
      %dma_wait3A_429 = arith.constant 0 : i32
      %dma_wait3A_430 = tpu.memref_slice %arg2[%dma_wait3A_428, %dma_wait3A_429] : memref<65536x16xf32, #tpu.memory_space<hbm>> -> memref<65536x16xf32, #tpu.memory_space<hbm>>
      tpu.wait_indirect_dma semaphore(%arg28 : memref<!tpu.dma_semaphore, #tpu.memory_space<semaphore_mem>>) src(%dma_wait3A_430 : memref<65536x16xf32, #tpu.memory_space<hbm>>) dst(%arg17 : memref<256x16xf32, #tpu.memory_space<vmem>>)
      %scan3A_431 = arith.constant 0 : i32
      %scan3A_432 = arith.constant 0 : i32
      %scan3A_433 = arith.constant 16 : i32
      %scan3A_434 = arith.addi %scan3A_432, %scan3A_433 : i32
      %scan3A_435 = arith.constant 1 : i32
      %scan3A_436 = scf.for %scan3A_446 = %scan3A_432 to %scan3A_434 step %scan3A_435 iter_args(%scan3A_447 = %scan3A_431) -> (i32)  : i32 {
        %mul3A_448 = arith.constant 16 : i32
        %mul3A_449 = arith.muli %scan3A_446, %mul3A_448 : i32
        %get3A = arith.constant 7 : i32
        %get3A_450 = arith.index_cast %get3A : i32 to index
        %get3A_451 = arith.index_cast %mul3A_449 : i32 to index
        %get3A_452 = tpu.vector_load %arg7[%get3A_450, %get3A_451] {strides = array<i32>} : memref<8x256xi32, #tpu.memory_space<vmem>>, vector<16xi32>,
        %mul3A_453 = arith.constant 16 : i32
        %mul3A_454 = arith.muli %scan3A_446, %mul3A_453 : i32
        %add3A_455 = arith.constant 0 : i32
        %add3A_456 = arith.addi %mul3A_454, %add3A_455 : i32
        %get3A_457 = arith.index_cast %add3A_456 : i32 to index
        %get3A_458 = arith.constant 0 : index
        %get3A_459 = tpu.vector_load %arg17[%get3A_457, %get3A_458] {strides = array<i32>} : memref<256x16xf32, #tpu.memory_space<vmem>>, vector<16xf32>,
        %mul3A_460 = arith.constant 16 : i32
        %mul3A_461 = arith.muli %scan3A_446, %mul3A_460 : i32
        %add3A_462 = arith.constant 1 : i32
        %add3A_463 = arith.addi %mul3A_461, %add3A_462 : i32
        %get3A_464 = arith.index_cast %add3A_463 : i32 to index
        %get3A_465 = arith.constant 0 : index
        %get3A_466 = tpu.vector_load %arg17[%get3A_464, %get3A_465] {strides = array<i32>} : memref<256x16xf32, #tpu.memory_space<vmem>>, vector<16xf32>,
        %mul3A_467 = arith.constant 16 : i32
        %mul3A_468 = arith.muli %scan3A_446, %mul3A_467 : i32
        %add3A_469 = arith.constant 2 : i32
        %add3A_470 = arith.addi %mul3A_468, %add3A_469 : i32
        %get3A_471 = arith.index_cast %add3A_470 : i32 to index
        %get3A_472 = arith.constant 0 : index
        %get3A_473 = tpu.vector_load %arg17[%get3A_471, %get3A_472] {strides = array<i32>} : memref<256x16xf32, #tpu.memory_space<vmem>>, vector<16xf32>,
        %mul3A_474 = arith.constant 16 : i32
        %mul3A_475 = arith.muli %scan3A_446, %mul3A_474 : i32
        %add3A_476 = arith.constant 3 : i32
        %add3A_477 = arith.addi %mul3A_475, %add3A_476 : i32
        %get3A_478 = arith.index_cast %add3A_477 : i32 to index
        %get3A_479 = arith.constant 0 : index
        %get3A_480 = tpu.vector_load %arg17[%get3A_478, %get3A_479] {strides = array<i32>} : memref<256x16xf32, #tpu.memory_space<vmem>>, vector<16xf32>,
        %mul3A_481 = arith.constant 16 : i32
        %mul3A_482 = arith.muli %scan3A_446, %mul3A_481 : i32
        %add3A_483 = arith.constant 4 : i32
        %add3A_484 = arith.addi %mul3A_482, %add3A_483 : i32
        %get3A_485 = arith.index_cast %add3A_484 : i32 to index
        %get3A_486 = arith.constant 0 : index
        %get3A_487 = tpu.vector_load %arg17[%get3A_485, %get3A_486] {strides = array<i32>} : memref<256x16xf32, #tpu.memory_space<vmem>>, vector<16xf32>,
        %mul3A_488 = arith.constant 16 : i32
        %mul3A_489 = arith.muli %scan3A_446, %mul3A_488 : i32
        %add3A_490 = arith.constant 5 : i32
        %add3A_491 = arith.addi %mul3A_489, %add3A_490 : i32
        %get3A_492 = arith.index_cast %add3A_491 : i32 to index
        %get3A_493 = arith.constant 0 : index
        %get3A_494 = tpu.vector_load %arg17[%get3A_492, %get3A_493] {strides = array<i32>} : memref<256x16xf32, #tpu.memory_space<vmem>>, vector<16xf32>,
        %mul3A_495 = arith.constant 16 : i32
        %mul3A_496 = arith.muli %scan3A_446, %mul3A_495 : i32
        %add3A_497 = arith.constant 6 : i32
        %add3A_498 = arith.addi %mul3A_496, %add3A_497 : i32
        %get3A_499 = arith.index_cast %add3A_498 : i32 to index
        %get3A_500 = arith.constant 0 : index
        %get3A_501 = tpu.vector_load %arg17[%get3A_499, %get3A_500] {strides = array<i32>} : memref<256x16xf32, #tpu.memory_space<vmem>>, vector<16xf32>,
        %mul3A_502 = arith.constant 16 : i32
        %mul3A_503 = arith.muli %scan3A_446, %mul3A_502 : i32
        %add3A_504 = arith.constant 7 : i32
        %add3A_505 = arith.addi %mul3A_503, %add3A_504 : i32
        %get3A_506 = arith.index_cast %add3A_505 : i32 to index
        %get3A_507 = arith.constant 0 : index
        %get3A_508 = tpu.vector_load %arg17[%get3A_506, %get3A_507] {strides = array<i32>} : memref<256x16xf32, #tpu.memory_space<vmem>>, vector<16xf32>,
        %mul3A_509 = arith.constant 16 : i32
        %mul3A_510 = arith.muli %scan3A_446, %mul3A_509 : i32
        %add3A_511 = arith.constant 8 : i32
        %add3A_512 = arith.addi %mul3A_510, %add3A_511 : i32
        %get3A_513 = arith.index_cast %add3A_512 : i32 to index
        %get3A_514 = arith.constant 0 : index
        %get3A_515 = tpu.vector_load %arg17[%get3A_513, %get3A_514] {strides = array<i32>} : memref<256x16xf32, #tpu.memory_space<vmem>>, vector<16xf32>,
        %mul3A_516 = arith.constant 16 : i32
        %mul3A_517 = arith.muli %scan3A_446, %mul3A_516 : i32
        %add3A_518 = arith.constant 9 : i32
        %add3A_519 = arith.addi %mul3A_517, %add3A_518 : i32
        %get3A_520 = arith.index_cast %add3A_519 : i32 to index
        %get3A_521 = arith.constant 0 : index
        %get3A_522 = tpu.vector_load %arg17[%get3A_520, %get3A_521] {strides = array<i32>} : memref<256x16xf32, #tpu.memory_space<vmem>>, vector<16xf32>,
        %mul3A_523 = arith.constant 16 : i32
        %mul3A_524 = arith.muli %scan3A_446, %mul3A_523 : i32
        %add3A_525 = arith.constant 10 : i32
        %add3A_526 = arith.addi %mul3A_524, %add3A_525 : i32
        %get3A_527 = arith.index_cast %add3A_526 : i32 to index
        %get3A_528 = arith.constant 0 : index
        %get3A_529 = tpu.vector_load %arg17[%get3A_527, %get3A_528] {strides = array<i32>} : memref<256x16xf32, #tpu.memory_space<vmem>>, vector<16xf32>,
        %mul3A_530 = arith.constant 16 : i32
        %mul3A_531 = arith.muli %scan3A_446, %mul3A_530 : i32
        %add3A_532 = arith.constant 11 : i32
        %add3A_533 = arith.addi %mul3A_531, %add3A_532 : i32
        %get3A_534 = arith.index_cast %add3A_533 : i32 to index
        %get3A_535 = arith.constant 0 : index
        %get3A_536 = tpu.vector_load %arg17[%get3A_534, %get3A_535] {strides = array<i32>} : memref<256x16xf32, #tpu.memory_space<vmem>>, vector<16xf32>,
        %mul3A_537 = arith.constant 16 : i32
        %mul3A_538 = arith.muli %scan3A_446, %mul3A_537 : i32
        %add3A_539 = arith.constant 12 : i32
        %add3A_540 = arith.addi %mul3A_538, %add3A_539 : i32
        %get3A_541 = arith.index_cast %add3A_540 : i32 to index
        %get3A_542 = arith.constant 0 : index
        %get3A_543 = tpu.vector_load %arg17[%get3A_541, %get3A_542] {strides = array<i32>} : memref<256x16xf32, #tpu.memory_space<vmem>>, vector<16xf32>,
        %mul3A_544 = arith.constant 16 : i32
        %mul3A_545 = arith.muli %scan3A_446, %mul3A_544 : i32
        %add3A_546 = arith.constant 13 : i32
        %add3A_547 = arith.addi %mul3A_545, %add3A_546 : i32
        %get3A_548 = arith.index_cast %add3A_547 : i32 to index
        %get3A_549 = arith.constant 0 : index
        %get3A_550 = tpu.vector_load %arg17[%get3A_548, %get3A_549] {strides = array<i32>} : memref<256x16xf32, #tpu.memory_space<vmem>>, vector<16xf32>,
        %mul3A_551 = arith.constant 16 : i32
        %mul3A_552 = arith.muli %scan3A_446, %mul3A_551 : i32
        %add3A_553 = arith.constant 14 : i32
        %add3A_554 = arith.addi %mul3A_552, %add3A_553 : i32
        %get3A_555 = arith.index_cast %add3A_554 : i32 to index
        %get3A_556 = arith.constant 0 : index
        %get3A_557 = tpu.vector_load %arg17[%get3A_555, %get3A_556] {strides = array<i32>} : memref<256x16xf32, #tpu.memory_space<vmem>>, vector<16xf32>,
        %mul3A_558 = arith.constant 16 : i32
        %mul3A_559 = arith.muli %scan3A_446, %mul3A_558 : i32
        %add3A_560 = arith.constant 15 : i32
        %add3A_561 = arith.addi %mul3A_559, %add3A_560 : i32
        %get3A_562 = arith.index_cast %add3A_561 : i32 to index
        %get3A_563 = arith.constant 0 : index
        %get3A_564 = tpu.vector_load %arg17[%get3A_562, %get3A_563] {strides = array<i32>} : memref<256x16xf32, #tpu.memory_space<vmem>>, vector<16xf32>,
        %broadcast_in_dim3A_565 = arith.constant 0 : i32
        %broadcast_in_dim3A_566 = vector.broadcast %broadcast_in_dim3A_565 : i32 to vector<16x1xi32>
        %gather3A = vector.shape_cast %broadcast_in_dim3A_566 : vector<16x1xi32> to vector<16xi32>
        %gather3A_567 = tpu.dynamic_gather %get3A_452[%gather3A] in [0] : vector<16xi32>, vector<16xi32> -> vector<16xi32>
        %broadcast_in_dim3A_568 = arith.constant 1 : i32
        %broadcast_in_dim3A_569 = vector.broadcast %broadcast_in_dim3A_568 : i32 to vector<16x1xi32>
        %gather3A_570 = vector.shape_cast %broadcast_in_dim3A_569 : vector<16x1xi32> to vector<16xi32>
        %gather3A_571 = tpu.dynamic_gather %get3A_452[%gather3A_570] in [0] : vector<16xi32>, vector<16xi32> -> vector<16xi32>
        %broadcast_in_dim3A_572 = arith.constant 2 : i32
        %broadcast_in_dim3A_573 = vector.broadcast %broadcast_in_dim3A_572 : i32 to vector<16x1xi32>
        %gather3A_574 = vector.shape_cast %broadcast_in_dim3A_573 : vector<16x1xi32> to vector<16xi32>
        %gather3A_575 = tpu.dynamic_gather %get3A_452[%gather3A_574] in [0] : vector<16xi32>, vector<16xi32> -> vector<16xi32>
        %broadcast_in_dim3A_576 = arith.constant 3 : i32
        %broadcast_in_dim3A_577 = vector.broadcast %broadcast_in_dim3A_576 : i32 to vector<16x1xi32>
        %gather3A_578 = vector.shape_cast %broadcast_in_dim3A_577 : vector<16x1xi32> to vector<16xi32>
        %gather3A_579 = tpu.dynamic_gather %get3A_452[%gather3A_578] in [0] : vector<16xi32>, vector<16xi32> -> vector<16xi32>
        %broadcast_in_dim3A_580 = arith.constant 4 : i32
        %broadcast_in_dim3A_581 = vector.broadcast %broadcast_in_dim3A_580 : i32 to vector<16x1xi32>
        %gather3A_582 = vector.shape_cast %broadcast_in_dim3A_581 : vector<16x1xi32> to vector<16xi32>
        %gather3A_583 = tpu.dynamic_gather %get3A_452[%gather3A_582] in [0] : vector<16xi32>, vector<16xi32> -> vector<16xi32>
        %broadcast_in_dim3A_584 = arith.constant 5 : i32
        %broadcast_in_dim3A_585 = vector.broadcast %broadcast_in_dim3A_584 : i32 to vector<16x1xi32>
        %gather3A_586 = vector.shape_cast %broadcast_in_dim3A_585 : vector<16x1xi32> to vector<16xi32>
        %gather3A_587 = tpu.dynamic_gather %get3A_452[%gather3A_586] in [0] : vector<16xi32>, vector<16xi32> -> vector<16xi32>
        %broadcast_in_dim3A_588 = arith.constant 6 : i32
        %broadcast_in_dim3A_589 = vector.broadcast %broadcast_in_dim3A_588 : i32 to vector<16x1xi32>
        %gather3A_590 = vector.shape_cast %broadcast_in_dim3A_589 : vector<16x1xi32> to vector<16xi32>
        %gather3A_591 = tpu.dynamic_gather %get3A_452[%gather3A_590] in [0] : vector<16xi32>, vector<16xi32> -> vector<16xi32>
        %broadcast_in_dim3A_592 = arith.constant 7 : i32
        %broadcast_in_dim3A_593 = vector.broadcast %broadcast_in_dim3A_592 : i32 to vector<16x1xi32>
        %gather3A_594 = vector.shape_cast %broadcast_in_dim3A_593 : vector<16x1xi32> to vector<16xi32>
        %gather3A_595 = tpu.dynamic_gather %get3A_452[%gather3A_594] in [0] : vector<16xi32>, vector<16xi32> -> vector<16xi32>
        %broadcast_in_dim3A_596 = arith.constant 8 : i32
        %broadcast_in_dim3A_597 = vector.broadcast %broadcast_in_dim3A_596 : i32 to vector<16x1xi32>
        %gather3A_598 = vector.shape_cast %broadcast_in_dim3A_597 : vector<16x1xi32> to vector<16xi32>
        %gather3A_599 = tpu.dynamic_gather %get3A_452[%gather3A_598] in [0] : vector<16xi32>, vector<16xi32> -> vector<16xi32>
        %broadcast_in_dim3A_600 = arith.constant 9 : i32
        %broadcast_in_dim3A_601 = vector.broadcast %broadcast_in_dim3A_600 : i32 to vector<16x1xi32>
        %gather3A_602 = vector.shape_cast %broadcast_in_dim3A_601 : vector<16x1xi32> to vector<16xi32>
        %gather3A_603 = tpu.dynamic_gather %get3A_452[%gather3A_602] in [0] : vector<16xi32>, vector<16xi32> -> vector<16xi32>
        %broadcast_in_dim3A_604 = arith.constant 10 : i32
        %broadcast_in_dim3A_605 = vector.broadcast %broadcast_in_dim3A_604 : i32 to vector<16x1xi32>
        %gather3A_606 = vector.shape_cast %broadcast_in_dim3A_605 : vector<16x1xi32> to vector<16xi32>
        %gather3A_607 = tpu.dynamic_gather %get3A_452[%gather3A_606] in [0] : vector<16xi32>, vector<16xi32> -> vector<16xi32>
        %broadcast_in_dim3A_608 = arith.constant 11 : i32
        %broadcast_in_dim3A_609 = vector.broadcast %broadcast_in_dim3A_608 : i32 to vector<16x1xi32>
        %gather3A_610 = vector.shape_cast %broadcast_in_dim3A_609 : vector<16x1xi32> to vector<16xi32>
        %gather3A_611 = tpu.dynamic_gather %get3A_452[%gather3A_610] in [0] : vector<16xi32>, vector<16xi32> -> vector<16xi32>
        %broadcast_in_dim3A_612 = arith.constant 12 : i32
        %broadcast_in_dim3A_613 = vector.broadcast %broadcast_in_dim3A_612 : i32 to vector<16x1xi32>
        %gather3A_614 = vector.shape_cast %broadcast_in_dim3A_613 : vector<16x1xi32> to vector<16xi32>
        %gather3A_615 = tpu.dynamic_gather %get3A_452[%gather3A_614] in [0] : vector<16xi32>, vector<16xi32> -> vector<16xi32>
        %broadcast_in_dim3A_616 = arith.constant 13 : i32
        %broadcast_in_dim3A_617 = vector.broadcast %broadcast_in_dim3A_616 : i32 to vector<16x1xi32>
        %gather3A_618 = vector.shape_cast %broadcast_in_dim3A_617 : vector<16x1xi32> to vector<16xi32>
        %gather3A_619 = tpu.dynamic_gather %get3A_452[%gather3A_618] in [0] : vector<16xi32>, vector<16xi32> -> vector<16xi32>
        %broadcast_in_dim3A_620 = arith.constant 14 : i32
        %broadcast_in_dim3A_621 = vector.broadcast %broadcast_in_dim3A_620 : i32 to vector<16x1xi32>
        %gather3A_622 = vector.shape_cast %broadcast_in_dim3A_621 : vector<16x1xi32> to vector<16xi32>
        %gather3A_623 = tpu.dynamic_gather %get3A_452[%gather3A_622] in [0] : vector<16xi32>, vector<16xi32> -> vector<16xi32>
        %broadcast_in_dim3A_624 = arith.constant 15 : i32
        %broadcast_in_dim3A_625 = vector.broadcast %broadcast_in_dim3A_624 : i32 to vector<16x1xi32>
        %gather3A_626 = vector.shape_cast %broadcast_in_dim3A_625 : vector<16x1xi32> to vector<16xi32>
        %gather3A_627 = tpu.dynamic_gather %get3A_452[%gather3A_626] in [0] : vector<16xi32>, vector<16xi32> -> vector<16xi32>
        tpu.vector_store_idx %arg18[%gather3A_567, %iota3A], %get3A_459 {add = true} : memref<4096x16xf32, #tpu.memory_space<vmem>>[vector<16xi32>, vector<16xi32>], vector<16xf32>,
        tpu.vector_store_idx %arg18[%gather3A_571, %iota3A], %get3A_466 {add = true} : memref<4096x16xf32, #tpu.memory_space<vmem>>[vector<16xi32>, vector<16xi32>], vector<16xf32>,
        tpu.vector_store_idx %arg18[%gather3A_575, %iota3A], %get3A_473 {add = true} : memref<4096x16xf32, #tpu.memory_space<vmem>>[vector<16xi32>, vector<16xi32>], vector<16xf32>,
        tpu.vector_store_idx %arg18[%gather3A_579, %iota3A], %get3A_480 {add = true} : memref<4096x16xf32, #tpu.memory_space<vmem>>[vector<16xi32>, vector<16xi32>], vector<16xf32>,
        tpu.vector_store_idx %arg18[%gather3A_583, %iota3A], %get3A_487 {add = true} : memref<4096x16xf32, #tpu.memory_space<vmem>>[vector<16xi32>, vector<16xi32>], vector<16xf32>,
        tpu.vector_store_idx %arg18[%gather3A_587, %iota3A], %get3A_494 {add = true} : memref<4096x16xf32, #tpu.memory_space<vmem>>[vector<16xi32>, vector<16xi32>], vector<16xf32>,
        tpu.vector_store_idx %arg18[%gather3A_591, %iota3A], %get3A_501 {add = true} : memref<4096x16xf32, #tpu.memory_space<vmem>>[vector<16xi32>, vector<16xi32>], vector<16xf32>,
        tpu.vector_store_idx %arg18[%gather3A_595, %iota3A], %get3A_508 {add = true} : memref<4096x16xf32, #tpu.memory_space<vmem>>[vector<16xi32>, vector<16xi32>], vector<16xf32>,
        tpu.vector_store_idx %arg18[%gather3A_599, %iota3A], %get3A_515 {add = true} : memref<4096x16xf32, #tpu.memory_space<vmem>>[vector<16xi32>, vector<16xi32>], vector<16xf32>,
        tpu.vector_store_idx %arg18[%gather3A_603, %iota3A], %get3A_522 {add = true} : memref<4096x16xf32, #tpu.memory_space<vmem>>[vector<16xi32>, vector<16xi32>], vector<16xf32>,
        tpu.vector_store_idx %arg18[%gather3A_607, %iota3A], %get3A_529 {add = true} : memref<4096x16xf32, #tpu.memory_space<vmem>>[vector<16xi32>, vector<16xi32>], vector<16xf32>,
        tpu.vector_store_idx %arg18[%gather3A_611, %iota3A], %get3A_536 {add = true} : memref<4096x16xf32, #tpu.memory_space<vmem>>[vector<16xi32>, vector<16xi32>], vector<16xf32>,
        tpu.vector_store_idx %arg18[%gather3A_615, %iota3A], %get3A_543 {add = true} : memref<4096x16xf32, #tpu.memory_space<vmem>>[vector<16xi32>, vector<16xi32>], vector<16xf32>,
        tpu.vector_store_idx %arg18[%gather3A_619, %iota3A], %get3A_550 {add = true} : memref<4096x16xf32, #tpu.memory_space<vmem>>[vector<16xi32>, vector<16xi32>], vector<16xf32>,
        tpu.vector_store_idx %arg18[%gather3A_623, %iota3A], %get3A_557 {add = true} : memref<4096x16xf32, #tpu.memory_space<vmem>>[vector<16xi32>, vector<16xi32>], vector<16xf32>,
        tpu.vector_store_idx %arg18[%gather3A_627, %iota3A], %get3A_564 {add = true} : memref<4096x16xf32, #tpu.memory_space<vmem>>[vector<16xi32>, vector<16xi32>], vector<16xf32>,
        %scan3A_628 = arith.constant 0 : i32
        scf.yield %scan3A_628 : i32
      }
      %scan3A_437 = arith.constant 16 : i32
      %add3A_438 = arith.constant 2 : i32
      %add3A_439 = arith.addi %add3A_245, %add3A_438 : i32
      %lt3A_440 = arith.constant 32 : i32
      %lt3A_441 = arith.cmpi slt, %add3A_439, %lt3A_440 : i32
      %convert_element_type3A_442 = arith.extui %lt3A_441 : i1 to i32
      %cond3A_443 = arith.constant 0 : i32
      %cond3A_444 = arith.cmpi ne, %convert_element_type3A_442, %cond3A_443 : i32
      scf.if %cond3A_444 {
        %add3A_446 = arith.addi %mul3A_9, %add3A_245 : i32
        %add3A_447 = arith.constant 2 : i32
        %add3A_448 = arith.addi %add3A_446, %add3A_447 : i32
        %mul3A_449 = arith.constant 8 : i32
        %mul3A_450 = arith.muli %add3A_448, %mul3A_449 : i32
        %dma_start3A_451 = arith.constant 0 : i32
        %dma_start3A_452 = tpu.memref_slice %arg3[%mul3A_450, %dma_start3A_451] : memref<512x256xi32, #tpu.memory_space<hbm>> -> memref<8x256xi32, #tpu.memory_space<hbm>>
        %dma_start3A_453 = arith.constant 0 : i32
        %dma_start3A_454 = tpu.memref_slice %arg3[%mul3A_450, %dma_start3A_453] : memref<512x256xi32, #tpu.memory_space<hbm>> -> memref<8x256xi32, #tpu.memory_space<hbm>>
        tpu.enqueue_dma source(%dma_start3A_454 : memref<8x256xi32, #tpu.memory_space<hbm>>) target(%arg7 : memref<8x256xi32, #tpu.memory_space<vmem>>) target_semaphore(%arg20 : memref<!tpu.dma_semaphore, #tpu.memory_space<semaphore_mem>>)
        %mul3A_455 = arith.constant 8 : i32
        %mul3A_456 = arith.muli %add3A_448, %mul3A_455 : i32
        %dma_start3A_457 = arith.constant 0 : i32
        %dma_start3A_458 = tpu.memref_slice %arg4[%mul3A_456, %dma_start3A_457] : memref<512x256xi32, #tpu.memory_space<hbm>> -> memref<8x256xi32, #tpu.memory_space<hbm>>
        %dma_start3A_459 = arith.constant 0 : i32
        %dma_start3A_460 = tpu.memref_slice %arg4[%mul3A_456, %dma_start3A_459] : memref<512x256xi32, #tpu.memory_space<hbm>> -> memref<8x256xi32, #tpu.memory_space<hbm>>
        tpu.enqueue_dma source(%dma_start3A_460 : memref<8x256xi32, #tpu.memory_space<hbm>>) target(%arg9 : memref<8x256xi32, #tpu.memory_space<vmem>>) target_semaphore(%arg20 : memref<!tpu.dma_semaphore, #tpu.memory_space<semaphore_mem>>)
      } else {
      }
      %scan3A_445 = arith.constant 0 : i32
      scf.yield %scan3A_445 : i32
    }
    %scan3A_40 = arith.constant 16 : i32
    "tpu.region"() ({
      %run_scoped3A = tpu.sem_alloc : memref<!tpu.dma_semaphore, #tpu.memory_space<semaphore_mem>>
      %dma_start3A_41 = arith.constant 0 : i32
      %dma_start3A_42 = tpu.memref_slice %arg5[%arg0, %dma_start3A_41, %mul3A_0] : memref<2x4096x256xf32, #tpu.memory_space<hbm>> -> memref<1x4096x16xf32, #tpu.memory_space<hbm>>
      %dma_start3A_43 = tpu.memref_squeeze %dma_start3A_42 : memref<1x4096x16xf32, #tpu.memory_space<hbm>> -> memref<4096x16xf32, #tpu.memory_space<hbm>>
      %dma_start3A_44 = arith.constant 0 : i32
      %dma_start3A_45 = tpu.memref_slice %arg5[%arg0, %dma_start3A_44, %mul3A_0] : memref<2x4096x256xf32, #tpu.memory_space<hbm>> -> memref<1x4096x16xf32, #tpu.memory_space<hbm>>
      %dma_start3A_46 = tpu.memref_squeeze %dma_start3A_45 : memref<1x4096x16xf32, #tpu.memory_space<hbm>> -> memref<4096x16xf32, #tpu.memory_space<hbm>>
      tpu.enqueue_dma source(%arg18 : memref<4096x16xf32, #tpu.memory_space<vmem>>) target(%dma_start3A_46 : memref<4096x16xf32, #tpu.memory_space<hbm>>) target_semaphore(%run_scoped3A : memref<!tpu.dma_semaphore, #tpu.memory_space<semaphore_mem>>)
      %dma_wait3A = arith.constant 0 : i32
      %dma_wait3A_47 = tpu.memref_slice %arg5[%arg0, %dma_wait3A, %mul3A_0] : memref<2x4096x256xf32, #tpu.memory_space<hbm>> -> memref<1x4096x16xf32, #tpu.memory_space<hbm>>
      %dma_wait3A_48 = tpu.memref_squeeze %dma_wait3A_47 : memref<1x4096x16xf32, #tpu.memory_space<hbm>> -> memref<4096x16xf32, #tpu.memory_space<hbm>>
      %dma_wait3A_49 = arith.constant 0 : i32
      %dma_wait3A_50 = tpu.memref_slice %arg5[%arg0, %dma_wait3A_49, %mul3A_0] : memref<2x4096x256xf32, #tpu.memory_space<hbm>> -> memref<1x4096x16xf32, #tpu.memory_space<hbm>>
      %dma_wait3A_51 = tpu.memref_squeeze %dma_wait3A_50 : memref<1x4096x16xf32, #tpu.memory_space<hbm>> -> memref<4096x16xf32, #tpu.memory_space<hbm>>
      tpu.wait_dma2 semaphore(%run_scoped3A : memref<!tpu.dma_semaphore, #tpu.memory_space<semaphore_mem>>) src(%arg18 : memref<4096x16xf32, #tpu.memory_space<vmem>>) dst(%dma_wait3A_51 : memref<4096x16xf32, #tpu.memory_space<hbm>>)
      tpu.yield
    }) : () -> ()
    return
  }
}

module attributes {stable_mosaic.version = 14 : i64} {
  func.func @_h1_body(%arg0: i32, %arg1: memref<512x4608xf32, #tpu.memory_space<vmem>>, %arg2: memref<4608x256xf32, #tpu.memory_space<vmem>>, %arg3: memref<256x16xf32, #tpu.memory_space<vmem>>, %arg4: memref<512x256xf32, #tpu.memory_space<vmem>>, %arg5: memref<512x16xf32, #tpu.memory_space<vmem>>) attributes {dimension_semantics = [#tpu.dimension_semantics<arbitrary>], iteration_bounds = array<i64: 8>, scalar_prefetch = 0 : i64, scratch_operands = 0 : i64, tpu.core_type = #tpu.core_type<tc>, window_params = [{transform_indices = @transform_0, window_bounds = array<i64: 512, 4608>}, {pipeline_mode = #tpu.pipeline_mode<synchronous>, transform_indices = @transform_1, window_bounds = array<i64: 4608, 256>}, {pipeline_mode = #tpu.pipeline_mode<synchronous>, transform_indices = @transform_2, window_bounds = array<i64: 256, 16>}, {transform_indices = @transform_3, window_bounds = array<i64: 512, 256>}, {transform_indices = @transform_4, window_bounds = array<i64: 512, 16>}]} {
    %get3A = arith.constant 0 : index
    %get3A_0 = arith.constant 0 : index
    %get3A_1 = vector.load %arg1[%get3A, %get3A_0] : memref<512x4608xf32, #tpu.memory_space<vmem>>, vector<512x4608xf32>
    %get3A_2 = arith.constant 0 : index
    %get3A_3 = arith.constant 0 : index
    %get3A_4 = vector.load %arg2[%get3A_2, %get3A_3] : memref<4608x256xf32, #tpu.memory_space<vmem>>, vector<4608x256xf32>
    %dot_general3A = arith.constant dense<0.000000e+00> : vector<512x256xf32>
    %dot_general3A_5 = tpu.matmul %get3A_1, %get3A_4, %dot_general3A {dimension_numbers = #tpu.dot_dimension_numbers<[1], [0], [0], [1], [0, 0, 1, 1], [], []>, transpose_lhs_hint = false} : vector<512x4608xf32>, vector<4608x256xf32>, vector<512x256xf32> -> vector<512x256xf32>
    %tanh3A = math.tanh %dot_general3A_5 : vector<512x256xf32>
    %swap3A = arith.constant 0 : index
    %swap3A_6 = arith.constant 0 : index
    %swap3A_7 = vector.load %arg4[%swap3A, %swap3A_6] : memref<512x256xf32, #tpu.memory_space<vmem>>, vector<512x256xf32>
    tpu.vector_store %arg4[%swap3A, %swap3A_6], %tanh3A {strides = array<i32>} : memref<512x256xf32, #tpu.memory_space<vmem>>, vector<512x256xf32>,
    %get3A_8 = arith.constant 0 : index
    %get3A_9 = arith.constant 0 : index
    %get3A_10 = vector.load %arg3[%get3A_8, %get3A_9] : memref<256x16xf32, #tpu.memory_space<vmem>>, vector<256x16xf32>
    %dot_general3A_11 = arith.constant dense<0.000000e+00> : vector<512x16xf32>
    %dot_general3A_12 = tpu.matmul %tanh3A, %get3A_10, %dot_general3A_11 {dimension_numbers = #tpu.dot_dimension_numbers<[1], [0], [0], [1], [0, 0, 1, 1], [], []>, transpose_lhs_hint = false} : vector<512x256xf32>, vector<256x16xf32>, vector<512x16xf32> -> vector<512x16xf32>
    %reduce_max3A = arith.constant dense<0xFF800000> : vector<512xf32>
    %reduce_max3A_13 = vector.multi_reduction <maximumf>, %dot_general3A_12, %reduce_max3A [1] : vector<512x16xf32> to vector<512xf32>
    %broadcast_in_dim3A = vector.shape_cast %reduce_max3A_13 : vector<512xf32> to vector<512x1xf32>
    %sub3A = vector.broadcast %broadcast_in_dim3A : vector<512x1xf32> to vector<512x16xf32>
    %sub3A_14 = arith.subf %dot_general3A_12, %sub3A : vector<512x16xf32>
    %exp3A = math.exp %sub3A_14 : vector<512x16xf32>
    %reduce_sum3A = arith.constant dense<0.000000e+00> : vector<512xf32>
    %reduce_sum3A_15 = vector.multi_reduction <add>, %exp3A, %reduce_sum3A [1] : vector<512x16xf32> to vector<512xf32>
    %broadcast_in_dim3A_16 = vector.shape_cast %reduce_sum3A_15 : vector<512xf32> to vector<512x1xf32>
    %div3A = vector.broadcast %broadcast_in_dim3A_16 : vector<512x1xf32> to vector<512x16xf32>
    %div3A_17 = arith.divf %exp3A, %div3A : vector<512x16xf32>
    %swap3A_18 = arith.constant 0 : index
    %swap3A_19 = arith.constant 0 : index
    %swap3A_20 = vector.load %arg5[%swap3A_18, %swap3A_19] : memref<512x16xf32, #tpu.memory_space<vmem>>, vector<512x16xf32>
    tpu.vector_store %arg5[%swap3A_18, %swap3A_19], %div3A_17 {strides = array<i32>} : memref<512x16xf32, #tpu.memory_space<vmem>>, vector<512x16xf32>,
    return
  }
  func.func @transform_0(%arg0: i32) -> (i32, i32) {
    %c0_i32 = arith.constant 0 : i32
    %c0_i32_0 = arith.constant 0 : i32
    return %arg0, %c0_i32 : i32, i32
  }
  func.func @transform_1(%arg0: i32) -> (i32, i32) {
    %c0_i32 = arith.constant 0 : i32
    %c0_i32_0 = arith.constant 0 : i32
    %c0_i32_1 = arith.constant 0 : i32
    return %c0_i32, %c0_i32_0 : i32, i32
  }
  func.func @transform_2(%arg0: i32) -> (i32, i32) {
    %c0_i32 = arith.constant 0 : i32
    %c0_i32_0 = arith.constant 0 : i32
    %c0_i32_1 = arith.constant 0 : i32
    return %c0_i32, %c0_i32_0 : i32, i32
  }
  func.func @transform_3(%arg0: i32) -> (i32, i32) {
    %c0_i32 = arith.constant 0 : i32
    %c0_i32_0 = arith.constant 0 : i32
    return %arg0, %c0_i32 : i32, i32
  }
  func.func @transform_4(%arg0: i32) -> (i32, i32) {
    %c0_i32 = arith.constant 0 : i32
    %c0_i32_0 = arith.constant 0 : i32
    return %arg0, %c0_i32 : i32, i32
  }
}

module attributes {stable_mosaic.version = 14 : i64} {
  func.func @_za_body(%arg0: memref<512x4096xf32, #tpu.memory_space<vmem>>, %arg1: memref<4096x256xf32, #tpu.memory_space<vmem>>, %arg2: memref<256x144xf32, #tpu.memory_space<vmem>>, %arg3: memref<256x144xf32, #tpu.memory_space<vmem>>, %arg4: memref<512x144xf32, #tpu.memory_space<vmem>>, %arg5: memref<512x144xf32, #tpu.memory_space<vmem>>) attributes {dimension_semantics = [], scalar_prefetch = 0 : i64, scratch_operands = 0 : i64, tpu.core_type = #tpu.core_type<tc>} {
    %get3A = arith.constant 0 : index
    %get3A_0 = arith.constant 0 : index
    %get3A_1 = vector.load %arg0[%get3A, %get3A_0] : memref<512x4096xf32, #tpu.memory_space<vmem>>, vector<512x4096xf32>
    %get3A_2 = arith.constant 0 : index
    %get3A_3 = arith.constant 0 : index
    %get3A_4 = vector.load %arg1[%get3A_2, %get3A_3] : memref<4096x256xf32, #tpu.memory_space<vmem>>, vector<4096x256xf32>
    %dot_general3A = arith.constant dense<0.000000e+00> : vector<512x256xf32>
    %dot_general3A_5 = tpu.matmul %get3A_1, %get3A_4, %dot_general3A {dimension_numbers = #tpu.dot_dimension_numbers<[1], [0], [0], [1], [0, 0, 1, 1], [], []>, transpose_lhs_hint = false} : vector<512x4096xf32>, vector<4096x256xf32>, vector<512x256xf32> -> vector<512x256xf32>
    %tanh3A = math.tanh %dot_general3A_5 : vector<512x256xf32>
    %get3A_6 = arith.constant 0 : index
    %get3A_7 = arith.constant 0 : index
    %get3A_8 = vector.load %arg2[%get3A_6, %get3A_7] : memref<256x144xf32, #tpu.memory_space<vmem>>, vector<256x144xf32>
    %dot_general3A_9 = arith.constant dense<0.000000e+00> : vector<512x144xf32>
    %dot_general3A_10 = tpu.matmul %tanh3A, %get3A_8, %dot_general3A_9 {dimension_numbers = #tpu.dot_dimension_numbers<[1], [0], [0], [1], [0, 0, 1, 1], [], []>, transpose_lhs_hint = false} : vector<512x256xf32>, vector<256x144xf32>, vector<512x144xf32> -> vector<512x144xf32>
    %get3A_11 = arith.constant 0 : index
    %get3A_12 = arith.constant 0 : index
    %get3A_13 = vector.load %arg3[%get3A_11, %get3A_12] : memref<256x144xf32, #tpu.memory_space<vmem>>, vector<256x144xf32>
    %dot_general3A_14 = arith.constant dense<0.000000e+00> : vector<512x144xf32>
    %dot_general3A_15 = tpu.matmul %tanh3A, %get3A_13, %dot_general3A_14 {dimension_numbers = #tpu.dot_dimension_numbers<[1], [0], [0], [1], [0, 0, 1, 1], [], []>, transpose_lhs_hint = false} : vector<512x256xf32>, vector<256x144xf32>, vector<512x144xf32> -> vector<512x144xf32>
    %get3A_16 = arith.constant 0 : index
    %get3A_17 = arith.constant 0 : index
    %get3A_18 = vector.load %arg4[%get3A_16, %get3A_17] : memref<512x144xf32, #tpu.memory_space<vmem>>, vector<512x144xf32>
    %exp3A = math.exp %dot_general3A_15 : vector<512x144xf32>
    %mul3A = arith.mulf %get3A_18, %exp3A : vector<512x144xf32>
    %add3A = arith.addf %dot_general3A_10, %mul3A : vector<512x144xf32>
    %swap3A = arith.constant 0 : index
    %swap3A_19 = arith.constant 0 : index
    %swap3A_20 = vector.load %arg5[%swap3A, %swap3A_19] : memref<512x144xf32, #tpu.memory_space<vmem>>, vector<512x144xf32>
    tpu.vector_store %arg5[%swap3A, %swap3A_19], %add3A {strides = array<i32>} : memref<512x144xf32, #tpu.memory_space<vmem>>, vector<512x144xf32>,
    return
  }
}

module attributes {stable_mosaic.version = 14 : i64} {
  func.func @_dec_body(%arg0: i32, %arg1: memref<512x256xf32, #tpu.memory_space<vmem>>, %arg2: memref<512x256xf32, #tpu.memory_space<vmem>>, %arg3: memref<512x16xf32, #tpu.memory_space<vmem>>, %arg4: memref<512x16xf32, #tpu.memory_space<vmem>>, %arg5: memref<512x16xf32, #tpu.memory_space<vmem>>, %arg6: memref<512x16xf32, #tpu.memory_space<vmem>>, %arg7: memref<512x128xf32, #tpu.memory_space<vmem>>, %arg8: memref<272x128xf32, #tpu.memory_space<vmem>>, %arg9: memref<272x128xf32, #tpu.memory_space<vmem>>, %arg10: memref<512x144xf32, #tpu.memory_space<vmem>>, %arg11: memref<512x512xf32, #tpu.memory_space<vmem>>) attributes {dimension_semantics = [#tpu.dimension_semantics<arbitrary>], iteration_bounds = array<i64: 8>, scalar_prefetch = 0 : i64, scratch_operands = 0 : i64, tpu.core_type = #tpu.core_type<tc>, window_params = [{transform_indices = @transform_0, window_bounds = array<i64: 512, 256>}, {transform_indices = @transform_1, window_bounds = array<i64: 512, 256>}, {transform_indices = @transform_2, window_bounds = array<i64: 512, 16>}, {transform_indices = @transform_3, window_bounds = array<i64: 512, 16>}, {transform_indices = @transform_4, window_bounds = array<i64: 512, 16>}, {transform_indices = @transform_5, window_bounds = array<i64: 512, 16>}, {transform_indices = @transform_6, window_bounds = array<i64: 512, 128>}, {pipeline_mode = #tpu.pipeline_mode<synchronous>, transform_indices = @transform_7, window_bounds = array<i64: 272, 128>}, {pipeline_mode = #tpu.pipeline_mode<synchronous>, transform_indices = @transform_8, window_bounds = array<i64: 272, 128>}, {pipeline_mode = #tpu.pipeline_mode<synchronous>, transform_indices = @transform_9, window_bounds = array<i64: 512, 144>}, {transform_indices = @transform_10, window_bounds = array<i64: 512, 512>}]} {
    %get3A = arith.constant 0 : index
    %get3A_0 = arith.constant 0 : index
    %get3A_1 = vector.load %arg1[%get3A, %get3A_0] : memref<512x256xf32, #tpu.memory_space<vmem>>, vector<512x256xf32>
    %get3A_2 = arith.constant 0 : index
    %get3A_3 = arith.constant 0 : index
    %get3A_4 = vector.load %arg2[%get3A_2, %get3A_3] : memref<512x256xf32, #tpu.memory_space<vmem>>, vector<512x256xf32>
    %add3A = arith.addf %get3A_1, %get3A_4 : vector<512x256xf32>
    %get3A_5 = arith.constant 0 : index
    %get3A_6 = arith.constant 0 : index
    %get3A_7 = vector.load %arg3[%get3A_5, %get3A_6] : memref<512x16xf32, #tpu.memory_space<vmem>>, vector<512x16xf32>
    %get3A_8 = arith.constant 0 : index
    %get3A_9 = arith.constant 0 : index
    %get3A_10 = vector.load %arg4[%get3A_8, %get3A_9] : memref<512x16xf32, #tpu.memory_space<vmem>>, vector<512x16xf32>
    %get3A_11 = arith.constant 0 : index
    %get3A_12 = arith.constant 0 : index
    %get3A_13 = vector.load %arg5[%get3A_11, %get3A_12] : memref<512x16xf32, #tpu.memory_space<vmem>>, vector<512x16xf32>
    %mul3A = arith.mulf %get3A_10, %get3A_13 : vector<512x16xf32>
    %sub3A = arith.constant 1.000000e+00 : f32
    %sub3A_14 = vector.broadcast %sub3A : f32 to vector<512x16xf32>
    %sub3A_15 = arith.subf %sub3A_14, %get3A_10 : vector<512x16xf32>
    %mul3A_16 = arith.mulf %sub3A_15, %get3A_7 : vector<512x16xf32>
    %add3A_17 = arith.addf %mul3A, %mul3A_16 : vector<512x16xf32>
    %get3A_18 = arith.constant 0 : index
    %get3A_19 = arith.constant 0 : index
    %get3A_20 = vector.load %arg8[%get3A_18, %get3A_19] : memref<272x128xf32, #tpu.memory_space<vmem>>, vector<272x128xf32>
    %get3A_21 = arith.constant 0 : index
    %get3A_22 = arith.constant 0 : index
    %get3A_23 = vector.load %arg9[%get3A_21, %get3A_22] : memref<272x128xf32, #tpu.memory_space<vmem>>, vector<272x128xf32>
    %slice3A = vector.extract_strided_slice %get3A_20 {offsets = [0, 0], sizes = [256, 128], strides = [1, 1]} : vector<272x128xf32> to vector<256x128xf32>
    %dot_general3A = arith.constant dense<0.000000e+00> : vector<512x128xf32>
    %dot_general3A_24 = tpu.matmul %add3A, %slice3A, %dot_general3A {dimension_numbers = #tpu.dot_dimension_numbers<[1], [0], [0], [1], [0, 0, 1, 1], [], []>, transpose_lhs_hint = false} : vector<512x256xf32>, vector<256x128xf32>, vector<512x128xf32> -> vector<512x128xf32>
    %slice3A_25 = vector.extract_strided_slice %get3A_20 {offsets = [256, 0], sizes = [16, 128], strides = [1, 1]} : vector<272x128xf32> to vector<16x128xf32>
    %dot_general3A_26 = arith.constant dense<0.000000e+00> : vector<512x128xf32>
    %dot_general3A_27 = tpu.matmul %add3A_17, %slice3A_25, %dot_general3A_26 {dimension_numbers = #tpu.dot_dimension_numbers<[1], [0], [0], [1], [0, 0, 1, 1], [], []>, transpose_lhs_hint = false} : vector<512x16xf32>, vector<16x128xf32>, vector<512x128xf32> -> vector<512x128xf32>
    %add3A_28 = arith.addf %dot_general3A_24, %dot_general3A_27 : vector<512x128xf32>
    %slice3A_29 = vector.extract_strided_slice %get3A_23 {offsets = [0, 0], sizes = [256, 128], strides = [1, 1]} : vector<272x128xf32> to vector<256x128xf32>
    %dot_general3A_30 = arith.constant dense<0.000000e+00> : vector<512x128xf32>
    %dot_general3A_31 = tpu.matmul %add3A, %slice3A_29, %dot_general3A_30 {dimension_numbers = #tpu.dot_dimension_numbers<[1], [0], [0], [1], [0, 0, 1, 1], [], []>, transpose_lhs_hint = false} : vector<512x256xf32>, vector<256x128xf32>, vector<512x128xf32> -> vector<512x128xf32>
    %slice3A_32 = vector.extract_strided_slice %get3A_23 {offsets = [256, 0], sizes = [16, 128], strides = [1, 1]} : vector<272x128xf32> to vector<16x128xf32>
    %dot_general3A_33 = arith.constant dense<0.000000e+00> : vector<512x128xf32>
    %dot_general3A_34 = tpu.matmul %add3A_17, %slice3A_32, %dot_general3A_33 {dimension_numbers = #tpu.dot_dimension_numbers<[1], [0], [0], [1], [0, 0, 1, 1], [], []>, transpose_lhs_hint = false} : vector<512x16xf32>, vector<16x128xf32>, vector<512x128xf32> -> vector<512x128xf32>
    %add3A_35 = arith.addf %dot_general3A_31, %dot_general3A_34 : vector<512x128xf32>
    %get3A_36 = arith.constant 0 : index
    %get3A_37 = arith.constant 0 : index
    %get3A_38 = vector.load %arg7[%get3A_36, %get3A_37] : memref<512x128xf32, #tpu.memory_space<vmem>>, vector<512x128xf32>
    %exp3A = math.exp %add3A_35 : vector<512x128xf32>
    %mul3A_39 = arith.mulf %get3A_38, %exp3A : vector<512x128xf32>
    %add3A_40 = arith.addf %add3A_28, %mul3A_39 : vector<512x128xf32>
    %get3A_41 = arith.constant 0 : index
    %get3A_42 = arith.constant 0 : index
    %get3A_43 = vector.load %arg6[%get3A_41, %get3A_42] : memref<512x16xf32, #tpu.memory_space<vmem>>, vector<512x16xf32>
    %log3A = math.log %get3A_43 : vector<512x16xf32>
    %neg3A = arith.constant 0.000000e+00 : f32
    %neg3A_44 = vector.broadcast %neg3A : f32 to vector<512x16xf32>
    %neg3A_45 = arith.subf %neg3A_44, %log3A : vector<512x16xf32>
    %log3A_46 = math.log %neg3A_45 : vector<512x16xf32>
    %neg3A_47 = arith.constant 0.000000e+00 : f32
    %neg3A_48 = vector.broadcast %neg3A_47 : f32 to vector<512x16xf32>
    %neg3A_49 = arith.subf %neg3A_48, %log3A_46 : vector<512x16xf32>
    %log3A_50 = math.log %get3A_7 : vector<512x16xf32>
    %add3A_51 = arith.addf %log3A_50, %neg3A_49 : vector<512x16xf32>
    %div3A = arith.constant 5.000000e-01 : f32
    %div3A_52 = vector.broadcast %div3A : f32 to vector<512x16xf32>
    %div3A_53 = arith.divf %add3A_51, %div3A_52 : vector<512x16xf32>
    %exp3A_54 = math.exp %div3A_53 : vector<512x16xf32>
    %reduce_sum3A = arith.constant dense<0.000000e+00> : vector<512xf32>
    %reduce_sum3A_55 = vector.multi_reduction <add>, %exp3A_54, %reduce_sum3A [1] : vector<512x16xf32> to vector<512xf32>
    %broadcast_in_dim3A = vector.shape_cast %reduce_sum3A_55 : vector<512xf32> to vector<512x1xf32>
    %div3A_56 = vector.broadcast %broadcast_in_dim3A : vector<512x1xf32> to vector<512x16xf32>
    %div3A_57 = arith.divf %exp3A_54, %div3A_56 : vector<512x16xf32>
    %mul3A_58 = arith.mulf %get3A_10, %get3A_13 : vector<512x16xf32>
    %sub3A_59 = arith.constant 1.000000e+00 : f32
    %sub3A_60 = vector.broadcast %sub3A_59 : f32 to vector<512x16xf32>
    %sub3A_61 = arith.subf %sub3A_60, %get3A_10 : vector<512x16xf32>
    %mul3A_62 = arith.mulf %sub3A_61, %div3A_57 : vector<512x16xf32>
    %add3A_63 = arith.addf %mul3A_58, %mul3A_62 : vector<512x16xf32>
    %get3A_64 = arith.constant 0 : index
    %get3A_65 = arith.constant 0 : index
    %get3A_66 = vector.load %arg10[%get3A_64, %get3A_65] : memref<512x144xf32, #tpu.memory_space<vmem>>, vector<512x144xf32>
    %slice3A_67 = vector.extract_strided_slice %get3A_66 {offsets = [0, 0], sizes = [512, 128], strides = [1, 1]} : vector<512x144xf32> to vector<512x128xf32>
    %dot_general3A_68 = arith.constant dense<0.000000e+00> : vector<512x512xf32>
    %dot_general3A_69 = tpu.matmul %add3A_40, %slice3A_67, %dot_general3A_68 {dimension_numbers = #tpu.dot_dimension_numbers<[1], [1], [0], [0], [0, 0, 1, 0], [], []>, transpose_lhs_hint = false} : vector<512x128xf32>, vector<512x128xf32>, vector<512x512xf32> -> vector<512x512xf32>
    %slice3A_70 = vector.extract_strided_slice %get3A_66 {offsets = [0, 128], sizes = [512, 16], strides = [1, 1]} : vector<512x144xf32> to vector<512x16xf32>
    %dot_general3A_71 = arith.constant dense<0.000000e+00> : vector<512x512xf32>
    %dot_general3A_72 = tpu.matmul %add3A_63, %slice3A_70, %dot_general3A_71 {dimension_numbers = #tpu.dot_dimension_numbers<[1], [1], [0], [0], [0, 0, 1, 0], [], []>, transpose_lhs_hint = false} : vector<512x16xf32>, vector<512x16xf32>, vector<512x512xf32> -> vector<512x512xf32>
    %add3A_73 = arith.addf %dot_general3A_69, %dot_general3A_72 : vector<512x512xf32>
    %swap3A = arith.constant 0 : index
    %swap3A_74 = arith.constant 0 : index
    %swap3A_75 = vector.load %arg11[%swap3A, %swap3A_74] : memref<512x512xf32, #tpu.memory_space<vmem>>, vector<512x512xf32>
    tpu.vector_store %arg11[%swap3A, %swap3A_74], %add3A_73 {strides = array<i32>} : memref<512x512xf32, #tpu.memory_space<vmem>>, vector<512x512xf32>,
    return
  }
  func.func @transform_0(%arg0: i32) -> (i32, i32) {
    %c0_i32 = arith.constant 0 : i32
    %c0_i32_0 = arith.constant 0 : i32
    return %arg0, %c0_i32 : i32, i32
  }
  func.func @transform_1(%arg0: i32) -> (i32, i32) {
    %c0_i32 = arith.constant 0 : i32
    %c0_i32_0 = arith.constant 0 : i32
    return %arg0, %c0_i32 : i32, i32
  }
  func.func @transform_2(%arg0: i32) -> (i32, i32) {
    %c0_i32 = arith.constant 0 : i32
    %c0_i32_0 = arith.constant 0 : i32
    return %arg0, %c0_i32 : i32, i32
  }
  func.func @transform_3(%arg0: i32) -> (i32, i32) {
    %c0_i32 = arith.constant 0 : i32
    %c0_i32_0 = arith.constant 0 : i32
    return %arg0, %c0_i32 : i32, i32
  }
  func.func @transform_4(%arg0: i32) -> (i32, i32) {
    %c0_i32 = arith.constant 0 : i32
    %c0_i32_0 = arith.constant 0 : i32
    return %arg0, %c0_i32 : i32, i32
  }
  func.func @transform_5(%arg0: i32) -> (i32, i32) {
    %c0_i32 = arith.constant 0 : i32
    %c0_i32_0 = arith.constant 0 : i32
    return %arg0, %c0_i32 : i32, i32
  }
  func.func @transform_6(%arg0: i32) -> (i32, i32) {
    %c0_i32 = arith.constant 0 : i32
    %c0_i32_0 = arith.constant 0 : i32
    return %arg0, %c0_i32 : i32, i32
  }
  func.func @transform_7(%arg0: i32) -> (i32, i32) {
    %c0_i32 = arith.constant 0 : i32
    %c0_i32_0 = arith.constant 0 : i32
    %c0_i32_1 = arith.constant 0 : i32
    return %c0_i32, %c0_i32_0 : i32, i32
  }
  func.func @transform_8(%arg0: i32) -> (i32, i32) {
    %c0_i32 = arith.constant 0 : i32
    %c0_i32_0 = arith.constant 0 : i32
    %c0_i32_1 = arith.constant 0 : i32
    return %c0_i32, %c0_i32_0 : i32, i32
  }
  func.func @transform_9(%arg0: i32) -> (i32, i32) {
    %c0_i32 = arith.constant 0 : i32
    %c0_i32_0 = arith.constant 0 : i32
    %c0_i32_1 = arith.constant 0 : i32
    return %c0_i32, %c0_i32_0 : i32, i32
  }
  func.func @transform_10(%arg0: i32) -> (i32, i32) {
    %c0_i32 = arith.constant 0 : i32
    %c0_i32_0 = arith.constant 0 : i32
    return %arg0, %c0_i32 : i32, i32
  }
}

</mosaic_0001>

<sc_bundles>
// kernel: kernel.6.cloned.1.call-start
scs
__scs_entry_jumppad:
0x0: {  	(pc) =	sbr.rel $0x88, $3  }
0x1: {  	(tag) =	ssettag $0x0;
	lr =	simm.s32 $0x1  }
0x2: {  	[smem:$0x3F92] =	sst lr;
	_ =	strace $0xD0000000  }
0x3: {  	_ = 	snop  }
0x4: {  	_ = 	snop  }
0x5: {  	_ = 	snop  }
0x6: {  	_ = 	snop  }
0x7: {  	_ = 	snop  }
__scs_overlays_trampoline_lowered:
0x8: {  	[smem:$0x3FA1] =	sst s0  }
0x9: {  	[smem:$0x3FA2] =	sst s1  }
0xa: {  	[smem:$0x3FA3] =	sst s2  }
0xb: {  	[smem:$0x3FA4] =	sst s3  }
0xc: {  	[smem:$0x3FA5] =	sst s4  }
0xd: {  	[smem:$0x3FA6] =	sst s5  }
0xe: {  	[smem:$0x3FA7] =	sst s6  }
0xf: {  	[smem:$0x3FA8] =	sst s7  }
0x10: {  	[smem:$0x3FA9] =	sst s8  }
0x11: {  	[smem:$0x3FAA] =	sst s9;
	s0 =	simm.s32 @!p0 $0x0  }
0x12: {  	s1 =	sld [smem:$0x3F90];
	s0 =	simm.s32 @p0 $0x1  }
0x13: {  	[smem:$0x3FAB] =	sst s0;
	s0 =	simm.s32 @!p1 $0x0  }
0x14: {  	s2 =	sld [smem:$0x3F8F];
	s0 =	simm.s32 @p1 $0x1  }
0x15: {  	[smem:$0x3FAC] =	sst s0;
	s0 =	simm.s32 @!p2 $0x0  }
0x16: {  	s3 =	sld [smem:$0x3FDB];
	s0 =	simm.s32 @p2 $0x1  }
0x17: {  	s4 =	simm.s32 $0x1BF5;
	[smem:$0x3FAE] =	sst s0  }
0x18: {  	s0 =	sld [smem:$0x3F91];
	_ =	swait.ge [sflag:s4], $0x0  }
0x19: {  	s7 =	sld [smem:$0x3F92]  }
0x1a: {  	s8 =	sadd.s32 $0xFFFFE003, lr  }
0x1b: {  	s9 =	sadd.s32 $0xFFFFFEF7, lr;
	s5 =	simm.s32 $0xFFFFFFFF;
	p2 =	slt.u32 s8, $0xFFFFF086  }
0x1c: {  	p1 =	slt.u32 s9, $0xF7A;
	s5 =	simm.s32 @!p2 $0x0  }
0x1d: {  	s5 =	simm.s32 @p1 $0x1;
	p0 =	seq.s32 s7, s2  }
0x1e: {  	s7 =	smul.u32 @!p0 $0xF7A, s2;
	p2 =	seq.s32 @!p0 s5, $0x0  }
0x1f: {  	s9 =	smul.u32 $0xF7A, s1;
	s8 =	simm.s32 @!p0 $0x1BF5;
	p2 =	por !p2, p0  }
0x20: {  	[sflag:s8] =	ssyncset.s32 @!p0 $0xFFFFF086;
	s6 =	sadd.s32 @!p0 s3, s7;
	s7 =	simm.s32 @!p0 $0x108  }
0x21: {  	s3 =	sadd.s32 s3, s9;
	s6 =	sadd.s32 @!p0 $0x88, s6;
	s7 =	simm.s32 @p2 $0x1082  }
0x22: {  	[simem:s7], [sflag:s8] =	dma.local @!p0 [hbm:s6], $0xF7A  }
0x23: {  	s9 =	sor.u32 $0xD0000000, s2;
	s6 =	simm.s32 $0x108;
	_ =	swait.ge @!p0 [sflag:s8], $0x0  }
0x24: {  	s3 =	sadd.s32 $0x88, s3;
	s6 =	simm.s32 @!p1 $0x1082;
	[sflag:s4] =	ssyncset.s32 $0xFFFFF086  }
0x25: {  	[simem:s6], [sflag:s4] =	dma.local [hbm:s3], $0xF7A  }
0x26: {  	[smem:$0x3F92] =	sst s1;
	(tag) =	ssettag s2;
	_ =	strace s9  }
0x27: {  	s1 =	sld [smem:$0x3FA2]  }
0x28: {  	s2 =	sld [smem:$0x3FA3]  }
0x29: {  	s4 =	sld [smem:$0x3FA5]  }
0x2a: {  	p0 =	seq.s32 s5, $0x0;
	s5 =	sld [smem:$0x3FA6]  }
0x2b: {  	s6 =	sld [smem:$0x3FA7]  }
0x2c: {  	s7 =	sld [smem:$0x3FA8]  }
0x2d: {  	s3 =	simm.s32 $0x108;
	s8 =	sld [smem:$0x3FA9]  }
0x2e: {  	s3 =	simm.s32 @!p0 $0x1082;
	s9 =	sld [smem:$0x3FAA]  }
0x2f: {  	lr =	sadd.s32 s0, s3;
	s0 =	sld [smem:$0x3FA1]  }
0x30: {  	s3 =	sld [smem:$0x3FA4]  }
0x31: {  	[smem:$0x3FAD] =	sst s10  }
0x32: {  	s10 =	sld [smem:$0x3FAB];
	_ =	sdelay $0x3  }
0x33: {  	p0 =	seq.s32 s10, $0x1;
	s10 =	sld [smem:$0x3FAD];
	_ =	sdelay $0x3  }
0x34: {  	[smem:$0x3FAD] =	sst s10  }
0x35: {  	s10 =	sld [smem:$0x3FAC];
	_ =	sdelay $0x3  }
0x36: {  	p1 =	seq.s32 s10, $0x1;
	s10 =	sld [smem:$0x3FAD];
	_ =	sdelay $0x3  }
0x37: {  	[smem:$0x3FAD] =	sst s10  }
0x38: {  	s10 =	sld [smem:$0x3FAE]  }
0x39: {  	_ = 	snop;
	(pc) =	sbr.ind lr, $3  }
0x3a: {  	_ = 	snop  }
0x3b: {  	_ = 	snop  }
0x3c: {  	p2 =	seq.s32 s10, $0x1;
	s10 =	sld [smem:$0x3FAD]  }
0x3d: {  	_ =	shalt  }
0x3e: {  	_ =	shalt  }
0x3f: {  	_ =	shalt  }
0x40: {  	_ =	shalt  }
0x41: {  	_ =	shalt  }
0x42: {  	_ =	shalt  }
0x43: {  	_ =	shalt  }
0x44: {  	_ =	shalt  }
0x45: {  	_ =	shalt  }
0x46: {  	_ =	shalt  }
0x47: {  	_ =	shalt  }
0x48: {  	_ =	shalt  }
0x49: {  	_ =	shalt  }
0x4a: {  	_ =	shalt  }
0x4b: {  	_ =	shalt  }
0x4c: {  	_ =	shalt  }
0x4d: {  	_ =	shalt  }
0x4e: {  	_ =	shalt  }
0x4f: {  	_ =	shalt  }
0x50: {  	_ =	shalt  }
0x51: {  	_ =	shalt  }
0x52: {  	_ =	shalt  }
0x53: {  	_ =	shalt  }
0x54: {  	_ =	shalt  }
0x55: {  	_ =	shalt  }
0x56: {  	_ =	shalt  }
0x57: {  	_ =	shalt  }
0x58: {  	_ =	shalt  }
0x59: {  	_ =	shalt  }
0x5a: {  	_ =	shalt  }
0x5b: {  	_ =	shalt  }
0x5c: {  	_ =	shalt  }
0x5d: {  	_ =	shalt  }
0x5e: {  	_ =	shalt  }
0x5f: {  	_ =	shalt  }
0x60: {  	_ =	shalt  }
0x61: {  	_ =	shalt  }
0x62: {  	_ =	shalt  }
0x63: {  	_ =	shalt  }
0x64: {  	_ =	shalt  }
0x65: {  	_ =	shalt  }
0x66: {  	_ =	shalt  }
0x67: {  	_ =	shalt  }
0x68: {  	_ =	shalt  }
0x69: {  	_ =	shalt  }
0x6a: {  	_ =	shalt  }
0x6b: {  	_ =	shalt  }
0x6c: {  	_ =	shalt  }
0x6d: {  	_ =	shalt  }
0x6e: {  	_ =	shalt  }
0x6f: {  	_ =	shalt  }
0x70: {  	_ =	shalt  }
0x71: {  	_ =	shalt  }
0x72: {  	_ =	shalt  }
0x73: {  	_ =	shalt  }
0x74: {  	_ =	shalt  }
0x75: {  	_ =	shalt  }
0x76: {  	_ =	shalt  }
0x77: {  	_ =	shalt  }
0x78: {  	_ =	shalt  }
0x79: {  	_ =	shalt  }
0x7a: {  	_ =	shalt  }
0x7b: {  	_ =	shalt  }
0x7c: {  	_ =	shalt  }
0x7d: {  	_ =	shalt  }
0x7e: {  	_ =	shalt  }
0x7f: {  	_ =	shalt  }
0x80: {  	_ =	shalt  }
0x81: {  	_ =	shalt  }
0x82: {  	_ =	shalt  }
0x83: {  	_ =	shalt  }
0x84: {  	_ =	shalt  }
0x85: {  	_ =	shalt  }
0x86: {  	_ =	shalt  }
0x87: {  	_ =	shalt  }
.Lfunc_end0:
.L_simem_size_0:
called_computation_lowered:
.L_overlay_start_0:
0x88: {  	s2 =	sld [smem:$0x3FD9]  }
0x89: {  	s3 =	sld [smem:$0x3FFE];
	_ =	sdelay $0x1  }
0x8a: {  	s1 =	srdreg.scid  }
0x8b: {  	s0 =	sand.u32 $0x1, s1  }
0x8c: {  	s17 =	sshll.u32 s0, $0xA;
	s2 =	sadd.s32 s3, s2  }
0x8d: {  	s2 =	sadd.s32 s2, s17  }
0x8e: {  	[smem:$0x3FB9] =	sst s2  }
0x8f: {  	_ = 	snop  }
0x90: {  	s2 =	sld [smem:$0x3FD0];
	(tm) =	ssettm $0x1  }
0x91: {  	s18 =	sld [smem:$0x3FFB];
	_ =	sdelay $0x3  }
0x92: {  	_ =	strace s18  }
0x93: {  	s3 =	sld [smem:$0x3FFC];
	_ =	sdelay $0x3  }
0x94: {  	_ =	strace s3  }
0x95: {  	s3 =	sld [smem:$0x3FFD];
	_ =	sdelay $0x3  }
0x96: {  	_ =	strace s3  }
0x97: {  	_ =	strace $0x8FFFFFFF  }
0x98: {  	s19 =	sld [smem:$0x3FDB];
	_ =	sdelay $0x1  }
0x99: {  	s4 =	simm.s32 $_scs_section_size  }
0x9a: {  	s5 =	simm.s32 $_size__tile_overlayer_lowered;
	s6 =	simm.s32 $_tile_overlayer_lowered  }
0x9b: {  	s22 =	simm.s32 $0x1BFF;
	s21 =	sshll.u32 s6, $0x1;
	s3 =	sadd.s32 s4, s19  }
0x9c: {  	s7 =	simm.s32 $0x0;
	s20 =	sshll.u32 s5, $0x1;
	s5 =	sadd.s32 s21, s3  }
0x9d: {  	[timem:s7], [sflag:s22] =	dma.local [hbm:s5], s20  }
0x9e: {  	_ =	swait.ge [sflag:s22], s20  }
0x9f: {  	s4 =	ssub.s32 $0x0, s20;
	[sflag:s22] =	ssyncset.done $0x0  }
0xa0: {  	[sflag:s22] =	ssyncadd.s32 s4;
	_ =	sdelay $0x1  }
0xa1: {  	s23 =	simm.s32 $0x1B8B  }
0xa2: {  	_ =	swait.ge [sflag:s23], $0x1  }
0xa3: {  	[sflag:s23] =	ssyncset.done $0x0  }
0xa4: {  	s25 =	simm.s32 $0x1B8E;
	s24 =	sld [smem:$0x3FFE];
	[sflag:s23] =	ssyncadd.s32 $0xFFFFFFFF  }
0xa5: {  	s26 =	simm.s32 $execute0_lowered;
	[smem:$0x3FD2] =	sst s25  }
0xa6: {  	s5 =	sshll.u32 s26, $0x1;
	_ =	strace $0x80000046;
	[dreg:$0x1] =	wrdreg $0xFFFFFFFF  }
0xa7: {  	s28 =	simm.s32 $_size_execute0_lowered;
	s3 =	sadd.s32 s3, s5;
	[dreg:$0x0] =	wrdreg $0x0  }
0xa8: {  	s5 =	sshll.u32 s28, $0x1;
	[dreg:$0x2] =	wrdreg s3  }
0xa9: {  	[dreg:$0x3] =	wrdreg s5  }
0xaa: {  	[dreg:$0x4] =	wrdreg $0xC0  }
0xab: {  	_ =	task [dreg:s7], $0x5FFFF  }
0xac: {  	[dreg:$0x1] =	wrdreg $0xFFFFFFFF  }
0xad: {  	[dreg:$0x0] =	wrdreg $0x60  }
0xae: {  	[dreg:$0x2] =	wrdreg s24  }
0xaf: {  	[dreg:$0x3] =	wrdreg s2  }
0xb0: {  	[dreg:$0x4] =	wrdreg $0x9  }
0xb1: {  	_ =	task.clear_ibuf [dreg:s7], $0x5FFFF;
	_ =	strace $0x90000046  }
0xb2: {  	s29 =	simm.s32 $0x9;
	_ =	strace $0x80000048  }
0xb3: {  	_ =	swait.ge [sflag:s29], $0x1  }
0xb4: {  	[sflag:s29] =	ssyncadd.s32 $0xFFFFFFFF  }
0xb5: {  	_ =	strace $0x90000048  }
0xb6: {  	_ =	sfence  }
0xb7: {  	s30 =	sld [smem:$0x0];
	_ =	sdelay $0x2  }
0xb8: {  	s31 =	sshll.u32 s1, $0xD;
	s1 =	sshrl.u32 s1, $0x2  }
0xb9: {  	s3 =	sand.u32 $0x4000, s31;
	s1 =	sadd.s32 s1, s30  }
0xba: {  	s0 =	sor.u32 s3, s0;
	s1 =	sshll.u32 s1, $0x11  }
0xbb: {  	s0 =	sor.u32 s1, s0  }
0xbc: {  	s0 =	sadd.s32 $0x8F2B, s0  }
0xbd: {  	[sflag:s0] =	ssyncadd.remote.s32 $0x1  }
0xbe: {  	_ =	sfence.sel $0xFFFF  }
0xbf: {  	[dreg:$0x0] =	wrdreg $0xFFFFFFFF;
	(pc) =	sbr.abs _section_cstart, $3  }
0xc0: {  	[dreg:$0x1] =	wrdreg $0xFFFFFFFF  }
0xc1: {  	_ =	task.clear_ibuf [dreg:s7], $0x2FFFF;
	_ =	strace $0x9FFFFFFF  }
0xc2: {  	(tm) =	ssettm $0x7FFFFFFF  }
0xc3: {  	_ =	shalt  }
tec
execute0_lowered:
.L_overlay_start_1:
0x0: {  	(tag) =	ssettag $0x1  }
0x1: {  	s0 =	rddreg [dreg:$0x0]  }
0x2: {  	s3 =	rddreg [dreg:$0x1];
	s1 =	simm.s32 $0x0;
	s2 =	srdreg.scid  }
0x3: {  	s10 =	stileid.u32;
	s15 =	simm.s32 $0x1800;
	s16 =	simm.s32 $0x1  }
0x4: {  	s17 =	simm.s32 $0x100;
	s18 =	simm.s32 $0x2000;
	s20 =	simm.s32 $0x3000  }
0x5: {  	s22 =	simm.s32 $0x4000;
	s24 =	simm.s32 $0x5000;
	s29 =	simm.s32 $0x7000  }
0x6: {  	s31 =	simm.s32 $0x8000;
	s11 =	simm.s32 $0x6;
	s12 =	simm.s32 $0x7  }
0x7: {  	s14 =	simm.s32 $0x8;
	s19 =	simm.s32 $0x9;
	s21 =	simm.s32 $0xA  }
0x8: {  	s23 =	simm.s32 $0x2;
	[smem:$0x7FF] =	sst s1;
	s7 =	sand.u32 $0x1, s2  }
0x9: {  	s2 =	sadd.s32 $0x2A00, s0;
	s4 =	sadd.s32 $0x26A00, s0;
	s5 =	sadd.s32 $0x22A00, s0  }
0xa: {  	s30 =	sshll.u32 s10, $0x1;
	v0 =	vmov s10;
	s10 =	simm.s32 $0x5;
	_ =	strace $0x80000047  }
0xb: {  	s6 =	ssub.s32 $0x2, s7;
	s8 =	sshll.u32 s7, $0xD;
	s3 =	sadd.s32 s3, s30  }
0xc: {  	s25 =	sshrl.u32 s6, $0x1;
	s9 =	sadd.s32 s4, s8;
	s26 =	sor.u32 $0x100, s8  }
0xd: {  	s8 =	sadd.s32 s5, s8;
	s0 =	ssub.s32 s6, s25;
	[dreg:$0x3] =	wrdreg s9  }
0xe: {  	v1 =	vimm.f32 $0.0e+00;
	v2 =	vimm.s32 $0x0;
	v3 =	vimm.s32 $0x1;
	s6 =	sshll.u32 s7, $0x5;
	[dreg:$0x4] =	wrdreg s8;
	s28 =	sadd.s32 s4, s26  }
.Ltmp0:
0xf: {  	v4 =	vimm.s32 $0x2;
	v5 =	vimm.s32 $0x3;
	v6 =	vimm.s32 $0x4;
	s9 =	sadd.s32 s5, s26;
	s7 =	sshll.u32 s7, $0x11;
	(pc) =	sbr.rel .LBB2_1-.Ltmp0, $4  }
0x10: {  	v7 =	vimm.s32 $0x5;
	v8 =	vimm.s32 $0x6;
	v9 =	vimm.s32 $0x7;
	s26 =	simm.s32 $0x6000;
	s8 =	simm.s32 $0xA000;
	[dreg:$0x5] =	wrdreg s28  }
0x11: {  	v10 =	vimm.s32 $0x8;
	v11 =	vimm.s32 $0x9;
	v12 =	vimm.s32 $0xA;
	s25 =	simm.s32 $0x0;
	[dreg:$0x6] =	wrdreg s9;
	s3 =	sadd.s32 s7, s3  }
0x12: {  	v13 =	vimm.s32 $0xB;
	v14 =	vimm.s32 $0xC;
	v15 =	vimm.s32 $0xD;
	s0 =	smax.u32 s0, $0x1;
	s7 =	simm.s32 $0x3;
	[dreg:$0x7] =	wrdreg s3  }
0x13: {  	v16 =	vimm.s32 $0xE;
	v17 =	vimm.s32 $0xF;
	v18 =	vlaneseq.u32;
	s9 =	simm.s32 $0x4;
	[dreg:$0x8] =	wrdreg s0;
	s3 =	simm.s32 $0x9000  }
.LBB2_42:
0x14: {  	s0 =	rddreg [dreg:$0x7];
	s13 =	simm.s32 $0x10;
	s28 =	simm.s32 $0xB  }
0x15: {  	[hbm4b:s0+s13] =	stream.strided.scatter [tilespmem:s8], [sflag:$0xB], $0x10000, s17, s13, $0x38;
	[tilespmem:$0x1A000] =	vst v63  }
0x16: {  	_ =	swait.ge [sflag:s28], $0x10000  }
0x17: {  	s25 =	rddreg [dreg:$0x9]  }
0x18: {  	s30 =	rddreg [dreg:$0x8];
	s25 =	sadd.s32 $0x1, s25  }
0x19: {  	p0 =	sne.s32 s25, s30  }
.Ltmp1:
0x1a: {  	_ = 	snop;
	(pc) =	sbr.rel @!p0 .LBB2_43-.Ltmp1, $3  }
0x1b: {  	_ =	sdelay $0x1  }
0x1c: {  	[sflag:s28] =	ssyncset.done $0x0  }
0x1d: {  	[sflag:s28] =	ssyncadd.s32 $0xFFFF0000  }
.LBB2_1:
0x1e: {  	[dreg:$0x9] =	wrdreg s25;
	s0 =	simm.s32 $0x40;
	s25 =	simm.s32 $0x0  }
.LBB2_2:
0x1f: {  	p0 =	sne.s32 s0, $0x3FFC0;
	[tilespmem:s25+$0xA000] =	vst v1;
	s25 =	smov.u32 s0;
	s0 =	sadd.s32 $0x40, s0  }
.Ltmp2:
0x20: {  	(pc) =	sbr.rel @p0 .LBB2_2-.Ltmp2, $2  }
0x21: {  	_ =	sdelay $0x2  }
0x22: {  	s25 =	sshra.s32 s25, $0x2  }
0x23: {  	[tilespmem:s25+$0xA000] =	vst v1;
	s0 =	simm.s32 $0x0;
	s13 =	rddreg [dreg:$0x3]  }
0x24: {  	[tilespmem:s0], [sflag:$0x1] =	stream.linear.gather [hbm4b:s13+s0], $0x800, $0x38;
	[tilespmem:$0x1A000] =	vst v63  }
0x25: {  	s28 =	rddreg [dreg:$0x4];
	s30 =	simm.s32 $0x1000  }
0x26: {  	[tilespmem:s30], [sflag:$0x1] =	stream.linear.gather [hbm4b:s28+s0], $0x800, $0x38;
	[tilespmem:$0x1A000] =	vst v63  }
0x27: {  	s25 =	rddreg [dreg:$0x5];
	s28 =	simm.s32 $0x800  }
0x28: {  	[tilespmem:s28], [sflag:$0x2] =	stream.linear.gather [hbm4b:s25+s0], $0x800, $0x38;
	[tilespmem:$0x1A000] =	vst v63  }
0x29: {  	s30 =	rddreg [dreg:$0x6]  }
0x2a: {  	[tilespmem:s15], [sflag:$0x2] =	stream.linear.gather [hbm4b:s30+s0], $0x800, $0x38;
	[tilespmem:$0x1A000] =	vst v63  }
.LBB2_4:
0x2b: {  	_ =	swait.ge [sflag:s16], $0x800  }
0x2c: {  	[sflag:s16] =	ssyncset.done $0x0  }
0x2d: {  	[sflag:s16] =	ssyncadd.s32 $0xFFFFF800  }
0x2e: {  	_ =	swait.ge [sflag:s16], $0x800  }
0x2f: {  	[sflag:s16] =	ssyncset.done $0x0  }
0x30: {  	s25 =	simm.s32 $0x0;
	[sflag:s16] =	ssyncadd.s32 $0xFFFFF800  }
0x31: {  	v19 =	vld [tilespmem:s25+$0x1000]  }
0x32: {  	v20 =	vld [tilespmem:s25+$0x1010]  }
0x33: {  	v21 =	vld [tilespmem:s25+$0x1020]  }
0x34: {  	v22 =	vld [tilespmem:s25+$0x1030]  }
0x35: {  	v23 =	vld [tilespmem:s25+$0x1040]  }
0x36: {  	v24 =	vld [tilespmem:s25+$0x1050];
	v19 =	vshll.u32 v19, $0x4  }
0x37: {  	v25 =	vld [tilespmem:s25+$0x1060];
	v20 =	vshll.u32 v20, $0x4;
	v19 =	vor.u32 v0, v19  }
0x38: {  	v26 =	vld [tilespmem:s25+$0x1070];
	[tilespmem:s25+$0x1000] =	vst v19;
	v19 =	vor.u32 v0, v20;
	v20 =	vshll.u32 v21, $0x4  }
0x39: {  	v27 =	vld [tilespmem:s25+$0x1080];
	[tilespmem:s25+$0x1010] =	vst v19;
	v19 =	vor.u32 v0, v20;
	v20 =	vshll.u32 v22, $0x4  }
0x3a: {  	v28 =	vld [tilespmem:s25+$0x1090];
	[tilespmem:s25+$0x1020] =	vst v19;
	v19 =	vor.u32 v0, v20;
	v20 =	vshll.u32 v23, $0x4  }
0x3b: {  	v21 =	vshll.u32 v24, $0x4;
	[tilespmem:s25+$0x1030] =	vst v19;
	v19 =	vor.u32 v0, v20;
	v20 =	vld [tilespmem:s25+$0x10A0]  }
0x3c: {  	v21 =	vor.u32 v0, v21;
	v22 =	vshll.u32 v25, $0x4;
	[tilespmem:s25+$0x1040] =	vst v19;
	v19 =	vld [tilespmem:s25+$0x10B0]  }
0x3d: {  	[tilespmem:s25+$0x1050] =	vst v21;
	v22 =	vor.u32 v0, v22;
	v21 =	vld [tilespmem:s25+$0x10C0];
	v23 =	vshll.u32 v26, $0x4  }
0x3e: {  	v24 =	vshll.u32 v27, $0x4;
	[tilespmem:s25+$0x1060] =	vst v22;
	v23 =	vor.u32 v0, v23;
	v22 =	vld [tilespmem:s25+$0x10D0]  }
0x3f: {  	s28 =	simm.s32 $0x400;
	v24 =	vor.u32 v0, v24;
	v25 =	vshll.u32 v28, $0x4;
	[tilespmem:s25+$0x1070] =	vst v23;
	v23 =	vld [tilespmem:s25+$0x10E0]  }
.LBB2_5:
0x40: {  	s30 =	sshra.s32 s28, $0x2;
	p0 =	sne.s32 s28, $0x1C00;
	[tilespmem:s25+$0x1080] =	vst v24;
	v24 =	vor.u32 v0, v25;
	v20 =	vshll.u32 v20, $0x4;
	v25 =	vld [tilespmem:s25+$0x10F0]  }
0x41: {  	v26 =	vld [tilespmem:s30+$0x1000];
	[tilespmem:s25+$0x1090] =	vst v24;
	v20 =	vor.u32 v0, v20;
	v19 =	vshll.u32 v19, $0x4  }
0x42: {  	v24 =	vld [tilespmem:s30+$0x1010];
	[tilespmem:s25+$0x10A0] =	vst v20;
	v19 =	vor.u32 v0, v19;
	v20 =	vshll.u32 v21, $0x4  }
0x43: {  	v21 =	vld [tilespmem:s30+$0x1020];
	[tilespmem:s25+$0x10B0] =	vst v19;
	v19 =	vor.u32 v0, v20;
	v20 =	vshll.u32 v22, $0x4  }
0x44: {  	v22 =	vld [tilespmem:s30+$0x1030];
	[tilespmem:s25+$0x10C0] =	vst v19;
	v19 =	vor.u32 v0, v20;
	v20 =	vshll.u32 v23, $0x4  }
0x45: {  	v23 =	vld [tilespmem:s30+$0x1040];
	[tilespmem:s25+$0x10D0] =	vst v19;
	v19 =	vor.u32 v0, v20;
	v20 =	vshll.u32 v25, $0x4  }
0x46: {  	v25 =	vshll.u32 v26, $0x4;
	v26 =	vld [tilespmem:s30+$0x1050];
	[tilespmem:s25+$0x10E0] =	vst v19;
	v19 =	vor.u32 v0, v20  }
0x47: {  	v20 =	vor.u32 v0, v25;
	v24 =	vshll.u32 v24, $0x4;
	v25 =	vld [tilespmem:s30+$0x1060];
	[tilespmem:s25+$0x10F0] =	vst v19;
	s25 =	smov.u32 s30  }
0x48: {  	[tilespmem:s25+$0x1000] =	vst v20;
	v19 =	vor.u32 v0, v24;
	v20 =	vshll.u32 v21, $0x4;
	v21 =	vld [tilespmem:s25+$0x1070]  }
0x49: {  	[tilespmem:s25+$0x1010] =	vst v19;
	v19 =	vor.u32 v0, v20;
	v20 =	vshll.u32 v22, $0x4;
	v22 =	vld [tilespmem:s25+$0x1080]  }
0x4a: {  	[tilespmem:s25+$0x1020] =	vst v19;
	v19 =	vor.u32 v0, v20;
	v20 =	vshll.u32 v23, $0x4;
	v23 =	vld [tilespmem:s25+$0x1090]  }
.Ltmp3:
0x4b: {  	[tilespmem:s25+$0x1030] =	vst v19;
	v19 =	vor.u32 v0, v20;
	v24 =	vshll.u32 v26, $0x4;
	v20 =	vld [tilespmem:s25+$0x10A0];
	(pc) =	sbr.rel @p0 .LBB2_5-.Ltmp3, $4  }
0x4c: {  	[tilespmem:s25+$0x1040] =	vst v19;
	v24 =	vor.u32 v0, v24;
	v25 =	vshll.u32 v25, $0x4;
	v19 =	vld [tilespmem:s25+$0x10B0]  }
0x4d: {  	[tilespmem:s25+$0x1050] =	vst v24;
	v24 =	vor.u32 v0, v25;
	v25 =	vshll.u32 v21, $0x4;
	v21 =	vld [tilespmem:s25+$0x10C0]  }
0x4e: {  	[tilespmem:s25+$0x1060] =	vst v24;
	v24 =	vor.u32 v0, v25;
	v25 =	vshll.u32 v22, $0x4;
	v22 =	vld [tilespmem:s25+$0x10D0]  }
0x4f: {  	s28 =	sadd.s32 $0x400, s28;
	[tilespmem:s25+$0x1070] =	vst v24;
	v24 =	vor.u32 v0, v25;
	v25 =	vshll.u32 v23, $0x4;
	v23 =	vld [tilespmem:s25+$0x10E0]  }
0x50: {  	[tilespmem:s25+$0x1080] =	vst v24;
	v62 =	vor.u32 v0, v25;
	v20 =	vshll.u32 v20, $0x4;
	v63 =	vld [tilespmem:s25+$0x10F0]  }
0x51: {  	[tilespmem:s25+$0x1090] =	vst v62;
	v20 =	vor.u32 v0, v20;
	v19 =	vshll.u32 v19, $0x4  }
0x52: {  	[tilespmem:s25+$0x10A0] =	vst v20;
	v19 =	vor.u32 v0, v19;
	v20 =	vshll.u32 v21, $0x4  }
0x53: {  	[tilespmem:s25+$0x10B0] =	vst v19;
	v19 =	vor.u32 v0, v20;
	v20 =	vshll.u32 v22, $0x4  }
0x54: {  	[tilespmem:s25+$0x10C0] =	vst v19;
	v19 =	vor.u32 v0, v20;
	v20 =	vshll.u32 v23, $0x4  }
0x55: {  	[tilespmem:s25+$0x10D0] =	vst v19;
	v19 =	vor.u32 v0, v20;
	v20 =	vshll.u32 v63, $0x4  }
0x56: {  	[tilespmem:s25+$0x10E0] =	vst v19;
	v19 =	vor.u32 v0, v20  }
0x57: {  	s13 =	simm.s32 $0x1000;
	[tilespmem:s25+$0x10F0] =	vst v19  }
0x58: {  	[tilespmem:s18], [sflag:$0x3] =	stream.indirect.gather [hbm4b:s2+s17], $0x10, s13, s17, $0xb8;
	[tilespmem:$0x1A000] =	vst v63  }
0x59: {  	s30 =	simm.s32 $0x1100  }
0x5a: {  	[tilespmem:s20], [sflag:$0x4] =	stream.indirect.gather [hbm4b:s2+s17], $0x10, s30, s17, $0xb8;
	[tilespmem:$0x1A000] =	vst v63  }
0x5b: {  	s25 =	simm.s32 $0x1200  }
0x5c: {  	[tilespmem:s22], [sflag:$0x5] =	stream.indirect.gather [hbm4b:s2+s17], $0x10, s25, s17, $0xb8;
	[tilespmem:$0x1A000] =	vst v63  }
0x5d: {  	s30 =	simm.s32 $0x1300  }
0x5e: {  	[tilespmem:s24], [sflag:$0x6] =	stream.indirect.gather [hbm4b:s2+s17], $0x10, s30, s17, $0xb8;
	[tilespmem:$0x1A000] =	vst v63  }
0x5f: {  	s25 =	simm.s32 $0x1400  }
0x60: {  	[tilespmem:s26], [sflag:$0x7] =	stream.indirect.gather [hbm4b:s2+s17], $0x10, s25, s17, $0xb8;
	[tilespmem:$0x1A000] =	vst v63  }
0x61: {  	s30 =	simm.s32 $0x1500  }
0x62: {  	[tilespmem:s29], [sflag:$0x8] =	stream.indirect.gather [hbm4b:s2+s17], $0x10, s30, s17, $0xb8;
	[tilespmem:$0x1A000] =	vst v63  }
0x63: {  	s25 =	simm.s32 $0x1600  }
0x64: {  	[tilespmem:s31], [sflag:$0x9] =	stream.indirect.gather [hbm4b:s2+s17], $0x10, s25, s17, $0xb8;
	[tilespmem:$0x1A000] =	vst v63  }
0x65: {  	s30 =	simm.s32 $0x1700  }
0x66: {  	[tilespmem:s3], [sflag:$0xA] =	stream.indirect.gather [hbm4b:s2+s17], $0x10, s30, s17, $0xb8;
	[tilespmem:$0x1A000] =	vst v63  }
0x67: {  	_ =	swait.ge [sflag:s7], $0x1000  }
0x68: {  	[sflag:s7] =	ssyncset.done $0x0  }
0x69: {  	s28 =	simm.s32 $0x2080;
	s25 =	simm.s32 $0x0;
	[sflag:s7] =	ssyncadd.s32 $0xFFFFF000  }
.LBB2_7:
0x6a: {  	v20 =	vld [tilespmem:s28+$0xFFFFFF80]  }
0x6b: {  	v21 =	vld [tilespmem:s28+$0xFFFFFF90]  }
0x6c: {  	v22 =	vld [tilespmem:s28+$0xFFFFFFA0]  }
0x6d: {  	s30 =	sshra.s32 s25, $0x2;
	v23 =	vld [tilespmem:s28+$0xFFFFFFB0]  }
0x6e: {  	v19 =	vld [tilespmem:s30+$0x0]  }
0x6f: {  	v24 =	vld [tilespmem:s28+$0xFFFFFFC0]  }
0x70: {  	v25 =	vld [tilespmem:s28+$0xFFFFFFD0]  }
0x71: {  	v26 =	vld [tilespmem:s28+$0xFFFFFFE0]  }
0x72: {  	v27 =	vld [tilespmem:s28+$0xFFFFFFF0]  }
0x73: {  	v28 =	vld [tilespmem:s28+$0x0];
	v29 =	vperm.xlane v19, v2  }
0x74: {  	v30 =	vld [tilespmem:s28+$0x10];
	v31 =	vperm.xlane v19, v3  }
0x75: {  	v32 =	vld [tilespmem:s28+$0x20];
	v33 =	vperm.xlane v19, v4;
	v29 =	vshll.u32 v29, $0x4  }
0x76: {  	v34 =	vld [tilespmem:s28+$0x30];
	v35 =	vperm.xlane v19, v5;
	v31 =	vshll.u32 v31, $0x4;
	v29 =	vor.u32 v18, v29  }
0x77: {  	v36 =	vld [tilespmem:s28+$0x40];
	v37 =	vperm.xlane v19, v6;
	v33 =	vshll.u32 v33, $0x4;
	v31 =	vor.u32 v18, v31  }
0x78: {  	v38 =	vld [tilespmem:s28+$0x50];
	v39 =	vperm.xlane v19, v7;
	v35 =	vshll.u32 v35, $0x4;
	v33 =	vor.u32 v18, v33  }
0x79: {  	v40 =	vld [tilespmem:s28+$0x60];
	v41 =	vperm.xlane v19, v8;
	v37 =	vshll.u32 v37, $0x4;
	v35 =	vor.u32 v18, v35  }
0x7a: {  	v42 =	vld [tilespmem:s28+$0x70];
	v43 =	vperm.xlane v19, v9;
	v39 =	vshll.u32 v39, $0x4;
	v37 =	vor.u32 v18, v37  }
0x7b: {  	v44 =	vperm.xlane v19, v10;
	v62 =	vshll.u32 v41, $0x4;
	[tilespmem:v29+s8+$0x0] =	vst.idx.add.f32.msk $0xffff, v20;
	v20 =	vor.u32 v18, v39  }
0x7c: {  	v63 =	vperm.xlane v19, v11;
	v43 =	vshll.u32 v43, $0x4;
	v41 =	vor.u32 v18, v62;
	[tilespmem:v31+s8+$0x0] =	vst.idx.add.f32.msk $0xffff, v21  }
0x7d: {  	v45 =	vperm.xlane v19, v12;
	v47 =	vshll.u32 v44, $0x4;
	v46 =	vor.u32 v18, v43;
	[tilespmem:v33+s8+$0x0] =	vst.idx.add.f32.msk $0xffff, v22  }
0x7e: {  	v48 =	vperm.xlane v19, v13;
	v50 =	vshll.u32 v63, $0x4;
	v49 =	vor.u32 v18, v47;
	[tilespmem:v35+s8+$0x0] =	vst.idx.add.f32.msk $0xffff, v23  }
0x7f: {  	v51 =	vperm.xlane v19, v14;
	v53 =	vshll.u32 v45, $0x4;
	v52 =	vor.u32 v18, v50;
	[tilespmem:v37+s8+$0x0] =	vst.idx.add.f32.msk $0xffff, v24  }
0x80: {  	v54 =	vperm.xlane v19, v15;
	v55 =	vshll.u32 v48, $0x4;
	[tilespmem:v20+s8+$0x0] =	vst.idx.add.f32.msk $0xffff, v25;
	v20 =	vor.u32 v18, v53  }
0x81: {  	v56 =	vperm.xlane v19, v16;
	v58 =	vshll.u32 v51, $0x4;
	v57 =	vor.u32 v18, v55;
	[tilespmem:v41+s8+$0x0] =	vst.idx.add.f32.msk $0xffff, v26  }
0x82: {  	v19 =	vperm.xlane v19, v17;
	v60 =	vshll.u32 v54, $0x4;
	v59 =	vor.u32 v18, v58;
	[tilespmem:v46+s8+$0x0] =	vst.idx.add.f32.msk $0xffff, v27  }
0x83: {  	v61 =	vor.u32 v18, v60;
	v62 =	vshll.u32 v56, $0x4;
	[tilespmem:v49+s8+$0x0] =	vst.idx.add.f32.msk $0xffff, v28  }
0x84: {  	v19 =	vshll.u32 v19, $0x4;
	v63 =	vor.u32 v18, v62;
	[tilespmem:v52+s8+$0x0] =	vst.idx.add.f32.msk $0xffff, v30  }
0x85: {  	p0 =	sne.s32 s25, $0x3C0;
	v19 =	vor.u32 v18, v19;
	[tilespmem:v20+s8+$0x0] =	vst.idx.add.f32.msk $0xffff, v32  }
.Ltmp4:
0x86: {  	[tilespmem:v57+s8+$0x0] =	vst.idx.add.f32.msk $0xffff, v34;
	(pc) =	sbr.rel @p0 .LBB2_7-.Ltmp4, $4  }
0x87: {  	[tilespmem:v59+s8+$0x0] =	vst.idx.add.f32.msk $0xffff, v36  }
0x88: {  	[tilespmem:v61+s8+$0x0] =	vst.idx.add.f32.msk $0xffff, v38  }
0x89: {  	[tilespmem:v63+s8+$0x0] =	vst.idx.add.f32.msk $0xffff, v40  }
0x8a: {  	s28 =	sadd.s32 $0x100, s28;
	s25 =	sadd.s32 $0x40, s25;
	[tilespmem:v19+s8+$0x0] =	vst.idx.add.f32.msk $0xffff, v42  }
0x8b: {  	_ =	swait.ge [sflag:s9], $0x1000  }
0x8c: {  	[sflag:s9] =	ssyncset.done $0x0  }
0x8d: {  	s25 =	simm.s32 $0x0;
	s28 =	simm.s32 $0x3080;
	[sflag:s9] =	ssyncadd.s32 $0xFFFFF000  }
.LBB2_9:
0x8e: {  	v20 =	vld [tilespmem:s28+$0xFFFFFF80]  }
0x8f: {  	v21 =	vld [tilespmem:s28+$0xFFFFFF90]  }
0x90: {  	v22 =	vld [tilespmem:s28+$0xFFFFFFA0]  }
0x91: {  	s30 =	sshra.s32 s25, $0x2;
	v23 =	vld [tilespmem:s28+$0xFFFFFFB0]  }
0x92: {  	v19 =	vld [tilespmem:s30+$0x100]  }
0x93: {  	v24 =	vld [tilespmem:s28+$0xFFFFFFC0]  }
0x94: {  	v25 =	vld [tilespmem:s28+$0xFFFFFFD0]  }
0x95: {  	v26 =	vld [tilespmem:s28+$0xFFFFFFE0]  }
0x96: {  	v27 =	vld [tilespmem:s28+$0xFFFFFFF0]  }
0x97: {  	v28 =	vld [tilespmem:s28+$0x0];
	v29 =	vperm.xlane v19, v2  }
0x98: {  	v30 =	vld [tilespmem:s28+$0x10];
	v31 =	vperm.xlane v19, v3  }
0x99: {  	v32 =	vld [tilespmem:s28+$0x20];
	v33 =	vperm.xlane v19, v4;
	v29 =	vshll.u32 v29, $0x4  }
0x9a: {  	v34 =	vld [tilespmem:s28+$0x30];
	v35 =	vperm.xlane v19, v5;
	v31 =	vshll.u32 v31, $0x4;
	v29 =	vor.u32 v18, v29  }
0x9b: {  	v36 =	vld [tilespmem:s28+$0x40];
	v37 =	vperm.xlane v19, v6;
	v33 =	vshll.u32 v33, $0x4;
	v31 =	vor.u32 v18, v31  }
0x9c: {  	v38 =	vld [tilespmem:s28+$0x50];
	v39 =	vperm.xlane v19, v7;
	v35 =	vshll.u32 v35, $0x4;
	v33 =	vor.u32 v18, v33  }
0x9d: {  	v40 =	vld [tilespmem:s28+$0x60];
	v41 =	vperm.xlane v19, v8;
	v37 =	vshll.u32 v37, $0x4;
	v35 =	vor.u32 v18, v35  }
0x9e: {  	v42 =	vld [tilespmem:s28+$0x70];
	v43 =	vperm.xlane v19, v9;
	v39 =	vshll.u32 v39, $0x4;
	v37 =	vor.u32 v18, v37  }
0x9f: {  	v44 =	vperm.xlane v19, v10;
	v62 =	vshll.u32 v41, $0x4;
	[tilespmem:v29+s8+$0x0] =	vst.idx.add.f32.msk $0xffff, v20;
	v20 =	vor.u32 v18, v39  }
0xa0: {  	v63 =	vperm.xlane v19, v11;
	v43 =	vshll.u32 v43, $0x4;
	v41 =	vor.u32 v18, v62;
	[tilespmem:v31+s8+$0x0] =	vst.idx.add.f32.msk $0xffff, v21  }
0xa1: {  	v45 =	vperm.xlane v19, v12;
	v47 =	vshll.u32 v44, $0x4;
	v46 =	vor.u32 v18, v43;
	[tilespmem:v33+s8+$0x0] =	vst.idx.add.f32.msk $0xffff, v22  }
0xa2: {  	v48 =	vperm.xlane v19, v13;
	v50 =	vshll.u32 v63, $0x4;
	v49 =	vor.u32 v18, v47;
	[tilespmem:v35+s8+$0x0] =	vst.idx.add.f32.msk $0xffff, v23  }
0xa3: {  	v51 =	vperm.xlane v19, v14;
	v53 =	vshll.u32 v45, $0x4;
	v52 =	vor.u32 v18, v50;
	[tilespmem:v37+s8+$0x0] =	vst.idx.add.f32.msk $0xffff, v24  }
0xa4: {  	v54 =	vperm.xlane v19, v15;
	v55 =	vshll.u32 v48, $0x4;
	[tilespmem:v20+s8+$0x0] =	vst.idx.add.f32.msk $0xffff, v25;
	v20 =	vor.u32 v18, v53  }
0xa5: {  	v56 =	vperm.xlane v19, v16;
	v58 =	vshll.u32 v51, $0x4;
	v57 =	vor.u32 v18, v55;
	[tilespmem:v41+s8+$0x0] =	vst.idx.add.f32.msk $0xffff, v26  }
0xa6: {  	v19 =	vperm.xlane v19, v17;
	v60 =	vshll.u32 v54, $0x4;
	v59 =	vor.u32 v18, v58;
	[tilespmem:v46+s8+$0x0] =	vst.idx.add.f32.msk $0xffff, v27  }
0xa7: {  	v61 =	vor.u32 v18, v60;
	v62 =	vshll.u32 v56, $0x4;
	[tilespmem:v49+s8+$0x0] =	vst.idx.add.f32.msk $0xffff, v28  }
0xa8: {  	v19 =	vshll.u32 v19, $0x4;
	v63 =	vor.u32 v18, v62;
	[tilespmem:v52+s8+$0x0] =	vst.idx.add.f32.msk $0xffff, v30  }
0xa9: {  	p0 =	sne.s32 s25, $0x3C0;
	v19 =	vor.u32 v18, v19;
	[tilespmem:v20+s8+$0x0] =	vst.idx.add.f32.msk $0xffff, v32  }
.Ltmp5:
0xaa: {  	[tilespmem:v57+s8+$0x0] =	vst.idx.add.f32.msk $0xffff, v34;
	(pc) =	sbr.rel @p0 .LBB2_9-.Ltmp5, $4  }
0xab: {  	[tilespmem:v59+s8+$0x0] =	vst.idx.add.f32.msk $0xffff, v36  }
0xac: {  	[tilespmem:v61+s8+$0x0] =	vst.idx.add.f32.msk $0xffff, v38  }
0xad: {  	[tilespmem:v63+s8+$0x0] =	vst.idx.add.f32.msk $0xffff, v40  }
0xae: {  	s28 =	sadd.s32 $0x100, s28;
	s25 =	sadd.s32 $0x40, s25;
	[tilespmem:v19+s8+$0x0] =	vst.idx.add.f32.msk $0xffff, v42  }
0xaf: {  	_ =	swait.ge [sflag:s10], $0x1000  }
0xb0: {  	[sflag:s10] =	ssyncset.done $0x0  }
0xb1: {  	s25 =	simm.s32 $0x0;
	s28 =	simm.s32 $0x4080;
	[sflag:s10] =	ssyncadd.s32 $0xFFFFF000  }
.LBB2_11:
0xb2: {  	v20 =	vld [tilespmem:s28+$0xFFFFFF80]  }
0xb3: {  	v21 =	vld [tilespmem:s28+$0xFFFFFF90]  }
0xb4: {  	v22 =	vld [tilespmem:s28+$0xFFFFFFA0]  }
0xb5: {  	s30 =	sshra.s32 s25, $0x2;
	v23 =	vld [tilespmem:s28+$0xFFFFFFB0]  }
0xb6: {  	v19 =	vld [tilespmem:s30+$0x200]  }
0xb7: {  	v24 =	vld [tilespmem:s28+$0xFFFFFFC0]  }
0xb8: {  	v25 =	vld [tilespmem:s28+$0xFFFFFFD0]  }
0xb9: {  	v26 =	vld [tilespmem:s28+$0xFFFFFFE0]  }
0xba: {  	v27 =	vld [tilespmem:s28+$0xFFFFFFF0]  }
0xbb: {  	v28 =	vld [tilespmem:s28+$0x0];
	v29 =	vperm.xlane v19, v2  }
0xbc: {  	v30 =	vld [tilespmem:s28+$0x10];
	v31 =	vperm.xlane v19, v3  }
0xbd: {  	v32 =	vld [tilespmem:s28+$0x20];
	v33 =	vperm.xlane v19, v4;
	v29 =	vshll.u32 v29, $0x4  }
0xbe: {  	v34 =	vld [tilespmem:s28+$0x30];
	v35 =	vperm.xlane v19, v5;
	v31 =	vshll.u32 v31, $0x4;
	v29 =	vor.u32 v18, v29  }
0xbf: {  	v36 =	vld [tilespmem:s28+$0x40];
	v37 =	vperm.xlane v19, v6;
	v33 =	vshll.u32 v33, $0x4;
	v31 =	vor.u32 v18, v31  }
0xc0: {  	v38 =	vld [tilespmem:s28+$0x50];
	v39 =	vperm.xlane v19, v7;
	v35 =	vshll.u32 v35, $0x4;
	v33 =	vor.u32 v18, v33  }
0xc1: {  	v40 =	vld [tilespmem:s28+$0x60];
	v41 =	vperm.xlane v19, v8;
	v37 =	vshll.u32 v37, $0x4;
	v35 =	vor.u32 v18, v35  }
0xc2: {  	v42 =	vld [tilespmem:s28+$0x70];
	v43 =	vperm.xlane v19, v9;
	v39 =	vshll.u32 v39, $0x4;
	v37 =	vor.u32 v18, v37  }
0xc3: {  	v44 =	vperm.xlane v19, v10;
	v62 =	vshll.u32 v41, $0x4;
	[tilespmem:v29+s8+$0x0] =	vst.idx.add.f32.msk $0xffff, v20;
	v20 =	vor.u32 v18, v39  }
0xc4: {  	v63 =	vperm.xlane v19, v11;
	v43 =	vshll.u32 v43, $0x4;
	v41 =	vor.u32 v18, v62;
	[tilespmem:v31+s8+$0x0] =	vst.idx.add.f32.msk $0xffff, v21  }
0xc5: {  	v45 =	vperm.xlane v19, v12;
	v47 =	vshll.u32 v44, $0x4;
	v46 =	vor.u32 v18, v43;
	[tilespmem:v33+s8+$0x0] =	vst.idx.add.f32.msk $0xffff, v22  }
0xc6: {  	v48 =	vperm.xlane v19, v13;
	v50 =	vshll.u32 v63, $0x4;
	v49 =	vor.u32 v18, v47;
	[tilespmem:v35+s8+$0x0] =	vst.idx.add.f32.msk $0xffff, v23  }
0xc7: {  	v51 =	vperm.xlane v19, v14;
	v53 =	vshll.u32 v45, $0x4;
	v52 =	vor.u32 v18, v50;
	[tilespmem:v37+s8+$0x0] =	vst.idx.add.f32.msk $0xffff, v24  }
0xc8: {  	v54 =	vperm.xlane v19, v15;
	v55 =	vshll.u32 v48, $0x4;
	[tilespmem:v20+s8+$0x0] =	vst.idx.add.f32.msk $0xffff, v25;
	v20 =	vor.u32 v18, v53  }
0xc9: {  	v56 =	vperm.xlane v19, v16;
	v58 =	vshll.u32 v51, $0x4;
	v57 =	vor.u32 v18, v55;
	[tilespmem:v41+s8+$0x0] =	vst.idx.add.f32.msk $0xffff, v26  }
0xca: {  	v19 =	vperm.xlane v19, v17;
	v60 =	vshll.u32 v54, $0x4;
	v59 =	vor.u32 v18, v58;
	[tilespmem:v46+s8+$0x0] =	vst.idx.add.f32.msk $0xffff, v27  }
0xcb: {  	v61 =	vor.u32 v18, v60;
	v62 =	vshll.u32 v56, $0x4;
	[tilespmem:v49+s8+$0x0] =	vst.idx.add.f32.msk $0xffff, v28  }
0xcc: {  	v19 =	vshll.u32 v19, $0x4;
	v63 =	vor.u32 v18, v62;
	[tilespmem:v52+s8+$0x0] =	vst.idx.add.f32.msk $0xffff, v30  }
0xcd: {  	p0 =	sne.s32 s25, $0x3C0;
	v19 =	vor.u32 v18, v19;
	[tilespmem:v20+s8+$0x0] =	vst.idx.add.f32.msk $0xffff, v32  }
.Ltmp6:
0xce: {  	[tilespmem:v57+s8+$0x0] =	vst.idx.add.f32.msk $0xffff, v34;
	(pc) =	sbr.rel @p0 .LBB2_11-.Ltmp6, $4  }
0xcf: {  	[tilespmem:v59+s8+$0x0] =	vst.idx.add.f32.msk $0xffff, v36  }
0xd0: {  	[tilespmem:v61+s8+$0x0] =	vst.idx.add.f32.msk $0xffff, v38  }
0xd1: {  	[tilespmem:v63+s8+$0x0] =	vst.idx.add.f32.msk $0xffff, v40  }
0xd2: {  	s28 =	sadd.s32 $0x100, s28;
	s25 =	sadd.s32 $0x40, s25;
	[tilespmem:v19+s8+$0x0] =	vst.idx.add.f32.msk $0xffff, v42  }
0xd3: {  	_ =	swait.ge [sflag:s11], $0x1000  }
0xd4: {  	[sflag:s11] =	ssyncset.done $0x0  }
0xd5: {  	s25 =	simm.s32 $0x0;
	s28 =	simm.s32 $0x5080;
	[sflag:s11] =	ssyncadd.s32 $0xFFFFF000  }
.LBB2_13:
0xd6: {  	v20 =	vld [tilespmem:s28+$0xFFFFFF80]  }
0xd7: {  	v21 =	vld [tilespmem:s28+$0xFFFFFF90]  }
0xd8: {  	v22 =	vld [tilespmem:s28+$0xFFFFFFA0]  }
0xd9: {  	s30 =	sshra.s32 s25, $0x2;
	v23 =	vld [tilespmem:s28+$0xFFFFFFB0]  }
0xda: {  	v19 =	vld [tilespmem:s30+$0x300]  }
0xdb: {  	v24 =	vld [tilespmem:s28+$0xFFFFFFC0]  }
0xdc: {  	v25 =	vld [tilespmem:s28+$0xFFFFFFD0]  }
0xdd: {  	v26 =	vld [tilespmem:s28+$0xFFFFFFE0]  }
0xde: {  	v27 =	vld [tilespmem:s28+$0xFFFFFFF0]  }
0xdf: {  	v28 =	vld [tilespmem:s28+$0x0];
	v29 =	vperm.xlane v19, v2  }
0xe0: {  	v30 =	vld [tilespmem:s28+$0x10];
	v31 =	vperm.xlane v19, v3  }
0xe1: {  	v32 =	vld [tilespmem:s28+$0x20];
	v33 =	vperm.xlane v19, v4;
	v29 =	vshll.u32 v29, $0x4  }
0xe2: {  	v34 =	vld [tilespmem:s28+$0x30];
	v35 =	vperm.xlane v19, v5;
	v31 =	vshll.u32 v31, $0x4;
	v29 =	vor.u32 v18, v29  }
0xe3: {  	v36 =	vld [tilespmem:s28+$0x40];
	v37 =	vperm.xlane v19, v6;
	v33 =	vshll.u32 v33, $0x4;
	v31 =	vor.u32 v18, v31  }
0xe4: {  	v38 =	vld [tilespmem:s28+$0x50];
	v39 =	vperm.xlane v19, v7;
	v35 =	vshll.u32 v35, $0x4;
	v33 =	vor.u32 v18, v33  }
0xe5: {  	v40 =	vld [tilespmem:s28+$0x60];
	v41 =	vperm.xlane v19, v8;
	v37 =	vshll.u32 v37, $0x4;
	v35 =	vor.u32 v18, v35  }
0xe6: {  	v42 =	vld [tilespmem:s28+$0x70];
	v43 =	vperm.xlane v19, v9;
	v39 =	vshll.u32 v39, $0x4;
	v37 =	vor.u32 v18, v37  }
0xe7: {  	v44 =	vperm.xlane v19, v10;
	v62 =	vshll.u32 v41, $0x4;
	[tilespmem:v29+s8+$0x0] =	vst.idx.add.f32.msk $0xffff, v20;
	v20 =	vor.u32 v18, v39  }
0xe8: {  	v63 =	vperm.xlane v19, v11;
	v43 =	vshll.u32 v43, $0x4;
	v41 =	vor.u32 v18, v62;
	[tilespmem:v31+s8+$0x0] =	vst.idx.add.f32.msk $0xffff, v21  }
0xe9: {  	v45 =	vperm.xlane v19, v12;
	v47 =	vshll.u32 v44, $0x4;
	v46 =	vor.u32 v18, v43;
	[tilespmem:v33+s8+$0x0] =	vst.idx.add.f32.msk $0xffff, v22  }
0xea: {  	v48 =	vperm.xlane v19, v13;
	v50 =	vshll.u32 v63, $0x4;
	v49 =	vor.u32 v18, v47;
	[tilespmem:v35+s8+$0x0] =	vst.idx.add.f32.msk $0xffff, v23  }
0xeb: {  	v51 =	vperm.xlane v19, v14;
	v53 =	vshll.u32 v45, $0x4;
	v52 =	vor.u32 v18, v50;
	[tilespmem:v37+s8+$0x0] =	vst.idx.add.f32.msk $0xffff, v24  }
0xec: {  	v54 =	vperm.xlane v19, v15;
	v55 =	vshll.u32 v48, $0x4;
	[tilespmem:v20+s8+$0x0] =	vst.idx.add.f32.msk $0xffff, v25;
	v20 =	vor.u32 v18, v53  }
0xed: {  	v56 =	vperm.xlane v19, v16;
	v58 =	vshll.u32 v51, $0x4;
	v57 =	vor.u32 v18, v55;
	[tilespmem:v41+s8+$0x0] =	vst.idx.add.f32.msk $0xffff, v26  }
0xee: {  	v19 =	vperm.xlane v19, v17;
	v60 =	vshll.u32 v54, $0x4;
	v59 =	vor.u32 v18, v58;
	[tilespmem:v46+s8+$0x0] =	vst.idx.add.f32.msk $0xffff, v27  }
0xef: {  	v61 =	vor.u32 v18, v60;
	v62 =	vshll.u32 v56, $0x4;
	[tilespmem:v49+s8+$0x0] =	vst.idx.add.f32.msk $0xffff, v28  }
0xf0: {  	v19 =	vshll.u32 v19, $0x4;
	v63 =	vor.u32 v18, v62;
	[tilespmem:v52+s8+$0x0] =	vst.idx.add.f32.msk $0xffff, v30  }
0xf1: {  	p0 =	sne.s32 s25, $0x3C0;
	v19 =	vor.u32 v18, v19;
	[tilespmem:v20+s8+$0x0] =	vst.idx.add.f32.msk $0xffff, v32  }
.Ltmp7:
0xf2: {  	[tilespmem:v57+s8+$0x0] =	vst.idx.add.f32.msk $0xffff, v34;
	(pc) =	sbr.rel @p0 .LBB2_13-.Ltmp7, $4  }
0xf3: {  	[tilespmem:v59+s8+$0x0] =	vst.idx.add.f32.msk $0xffff, v36  }
0xf4: {  	[tilespmem:v61+s8+$0x0] =	vst.idx.add.f32.msk $0xffff, v38  }
0xf5: {  	[tilespmem:v63+s8+$0x0] =	vst.idx.add.f32.msk $0xffff, v40  }
0xf6: {  	s28 =	sadd.s32 $0x100, s28;
	s25 =	sadd.s32 $0x40, s25;
	[tilespmem:v19+s8+$0x0] =	vst.idx.add.f32.msk $0xffff, v42  }
0xf7: {  	_ =	swait.ge [sflag:s12], $0x1000  }
0xf8: {  	[sflag:s12] =	ssyncset.done $0x0  }
0xf9: {  	s25 =	simm.s32 $0x0;
	s28 =	simm.s32 $0x6080;
	[sflag:s12] =	ssyncadd.s32 $0xFFFFF000  }
.LBB2_15:
0xfa: {  	v20 =	vld [tilespmem:s28+$0xFFFFFF80]  }
0xfb: {  	v21 =	vld [tilespmem:s28+$0xFFFFFF90]  }
0xfc: {  	v22 =	vld [tilespmem:s28+$0xFFFFFFA0]  }
0xfd: {  	s30 =	sshra.s32 s25, $0x2;
	v23 =	vld [tilespmem:s28+$0xFFFFFFB0]  }
0xfe: {  	v19 =	vld [tilespmem:s30+$0x400]  }
0xff: {  	v24 =	vld [tilespmem:s28+$0xFFFFFFC0]  }
0x100: {  	v25 =	vld [tilespmem:s28+$0xFFFFFFD0]  }
0x101: {  	v26 =	vld [tilespmem:s28+$0xFFFFFFE0]  }
0x102: {  	v27 =	vld [tilespmem:s28+$0xFFFFFFF0]  }
0x103: {  	v28 =	vld [tilespmem:s28+$0x0];
	v29 =	vperm.xlane v19, v2  }
0x104: {  	v30 =	vld [tilespmem:s28+$0x10];
	v31 =	vperm.xlane v19, v3  }
0x105: {  	v32 =	vld [tilespmem:s28+$0x20];
	v33 =	vperm.xlane v19, v4;
	v29 =	vshll.u32 v29, $0x4  }
0x106: {  	v34 =	vld [tilespmem:s28+$0x30];
	v35 =	vperm.xlane v19, v5;
	v31 =	vshll.u32 v31, $0x4;
	v29 =	vor.u32 v18, v29  }
0x107: {  	v36 =	vld [tilespmem:s28+$0x40];
	v37 =	vperm.xlane v19, v6;
	v33 =	vshll.u32 v33, $0x4;
	v31 =	vor.u32 v18, v31  }
0x108: {  	v38 =	vld [tilespmem:s28+$0x50];
	v39 =	vperm.xlane v19, v7;
	v35 =	vshll.u32 v35, $0x4;
	v33 =	vor.u32 v18, v33  }
0x109: {  	v40 =	vld [tilespmem:s28+$0x60];
	v41 =	vperm.xlane v19, v8;
	v37 =	vshll.u32 v37, $0x4;
	v35 =	vor.u32 v18, v35  }
0x10a: {  	v42 =	vld [tilespmem:s28+$0x70];
	v43 =	vperm.xlane v19, v9;
	v39 =	vshll.u32 v39, $0x4;
	v37 =	vor.u32 v18, v37  }
0x10b: {  	v44 =	vperm.xlane v19, v10;
	v62 =	vshll.u32 v41, $0x4;
	[tilespmem:v29+s8+$0x0] =	vst.idx.add.f32.msk $0xffff, v20;
	v20 =	vor.u32 v18, v39  }
0x10c: {  	v63 =	vperm.xlane v19, v11;
	v43 =	vshll.u32 v43, $0x4;
	v41 =	vor.u32 v18, v62;
	[tilespmem:v31+s8+$0x0] =	vst.idx.add.f32.msk $0xffff, v21  }
0x10d: {  	v45 =	vperm.xlane v19, v12;
	v47 =	vshll.u32 v44, $0x4;
	v46 =	vor.u32 v18, v43;
	[tilespmem:v33+s8+$0x0] =	vst.idx.add.f32.msk $0xffff, v22  }
0x10e: {  	v48 =	vperm.xlane v19, v13;
	v50 =	vshll.u32 v63, $0x4;
	v49 =	vor.u32 v18, v47;
	[tilespmem:v35+s8+$0x0] =	vst.idx.add.f32.msk $0xffff, v23  }
0x10f: {  	v51 =	vperm.xlane v19, v14;
	v53 =	vshll.u32 v45, $0x4;
	v52 =	vor.u32 v18, v50;
	[tilespmem:v37+s8+$0x0] =	vst.idx.add.f32.msk $0xffff, v24  }
0x110: {  	v54 =	vperm.xlane v19, v15;
	v55 =	vshll.u32 v48, $0x4;
	[tilespmem:v20+s8+$0x0] =	vst.idx.add.f32.msk $0xffff, v25;
	v20 =	vor.u32 v18, v53  }
0x111: {  	v56 =	vperm.xlane v19, v16;
	v58 =	vshll.u32 v51, $0x4;
	v57 =	vor.u32 v18, v55;
	[tilespmem:v41+s8+$0x0] =	vst.idx.add.f32.msk $0xffff, v26  }
0x112: {  	v19 =	vperm.xlane v19, v17;
	v60 =	vshll.u32 v54, $0x4;
	v59 =	vor.u32 v18, v58;
	[tilespmem:v46+s8+$0x0] =	vst.idx.add.f32.msk $0xffff, v27  }
0x113: {  	v61 =	vor.u32 v18, v60;
	v62 =	vshll.u32 v56, $0x4;
	[tilespmem:v49+s8+$0x0] =	vst.idx.add.f32.msk $0xffff, v28  }
0x114: {  	v19 =	vshll.u32 v19, $0x4;
	v63 =	vor.u32 v18, v62;
	[tilespmem:v52+s8+$0x0] =	vst.idx.add.f32.msk $0xffff, v30  }
0x115: {  	p0 =	sne.s32 s25, $0x3C0;
	v19 =	vor.u32 v18, v19;
	[tilespmem:v20+s8+$0x0] =	vst.idx.add.f32.msk $0xffff, v32  }
.Ltmp8:
0x116: {  	[tilespmem:v57+s8+$0x0] =	vst.idx.add.f32.msk $0xffff, v34;
	(pc) =	sbr.rel @p0 .LBB2_15-.Ltmp8, $4  }
0x117: {  	[tilespmem:v59+s8+$0x0] =	vst.idx.add.f32.msk $0xffff, v36  }
0x118: {  	[tilespmem:v61+s8+$0x0] =	vst.idx.add.f32.msk $0xffff, v38  }
0x119: {  	[tilespmem:v63+s8+$0x0] =	vst.idx.add.f32.msk $0xffff, v40  }
0x11a: {  	s28 =	sadd.s32 $0x100, s28;
	s25 =	sadd.s32 $0x40, s25;
	[tilespmem:v19+s8+$0x0] =	vst.idx.add.f32.msk $0xffff, v42  }
0x11b: {  	_ =	swait.ge [sflag:s14], $0x1000  }
0x11c: {  	[sflag:s14] =	ssyncset.done $0x0  }
0x11d: {  	s25 =	simm.s32 $0x0;
	s28 =	simm.s32 $0x7080;
	[sflag:s14] =	ssyncadd.s32 $0xFFFFF000  }
.LBB2_17:
0x11e: {  	v20 =	vld [tilespmem:s28+$0xFFFFFF80]  }
0x11f: {  	v21 =	vld [tilespmem:s28+$0xFFFFFF90]  }
0x120: {  	v22 =	vld [tilespmem:s28+$0xFFFFFFA0]  }
0x121: {  	s30 =	sshra.s32 s25, $0x2;
	v23 =	vld [tilespmem:s28+$0xFFFFFFB0]  }
0x122: {  	v19 =	vld [tilespmem:s30+$0x500]  }
0x123: {  	v24 =	vld [tilespmem:s28+$0xFFFFFFC0]  }
0x124: {  	v25 =	vld [tilespmem:s28+$0xFFFFFFD0]  }
0x125: {  	v26 =	vld [tilespmem:s28+$0xFFFFFFE0]  }
0x126: {  	v27 =	vld [tilespmem:s28+$0xFFFFFFF0]  }
0x127: {  	v28 =	vld [tilespmem:s28+$0x0];
	v29 =	vperm.xlane v19, v2  }
0x128: {  	v30 =	vld [tilespmem:s28+$0x10];
	v31 =	vperm.xlane v19, v3  }
0x129: {  	v32 =	vld [tilespmem:s28+$0x20];
	v33 =	vperm.xlane v19, v4;
	v29 =	vshll.u32 v29, $0x4  }
0x12a: {  	v34 =	vld [tilespmem:s28+$0x30];
	v35 =	vperm.xlane v19, v5;
	v31 =	vshll.u32 v31, $0x4;
	v29 =	vor.u32 v18, v29  }
0x12b: {  	v36 =	vld [tilespmem:s28+$0x40];
	v37 =	vperm.xlane v19, v6;
	v33 =	vshll.u32 v33, $0x4;
	v31 =	vor.u32 v18, v31  }
0x12c: {  	v38 =	vld [tilespmem:s28+$0x50];
	v39 =	vperm.xlane v19, v7;
	v35 =	vshll.u32 v35, $0x4;
	v33 =	vor.u32 v18, v33  }
0x12d: {  	v40 =	vld [tilespmem:s28+$0x60];
	v41 =	vperm.xlane v19, v8;
	v37 =	vshll.u32 v37, $0x4;
	v35 =	vor.u32 v18, v35  }
0x12e: {  	v42 =	vld [tilespmem:s28+$0x70];
	v43 =	vperm.xlane v19, v9;
	v39 =	vshll.u32 v39, $0x4;
	v37 =	vor.u32 v18, v37  }
0x12f: {  	v44 =	vperm.xlane v19, v10;
	v62 =	vshll.u32 v41, $0x4;
	[tilespmem:v29+s8+$0x0] =	vst.idx.add.f32.msk $0xffff, v20;
	v20 =	vor.u32 v18, v39  }
0x130: {  	v63 =	vperm.xlane v19, v11;
	v43 =	vshll.u32 v43, $0x4;
	v41 =	vor.u32 v18, v62;
	[tilespmem:v31+s8+$0x0] =	vst.idx.add.f32.msk $0xffff, v21  }
0x131: {  	v45 =	vperm.xlane v19, v12;
	v47 =	vshll.u32 v44, $0x4;
	v46 =	vor.u32 v18, v43;
	[tilespmem:v33+s8+$0x0] =	vst.idx.add.f32.msk $0xffff, v22  }
0x132: {  	v48 =	vperm.xlane v19, v13;
	v50 =	vshll.u32 v63, $0x4;
	v49 =	vor.u32 v18, v47;
	[tilespmem:v35+s8+$0x0] =	vst.idx.add.f32.msk $0xffff, v23  }
0x133: {  	v51 =	vperm.xlane v19, v14;
	v53 =	vshll.u32 v45, $0x4;
	v52 =	vor.u32 v18, v50;
	[tilespmem:v37+s8+$0x0] =	vst.idx.add.f32.msk $0xffff, v24  }
0x134: {  	v54 =	vperm.xlane v19, v15;
	v55 =	vshll.u32 v48, $0x4;
	[tilespmem:v20+s8+$0x0] =	vst.idx.add.f32.msk $0xffff, v25;
	v20 =	vor.u32 v18, v53  }
0x135: {  	v56 =	vperm.xlane v19, v16;
	v58 =	vshll.u32 v51, $0x4;
	v57 =	vor.u32 v18, v55;
	[tilespmem:v41+s8+$0x0] =	vst.idx.add.f32.msk $0xffff, v26  }
0x136: {  	v19 =	vperm.xlane v19, v17;
	v60 =	vshll.u32 v54, $0x4;
	v59 =	vor.u32 v18, v58;
	[tilespmem:v46+s8+$0x0] =	vst.idx.add.f32.msk $0xffff, v27  }
0x137: {  	v61 =	vor.u32 v18, v60;
	v62 =	vshll.u32 v56, $0x4;
	[tilespmem:v49+s8+$0x0] =	vst.idx.add.f32.msk $0xffff, v28  }
0x138: {  	v19 =	vshll.u32 v19, $0x4;
	v63 =	vor.u32 v18, v62;
	[tilespmem:v52+s8+$0x0] =	vst.idx.add.f32.msk $0xffff, v30  }
0x139: {  	p0 =	sne.s32 s25, $0x3C0;
	v19 =	vor.u32 v18, v19;
	[tilespmem:v20+s8+$0x0] =	vst.idx.add.f32.msk $0xffff, v32  }
.Ltmp9:
0x13a: {  	[tilespmem:v57+s8+$0x0] =	vst.idx.add.f32.msk $0xffff, v34;
	(pc) =	sbr.rel @p0 .LBB2_17-.Ltmp9, $4  }
0x13b: {  	[tilespmem:v59+s8+$0x0] =	vst.idx.add.f32.msk $0xffff, v36  }
0x13c: {  	[tilespmem:v61+s8+$0x0] =	vst.idx.add.f32.msk $0xffff, v38  }
0x13d: {  	[tilespmem:v63+s8+$0x0] =	vst.idx.add.f32.msk $0xffff, v40  }
0x13e: {  	s28 =	sadd.s32 $0x100, s28;
	s25 =	sadd.s32 $0x40, s25;
	[tilespmem:v19+s8+$0x0] =	vst.idx.add.f32.msk $0xffff, v42  }
0x13f: {  	_ =	swait.ge [sflag:s19], $0x1000  }
0x140: {  	[sflag:s19] =	ssyncset.done $0x0  }
0x141: {  	s25 =	simm.s32 $0x0;
	s28 =	simm.s32 $0x8080;
	[sflag:s19] =	ssyncadd.s32 $0xFFFFF000  }
.LBB2_19:
0x142: {  	v20 =	vld [tilespmem:s28+$0xFFFFFF80]  }
0x143: {  	v21 =	vld [tilespmem:s28+$0xFFFFFF90]  }
0x144: {  	v22 =	vld [tilespmem:s28+$0xFFFFFFA0]  }
0x145: {  	s30 =	sshra.s32 s25, $0x2;
	v23 =	vld [tilespmem:s28+$0xFFFFFFB0]  }
0x146: {  	v19 =	vld [tilespmem:s30+$0x600]  }
0x147: {  	v24 =	vld [tilespmem:s28+$0xFFFFFFC0]  }
0x148: {  	v25 =	vld [tilespmem:s28+$0xFFFFFFD0]  }
0x149: {  	v26 =	vld [tilespmem:s28+$0xFFFFFFE0]  }
0x14a: {  	v27 =	vld [tilespmem:s28+$0xFFFFFFF0]  }
0x14b: {  	v28 =	vld [tilespmem:s28+$0x0];
	v29 =	vperm.xlane v19, v2  }
0x14c: {  	v30 =	vld [tilespmem:s28+$0x10];
	v31 =	vperm.xlane v19, v3  }
0x14d: {  	v32 =	vld [tilespmem:s28+$0x20];
	v33 =	vperm.xlane v19, v4;
	v29 =	vshll.u32 v29, $0x4  }
0x14e: {  	v34 =	vld [tilespmem:s28+$0x30];
	v35 =	vperm.xlane v19, v5;
	v31 =	vshll.u32 v31, $0x4;
	v29 =	vor.u32 v18, v29  }
0x14f: {  	v36 =	vld [tilespmem:s28+$0x40];
	v37 =	vperm.xlane v19, v6;
	v33 =	vshll.u32 v33, $0x4;
	v31 =	vor.u32 v18, v31  }
0x150: {  	v38 =	vld [tilespmem:s28+$0x50];
	v39 =	vperm.xlane v19, v7;
	v35 =	vshll.u32 v35, $0x4;
	v33 =	vor.u32 v18, v33  }
0x151: {  	v40 =	vld [tilespmem:s28+$0x60];
	v41 =	vperm.xlane v19, v8;
	v37 =	vshll.u32 v37, $0x4;
	v35 =	vor.u32 v18, v35  }
0x152: {  	v42 =	vld [tilespmem:s28+$0x70];
	v43 =	vperm.xlane v19, v9;
	v39 =	vshll.u32 v39, $0x4;
	v37 =	vor.u32 v18, v37  }
0x153: {  	v44 =	vperm.xlane v19, v10;
	v62 =	vshll.u32 v41, $0x4;
	[tilespmem:v29+s8+$0x0] =	vst.idx.add.f32.msk $0xffff, v20;
	v20 =	vor.u32 v18, v39  }
0x154: {  	v63 =	vperm.xlane v19, v11;
	v43 =	vshll.u32 v43, $0x4;
	v41 =	vor.u32 v18, v62;
	[tilespmem:v31+s8+$0x0] =	vst.idx.add.f32.msk $0xffff, v21  }
0x155: {  	v45 =	vperm.xlane v19, v12;
	v47 =	vshll.u32 v44, $0x4;
	v46 =	vor.u32 v18, v43;
	[tilespmem:v33+s8+$0x0] =	vst.idx.add.f32.msk $0xffff, v22  }
0x156: {  	v48 =	vperm.xlane v19, v13;
	v50 =	vshll.u32 v63, $0x4;
	v49 =	vor.u32 v18, v47;
	[tilespmem:v35+s8+$0x0] =	vst.idx.add.f32.msk $0xffff, v23  }
0x157: {  	v51 =	vperm.xlane v19, v14;
	v53 =	vshll.u32 v45, $0x4;
	v52 =	vor.u32 v18, v50;
	[tilespmem:v37+s8+$0x0] =	vst.idx.add.f32.msk $0xffff, v24  }
0x158: {  	v54 =	vperm.xlane v19, v15;
	v55 =	vshll.u32 v48, $0x4;
	[tilespmem:v20+s8+$0x0] =	vst.idx.add.f32.msk $0xffff, v25;
	v20 =	vor.u32 v18, v53  }
0x159: {  	v56 =	vperm.xlane v19, v16;
	v58 =	vshll.u32 v51, $0x4;
	v57 =	vor.u32 v18, v55;
	[tilespmem:v41+s8+$0x0] =	vst.idx.add.f32.msk $0xffff, v26  }
0x15a: {  	v19 =	vperm.xlane v19, v17;
	v60 =	vshll.u32 v54, $0x4;
	v59 =	vor.u32 v18, v58;
	[tilespmem:v46+s8+$0x0] =	vst.idx.add.f32.msk $0xffff, v27  }
0x15b: {  	v61 =	vor.u32 v18, v60;
	v62 =	vshll.u32 v56, $0x4;
	[tilespmem:v49+s8+$0x0] =	vst.idx.add.f32.msk $0xffff, v28  }
0x15c: {  	v19 =	vshll.u32 v19, $0x4;
	v63 =	vor.u32 v18, v62;
	[tilespmem:v52+s8+$0x0] =	vst.idx.add.f32.msk $0xffff, v30  }
0x15d: {  	p0 =	sne.s32 s25, $0x3C0;
	v19 =	vor.u32 v18, v19;
	[tilespmem:v20+s8+$0x0] =	vst.idx.add.f32.msk $0xffff, v32  }
.Ltmp10:
0x15e: {  	[tilespmem:v57+s8+$0x0] =	vst.idx.add.f32.msk $0xffff, v34;
	(pc) =	sbr.rel @p0 .LBB2_19-.Ltmp10, $4  }
0x15f: {  	[tilespmem:v59+s8+$0x0] =	vst.idx.add.f32.msk $0xffff, v36  }
0x160: {  	[tilespmem:v61+s8+$0x0] =	vst.idx.add.f32.msk $0xffff, v38  }
0x161: {  	[tilespmem:v63+s8+$0x0] =	vst.idx.add.f32.msk $0xffff, v40  }
0x162: {  	s28 =	sadd.s32 $0x100, s28;
	s25 =	sadd.s32 $0x40, s25;
	[tilespmem:v19+s8+$0x0] =	vst.idx.add.f32.msk $0xffff, v42  }
0x163: {  	_ =	swait.ge [sflag:s21], $0x1000  }
0x164: {  	[sflag:s21] =	ssyncset.done $0x0  }
0x165: {  	s25 =	simm.s32 $0x0;
	s28 =	simm.s32 $0x9080;
	[sflag:s21] =	ssyncadd.s32 $0xFFFFF000  }
.LBB2_21:
0x166: {  	v20 =	vld [tilespmem:s28+$0xFFFFFF80]  }
0x167: {  	v21 =	vld [tilespmem:s28+$0xFFFFFF90]  }
0x168: {  	v22 =	vld [tilespmem:s28+$0xFFFFFFA0]  }
0x169: {  	s30 =	sshra.s32 s25, $0x2;
	v23 =	vld [tilespmem:s28+$0xFFFFFFB0]  }
0x16a: {  	v19 =	vld [tilespmem:s30+$0x700]  }
0x16b: {  	v24 =	vld [tilespmem:s28+$0xFFFFFFC0]  }
0x16c: {  	v25 =	vld [tilespmem:s28+$0xFFFFFFD0]  }
0x16d: {  	v26 =	vld [tilespmem:s28+$0xFFFFFFE0]  }
0x16e: {  	v27 =	vld [tilespmem:s28+$0xFFFFFFF0]  }
0x16f: {  	v28 =	vld [tilespmem:s28+$0x0];
	v29 =	vperm.xlane v19, v2  }
0x170: {  	v30 =	vld [tilespmem:s28+$0x10];
	v31 =	vperm.xlane v19, v3  }
0x171: {  	v32 =	vld [tilespmem:s28+$0x20];
	v33 =	vperm.xlane v19, v4;
	v29 =	vshll.u32 v29, $0x4  }
0x172: {  	v34 =	vld [tilespmem:s28+$0x30];
	v35 =	vperm.xlane v19, v5;
	v31 =	vshll.u32 v31, $0x4;
	v29 =	vor.u32 v18, v29  }
0x173: {  	v36 =	vld [tilespmem:s28+$0x40];
	v37 =	vperm.xlane v19, v6;
	v33 =	vshll.u32 v33, $0x4;
	v31 =	vor.u32 v18, v31  }
0x174: {  	v38 =	vld [tilespmem:s28+$0x50];
	v39 =	vperm.xlane v19, v7;
	v35 =	vshll.u32 v35, $0x4;
	v33 =	vor.u32 v18, v33  }
0x175: {  	v40 =	vld [tilespmem:s28+$0x60];
	v41 =	vperm.xlane v19, v8;
	v37 =	vshll.u32 v37, $0x4;
	v35 =	vor.u32 v18, v35  }
0x176: {  	v42 =	vld [tilespmem:s28+$0x70];
	v43 =	vperm.xlane v19, v9;
	v39 =	vshll.u32 v39, $0x4;
	v37 =	vor.u32 v18, v37  }
0x177: {  	v44 =	vperm.xlane v19, v10;
	v62 =	vshll.u32 v41, $0x4;
	[tilespmem:v29+s8+$0x0] =	vst.idx.add.f32.msk $0xffff, v20;
	v20 =	vor.u32 v18, v39  }
0x178: {  	v63 =	vperm.xlane v19, v11;
	v43 =	vshll.u32 v43, $0x4;
	v41 =	vor.u32 v18, v62;
	[tilespmem:v31+s8+$0x0] =	vst.idx.add.f32.msk $0xffff, v21  }
0x179: {  	v45 =	vperm.xlane v19, v12;
	v47 =	vshll.u32 v44, $0x4;
	v46 =	vor.u32 v18, v43;
	[tilespmem:v33+s8+$0x0] =	vst.idx.add.f32.msk $0xffff, v22  }
0x17a: {  	v48 =	vperm.xlane v19, v13;
	v50 =	vshll.u32 v63, $0x4;
	v49 =	vor.u32 v18, v47;
	[tilespmem:v35+s8+$0x0] =	vst.idx.add.f32.msk $0xffff, v23  }
0x17b: {  	v51 =	vperm.xlane v19, v14;
	v53 =	vshll.u32 v45, $0x4;
	v52 =	vor.u32 v18, v50;
	[tilespmem:v37+s8+$0x0] =	vst.idx.add.f32.msk $0xffff, v24  }
0x17c: {  	v54 =	vperm.xlane v19, v15;
	v55 =	vshll.u32 v48, $0x4;
	[tilespmem:v20+s8+$0x0] =	vst.idx.add.f32.msk $0xffff, v25;
	v20 =	vor.u32 v18, v53  }
0x17d: {  	v56 =	vperm.xlane v19, v16;
	v58 =	vshll.u32 v51, $0x4;
	v57 =	vor.u32 v18, v55;
	[tilespmem:v41+s8+$0x0] =	vst.idx.add.f32.msk $0xffff, v26  }
0x17e: {  	v19 =	vperm.xlane v19, v17;
	v60 =	vshll.u32 v54, $0x4;
	v59 =	vor.u32 v18, v58;
	[tilespmem:v46+s8+$0x0] =	vst.idx.add.f32.msk $0xffff, v27  }
0x17f: {  	v61 =	vor.u32 v18, v60;
	v62 =	vshll.u32 v56, $0x4;
	[tilespmem:v49+s8+$0x0] =	vst.idx.add.f32.msk $0xffff, v28  }
0x180: {  	v19 =	vshll.u32 v19, $0x4;
	v63 =	vor.u32 v18, v62;
	[tilespmem:v52+s8+$0x0] =	vst.idx.add.f32.msk $0xffff, v30  }
0x181: {  	p0 =	sne.s32 s25, $0x3C0;
	v19 =	vor.u32 v18, v19;
	[tilespmem:v20+s8+$0x0] =	vst.idx.add.f32.msk $0xffff, v32  }
.Ltmp11:
0x182: {  	[tilespmem:v57+s8+$0x0] =	vst.idx.add.f32.msk $0xffff, v34;
	(pc) =	sbr.rel @p0 .LBB2_21-.Ltmp11, $4  }
0x183: {  	[tilespmem:v59+s8+$0x0] =	vst.idx.add.f32.msk $0xffff, v36  }
0x184: {  	[tilespmem:v61+s8+$0x0] =	vst.idx.add.f32.msk $0xffff, v38  }
0x185: {  	[tilespmem:v63+s8+$0x0] =	vst.idx.add.f32.msk $0xffff, v40  }
0x186: {  	s28 =	sadd.s32 $0x100, s28;
	s25 =	sadd.s32 $0x40, s25;
	[tilespmem:v19+s8+$0x0] =	vst.idx.add.f32.msk $0xffff, v42  }
0x187: {  	s25 =	sshll.u32 s0, $0x1;
	p0 =	seq.s32 s0, $0xF  }
0x188: {  	s28 =	sadd.s32 @!p0 s6, s25  }
0x189: {  	s28 =	sshll.u32 @!p0 s28, $0x8  }
0x18a: {  	s28 =	sadd.s32 @!p0 $0x200, s28  }
0x18b: {  	s13 =	simm.s32 @!p0 $0x0;
	s30 =	sadd.s32 @!p0 s4, s28  }
0x18c: {  	[tilespmem:s13], [sflag:$0x1] =	stream.linear.gather @!p0 [hbm4b:s30+s13], $0x800, $0x38;
	[tilespmem:$0x1A000] =	vst v63  }
0x18d: {  	s28 =	sadd.s32 @!p0 s5, s28;
	s30 =	simm.s32 @!p0 $0x1000  }
0x18e: {  	[tilespmem:s30], [sflag:$0x1] =	stream.linear.gather @!p0 [hbm4b:s28+s13], $0x800, $0x38;
	[tilespmem:$0x1A000] =	vst v63  }
0x18f: {  	_ =	swait.ge [sflag:s23], $0x800  }
0x190: {  	[sflag:s23] =	ssyncset.done $0x0  }
0x191: {  	[sflag:s23] =	ssyncadd.s32 $0xFFFFF800  }
0x192: {  	_ =	swait.ge [sflag:s23], $0x800  }
0x193: {  	[sflag:s23] =	ssyncset.done $0x0  }
0x194: {  	s28 =	simm.s32 $0x0;
	[sflag:s23] =	ssyncadd.s32 $0xFFFFF800  }
0x195: {  	v19 =	vld [tilespmem:s28+$0x1800]  }
0x196: {  	v20 =	vld [tilespmem:s28+$0x1810]  }
0x197: {  	v21 =	vld [tilespmem:s28+$0x1820]  }
0x198: {  	v22 =	vld [tilespmem:s28+$0x1830]  }
0x199: {  	v23 =	vld [tilespmem:s28+$0x1840]  }
0x19a: {  	v24 =	vld [tilespmem:s28+$0x1850];
	v19 =	vshll.u32 v19, $0x4  }
0x19b: {  	v25 =	vld [tilespmem:s28+$0x1860];
	v20 =	vshll.u32 v20, $0x4;
	v19 =	vor.u32 v0, v19  }
0x19c: {  	v26 =	vld [tilespmem:s28+$0x1870];
	[tilespmem:s28+$0x1800] =	vst v19;
	v19 =	vor.u32 v0, v20;
	v20 =	vshll.u32 v21, $0x4  }
0x19d: {  	v27 =	vld [tilespmem:s28+$0x1880];
	[tilespmem:s28+$0x1810] =	vst v19;
	v19 =	vor.u32 v0, v20;
	v20 =	vshll.u32 v22, $0x4  }
0x19e: {  	v28 =	vld [tilespmem:s28+$0x1890];
	[tilespmem:s28+$0x1820] =	vst v19;
	v19 =	vor.u32 v0, v20;
	v20 =	vshll.u32 v23, $0x4  }
0x19f: {  	v21 =	vshll.u32 v24, $0x4;
	[tilespmem:s28+$0x1830] =	vst v19;
	v19 =	vor.u32 v0, v20;
	v20 =	vld [tilespmem:s28+$0x18A0]  }
0x1a0: {  	v21 =	vor.u32 v0, v21;
	v22 =	vshll.u32 v25, $0x4;
	[tilespmem:s28+$0x1840] =	vst v19;
	v19 =	vld [tilespmem:s28+$0x18B0]  }
0x1a1: {  	[tilespmem:s28+$0x1850] =	vst v21;
	v22 =	vor.u32 v0, v22;
	v21 =	vld [tilespmem:s28+$0x18C0];
	v23 =	vshll.u32 v26, $0x4  }
0x1a2: {  	v24 =	vshll.u32 v27, $0x4;
	[tilespmem:s28+$0x1860] =	vst v22;
	v23 =	vor.u32 v0, v23;
	v22 =	vld [tilespmem:s28+$0x18D0]  }
0x1a3: {  	s30 =	simm.s32 $0x400;
	v24 =	vor.u32 v0, v24;
	v25 =	vshll.u32 v28, $0x4;
	[tilespmem:s28+$0x1870] =	vst v23;
	v23 =	vld [tilespmem:s28+$0x18E0]  }
.LBB2_23:
0x1a4: {  	s13 =	sshra.s32 s30, $0x2;
	p1 =	sne.s32 s30, $0x1C00;
	[tilespmem:s28+$0x1880] =	vst v24;
	v24 =	vor.u32 v0, v25;
	v20 =	vshll.u32 v20, $0x4;
	v25 =	vld [tilespmem:s28+$0x18F0]  }
0x1a5: {  	v26 =	vld [tilespmem:s13+$0x1800];
	[tilespmem:s28+$0x1890] =	vst v24;
	v20 =	vor.u32 v0, v20;
	v19 =	vshll.u32 v19, $0x4  }
0x1a6: {  	v24 =	vld [tilespmem:s13+$0x1810];
	[tilespmem:s28+$0x18A0] =	vst v20;
	v19 =	vor.u32 v0, v19;
	v20 =	vshll.u32 v21, $0x4  }
0x1a7: {  	v21 =	vld [tilespmem:s13+$0x1820];
	[tilespmem:s28+$0x18B0] =	vst v19;
	v19 =	vor.u32 v0, v20;
	v20 =	vshll.u32 v22, $0x4  }
0x1a8: {  	v22 =	vld [tilespmem:s13+$0x1830];
	[tilespmem:s28+$0x18C0] =	vst v19;
	v19 =	vor.u32 v0, v20;
	v20 =	vshll.u32 v23, $0x4  }
0x1a9: {  	v23 =	vld [tilespmem:s13+$0x1840];
	[tilespmem:s28+$0x18D0] =	vst v19;
	v19 =	vor.u32 v0, v20;
	v20 =	vshll.u32 v25, $0x4  }
0x1aa: {  	v25 =	vshll.u32 v26, $0x4;
	v26 =	vld [tilespmem:s13+$0x1850];
	[tilespmem:s28+$0x18E0] =	vst v19;
	v19 =	vor.u32 v0, v20  }
0x1ab: {  	v20 =	vor.u32 v0, v25;
	v24 =	vshll.u32 v24, $0x4;
	v25 =	vld [tilespmem:s13+$0x1860];
	[tilespmem:s28+$0x18F0] =	vst v19;
	s28 =	smov.u32 s13  }
0x1ac: {  	[tilespmem:s28+$0x1800] =	vst v20;
	v19 =	vor.u32 v0, v24;
	v20 =	vshll.u32 v21, $0x4;
	v21 =	vld [tilespmem:s28+$0x1870]  }
0x1ad: {  	[tilespmem:s28+$0x1810] =	vst v19;
	v19 =	vor.u32 v0, v20;
	v20 =	vshll.u32 v22, $0x4;
	v22 =	vld [tilespmem:s28+$0x1880]  }
0x1ae: {  	[tilespmem:s28+$0x1820] =	vst v19;
	v19 =	vor.u32 v0, v20;
	v20 =	vshll.u32 v23, $0x4;
	v23 =	vld [tilespmem:s28+$0x1890]  }
.Ltmp12:
0x1af: {  	[tilespmem:s28+$0x1830] =	vst v19;
	v19 =	vor.u32 v0, v20;
	v24 =	vshll.u32 v26, $0x4;
	v20 =	vld [tilespmem:s28+$0x18A0];
	(pc) =	sbr.rel @p1 .LBB2_23-.Ltmp12, $4  }
0x1b0: {  	[tilespmem:s28+$0x1840] =	vst v19;
	v24 =	vor.u32 v0, v24;
	v25 =	vshll.u32 v25, $0x4;
	v19 =	vld [tilespmem:s28+$0x18B0]  }
0x1b1: {  	[tilespmem:s28+$0x1850] =	vst v24;
	v24 =	vor.u32 v0, v25;
	v25 =	vshll.u32 v21, $0x4;
	v21 =	vld [tilespmem:s28+$0x18C0]  }
0x1b2: {  	[tilespmem:s28+$0x1860] =	vst v24;
	v24 =	vor.u32 v0, v25;
	v25 =	vshll.u32 v22, $0x4;
	v22 =	vld [tilespmem:s28+$0x18D0]  }
0x1b3: {  	s30 =	sadd.s32 $0x400, s30;
	[tilespmem:s28+$0x1870] =	vst v24;
	v24 =	vor.u32 v0, v25;
	v25 =	vshll.u32 v23, $0x4;
	v23 =	vld [tilespmem:s28+$0x18E0]  }
0x1b4: {  	[tilespmem:s28+$0x1880] =	vst v24;
	v62 =	vor.u32 v0, v25;
	v20 =	vshll.u32 v20, $0x4;
	v63 =	vld [tilespmem:s28+$0x18F0]  }
0x1b5: {  	[tilespmem:s28+$0x1890] =	vst v62;
	v20 =	vor.u32 v0, v20;
	v19 =	vshll.u32 v19, $0x4  }
0x1b6: {  	[tilespmem:s28+$0x18A0] =	vst v20;
	v19 =	vor.u32 v0, v19;
	v20 =	vshll.u32 v21, $0x4  }
0x1b7: {  	[tilespmem:s28+$0x18B0] =	vst v19;
	v19 =	vor.u32 v0, v20;
	v20 =	vshll.u32 v22, $0x4  }
0x1b8: {  	[tilespmem:s28+$0x18C0] =	vst v19;
	v19 =	vor.u32 v0, v20;
	v20 =	vshll.u32 v23, $0x4  }
0x1b9: {  	[tilespmem:s28+$0x18D0] =	vst v19;
	v19 =	vor.u32 v0, v20;
	v20 =	vshll.u32 v63, $0x4  }
0x1ba: {  	[tilespmem:s28+$0x18E0] =	vst v19;
	v19 =	vor.u32 v0, v20  }
0x1bb: {  	[tilespmem:s28+$0x18F0] =	vst v19  }
0x1bc: {  	[tilespmem:s18], [sflag:$0x3] =	stream.indirect.gather [hbm4b:s2+s17], $0x10, s15, s17, $0xb8;
	[tilespmem:$0x1A000] =	vst v63  }
0x1bd: {  	s13 =	simm.s32 $0x1900  }
0x1be: {  	[tilespmem:s20], [sflag:$0x4] =	stream.indirect.gather [hbm4b:s2+s17], $0x10, s13, s17, $0xb8;
	[tilespmem:$0x1A000] =	vst v63  }
0x1bf: {  	s13 =	simm.s32 $0x1A00  }
0x1c0: {  	[tilespmem:s22], [sflag:$0x5] =	stream.indirect.gather [hbm4b:s2+s17], $0x10, s13, s17, $0xb8;
	[tilespmem:$0x1A000] =	vst v63  }
0x1c1: {  	s13 =	simm.s32 $0x1B00  }
0x1c2: {  	[tilespmem:s24], [sflag:$0x6] =	stream.indirect.gather [hbm4b:s2+s17], $0x10, s13, s17, $0xb8;
	[tilespmem:$0x1A000] =	vst v63  }
0x1c3: {  	s13 =	simm.s32 $0x1C00  }
0x1c4: {  	[tilespmem:s26], [sflag:$0x7] =	stream.indirect.gather [hbm4b:s2+s17], $0x10, s13, s17, $0xb8;
	[tilespmem:$0x1A000] =	vst v63  }
0x1c5: {  	s13 =	simm.s32 $0x1D00  }
0x1c6: {  	[tilespmem:s29], [sflag:$0x8] =	stream.indirect.gather [hbm4b:s2+s17], $0x10, s13, s17, $0xb8;
	[tilespmem:$0x1A000] =	vst v63  }
0x1c7: {  	s13 =	simm.s32 $0x1E00  }
0x1c8: {  	[tilespmem:s31], [sflag:$0x9] =	stream.indirect.gather [hbm4b:s2+s17], $0x10, s13, s17, $0xb8;
	[tilespmem:$0x1A000] =	vst v63  }
0x1c9: {  	s13 =	simm.s32 $0x1F00  }
0x1ca: {  	[tilespmem:s3], [sflag:$0xA] =	stream.indirect.gather [hbm4b:s2+s17], $0x10, s13, s17, $0xb8;
	[tilespmem:$0x1A000] =	vst v63  }
0x1cb: {  	_ =	swait.ge [sflag:s7], $0x1000  }
0x1cc: {  	[sflag:s7] =	ssyncset.done $0x0  }
0x1cd: {  	s30 =	simm.s32 $0x2080;
	s28 =	simm.s32 $0x0;
	[sflag:s7] =	ssyncadd.s32 $0xFFFFF000  }
.LBB2_25:
0x1ce: {  	v20 =	vld [tilespmem:s30+$0xFFFFFF80]  }
0x1cf: {  	v21 =	vld [tilespmem:s30+$0xFFFFFF90]  }
0x1d0: {  	v22 =	vld [tilespmem:s30+$0xFFFFFFA0]  }
0x1d1: {  	s13 =	sshra.s32 s28, $0x2;
	v23 =	vld [tilespmem:s30+$0xFFFFFFB0]  }
0x1d2: {  	v19 =	vld [tilespmem:s13+$0x800]  }
0x1d3: {  	v24 =	vld [tilespmem:s30+$0xFFFFFFC0]  }
0x1d4: {  	v25 =	vld [tilespmem:s30+$0xFFFFFFD0]  }
0x1d5: {  	v26 =	vld [tilespmem:s30+$0xFFFFFFE0]  }
0x1d6: {  	v27 =	vld [tilespmem:s30+$0xFFFFFFF0]  }
0x1d7: {  	v28 =	vld [tilespmem:s30+$0x0];
	v29 =	vperm.xlane v19, v2  }
0x1d8: {  	v30 =	vld [tilespmem:s30+$0x10];
	v31 =	vperm.xlane v19, v3  }
0x1d9: {  	v32 =	vld [tilespmem:s30+$0x20];
	v33 =	vperm.xlane v19, v4;
	v29 =	vshll.u32 v29, $0x4  }
0x1da: {  	v34 =	vld [tilespmem:s30+$0x30];
	v35 =	vperm.xlane v19, v5;
	v31 =	vshll.u32 v31, $0x4;
	v29 =	vor.u32 v18, v29  }
0x1db: {  	v36 =	vld [tilespmem:s30+$0x40];
	v37 =	vperm.xlane v19, v6;
	v33 =	vshll.u32 v33, $0x4;
	v31 =	vor.u32 v18, v31  }
0x1dc: {  	v38 =	vld [tilespmem:s30+$0x50];
	v39 =	vperm.xlane v19, v7;
	v35 =	vshll.u32 v35, $0x4;
	v33 =	vor.u32 v18, v33  }
0x1dd: {  	v40 =	vld [tilespmem:s30+$0x60];
	v41 =	vperm.xlane v19, v8;
	v37 =	vshll.u32 v37, $0x4;
	v35 =	vor.u32 v18, v35  }
0x1de: {  	v42 =	vld [tilespmem:s30+$0x70];
	v43 =	vperm.xlane v19, v9;
	v39 =	vshll.u32 v39, $0x4;
	v37 =	vor.u32 v18, v37  }
0x1df: {  	v44 =	vperm.xlane v19, v10;
	v62 =	vshll.u32 v41, $0x4;
	[tilespmem:v29+s8+$0x0] =	vst.idx.add.f32.msk $0xffff, v20;
	v20 =	vor.u32 v18, v39  }
0x1e0: {  	v63 =	vperm.xlane v19, v11;
	v43 =	vshll.u32 v43, $0x4;
	v41 =	vor.u32 v18, v62;
	[tilespmem:v31+s8+$0x0] =	vst.idx.add.f32.msk $0xffff, v21  }
0x1e1: {  	v45 =	vperm.xlane v19, v12;
	v47 =	vshll.u32 v44, $0x4;
	v46 =	vor.u32 v18, v43;
	[tilespmem:v33+s8+$0x0] =	vst.idx.add.f32.msk $0xffff, v22  }
0x1e2: {  	v48 =	vperm.xlane v19, v13;
	v50 =	vshll.u32 v63, $0x4;
	v49 =	vor.u32 v18, v47;
	[tilespmem:v35+s8+$0x0] =	vst.idx.add.f32.msk $0xffff, v23  }
0x1e3: {  	v51 =	vperm.xlane v19, v14;
	v53 =	vshll.u32 v45, $0x4;
	v52 =	vor.u32 v18, v50;
	[tilespmem:v37+s8+$0x0] =	vst.idx.add.f32.msk $0xffff, v24  }
0x1e4: {  	v54 =	vperm.xlane v19, v15;
	v55 =	vshll.u32 v48, $0x4;
	[tilespmem:v20+s8+$0x0] =	vst.idx.add.f32.msk $0xffff, v25;
	v20 =	vor.u32 v18, v53  }
0x1e5: {  	v56 =	vperm.xlane v19, v16;
	v58 =	vshll.u32 v51, $0x4;
	v57 =	vor.u32 v18, v55;
	[tilespmem:v41+s8+$0x0] =	vst.idx.add.f32.msk $0xffff, v26  }
0x1e6: {  	v19 =	vperm.xlane v19, v17;
	v60 =	vshll.u32 v54, $0x4;
	v59 =	vor.u32 v18, v58;
	[tilespmem:v46+s8+$0x0] =	vst.idx.add.f32.msk $0xffff, v27  }
0x1e7: {  	v61 =	vor.u32 v18, v60;
	v62 =	vshll.u32 v56, $0x4;
	[tilespmem:v49+s8+$0x0] =	vst.idx.add.f32.msk $0xffff, v28  }
0x1e8: {  	v19 =	vshll.u32 v19, $0x4;
	v63 =	vor.u32 v18, v62;
	[tilespmem:v52+s8+$0x0] =	vst.idx.add.f32.msk $0xffff, v30  }
0x1e9: {  	p1 =	sne.s32 s28, $0x3C0;
	v19 =	vor.u32 v18, v19;
	[tilespmem:v20+s8+$0x0] =	vst.idx.add.f32.msk $0xffff, v32  }
.Ltmp13:
0x1ea: {  	[tilespmem:v57+s8+$0x0] =	vst.idx.add.f32.msk $0xffff, v34;
	(pc) =	sbr.rel @p1 .LBB2_25-.Ltmp13, $4  }
0x1eb: {  	[tilespmem:v59+s8+$0x0] =	vst.idx.add.f32.msk $0xffff, v36  }
0x1ec: {  	[tilespmem:v61+s8+$0x0] =	vst.idx.add.f32.msk $0xffff, v38  }
0x1ed: {  	[tilespmem:v63+s8+$0x0] =	vst.idx.add.f32.msk $0xffff, v40  }
0x1ee: {  	s30 =	sadd.s32 $0x100, s30;
	s28 =	sadd.s32 $0x40, s28;
	[tilespmem:v19+s8+$0x0] =	vst.idx.add.f32.msk $0xffff, v42  }
0x1ef: {  	_ =	swait.ge [sflag:s9], $0x1000  }
0x1f0: {  	[sflag:s9] =	ssyncset.done $0x0  }
0x1f1: {  	s28 =	simm.s32 $0x0;
	s30 =	simm.s32 $0x3080;
	[sflag:s9] =	ssyncadd.s32 $0xFFFFF000  }
.LBB2_27:
0x1f2: {  	v20 =	vld [tilespmem:s30+$0xFFFFFF80]  }
0x1f3: {  	v21 =	vld [tilespmem:s30+$0xFFFFFF90]  }
0x1f4: {  	v22 =	vld [tilespmem:s30+$0xFFFFFFA0]  }
0x1f5: {  	s13 =	sshra.s32 s28, $0x2;
	v23 =	vld [tilespmem:s30+$0xFFFFFFB0]  }
0x1f6: {  	v19 =	vld [tilespmem:s13+$0x900]  }
0x1f7: {  	v24 =	vld [tilespmem:s30+$0xFFFFFFC0]  }
0x1f8: {  	v25 =	vld [tilespmem:s30+$0xFFFFFFD0]  }
0x1f9: {  	v26 =	vld [tilespmem:s30+$0xFFFFFFE0]  }
0x1fa: {  	v27 =	vld [tilespmem:s30+$0xFFFFFFF0]  }
0x1fb: {  	v28 =	vld [tilespmem:s30+$0x0];
	v29 =	vperm.xlane v19, v2  }
0x1fc: {  	v30 =	vld [tilespmem:s30+$0x10];
	v31 =	vperm.xlane v19, v3  }
0x1fd: {  	v32 =	vld [tilespmem:s30+$0x20];
	v33 =	vperm.xlane v19, v4;
	v29 =	vshll.u32 v29, $0x4  }
0x1fe: {  	v34 =	vld [tilespmem:s30+$0x30];
	v35 =	vperm.xlane v19, v5;
	v31 =	vshll.u32 v31, $0x4;
	v29 =	vor.u32 v18, v29  }
0x1ff: {  	v36 =	vld [tilespmem:s30+$0x40];
	v37 =	vperm.xlane v19, v6;
	v33 =	vshll.u32 v33, $0x4;
	v31 =	vor.u32 v18, v31  }
0x200: {  	v38 =	vld [tilespmem:s30+$0x50];
	v39 =	vperm.xlane v19, v7;
	v35 =	vshll.u32 v35, $0x4;
	v33 =	vor.u32 v18, v33  }
0x201: {  	v40 =	vld [tilespmem:s30+$0x60];
	v41 =	vperm.xlane v19, v8;
	v37 =	vshll.u32 v37, $0x4;
	v35 =	vor.u32 v18, v35  }
0x202: {  	v42 =	vld [tilespmem:s30+$0x70];
	v43 =	vperm.xlane v19, v9;
	v39 =	vshll.u32 v39, $0x4;
	v37 =	vor.u32 v18, v37  }
0x203: {  	v44 =	vperm.xlane v19, v10;
	v62 =	vshll.u32 v41, $0x4;
	[tilespmem:v29+s8+$0x0] =	vst.idx.add.f32.msk $0xffff, v20;
	v20 =	vor.u32 v18, v39  }
0x204: {  	v63 =	vperm.xlane v19, v11;
	v43 =	vshll.u32 v43, $0x4;
	v41 =	vor.u32 v18, v62;
	[tilespmem:v31+s8+$0x0] =	vst.idx.add.f32.msk $0xffff, v21  }
0x205: {  	v45 =	vperm.xlane v19, v12;
	v47 =	vshll.u32 v44, $0x4;
	v46 =	vor.u32 v18, v43;
	[tilespmem:v33+s8+$0x0] =	vst.idx.add.f32.msk $0xffff, v22  }
0x206: {  	v48 =	vperm.xlane v19, v13;
	v50 =	vshll.u32 v63, $0x4;
	v49 =	vor.u32 v18, v47;
	[tilespmem:v35+s8+$0x0] =	vst.idx.add.f32.msk $0xffff, v23  }
0x207: {  	v51 =	vperm.xlane v19, v14;
	v53 =	vshll.u32 v45, $0x4;
	v52 =	vor.u32 v18, v50;
	[tilespmem:v37+s8+$0x0] =	vst.idx.add.f32.msk $0xffff, v24  }
0x208: {  	v54 =	vperm.xlane v19, v15;
	v55 =	vshll.u32 v48, $0x4;
	[tilespmem:v20+s8+$0x0] =	vst.idx.add.f32.msk $0xffff, v25;
	v20 =	vor.u32 v18, v53  }
0x209: {  	v56 =	vperm.xlane v19, v16;
	v58 =	vshll.u32 v51, $0x4;
	v57 =	vor.u32 v18, v55;
	[tilespmem:v41+s8+$0x0] =	vst.idx.add.f32.msk $0xffff, v26  }
0x20a: {  	v19 =	vperm.xlane v19, v17;
	v60 =	vshll.u32 v54, $0x4;
	v59 =	vor.u32 v18, v58;
	[tilespmem:v46+s8+$0x0] =	vst.idx.add.f32.msk $0xffff, v27  }
0x20b: {  	v61 =	vor.u32 v18, v60;
	v62 =	vshll.u32 v56, $0x4;
	[tilespmem:v49+s8+$0x0] =	vst.idx.add.f32.msk $0xffff, v28  }
0x20c: {  	v19 =	vshll.u32 v19, $0x4;
	v63 =	vor.u32 v18, v62;
	[tilespmem:v52+s8+$0x0] =	vst.idx.add.f32.msk $0xffff, v30  }
0x20d: {  	p1 =	sne.s32 s28, $0x3C0;
	v19 =	vor.u32 v18, v19;
	[tilespmem:v20+s8+$0x0] =	vst.idx.add.f32.msk $0xffff, v32  }
.Ltmp14:
0x20e: {  	[tilespmem:v57+s8+$0x0] =	vst.idx.add.f32.msk $0xffff, v34;
	(pc) =	sbr.rel @p1 .LBB2_27-.Ltmp14, $4  }
0x20f: {  	[tilespmem:v59+s8+$0x0] =	vst.idx.add.f32.msk $0xffff, v36  }
0x210: {  	[tilespmem:v61+s8+$0x0] =	vst.idx.add.f32.msk $0xffff, v38  }
0x211: {  	[tilespmem:v63+s8+$0x0] =	vst.idx.add.f32.msk $0xffff, v40  }
0x212: {  	s30 =	sadd.s32 $0x100, s30;
	s28 =	sadd.s32 $0x40, s28;
	[tilespmem:v19+s8+$0x0] =	vst.idx.add.f32.msk $0xffff, v42  }
0x213: {  	_ =	swait.ge [sflag:s10], $0x1000  }
0x214: {  	[sflag:s10] =	ssyncset.done $0x0  }
0x215: {  	s28 =	simm.s32 $0x0;
	s30 =	simm.s32 $0x4080;
	[sflag:s10] =	ssyncadd.s32 $0xFFFFF000  }
.LBB2_29:
0x216: {  	v20 =	vld [tilespmem:s30+$0xFFFFFF80]  }
0x217: {  	v21 =	vld [tilespmem:s30+$0xFFFFFF90]  }
0x218: {  	v22 =	vld [tilespmem:s30+$0xFFFFFFA0]  }
0x219: {  	s13 =	sshra.s32 s28, $0x2;
	v23 =	vld [tilespmem:s30+$0xFFFFFFB0]  }
0x21a: {  	v19 =	vld [tilespmem:s13+$0xA00]  }
0x21b: {  	v24 =	vld [tilespmem:s30+$0xFFFFFFC0]  }
0x21c: {  	v25 =	vld [tilespmem:s30+$0xFFFFFFD0]  }
0x21d: {  	v26 =	vld [tilespmem:s30+$0xFFFFFFE0]  }
0x21e: {  	v27 =	vld [tilespmem:s30+$0xFFFFFFF0]  }
0x21f: {  	v28 =	vld [tilespmem:s30+$0x0];
	v29 =	vperm.xlane v19, v2  }
0x220: {  	v30 =	vld [tilespmem:s30+$0x10];
	v31 =	vperm.xlane v19, v3  }
0x221: {  	v32 =	vld [tilespmem:s30+$0x20];
	v33 =	vperm.xlane v19, v4;
	v29 =	vshll.u32 v29, $0x4  }
0x222: {  	v34 =	vld [tilespmem:s30+$0x30];
	v35 =	vperm.xlane v19, v5;
	v31 =	vshll.u32 v31, $0x4;
	v29 =	vor.u32 v18, v29  }
0x223: {  	v36 =	vld [tilespmem:s30+$0x40];
	v37 =	vperm.xlane v19, v6;
	v33 =	vshll.u32 v33, $0x4;
	v31 =	vor.u32 v18, v31  }
0x224: {  	v38 =	vld [tilespmem:s30+$0x50];
	v39 =	vperm.xlane v19, v7;
	v35 =	vshll.u32 v35, $0x4;
	v33 =	vor.u32 v18, v33  }
0x225: {  	v40 =	vld [tilespmem:s30+$0x60];
	v41 =	vperm.xlane v19, v8;
	v37 =	vshll.u32 v37, $0x4;
	v35 =	vor.u32 v18, v35  }
0x226: {  	v42 =	vld [tilespmem:s30+$0x70];
	v43 =	vperm.xlane v19, v9;
	v39 =	vshll.u32 v39, $0x4;
	v37 =	vor.u32 v18, v37  }
0x227: {  	v44 =	vperm.xlane v19, v10;
	v62 =	vshll.u32 v41, $0x4;
	[tilespmem:v29+s8+$0x0] =	vst.idx.add.f32.msk $0xffff, v20;
	v20 =	vor.u32 v18, v39  }
0x228: {  	v63 =	vperm.xlane v19, v11;
	v43 =	vshll.u32 v43, $0x4;
	v41 =	vor.u32 v18, v62;
	[tilespmem:v31+s8+$0x0] =	vst.idx.add.f32.msk $0xffff, v21  }
0x229: {  	v45 =	vperm.xlane v19, v12;
	v47 =	vshll.u32 v44, $0x4;
	v46 =	vor.u32 v18, v43;
	[tilespmem:v33+s8+$0x0] =	vst.idx.add.f32.msk $0xffff, v22  }
0x22a: {  	v48 =	vperm.xlane v19, v13;
	v50 =	vshll.u32 v63, $0x4;
	v49 =	vor.u32 v18, v47;
	[tilespmem:v35+s8+$0x0] =	vst.idx.add.f32.msk $0xffff, v23  }
0x22b: {  	v51 =	vperm.xlane v19, v14;
	v53 =	vshll.u32 v45, $0x4;
	v52 =	vor.u32 v18, v50;
	[tilespmem:v37+s8+$0x0] =	vst.idx.add.f32.msk $0xffff, v24  }
0x22c: {  	v54 =	vperm.xlane v19, v15;
	v55 =	vshll.u32 v48, $0x4;
	[tilespmem:v20+s8+$0x0] =	vst.idx.add.f32.msk $0xffff, v25;
	v20 =	vor.u32 v18, v53  }
0x22d: {  	v56 =	vperm.xlane v19, v16;
	v58 =	vshll.u32 v51, $0x4;
	v57 =	vor.u32 v18, v55;
	[tilespmem:v41+s8+$0x0] =	vst.idx.add.f32.msk $0xffff, v26  }
0x22e: {  	v19 =	vperm.xlane v19, v17;
	v60 =	vshll.u32 v54, $0x4;
	v59 =	vor.u32 v18, v58;
	[tilespmem:v46+s8+$0x0] =	vst.idx.add.f32.msk $0xffff, v27  }
0x22f: {  	v61 =	vor.u32 v18, v60;
	v62 =	vshll.u32 v56, $0x4;
	[tilespmem:v49+s8+$0x0] =	vst.idx.add.f32.msk $0xffff, v28  }
0x230: {  	v19 =	vshll.u32 v19, $0x4;
	v63 =	vor.u32 v18, v62;
	[tilespmem:v52+s8+$0x0] =	vst.idx.add.f32.msk $0xffff, v30  }
0x231: {  	p1 =	sne.s32 s28, $0x3C0;
	v19 =	vor.u32 v18, v19;
	[tilespmem:v20+s8+$0x0] =	vst.idx.add.f32.msk $0xffff, v32  }
.Ltmp15:
0x232: {  	[tilespmem:v57+s8+$0x0] =	vst.idx.add.f32.msk $0xffff, v34;
	(pc) =	sbr.rel @p1 .LBB2_29-.Ltmp15, $4  }
0x233: {  	[tilespmem:v59+s8+$0x0] =	vst.idx.add.f32.msk $0xffff, v36  }
0x234: {  	[tilespmem:v61+s8+$0x0] =	vst.idx.add.f32.msk $0xffff, v38  }
0x235: {  	[tilespmem:v63+s8+$0x0] =	vst.idx.add.f32.msk $0xffff, v40  }
0x236: {  	s30 =	sadd.s32 $0x100, s30;
	s28 =	sadd.s32 $0x40, s28;
	[tilespmem:v19+s8+$0x0] =	vst.idx.add.f32.msk $0xffff, v42  }
0x237: {  	_ =	swait.ge [sflag:s11], $0x1000  }
0x238: {  	[sflag:s11] =	ssyncset.done $0x0  }
0x239: {  	s28 =	simm.s32 $0x0;
	s30 =	simm.s32 $0x5080;
	[sflag:s11] =	ssyncadd.s32 $0xFFFFF000  }
.LBB2_31:
0x23a: {  	v20 =	vld [tilespmem:s30+$0xFFFFFF80]  }
0x23b: {  	v21 =	vld [tilespmem:s30+$0xFFFFFF90]  }
0x23c: {  	v22 =	vld [tilespmem:s30+$0xFFFFFFA0]  }
0x23d: {  	s13 =	sshra.s32 s28, $0x2;
	v23 =	vld [tilespmem:s30+$0xFFFFFFB0]  }
0x23e: {  	v19 =	vld [tilespmem:s13+$0xB00]  }
0x23f: {  	v24 =	vld [tilespmem:s30+$0xFFFFFFC0]  }
0x240: {  	v25 =	vld [tilespmem:s30+$0xFFFFFFD0]  }
0x241: {  	v26 =	vld [tilespmem:s30+$0xFFFFFFE0]  }
0x242: {  	v27 =	vld [tilespmem:s30+$0xFFFFFFF0]  }
0x243: {  	v28 =	vld [tilespmem:s30+$0x0];
	v29 =	vperm.xlane v19, v2  }
0x244: {  	v30 =	vld [tilespmem:s30+$0x10];
	v31 =	vperm.xlane v19, v3  }
0x245: {  	v32 =	vld [tilespmem:s30+$0x20];
	v33 =	vperm.xlane v19, v4;
	v29 =	vshll.u32 v29, $0x4  }
0x246: {  	v34 =	vld [tilespmem:s30+$0x30];
	v35 =	vperm.xlane v19, v5;
	v31 =	vshll.u32 v31, $0x4;
	v29 =	vor.u32 v18, v29  }
0x247: {  	v36 =	vld [tilespmem:s30+$0x40];
	v37 =	vperm.xlane v19, v6;
	v33 =	vshll.u32 v33, $0x4;
	v31 =	vor.u32 v18, v31  }
0x248: {  	v38 =	vld [tilespmem:s30+$0x50];
	v39 =	vperm.xlane v19, v7;
	v35 =	vshll.u32 v35, $0x4;
	v33 =	vor.u32 v18, v33  }
0x249: {  	v40 =	vld [tilespmem:s30+$0x60];
	v41 =	vperm.xlane v19, v8;
	v37 =	vshll.u32 v37, $0x4;
	v35 =	vor.u32 v18, v35  }
0x24a: {  	v42 =	vld [tilespmem:s30+$0x70];
	v43 =	vperm.xlane v19, v9;
	v39 =	vshll.u32 v39, $0x4;
	v37 =	vor.u32 v18, v37  }
0x24b: {  	v44 =	vperm.xlane v19, v10;
	v62 =	vshll.u32 v41, $0x4;
	[tilespmem:v29+s8+$0x0] =	vst.idx.add.f32.msk $0xffff, v20;
	v20 =	vor.u32 v18, v39  }
0x24c: {  	v63 =	vperm.xlane v19, v11;
	v43 =	vshll.u32 v43, $0x4;
	v41 =	vor.u32 v18, v62;
	[tilespmem:v31+s8+$0x0] =	vst.idx.add.f32.msk $0xffff, v21  }
0x24d: {  	v45 =	vperm.xlane v19, v12;
	v47 =	vshll.u32 v44, $0x4;
	v46 =	vor.u32 v18, v43;
	[tilespmem:v33+s8+$0x0] =	vst.idx.add.f32.msk $0xffff, v22  }
0x24e: {  	v48 =	vperm.xlane v19, v13;
	v50 =	vshll.u32 v63, $0x4;
	v49 =	vor.u32 v18, v47;
	[tilespmem:v35+s8+$0x0] =	vst.idx.add.f32.msk $0xffff, v23  }
0x24f: {  	v51 =	vperm.xlane v19, v14;
	v53 =	vshll.u32 v45, $0x4;
	v52 =	vor.u32 v18, v50;
	[tilespmem:v37+s8+$0x0] =	vst.idx.add.f32.msk $0xffff, v24  }
0x250: {  	v54 =	vperm.xlane v19, v15;
	v55 =	vshll.u32 v48, $0x4;
	[tilespmem:v20+s8+$0x0] =	vst.idx.add.f32.msk $0xffff, v25;
	v20 =	vor.u32 v18, v53  }
0x251: {  	v56 =	vperm.xlane v19, v16;
	v58 =	vshll.u32 v51, $0x4;
	v57 =	vor.u32 v18, v55;
	[tilespmem:v41+s8+$0x0] =	vst.idx.add.f32.msk $0xffff, v26  }
0x252: {  	v19 =	vperm.xlane v19, v17;
	v60 =	vshll.u32 v54, $0x4;
	v59 =	vor.u32 v18, v58;
	[tilespmem:v46+s8+$0x0] =	vst.idx.add.f32.msk $0xffff, v27  }
0x253: {  	v61 =	vor.u32 v18, v60;
	v62 =	vshll.u32 v56, $0x4;
	[tilespmem:v49+s8+$0x0] =	vst.idx.add.f32.msk $0xffff, v28  }
0x254: {  	v19 =	vshll.u32 v19, $0x4;
	v63 =	vor.u32 v18, v62;
	[tilespmem:v52+s8+$0x0] =	vst.idx.add.f32.msk $0xffff, v30  }
0x255: {  	p1 =	sne.s32 s28, $0x3C0;
	v19 =	vor.u32 v18, v19;
	[tilespmem:v20+s8+$0x0] =	vst.idx.add.f32.msk $0xffff, v32  }
.Ltmp16:
0x256: {  	[tilespmem:v57+s8+$0x0] =	vst.idx.add.f32.msk $0xffff, v34;
	(pc) =	sbr.rel @p1 .LBB2_31-.Ltmp16, $4  }
0x257: {  	[tilespmem:v59+s8+$0x0] =	vst.idx.add.f32.msk $0xffff, v36  }
0x258: {  	[tilespmem:v61+s8+$0x0] =	vst.idx.add.f32.msk $0xffff, v38  }
0x259: {  	[tilespmem:v63+s8+$0x0] =	vst.idx.add.f32.msk $0xffff, v40  }
0x25a: {  	s30 =	sadd.s32 $0x100, s30;
	s28 =	sadd.s32 $0x40, s28;
	[tilespmem:v19+s8+$0x0] =	vst.idx.add.f32.msk $0xffff, v42  }
0x25b: {  	_ =	swait.ge [sflag:s12], $0x1000  }
0x25c: {  	[sflag:s12] =	ssyncset.done $0x0  }
0x25d: {  	s28 =	simm.s32 $0x0;
	s30 =	simm.s32 $0x6080;
	[sflag:s12] =	ssyncadd.s32 $0xFFFFF000  }
.LBB2_33:
0x25e: {  	v20 =	vld [tilespmem:s30+$0xFFFFFF80]  }
0x25f: {  	v21 =	vld [tilespmem:s30+$0xFFFFFF90]  }
0x260: {  	v22 =	vld [tilespmem:s30+$0xFFFFFFA0]  }
0x261: {  	s13 =	sshra.s32 s28, $0x2;
	v23 =	vld [tilespmem:s30+$0xFFFFFFB0]  }
0x262: {  	v19 =	vld [tilespmem:s13+$0xC00]  }
0x263: {  	v24 =	vld [tilespmem:s30+$0xFFFFFFC0]  }
0x264: {  	v25 =	vld [tilespmem:s30+$0xFFFFFFD0]  }
0x265: {  	v26 =	vld [tilespmem:s30+$0xFFFFFFE0]  }
0x266: {  	v27 =	vld [tilespmem:s30+$0xFFFFFFF0]  }
0x267: {  	v28 =	vld [tilespmem:s30+$0x0];
	v29 =	vperm.xlane v19, v2  }
0x268: {  	v30 =	vld [tilespmem:s30+$0x10];
	v31 =	vperm.xlane v19, v3  }
0x269: {  	v32 =	vld [tilespmem:s30+$0x20];
	v33 =	vperm.xlane v19, v4;
	v29 =	vshll.u32 v29, $0x4  }
0x26a: {  	v34 =	vld [tilespmem:s30+$0x30];
	v35 =	vperm.xlane v19, v5;
	v31 =	vshll.u32 v31, $0x4;
	v29 =	vor.u32 v18, v29  }
0x26b: {  	v36 =	vld [tilespmem:s30+$0x40];
	v37 =	vperm.xlane v19, v6;
	v33 =	vshll.u32 v33, $0x4;
	v31 =	vor.u32 v18, v31  }
0x26c: {  	v38 =	vld [tilespmem:s30+$0x50];
	v39 =	vperm.xlane v19, v7;
	v35 =	vshll.u32 v35, $0x4;
	v33 =	vor.u32 v18, v33  }
0x26d: {  	v40 =	vld [tilespmem:s30+$0x60];
	v41 =	vperm.xlane v19, v8;
	v37 =	vshll.u32 v37, $0x4;
	v35 =	vor.u32 v18, v35  }
0x26e: {  	v42 =	vld [tilespmem:s30+$0x70];
	v43 =	vperm.xlane v19, v9;
	v39 =	vshll.u32 v39, $0x4;
	v37 =	vor.u32 v18, v37  }
0x26f: {  	v44 =	vperm.xlane v19, v10;
	v62 =	vshll.u32 v41, $0x4;
	[tilespmem:v29+s8+$0x0] =	vst.idx.add.f32.msk $0xffff, v20;
	v20 =	vor.u32 v18, v39  }
0x270: {  	v63 =	vperm.xlane v19, v11;
	v43 =	vshll.u32 v43, $0x4;
	v41 =	vor.u32 v18, v62;
	[tilespmem:v31+s8+$0x0] =	vst.idx.add.f32.msk $0xffff, v21  }
0x271: {  	v45 =	vperm.xlane v19, v12;
	v47 =	vshll.u32 v44, $0x4;
	v46 =	vor.u32 v18, v43;
	[tilespmem:v33+s8+$0x0] =	vst.idx.add.f32.msk $0xffff, v22  }
0x272: {  	v48 =	vperm.xlane v19, v13;
	v50 =	vshll.u32 v63, $0x4;
	v49 =	vor.u32 v18, v47;
	[tilespmem:v35+s8+$0x0] =	vst.idx.add.f32.msk $0xffff, v23  }
0x273: {  	v51 =	vperm.xlane v19, v14;
	v53 =	vshll.u32 v45, $0x4;
	v52 =	vor.u32 v18, v50;
	[tilespmem:v37+s8+$0x0] =	vst.idx.add.f32.msk $0xffff, v24  }
0x274: {  	v54 =	vperm.xlane v19, v15;
	v55 =	vshll.u32 v48, $0x4;
	[tilespmem:v20+s8+$0x0] =	vst.idx.add.f32.msk $0xffff, v25;
	v20 =	vor.u32 v18, v53  }
0x275: {  	v56 =	vperm.xlane v19, v16;
	v58 =	vshll.u32 v51, $0x4;
	v57 =	vor.u32 v18, v55;
	[tilespmem:v41+s8+$0x0] =	vst.idx.add.f32.msk $0xffff, v26  }
0x276: {  	v19 =	vperm.xlane v19, v17;
	v60 =	vshll.u32 v54, $0x4;
	v59 =	vor.u32 v18, v58;
	[tilespmem:v46+s8+$0x0] =	vst.idx.add.f32.msk $0xffff, v27  }
0x277: {  	v61 =	vor.u32 v18, v60;
	v62 =	vshll.u32 v56, $0x4;
	[tilespmem:v49+s8+$0x0] =	vst.idx.add.f32.msk $0xffff, v28  }
0x278: {  	v19 =	vshll.u32 v19, $0x4;
	v63 =	vor.u32 v18, v62;
	[tilespmem:v52+s8+$0x0] =	vst.idx.add.f32.msk $0xffff, v30  }
0x279: {  	p1 =	sne.s32 s28, $0x3C0;
	v19 =	vor.u32 v18, v19;
	[tilespmem:v20+s8+$0x0] =	vst.idx.add.f32.msk $0xffff, v32  }
.Ltmp17:
0x27a: {  	[tilespmem:v57+s8+$0x0] =	vst.idx.add.f32.msk $0xffff, v34;
	(pc) =	sbr.rel @p1 .LBB2_33-.Ltmp17, $4  }
0x27b: {  	[tilespmem:v59+s8+$0x0] =	vst.idx.add.f32.msk $0xffff, v36  }
0x27c: {  	[tilespmem:v61+s8+$0x0] =	vst.idx.add.f32.msk $0xffff, v38  }
0x27d: {  	[tilespmem:v63+s8+$0x0] =	vst.idx.add.f32.msk $0xffff, v40  }
0x27e: {  	s30 =	sadd.s32 $0x100, s30;
	s28 =	sadd.s32 $0x40, s28;
	[tilespmem:v19+s8+$0x0] =	vst.idx.add.f32.msk $0xffff, v42  }
0x27f: {  	_ =	swait.ge [sflag:s14], $0x1000  }
0x280: {  	[sflag:s14] =	ssyncset.done $0x0  }
0x281: {  	s28 =	simm.s32 $0x0;
	s30 =	simm.s32 $0x7080;
	[sflag:s14] =	ssyncadd.s32 $0xFFFFF000  }
.LBB2_35:
0x282: {  	v20 =	vld [tilespmem:s30+$0xFFFFFF80]  }
0x283: {  	v21 =	vld [tilespmem:s30+$0xFFFFFF90]  }
0x284: {  	v22 =	vld [tilespmem:s30+$0xFFFFFFA0]  }
0x285: {  	s13 =	sshra.s32 s28, $0x2;
	v23 =	vld [tilespmem:s30+$0xFFFFFFB0]  }
0x286: {  	v19 =	vld [tilespmem:s13+$0xD00]  }
0x287: {  	v24 =	vld [tilespmem:s30+$0xFFFFFFC0]  }
0x288: {  	v25 =	vld [tilespmem:s30+$0xFFFFFFD0]  }
0x289: {  	v26 =	vld [tilespmem:s30+$0xFFFFFFE0]  }
0x28a: {  	v27 =	vld [tilespmem:s30+$0xFFFFFFF0]  }
0x28b: {  	v28 =	vld [tilespmem:s30+$0x0];
	v29 =	vperm.xlane v19, v2  }
0x28c: {  	v30 =	vld [tilespmem:s30+$0x10];
	v31 =	vperm.xlane v19, v3  }
0x28d: {  	v32 =	vld [tilespmem:s30+$0x20];
	v33 =	vperm.xlane v19, v4;
	v29 =	vshll.u32 v29, $0x4  }
0x28e: {  	v34 =	vld [tilespmem:s30+$0x30];
	v35 =	vperm.xlane v19, v5;
	v31 =	vshll.u32 v31, $0x4;
	v29 =	vor.u32 v18, v29  }
0x28f: {  	v36 =	vld [tilespmem:s30+$0x40];
	v37 =	vperm.xlane v19, v6;
	v33 =	vshll.u32 v33, $0x4;
	v31 =	vor.u32 v18, v31  }
0x290: {  	v38 =	vld [tilespmem:s30+$0x50];
	v39 =	vperm.xlane v19, v7;
	v35 =	vshll.u32 v35, $0x4;
	v33 =	vor.u32 v18, v33  }
0x291: {  	v40 =	vld [tilespmem:s30+$0x60];
	v41 =	vperm.xlane v19, v8;
	v37 =	vshll.u32 v37, $0x4;
	v35 =	vor.u32 v18, v35  }
0x292: {  	v42 =	vld [tilespmem:s30+$0x70];
	v43 =	vperm.xlane v19, v9;
	v39 =	vshll.u32 v39, $0x4;
	v37 =	vor.u32 v18, v37  }
0x293: {  	v44 =	vperm.xlane v19, v10;
	v62 =	vshll.u32 v41, $0x4;
	[tilespmem:v29+s8+$0x0] =	vst.idx.add.f32.msk $0xffff, v20;
	v20 =	vor.u32 v18, v39  }
0x294: {  	v63 =	vperm.xlane v19, v11;
	v43 =	vshll.u32 v43, $0x4;
	v41 =	vor.u32 v18, v62;
	[tilespmem:v31+s8+$0x0] =	vst.idx.add.f32.msk $0xffff, v21  }
0x295: {  	v45 =	vperm.xlane v19, v12;
	v47 =	vshll.u32 v44, $0x4;
	v46 =	vor.u32 v18, v43;
	[tilespmem:v33+s8+$0x0] =	vst.idx.add.f32.msk $0xffff, v22  }
0x296: {  	v48 =	vperm.xlane v19, v13;
	v50 =	vshll.u32 v63, $0x4;
	v49 =	vor.u32 v18, v47;
	[tilespmem:v35+s8+$0x0] =	vst.idx.add.f32.msk $0xffff, v23  }
0x297: {  	v51 =	vperm.xlane v19, v14;
	v53 =	vshll.u32 v45, $0x4;
	v52 =	vor.u32 v18, v50;
	[tilespmem:v37+s8+$0x0] =	vst.idx.add.f32.msk $0xffff, v24  }
0x298: {  	v54 =	vperm.xlane v19, v15;
	v55 =	vshll.u32 v48, $0x4;
	[tilespmem:v20+s8+$0x0] =	vst.idx.add.f32.msk $0xffff, v25;
	v20 =	vor.u32 v18, v53  }
0x299: {  	v56 =	vperm.xlane v19, v16;
	v58 =	vshll.u32 v51, $0x4;
	v57 =	vor.u32 v18, v55;
	[tilespmem:v41+s8+$0x0] =	vst.idx.add.f32.msk $0xffff, v26  }
0x29a: {  	v19 =	vperm.xlane v19, v17;
	v60 =	vshll.u32 v54, $0x4;
	v59 =	vor.u32 v18, v58;
	[tilespmem:v46+s8+$0x0] =	vst.idx.add.f32.msk $0xffff, v27  }
0x29b: {  	v61 =	vor.u32 v18, v60;
	v62 =	vshll.u32 v56, $0x4;
	[tilespmem:v49+s8+$0x0] =	vst.idx.add.f32.msk $0xffff, v28  }
0x29c: {  	v19 =	vshll.u32 v19, $0x4;
	v63 =	vor.u32 v18, v62;
	[tilespmem:v52+s8+$0x0] =	vst.idx.add.f32.msk $0xffff, v30  }
0x29d: {  	p1 =	sne.s32 s28, $0x3C0;
	v19 =	vor.u32 v18, v19;
	[tilespmem:v20+s8+$0x0] =	vst.idx.add.f32.msk $0xffff, v32  }
.Ltmp18:
0x29e: {  	[tilespmem:v57+s8+$0x0] =	vst.idx.add.f32.msk $0xffff, v34;
	(pc) =	sbr.rel @p1 .LBB2_35-.Ltmp18, $4  }
0x29f: {  	[tilespmem:v59+s8+$0x0] =	vst.idx.add.f32.msk $0xffff, v36  }
0x2a0: {  	[tilespmem:v61+s8+$0x0] =	vst.idx.add.f32.msk $0xffff, v38  }
0x2a1: {  	[tilespmem:v63+s8+$0x0] =	vst.idx.add.f32.msk $0xffff, v40  }
0x2a2: {  	s30 =	sadd.s32 $0x100, s30;
	s28 =	sadd.s32 $0x40, s28;
	[tilespmem:v19+s8+$0x0] =	vst.idx.add.f32.msk $0xffff, v42  }
0x2a3: {  	_ =	swait.ge [sflag:s19], $0x1000  }
0x2a4: {  	[sflag:s19] =	ssyncset.done $0x0  }
0x2a5: {  	s28 =	simm.s32 $0x0;
	s30 =	simm.s32 $0x8080;
	[sflag:s19] =	ssyncadd.s32 $0xFFFFF000  }
.LBB2_37:
0x2a6: {  	v20 =	vld [tilespmem:s30+$0xFFFFFF80]  }
0x2a7: {  	v21 =	vld [tilespmem:s30+$0xFFFFFF90]  }
0x2a8: {  	v22 =	vld [tilespmem:s30+$0xFFFFFFA0]  }
0x2a9: {  	s13 =	sshra.s32 s28, $0x2;
	v23 =	vld [tilespmem:s30+$0xFFFFFFB0]  }
0x2aa: {  	v19 =	vld [tilespmem:s13+$0xE00]  }
0x2ab: {  	v24 =	vld [tilespmem:s30+$0xFFFFFFC0]  }
0x2ac: {  	v25 =	vld [tilespmem:s30+$0xFFFFFFD0]  }
0x2ad: {  	v26 =	vld [tilespmem:s30+$0xFFFFFFE0]  }
0x2ae: {  	v27 =	vld [tilespmem:s30+$0xFFFFFFF0]  }
0x2af: {  	v28 =	vld [tilespmem:s30+$0x0];
	v29 =	vperm.xlane v19, v2  }
0x2b0: {  	v30 =	vld [tilespmem:s30+$0x10];
	v31 =	vperm.xlane v19, v3  }
0x2b1: {  	v32 =	vld [tilespmem:s30+$0x20];
	v33 =	vperm.xlane v19, v4;
	v29 =	vshll.u32 v29, $0x4  }
0x2b2: {  	v34 =	vld [tilespmem:s30+$0x30];
	v35 =	vperm.xlane v19, v5;
	v31 =	vshll.u32 v31, $0x4;
	v29 =	vor.u32 v18, v29  }
0x2b3: {  	v36 =	vld [tilespmem:s30+$0x40];
	v37 =	vperm.xlane v19, v6;
	v33 =	vshll.u32 v33, $0x4;
	v31 =	vor.u32 v18, v31  }
0x2b4: {  	v38 =	vld [tilespmem:s30+$0x50];
	v39 =	vperm.xlane v19, v7;
	v35 =	vshll.u32 v35, $0x4;
	v33 =	vor.u32 v18, v33  }
0x2b5: {  	v40 =	vld [tilespmem:s30+$0x60];
	v41 =	vperm.xlane v19, v8;
	v37 =	vshll.u32 v37, $0x4;
	v35 =	vor.u32 v18, v35  }
0x2b6: {  	v42 =	vld [tilespmem:s30+$0x70];
	v43 =	vperm.xlane v19, v9;
	v39 =	vshll.u32 v39, $0x4;
	v37 =	vor.u32 v18, v37  }
0x2b7: {  	v44 =	vperm.xlane v19, v10;
	v62 =	vshll.u32 v41, $0x4;
	[tilespmem:v29+s8+$0x0] =	vst.idx.add.f32.msk $0xffff, v20;
	v20 =	vor.u32 v18, v39  }
0x2b8: {  	v63 =	vperm.xlane v19, v11;
	v43 =	vshll.u32 v43, $0x4;
	v41 =	vor.u32 v18, v62;
	[tilespmem:v31+s8+$0x0] =	vst.idx.add.f32.msk $0xffff, v21  }
0x2b9: {  	v45 =	vperm.xlane v19, v12;
	v47 =	vshll.u32 v44, $0x4;
	v46 =	vor.u32 v18, v43;
	[tilespmem:v33+s8+$0x0] =	vst.idx.add.f32.msk $0xffff, v22  }
0x2ba: {  	v48 =	vperm.xlane v19, v13;
	v50 =	vshll.u32 v63, $0x4;
	v49 =	vor.u32 v18, v47;
	[tilespmem:v35+s8+$0x0] =	vst.idx.add.f32.msk $0xffff, v23  }
0x2bb: {  	v51 =	vperm.xlane v19, v14;
	v53 =	vshll.u32 v45, $0x4;
	v52 =	vor.u32 v18, v50;
	[tilespmem:v37+s8+$0x0] =	vst.idx.add.f32.msk $0xffff, v24  }
0x2bc: {  	v54 =	vperm.xlane v19, v15;
	v55 =	vshll.u32 v48, $0x4;
	[tilespmem:v20+s8+$0x0] =	vst.idx.add.f32.msk $0xffff, v25;
	v20 =	vor.u32 v18, v53  }
0x2bd: {  	v56 =	vperm.xlane v19, v16;
	v58 =	vshll.u32 v51, $0x4;
	v57 =	vor.u32 v18, v55;
	[tilespmem:v41+s8+$0x0] =	vst.idx.add.f32.msk $0xffff, v26  }
0x2be: {  	v19 =	vperm.xlane v19, v17;
	v60 =	vshll.u32 v54, $0x4;
	v59 =	vor.u32 v18, v58;
	[tilespmem:v46+s8+$0x0] =	vst.idx.add.f32.msk $0xffff, v27  }
0x2bf: {  	v61 =	vor.u32 v18, v60;
	v62 =	vshll.u32 v56, $0x4;
	[tilespmem:v49+s8+$0x0] =	vst.idx.add.f32.msk $0xffff, v28  }
0x2c0: {  	v19 =	vshll.u32 v19, $0x4;
	v63 =	vor.u32 v18, v62;
	[tilespmem:v52+s8+$0x0] =	vst.idx.add.f32.msk $0xffff, v30  }
0x2c1: {  	p1 =	sne.s32 s28, $0x3C0;
	v19 =	vor.u32 v18, v19;
	[tilespmem:v20+s8+$0x0] =	vst.idx.add.f32.msk $0xffff, v32  }
.Ltmp19:
0x2c2: {  	[tilespmem:v57+s8+$0x0] =	vst.idx.add.f32.msk $0xffff, v34;
	(pc) =	sbr.rel @p1 .LBB2_37-.Ltmp19, $4  }
0x2c3: {  	[tilespmem:v59+s8+$0x0] =	vst.idx.add.f32.msk $0xffff, v36  }
0x2c4: {  	[tilespmem:v61+s8+$0x0] =	vst.idx.add.f32.msk $0xffff, v38  }
0x2c5: {  	[tilespmem:v63+s8+$0x0] =	vst.idx.add.f32.msk $0xffff, v40  }
0x2c6: {  	s30 =	sadd.s32 $0x100, s30;
	s28 =	sadd.s32 $0x40, s28;
	[tilespmem:v19+s8+$0x0] =	vst.idx.add.f32.msk $0xffff, v42  }
0x2c7: {  	_ =	swait.ge [sflag:s21], $0x1000  }
0x2c8: {  	[sflag:s21] =	ssyncset.done $0x0  }
0x2c9: {  	s28 =	simm.s32 $0x0;
	s30 =	simm.s32 $0x9080;
	[sflag:s21] =	ssyncadd.s32 $0xFFFFF000  }
.LBB2_39:
0x2ca: {  	v20 =	vld [tilespmem:s30+$0xFFFFFF80]  }
0x2cb: {  	v21 =	vld [tilespmem:s30+$0xFFFFFF90]  }
0x2cc: {  	v22 =	vld [tilespmem:s30+$0xFFFFFFA0]  }
0x2cd: {  	s13 =	sshra.s32 s28, $0x2;
	v23 =	vld [tilespmem:s30+$0xFFFFFFB0]  }
0x2ce: {  	v19 =	vld [tilespmem:s13+$0xF00]  }
0x2cf: {  	v24 =	vld [tilespmem:s30+$0xFFFFFFC0]  }
0x2d0: {  	v25 =	vld [tilespmem:s30+$0xFFFFFFD0]  }
0x2d1: {  	v26 =	vld [tilespmem:s30+$0xFFFFFFE0]  }
0x2d2: {  	v27 =	vld [tilespmem:s30+$0xFFFFFFF0]  }
0x2d3: {  	v28 =	vld [tilespmem:s30+$0x0];
	v29 =	vperm.xlane v19, v2  }
0x2d4: {  	v30 =	vld [tilespmem:s30+$0x10];
	v31 =	vperm.xlane v19, v3  }
0x2d5: {  	v32 =	vld [tilespmem:s30+$0x20];
	v33 =	vperm.xlane v19, v4;
	v29 =	vshll.u32 v29, $0x4  }
0x2d6: {  	v34 =	vld [tilespmem:s30+$0x30];
	v35 =	vperm.xlane v19, v5;
	v31 =	vshll.u32 v31, $0x4;
	v29 =	vor.u32 v18, v29  }
0x2d7: {  	v36 =	vld [tilespmem:s30+$0x40];
	v37 =	vperm.xlane v19, v6;
	v33 =	vshll.u32 v33, $0x4;
	v31 =	vor.u32 v18, v31  }
0x2d8: {  	v38 =	vld [tilespmem:s30+$0x50];
	v39 =	vperm.xlane v19, v7;
	v35 =	vshll.u32 v35, $0x4;
	v33 =	vor.u32 v18, v33  }
0x2d9: {  	v40 =	vld [tilespmem:s30+$0x60];
	v41 =	vperm.xlane v19, v8;
	v37 =	vshll.u32 v37, $0x4;
	v35 =	vor.u32 v18, v35  }
0x2da: {  	v42 =	vld [tilespmem:s30+$0x70];
	v43 =	vperm.xlane v19, v9;
	v39 =	vshll.u32 v39, $0x4;
	v37 =	vor.u32 v18, v37  }
0x2db: {  	v44 =	vperm.xlane v19, v10;
	v62 =	vshll.u32 v41, $0x4;
	[tilespmem:v29+s8+$0x0] =	vst.idx.add.f32.msk $0xffff, v20;
	v20 =	vor.u32 v18, v39  }
0x2dc: {  	v63 =	vperm.xlane v19, v11;
	v43 =	vshll.u32 v43, $0x4;
	v41 =	vor.u32 v18, v62;
	[tilespmem:v31+s8+$0x0] =	vst.idx.add.f32.msk $0xffff, v21  }
0x2dd: {  	v45 =	vperm.xlane v19, v12;
	v47 =	vshll.u32 v44, $0x4;
	v46 =	vor.u32 v18, v43;
	[tilespmem:v33+s8+$0x0] =	vst.idx.add.f32.msk $0xffff, v22  }
0x2de: {  	v48 =	vperm.xlane v19, v13;
	v50 =	vshll.u32 v63, $0x4;
	v49 =	vor.u32 v18, v47;
	[tilespmem:v35+s8+$0x0] =	vst.idx.add.f32.msk $0xffff, v23  }
0x2df: {  	v51 =	vperm.xlane v19, v14;
	v53 =	vshll.u32 v45, $0x4;
	v52 =	vor.u32 v18, v50;
	[tilespmem:v37+s8+$0x0] =	vst.idx.add.f32.msk $0xffff, v24  }
0x2e0: {  	v54 =	vperm.xlane v19, v15;
	v55 =	vshll.u32 v48, $0x4;
	[tilespmem:v20+s8+$0x0] =	vst.idx.add.f32.msk $0xffff, v25;
	v20 =	vor.u32 v18, v53  }
0x2e1: {  	v56 =	vperm.xlane v19, v16;
	v58 =	vshll.u32 v51, $0x4;
	v57 =	vor.u32 v18, v55;
	[tilespmem:v41+s8+$0x0] =	vst.idx.add.f32.msk $0xffff, v26  }
0x2e2: {  	v19 =	vperm.xlane v19, v17;
	v60 =	vshll.u32 v54, $0x4;
	v59 =	vor.u32 v18, v58;
	[tilespmem:v46+s8+$0x0] =	vst.idx.add.f32.msk $0xffff, v27  }
0x2e3: {  	v61 =	vor.u32 v18, v60;
	v62 =	vshll.u32 v56, $0x4;
	[tilespmem:v49+s8+$0x0] =	vst.idx.add.f32.msk $0xffff, v28  }
0x2e4: {  	v19 =	vshll.u32 v19, $0x4;
	v63 =	vor.u32 v18, v62;
	[tilespmem:v52+s8+$0x0] =	vst.idx.add.f32.msk $0xffff, v30  }
0x2e5: {  	p1 =	sne.s32 s28, $0x3C0;
	v19 =	vor.u32 v18, v19;
	[tilespmem:v20+s8+$0x0] =	vst.idx.add.f32.msk $0xffff, v32  }
.Ltmp20:
0x2e6: {  	[tilespmem:v57+s8+$0x0] =	vst.idx.add.f32.msk $0xffff, v34;
	(pc) =	sbr.rel @p1 .LBB2_39-.Ltmp20, $4  }
0x2e7: {  	[tilespmem:v59+s8+$0x0] =	vst.idx.add.f32.msk $0xffff, v36  }
0x2e8: {  	[tilespmem:v61+s8+$0x0] =	vst.idx.add.f32.msk $0xffff, v38  }
0x2e9: {  	[tilespmem:v63+s8+$0x0] =	vst.idx.add.f32.msk $0xffff, v40  }
0x2ea: {  	s30 =	sadd.s32 $0x100, s30;
	s28 =	sadd.s32 $0x40, s28;
	[tilespmem:v19+s8+$0x0] =	vst.idx.add.f32.msk $0xffff, v42  }
.Ltmp21:
0x2eb: {  	(pc) =	sbr.rel @p0 .LBB2_42-.Ltmp21, $1  }
0x2ec: {  	_ =	sdelay $0x3  }
0x2ed: {  	s13 =	sadd.s32 s25, s6  }
0x2ee: {  	s13 =	sshll.u32 s13, $0x8  }
.Ltmp22:
0x2ef: {  	s13 =	sadd.s32 $0x300, s13;
	(pc) =	sbr.rel .LBB2_4-.Ltmp22, $4  }
0x2f0: {  	s28 =	simm.s32 $0x800;
	s30 =	sadd.s32 s4, s13  }
0x2f1: {  	[tilespmem:s28], [sflag:$0x2] =	stream.linear.gather [hbm4b:s30+s1], $0x800, $0x38;
	[tilespmem:$0x1A000] =	vst v63  }
0x2f2: {  	s0 =	sadd.s32 $0x1, s0;
	s13 =	sadd.s32 s5, s13  }
0x2f3: {  	[tilespmem:s15], [sflag:$0x2] =	stream.linear.gather [hbm4b:s13+s1], $0x800, $0x38;
	[tilespmem:$0x1A000] =	vst v63  }
.LBB2_43:
0x2f4: {  	_ =	sfence.sel $0x180000  }
0x2f5: {  	[bflag:$0x0] =	sbarrier.arrive $0xFFFF  }
0x2f6: {  	_ =	strace $0x90000047  }
0x2f7: {  	s0 =	stileid.u32;
	[bflag:$0x2] =	sbarrier.arrive $0xFFFF  }
0x2f8: {  	p0 =	sne.s32 s0, $0x0;
	s0 =	rddreg [dreg:$0x2]  }
0x2f9: {  	s0 =	sadd.s32 @!p0 $0x100000, s0  }
0x2fa: {  	[sflag:s0] =	ssyncadd.tile.s32 @!p0 $0x1;
	_ =	shalt  }
.Lfunc_end2:
_tile_overlayer_lowered:
.L_overlay_start_2:
0x2fb: {  	(tag) =	ssettag $0x2  }
0x2fc: {  	s0 =	rddreg [dreg:$0x0];
	s2 =	stileid.u32  }
0x2fd: {  	s1 =	rddreg [dreg:$0x1];
	p0 =	sne.s32 s2, $0x0  }
0x2fe: {  	s3 =	rddreg [dreg:$0x2];
	[bflag:$0x3] =	sbarrier.arrive $0xFFFF;
	s2 =	simm.s32 @!p0 $0x1C0B  }
0x2ff: {  	[timem:s3], [sflag:s2] =	dma.local @!p0 [hbm:s0], s1  }
0x300: {  	s0 =	simm.s32 @!p0 $0xB  }
0x301: {  	_ =	swait.ge @!p0 [sflag:s0], s1  }
0x302: {  	s1 =	ssub.s32 @!p0 $0x0, s1;
	[sflag:s0] =	ssyncset.done @!p0 $0x0  }
0x303: {  	[sflag:s0] =	ssyncadd.s32 @!p0 s1  }
0x304: {  	[bflag:$0x3] =	sbarrier.arrive $0xFFFF  }
0x305: {  	_ =	shalt  }

</sc_bundles>
